<compile_context>
chip_gen: v7x
topology: tpu7x:2x2x1
jax: 0.10.2.dev20260603
libtpu: 0.0.44.dev20260713+nightly
codegen_flags: <defaults>
</compile_context>

<pallas_src>
import functools

import jax
import jax.numpy as jnp
from jax import lax
from jax.experimental import pallas as pl
from jax.experimental.pallas import tpu as pltpu
from jax.experimental.pallas import tpu_sc as plsc

_N = 10000
_D = 128
_E = 320000
_NC = 2
_NS = 16
_NW = _NC * _NS
_ET = _E // _NW
_CH = 80
_NCH = _ET // _CH
_STRIPE = 632
_NP = _STRIPE * _NS
_BLK = 128
_NB = 79
_NPAD = _NB * _BLK


_GRP = 25
_NG = _NCH // _GRP


def _wpass_kernel_fn():
    mesh = plsc.VectorSubcoreMesh(core_axis_name="c", subcore_axis_name="s")

    @functools.partial(
        pl.kernel,
        out_type=(
            jax.ShapeDtypeStruct((_NW, _NCH, _CH), jnp.float32),
            jax.ShapeDtypeStruct((_NW * _NPAD,), jnp.float32),
        ),
        mesh=mesh,
        scratch_types=[
            pltpu.VMEM((_NCH, _CH), jnp.int32),
            pltpu.VMEM((_NCH, _CH), jnp.int32),
            pltpu.VMEM((_N,), jnp.float32),
            pltpu.VMEM((_N,), jnp.float32),
            pltpu.VMEM((_N,), jnp.float32),
            pltpu.VMEM((_NCH, _CH), jnp.float32),
        ],
        compiler_params=pltpu.CompilerParams(needs_layout_passes=False),
    )
    def wpass(asrc_hbm, adst_hbm, src_hbm, dst_hbm,
              w_hbm, dacc_hbm,
              src_v, dst_v, asrc_v, adst_v, dacc_v, w_v):
        cid = lax.axis_index("c")
        sid = lax.axis_index("s")
        wid = sid * _NC + cid

        pltpu.sync_copy(src_hbm.at[wid], src_v)
        pltpu.sync_copy(dst_hbm.at[wid], dst_v)
        pltpu.sync_copy(asrc_hbm, asrc_v)
        pltpu.sync_copy(adst_hbm, adst_v)

        def zloop(i, carry):
            dacc_v[pl.ds(i * 16, 16)] = jnp.zeros((16,), jnp.float32)
            return carry

        lax.fori_loop(0, _N // 16, zloop, 0)

        def chunk(j, carry):
            def wloop(k, c2):
                sv = src_v[j, pl.ds(k * 16, 16)]
                dv = dst_v[j, pl.ds(k * 16, 16)]
                a = plsc.load_gather(asrc_v, [sv])
                b = plsc.load_gather(adst_v, [dv])
                s = a + b
                w = jnp.exp(jnp.where(s >= 0, s, s * 0.2))
                w_v[j, pl.ds(k * 16, 16)] = w
                plsc.addupdate_scatter(dacc_v, [dv], w)
                return c2

            lax.fori_loop(0, _CH // 16, wloop, 0)
            return carry

        lax.fori_loop(0, _NCH, chunk, 0)

        pltpu.sync_copy(w_v, w_hbm.at[wid])
        pltpu.sync_copy(dacc_v, dacc_hbm.at[pl.ds(wid * _NPAD, _N)])

    return wpass


def _rowpass_kernel_fn():
    mesh = plsc.VectorSubcoreMesh(core_axis_name="c", subcore_axis_name="s")

    @functools.partial(
        pl.kernel,
        out_type=jax.ShapeDtypeStruct((_NC, _NP, _D), jnp.float32),
        mesh=mesh,
        scratch_types=[
            pltpu.VMEM((_GRP, _CH), jnp.int32),
            pltpu.VMEM((_GRP, _CH), jnp.int32),
            pltpu.VMEM((_GRP * _CH,), jnp.float32),
            pltpu.VMEM((2, _CH, _D), jnp.float32),
            pltpu.VMEM_SHARED((_NP, _D), jnp.float32),
            pltpu.SemaphoreType.DMA,
            pltpu.SemaphoreType.DMA,
        ],
        compiler_params=pltpu.CompilerParams(needs_layout_passes=False),
    )
    def rowpass(h_hbm, src_hbm, dst_hbm, w_hbm, z_hbm,
                accp_hbm,
                src_v, dst_v, w_v, rowbuf, acc_sh, sem, sem2):
        cid = lax.axis_index("c")
        sid = lax.axis_index("s")
        wid = sid * _NC + cid

        rbase = sid * _STRIPE
        pltpu.sync_copy(z_hbm.at[pl.ds(rbase, _STRIPE)],
                        acc_sh.at[pl.ds(rbase, _STRIPE)])
        plsc.subcore_barrier()

        def group(g, carry):
            pltpu.sync_copy(src_hbm.at[wid, g], src_v)
            pltpu.sync_copy(dst_hbm.at[wid, g], dst_v)
            pltpu.sync_copy(w_hbm.at[wid, g], w_v)

            pltpu.async_copy(h_hbm.at[src_v.at[0]], rowbuf.at[0], sem)

            def chunk(j, c2):
                b = lax.rem(j, 2)
                pltpu.make_async_copy(
                    h_hbm.at[src_v.at[j]], rowbuf.at[b], sem).wait()

                @pl.when((j + 1 < _GRP) & (j > 0))
                def _():
                    pltpu.make_async_copy(
                        rowbuf.at[1 - b], acc_sh.at[dst_v.at[0]],
                        sem2).wait()

                @pl.when(j + 1 < _GRP)
                def _():
                    pltpu.async_copy(
                        h_hbm.at[src_v.at[j + 1]], rowbuf.at[1 - b], sem)

                def scale16(t, c3):
                    base = t * 16
                    for rr in range(16):
                        r = base + rr
                        idx = jnp.zeros((16,), jnp.int32) + (j * _CH + r)
                        wv = plsc.load_gather(w_v, [idx])
                        for c in range(_D // 16):
                            rowbuf[b, r, pl.ds(c * 16, 16)] = (
                                rowbuf[b, r, pl.ds(c * 16, 16)] * wv)
                    return c3

                lax.fori_loop(0, _CH // 16, scale16, 0)
                pltpu.async_copy(rowbuf.at[b], acc_sh.at[dst_v.at[j]],
                                 sem2, add=True)
                return c2

            lax.fori_loop(0, _GRP, chunk, 0)
            pltpu.make_async_copy(
                rowbuf.at[0], acc_sh.at[dst_v.at[0]], sem2).wait()
            pltpu.make_async_copy(
                rowbuf.at[0], acc_sh.at[dst_v.at[0]], sem2).wait()
            return carry

        lax.fori_loop(0, _NG, group, 0)
        plsc.subcore_barrier()

        pltpu.sync_copy(acc_sh.at[pl.ds(rbase, _STRIPE)],
                        accp_hbm.at[cid, pl.ds(rbase, _STRIPE)])

    return rowpass


_wpass = _wpass_kernel_fn()
_rowpass = _rowpass_kernel_fn()


def _edge(h, asrc, adst, src, dst, z):
    w, dacc = _wpass(asrc, adst, src, dst)
    accp = _rowpass(h,
                    src.reshape(_NW, _NG, _GRP, _CH),
                    dst.reshape(_NW, _NG, _GRP, _CH),
                    w.reshape(_NW, _NG, _GRP * _CH), z)
    return accp, dacc


def _full_spec():
    return pl.BlockSpec((_D, _D), lambda i: (0, 0))


def _vec_spec():
    return pl.BlockSpec((_D,), lambda i: (0,))


def _row_spec():
    return pl.BlockSpec((_BLK, _D), lambda i: (i, 0))


def _n_spec():
    return pl.BlockSpec((_NPAD,), lambda i: (0,))


def _prep1(x, Wp, bp, W1, as1, ad1):
    def body(x_r, Wp_r, bp_r, W1_r, as1_r, ad1_r, h1_r, s_r, d_r):
        i = pl.program_id(0)
        h0 = jnp.dot(x_r[...], Wp_r[...],
                     preferred_element_type=jnp.float32) + bp_r[...][None, :]
        h1 = jnp.dot(h0, W1_r[...], preferred_element_type=jnp.float32)
        h1_r[...] = h1
        s_r[pl.ds(i * _BLK, _BLK)] = jnp.sum(h1 * as1_r[...][None, :], axis=1)
        d_r[pl.ds(i * _BLK, _BLK)] = jnp.sum(h1 * ad1_r[...][None, :], axis=1)

    return pl.pallas_call(
        body,
        grid=(_NB,),
        in_specs=[_row_spec(), _full_spec(), _vec_spec(), _full_spec(),
                  _vec_spec(), _vec_spec()],
        out_specs=[_row_spec(), _n_spec(), _n_spec()],
        out_shape=[
            jax.ShapeDtypeStruct((_N, _D), jnp.float32),
            jax.ShapeDtypeStruct((_NPAD,), jnp.float32),
            jax.ShapeDtypeStruct((_NPAD,), jnp.float32),
        ],
    )(x, Wp, bp, W1, as1, ad1)


def _dacc_spec():
    return pl.BlockSpec((_NW, _NPAD), lambda i: (0, 0))


def _combine_mid(acc0, acc1, dacc, asrc, adst, h1, b1, W2, as2, ad2):
    def body(a0, a1, dc, sr, dr, h1r, b1r, W2r, as2r, ad2r,
             h2_r, s2_r, d2_r):
        i = pl.program_id(0)
        blk = pl.ds(i * _BLK, _BLK)
        s = sr[blk] + dr[blk]
        wl = jnp.exp(jnp.where(s >= 0, s, s * 0.2))
        num = a0[...] + a1[...] + wl[:, None] * h1r[...]
        den = jnp.sum(dc[:, blk], axis=0) + wl + 1e-16
        g = jnp.maximum(num / den[:, None] + b1r[...][None, :], 0.0)
        h2 = jnp.dot(g, W2r[...], preferred_element_type=jnp.float32)
        h2_r[...] = h2
        s2_r[blk] = jnp.sum(h2 * as2r[...][None, :], axis=1)
        d2_r[blk] = jnp.sum(h2 * ad2r[...][None, :], axis=1)

    return pl.pallas_call(
        body,
        grid=(_NB,),
        in_specs=[_row_spec(), _row_spec(), _dacc_spec(), _n_spec(),
                  _n_spec(), _row_spec(), _vec_spec(), _full_spec(),
                  _vec_spec(), _vec_spec()],
        out_specs=[_row_spec(), _n_spec(), _n_spec()],
        out_shape=[
            jax.ShapeDtypeStruct((_N, _D), jnp.float32),
            jax.ShapeDtypeStruct((_NPAD,), jnp.float32),
            jax.ShapeDtypeStruct((_NPAD,), jnp.float32),
        ],
    )(acc0, acc1, dacc, asrc, adst, h1, b1, W2, as2, ad2)


def _combine_final(acc0, acc1, dacc, asrc, adst, h2, b2):
    def body(a0, a1, dc, sr, dr, h2r, b2r, out_r):
        i = pl.program_id(0)
        blk = pl.ds(i * _BLK, _BLK)
        s = sr[blk] + dr[blk]
        wl = jnp.exp(jnp.where(s >= 0, s, s * 0.2))
        num = a0[...] + a1[...] + wl[:, None] * h2r[...]
        den = jnp.sum(dc[:, blk], axis=0) + wl + 1e-16
        out_r[...] = num / den[:, None] + b2r[...][None, :]

    return pl.pallas_call(
        body,
        grid=(_NB,),
        in_specs=[_row_spec(), _row_spec(), _dacc_spec(), _n_spec(),
                  _n_spec(), _row_spec(), _vec_spec()],
        out_specs=_row_spec(),
        out_shape=jax.ShapeDtypeStruct((_N, _D), jnp.float32),
    )(acc0, acc1, dacc, asrc, adst, h2, b2)


def kernel(x, edge_index, Wp, bp, W1, as1, ad1, b1, W2, as2, ad2, b2):
    src = edge_index[0].reshape(_NW, _NCH, _CH)
    dst = edge_index[1].reshape(_NW, _NCH, _CH)
    z = jnp.zeros((_NP, _D), jnp.float32)

    h1, s1, d1 = _prep1(x, Wp, bp, W1, as1, ad1)
    accp1, dacc1 = _edge(h1, s1[:_N], d1[:_N], src, dst, z)
    h2, s2, d2 = _combine_mid(accp1[0], accp1[1], dacc1.reshape(_NW, _NPAD),
                              s1, d1, h1, b1, W2, as2, ad2)
    accp2, dacc2 = _edge(h2, s2[:_N], d2[:_N], src, dst, z)
    return _combine_final(accp2[0], accp2[1], dacc2.reshape(_NW, _NPAD),
                          s2, d2, h2, b2)

# --- scband reference (transcript-rebuilt; emitter-appended) ---
"""Pipeline reference for scband-tg-gat-53523882443262 (READ-ONLY COPY).

The authoritative reference and input builder live on the scoring server;
editing this copy changes nothing except your own understanding.
"""

import jax, jax.numpy as jnp
import numpy as np

N = 10000
E = 320000
D_IN = 128
D_FEAT = 128
D_HID = 128
D_OUT = 128


def setup_inputs(seed: int = 0):
    key = jax.random.key(seed)
    ks = jax.random.split(key, 12)
    x = jax.random.normal(ks[0], (N, D_IN), dtype=jnp.float32)
    edge_index = jax.random.randint(ks[1], (2, E), 0, N, dtype=jnp.int32)
    Wp = jax.random.normal(ks[2], (D_IN, D_FEAT), dtype=jnp.float32) * 0.05
    bp = jnp.zeros((D_FEAT,), dtype=jnp.float32)
    W1 = jax.random.normal(ks[3], (D_FEAT, D_HID), dtype=jnp.float32) * 0.05
    as1 = jax.random.normal(ks[4], (D_HID,), dtype=jnp.float32) * 0.1
    ad1 = jax.random.normal(ks[5], (D_HID,), dtype=jnp.float32) * 0.1
    b1 = jnp.zeros((D_HID,), dtype=jnp.float32)
    W2 = jax.random.normal(ks[6], (D_HID, D_OUT), dtype=jnp.float32) * 0.05
    as2 = jax.random.normal(ks[7], (D_OUT,), dtype=jnp.float32) * 0.1
    ad2 = jax.random.normal(ks[8], (D_OUT,), dtype=jnp.float32) * 0.1
    b2 = jnp.zeros((D_OUT,), dtype=jnp.float32)
    return {"x": x, "edge_index": edge_index, "Wp": Wp, "bp": bp,
            "W1": W1, "as1": as1, "ad1": ad1, "b1": b1,
            "W2": W2, "as2": as2, "ad2": ad2, "b2": b2}


def gat_layer(x, edge_index, W, a_src, a_dst, b):
    # PyG GATConv, heads=1, add_self_loops=True, negative_slope=0.2 (eval mode)
    n = x.shape[0]
    loop = jnp.arange(n, dtype=edge_index.dtype)
    src = jnp.concatenate([edge_index[0], loop])
    dst = jnp.concatenate([edge_index[1], loop])
    h = x @ W
    alpha_src = h @ a_src  # [n]
    alpha_dst = h @ a_dst  # [n]
    e = jax.nn.leaky_relu(alpha_src[src] + alpha_dst[dst], negative_slope=0.2)
    # segment softmax over destination nodes
    emax = jax.ops.segment_max(e, dst, num_segments=n)
    ex = jnp.exp(e - emax[dst])
    denom = jax.ops.segment_sum(ex, dst, num_segments=n)
    coef = ex / (denom[dst] + 1e-16)
    out = jax.ops.segment_sum(h[src] * coef[:, None], dst, num_segments=n)
    return out + b


def reference(x, edge_index, Wp, bp, W1, as1, ad1, b1, W2, as2, ad2, b2):
    # feature_pre linear
    h = x @ Wp + bp
    # conv_first + relu (dropout is identity in eval)
    h = gat_layer(h, edge_index, W1, as1, ad1, b1)
    h = jax.nn.relu(h)
    # layer_num=2 -> no hidden convs
    out = gat_layer(h, edge_index, W2, as2, ad2, b2)
    return out

if __name__ == "__main__":
    import jax
    _d = setup_inputs()
    print(jax.jit(kernel)(*tuple(_d.values())))

</pallas_src>

<mosaic_0001>
#map = affine_map<(d0, d1) -> (0, 0)>
#map1 = affine_map<(d0, d1) -> (0, 0, 0, 0)>
#map2 = affine_map<(d0, d1) -> (0, 0, 0)>
module attributes {stable_mosaic.version = 14 : i64} {
  func.func @rowpass(%arg0: i32, %arg1: i32, %arg2: memref<10000x128xf32, #tpu.memory_space<hbm>>, %arg3: memref<32x5x25x80xi32, #tpu.memory_space<hbm>>, %arg4: memref<32x5x25x80xi32, #tpu.memory_space<hbm>>, %arg5: memref<32x5x2000xf32, #tpu.memory_space<hbm>>, %arg6: memref<10112x128xf32, #tpu.memory_space<hbm>>, %arg7: memref<2x10112x128xf32, #tpu.memory_space<hbm>>, %arg8: memref<25x80xi32, #tpu.memory_space<vmem>>, %arg9: memref<25x80xi32, #tpu.memory_space<vmem>>, %arg10: memref<2000xf32, #tpu.memory_space<vmem>>, %arg11: memref<2x80x128xf32, #tpu.memory_space<vmem>>, %arg12: memref<10112x128xf32, #tpu.memory_space<vmem_shared>>, %arg13: memref<!tpu.dma_semaphore, #tpu.memory_space<semaphore_mem>>, %arg14: memref<!tpu.dma_semaphore, #tpu.memory_space<semaphore_mem>>) attributes {dimension_semantics = [#tpu.dimension_semantics<core_parallel>, #tpu.dimension_semantics<subcore_parallel>], iteration_bounds = array<i64: 2, 16>, scalar_prefetch = 0 : i64, scratch_operands = 7 : i64, tpu.core_type = #tpu.core_type<sc_vector_subcore>, window_params = [{transform_indices = #map}, {transform_indices = #map1}, {transform_indices = #map1}, {transform_indices = #map2}, {transform_indices = #map}, {transform_indices = #map2}]} {
    %mul3A = arith.constant 2 : i32
    %mul3A_0 = arith.muli %arg1, %mul3A : i32
    %add3A = arith.addi %mul3A_0, %arg0 : i32
    %mul3A_1 = arith.constant 632 : i32
    %mul3A_2 = arith.muli %arg1, %mul3A_1 : i32
    "tpu.region"() ({
      %run_scoped3A = tpu.sem_alloc : memref<!tpu.dma_semaphore, #tpu.memory_space<semaphore_mem>>
      %dma_start3A = arith.constant 0 : i32
      %dma_start3A_9 = tpu.memref_slice %arg12[%mul3A_2, %dma_start3A] : memref<10112x128xf32, #tpu.memory_space<vmem_shared>> -> memref<632x128xf32, #tpu.memory_space<vmem_shared>>
      %dma_start3A_10 = arith.constant 0 : i32
      %dma_start3A_11 = tpu.memref_slice %arg6[%mul3A_2, %dma_start3A_10] : memref<10112x128xf32, #tpu.memory_space<hbm>> -> memref<632x128xf32, #tpu.memory_space<hbm>>
      tpu.enqueue_dma source(%dma_start3A_11 : memref<632x128xf32, #tpu.memory_space<hbm>>) target(%dma_start3A_9 : memref<632x128xf32, #tpu.memory_space<vmem_shared>>) target_semaphore(%run_scoped3A : memref<!tpu.dma_semaphore, #tpu.memory_space<semaphore_mem>>)
      %dma_wait3A = arith.constant 0 : i32
      %dma_wait3A_12 = tpu.memref_slice %arg12[%mul3A_2, %dma_wait3A] : memref<10112x128xf32, #tpu.memory_space<vmem_shared>> -> memref<632x128xf32, #tpu.memory_space<vmem_shared>>
      %dma_wait3A_13 = arith.constant 0 : i32
      %dma_wait3A_14 = tpu.memref_slice %arg6[%mul3A_2, %dma_wait3A_13] : memref<10112x128xf32, #tpu.memory_space<hbm>> -> memref<632x128xf32, #tpu.memory_space<hbm>>
      tpu.wait_dma2 semaphore(%run_scoped3A : memref<!tpu.dma_semaphore, #tpu.memory_space<semaphore_mem>>) src(%dma_wait3A_14 : memref<632x128xf32, #tpu.memory_space<hbm>>) dst(%dma_wait3A_12 : memref<632x128xf32, #tpu.memory_space<vmem_shared>>)
      tpu.yield
    }) : () -> ()
    %barrier3A = arith.constant 0 : index
    tpu.barrier barrier_id(%barrier3A)
    %scan3A = arith.constant 0 : i32
    %scan3A_3 = arith.constant 0 : i32
    %scan3A_4 = arith.constant 5 : i32
    %scan3A_5 = arith.addi %scan3A_3, %scan3A_4 : i32
    %scan3A_6 = arith.constant 1 : i32
    scf.for %scan3A_9 = %scan3A_3 to %scan3A_5 step %scan3A_6  : i32 {
      "tpu.region"() ({
        %run_scoped3A = tpu.sem_alloc : memref<!tpu.dma_semaphore, #tpu.memory_space<semaphore_mem>>
        %dma_start3A_50 = arith.constant 0 : i32
        %dma_start3A_51 = arith.constant 0 : i32
        %dma_start3A_52 = tpu.memref_slice %arg3[%add3A, %scan3A_9, %dma_start3A_50, %dma_start3A_51] : memref<32x5x25x80xi32, #tpu.memory_space<hbm>> -> memref<1x1x25x80xi32, #tpu.memory_space<hbm>>
        %dma_start3A_53 = tpu.memref_squeeze %dma_start3A_52 : memref<1x1x25x80xi32, #tpu.memory_space<hbm>> -> memref<25x80xi32, #tpu.memory_space<hbm>>
        %dma_start3A_54 = arith.constant 0 : i32
        %dma_start3A_55 = arith.constant 0 : i32
        %dma_start3A_56 = tpu.memref_slice %arg3[%add3A, %scan3A_9, %dma_start3A_54, %dma_start3A_55] : memref<32x5x25x80xi32, #tpu.memory_space<hbm>> -> memref<1x1x25x80xi32, #tpu.memory_space<hbm>>
        %dma_start3A_57 = tpu.memref_squeeze %dma_start3A_56 : memref<1x1x25x80xi32, #tpu.memory_space<hbm>> -> memref<25x80xi32, #tpu.memory_space<hbm>>
        tpu.enqueue_dma source(%dma_start3A_57 : memref<25x80xi32, #tpu.memory_space<hbm>>) target(%arg8 : memref<25x80xi32, #tpu.memory_space<vmem>>) target_semaphore(%run_scoped3A : memref<!tpu.dma_semaphore, #tpu.memory_space<semaphore_mem>>)
        %dma_wait3A_58 = arith.constant 0 : i32
        %dma_wait3A_59 = arith.constant 0 : i32
        %dma_wait3A_60 = tpu.memref_slice %arg3[%add3A, %scan3A_9, %dma_wait3A_58, %dma_wait3A_59] : memref<32x5x25x80xi32, #tpu.memory_space<hbm>> -> memref<1x1x25x80xi32, #tpu.memory_space<hbm>>
        %dma_wait3A_61 = tpu.memref_squeeze %dma_wait3A_60 : memref<1x1x25x80xi32, #tpu.memory_space<hbm>> -> memref<25x80xi32, #tpu.memory_space<hbm>>
        %dma_wait3A_62 = arith.constant 0 : i32
        %dma_wait3A_63 = arith.constant 0 : i32
        %dma_wait3A_64 = tpu.memref_slice %arg3[%add3A, %scan3A_9, %dma_wait3A_62, %dma_wait3A_63] : memref<32x5x25x80xi32, #tpu.memory_space<hbm>> -> memref<1x1x25x80xi32, #tpu.memory_space<hbm>>
        %dma_wait3A_65 = tpu.memref_squeeze %dma_wait3A_64 : memref<1x1x25x80xi32, #tpu.memory_space<hbm>> -> memref<25x80xi32, #tpu.memory_space<hbm>>
        tpu.wait_dma2 semaphore(%run_scoped3A : memref<!tpu.dma_semaphore, #tpu.memory_space<semaphore_mem>>) src(%dma_wait3A_65 : memref<25x80xi32, #tpu.memory_space<hbm>>) dst(%arg8 : memref<25x80xi32, #tpu.memory_space<vmem>>)
        tpu.yield
      }) : () -> ()
      "tpu.region"() ({
        %run_scoped3A = tpu.sem_alloc : memref<!tpu.dma_semaphore, #tpu.memory_space<semaphore_mem>>
        %dma_start3A_50 = arith.constant 0 : i32
        %dma_start3A_51 = arith.constant 0 : i32
        %dma_start3A_52 = tpu.memref_slice %arg4[%add3A, %scan3A_9, %dma_start3A_50, %dma_start3A_51] : memref<32x5x25x80xi32, #tpu.memory_space<hbm>> -> memref<1x1x25x80xi32, #tpu.memory_space<hbm>>
        %dma_start3A_53 = tpu.memref_squeeze %dma_start3A_52 : memref<1x1x25x80xi32, #tpu.memory_space<hbm>> -> memref<25x80xi32, #tpu.memory_space<hbm>>
        %dma_start3A_54 = arith.constant 0 : i32
        %dma_start3A_55 = arith.constant 0 : i32
        %dma_start3A_56 = tpu.memref_slice %arg4[%add3A, %scan3A_9, %dma_start3A_54, %dma_start3A_55] : memref<32x5x25x80xi32, #tpu.memory_space<hbm>> -> memref<1x1x25x80xi32, #tpu.memory_space<hbm>>
        %dma_start3A_57 = tpu.memref_squeeze %dma_start3A_56 : memref<1x1x25x80xi32, #tpu.memory_space<hbm>> -> memref<25x80xi32, #tpu.memory_space<hbm>>
        tpu.enqueue_dma source(%dma_start3A_57 : memref<25x80xi32, #tpu.memory_space<hbm>>) target(%arg9 : memref<25x80xi32, #tpu.memory_space<vmem>>) target_semaphore(%run_scoped3A : memref<!tpu.dma_semaphore, #tpu.memory_space<semaphore_mem>>)
        %dma_wait3A_58 = arith.constant 0 : i32
        %dma_wait3A_59 = arith.constant 0 : i32
        %dma_wait3A_60 = tpu.memref_slice %arg4[%add3A, %scan3A_9, %dma_wait3A_58, %dma_wait3A_59] : memref<32x5x25x80xi32, #tpu.memory_space<hbm>> -> memref<1x1x25x80xi32, #tpu.memory_space<hbm>>
        %dma_wait3A_61 = tpu.memref_squeeze %dma_wait3A_60 : memref<1x1x25x80xi32, #tpu.memory_space<hbm>> -> memref<25x80xi32, #tpu.memory_space<hbm>>
        %dma_wait3A_62 = arith.constant 0 : i32
        %dma_wait3A_63 = arith.constant 0 : i32
        %dma_wait3A_64 = tpu.memref_slice %arg4[%add3A, %scan3A_9, %dma_wait3A_62, %dma_wait3A_63] : memref<32x5x25x80xi32, #tpu.memory_space<hbm>> -> memref<1x1x25x80xi32, #tpu.memory_space<hbm>>
        %dma_wait3A_65 = tpu.memref_squeeze %dma_wait3A_64 : memref<1x1x25x80xi32, #tpu.memory_space<hbm>> -> memref<25x80xi32, #tpu.memory_space<hbm>>
        tpu.wait_dma2 semaphore(%run_scoped3A : memref<!tpu.dma_semaphore, #tpu.memory_space<semaphore_mem>>) src(%dma_wait3A_65 : memref<25x80xi32, #tpu.memory_space<hbm>>) dst(%arg9 : memref<25x80xi32, #tpu.memory_space<vmem>>)
        tpu.yield
      }) : () -> ()
      "tpu.region"() ({
        %run_scoped3A = tpu.sem_alloc : memref<!tpu.dma_semaphore, #tpu.memory_space<semaphore_mem>>
        %dma_start3A_50 = arith.constant 0 : i32
        %dma_start3A_51 = tpu.memref_slice %arg5[%add3A, %scan3A_9, %dma_start3A_50] : memref<32x5x2000xf32, #tpu.memory_space<hbm>> -> memref<1x1x2000xf32, #tpu.memory_space<hbm>>
        %dma_start3A_52 = tpu.memref_squeeze %dma_start3A_51 : memref<1x1x2000xf32, #tpu.memory_space<hbm>> -> memref<2000xf32, #tpu.memory_space<hbm>>
        %dma_start3A_53 = arith.constant 0 : i32
        %dma_start3A_54 = tpu.memref_slice %arg5[%add3A, %scan3A_9, %dma_start3A_53] : memref<32x5x2000xf32, #tpu.memory_space<hbm>> -> memref<1x1x2000xf32, #tpu.memory_space<hbm>>
        %dma_start3A_55 = tpu.memref_squeeze %dma_start3A_54 : memref<1x1x2000xf32, #tpu.memory_space<hbm>> -> memref<2000xf32, #tpu.memory_space<hbm>>
        tpu.enqueue_dma source(%dma_start3A_55 : memref<2000xf32, #tpu.memory_space<hbm>>) target(%arg10 : memref<2000xf32, #tpu.memory_space<vmem>>) target_semaphore(%run_scoped3A : memref<!tpu.dma_semaphore, #tpu.memory_space<semaphore_mem>>)
        %dma_wait3A_56 = arith.constant 0 : i32
        %dma_wait3A_57 = tpu.memref_slice %arg5[%add3A, %scan3A_9, %dma_wait3A_56] : memref<32x5x2000xf32, #tpu.memory_space<hbm>> -> memref<1x1x2000xf32, #tpu.memory_space<hbm>>
        %dma_wait3A_58 = tpu.memref_squeeze %dma_wait3A_57 : memref<1x1x2000xf32, #tpu.memory_space<hbm>> -> memref<2000xf32, #tpu.memory_space<hbm>>
        %dma_wait3A_59 = arith.constant 0 : i32
        %dma_wait3A_60 = tpu.memref_slice %arg5[%add3A, %scan3A_9, %dma_wait3A_59] : memref<32x5x2000xf32, #tpu.memory_space<hbm>> -> memref<1x1x2000xf32, #tpu.memory_space<hbm>>
        %dma_wait3A_61 = tpu.memref_squeeze %dma_wait3A_60 : memref<1x1x2000xf32, #tpu.memory_space<hbm>> -> memref<2000xf32, #tpu.memory_space<hbm>>
        tpu.wait_dma2 semaphore(%run_scoped3A : memref<!tpu.dma_semaphore, #tpu.memory_space<semaphore_mem>>) src(%dma_wait3A_61 : memref<2000xf32, #tpu.memory_space<hbm>>) dst(%arg10 : memref<2000xf32, #tpu.memory_space<vmem>>)
        tpu.yield
      }) : () -> ()
      %dma_start3A = arith.constant 0 : i32
      %dma_start3A_10 = arith.constant 0 : i32
      %dma_start3A_11 = arith.constant 0 : i32
      %dma_start3A_12 = arith.constant 0 : i32
      %dma_start3A_13 = tpu.memref_slice %arg11[%dma_start3A_10, %dma_start3A_11, %dma_start3A_12] : memref<2x80x128xf32, #tpu.memory_space<vmem>> -> memref<1x80x128xf32, #tpu.memory_space<vmem>>
      %dma_start3A_14 = tpu.memref_squeeze %dma_start3A_13 : memref<1x80x128xf32, #tpu.memory_space<vmem>> -> memref<80x128xf32, #tpu.memory_space<vmem>>
      %dma_start3A_15 = arith.constant 0 : i32
      %dma_start3A_16 = tpu.memref_slice %arg8[%dma_start3A, %dma_start3A_15] : memref<25x80xi32, #tpu.memory_space<vmem>> -> memref<1x80xi32, #tpu.memory_space<vmem>>
      %dma_start3A_17 = tpu.memref_squeeze %dma_start3A_16 : memref<1x80xi32, #tpu.memory_space<vmem>> -> memref<80xi32, #tpu.memory_space<vmem>>
      %dma_start3A_18 = arith.constant 0 : i32
      %dma_start3A_19 = arith.constant 0 : i32
      %dma_start3A_20 = tpu.memref_slice %arg2[%dma_start3A_18, %dma_start3A_19] : memref<10000x128xf32, #tpu.memory_space<hbm>> -> memref<10000x128xf32, #tpu.memory_space<hbm>>
      tpu.enqueue_indirect_dma source(%dma_start3A_20 : memref<10000x128xf32, #tpu.memory_space<hbm>>) target(%dma_start3A_14 : memref<80x128xf32, #tpu.memory_space<vmem>>) offsets(%dma_start3A_17 : memref<80xi32, #tpu.memory_space<vmem>>) semaphore(%arg13 : memref<!tpu.dma_semaphore, #tpu.memory_space<semaphore_mem>>)
      %scan3A_21 = arith.constant 0 : i32
      %scan3A_22 = arith.constant 0 : i32
      %scan3A_23 = arith.constant 25 : i32
      %scan3A_24 = arith.addi %scan3A_22, %scan3A_23 : i32
      %scan3A_25 = arith.constant 1 : i32
      scf.for %scan3A_50 = %scan3A_22 to %scan3A_24 step %scan3A_25  : i32 {
        %rem3A = arith.constant 2 : i32
        %rem3A_51 = arith.remsi %scan3A_50, %rem3A : i32
        %dma_wait3A_52 = arith.constant 0 : i32
        %dma_wait3A_53 = arith.constant 0 : i32
        %dma_wait3A_54 = tpu.memref_slice %arg11[%rem3A_51, %dma_wait3A_52, %dma_wait3A_53] : memref<2x80x128xf32, #tpu.memory_space<vmem>> -> memref<1x80x128xf32, #tpu.memory_space<vmem>>
        %dma_wait3A_55 = tpu.memref_squeeze %dma_wait3A_54 : memref<1x80x128xf32, #tpu.memory_space<vmem>> -> memref<80x128xf32, #tpu.memory_space<vmem>>
        %dma_wait3A_56 = arith.constant 0 : i32
        %dma_wait3A_57 = tpu.memref_slice %arg8[%scan3A_50, %dma_wait3A_56] : memref<25x80xi32, #tpu.memory_space<vmem>> -> memref<1x80xi32, #tpu.memory_space<vmem>>
        %dma_wait3A_58 = tpu.memref_squeeze %dma_wait3A_57 : memref<1x80xi32, #tpu.memory_space<vmem>> -> memref<80xi32, #tpu.memory_space<vmem>>
        %dma_wait3A_59 = arith.constant 0 : i32
        %dma_wait3A_60 = arith.constant 0 : i32
        %dma_wait3A_61 = tpu.memref_slice %arg2[%dma_wait3A_59, %dma_wait3A_60] : memref<10000x128xf32, #tpu.memory_space<hbm>> -> memref<10000x128xf32, #tpu.memory_space<hbm>>
        tpu.wait_indirect_dma semaphore(%arg13 : memref<!tpu.dma_semaphore, #tpu.memory_space<semaphore_mem>>) src(%dma_wait3A_61 : memref<10000x128xf32, #tpu.memory_space<hbm>>) dst(%dma_wait3A_55 : memref<80x128xf32, #tpu.memory_space<vmem>>)
        %add3A_62 = arith.constant 1 : i32
        %add3A_63 = arith.addi %scan3A_50, %add3A_62 : i32
        %lt3A = arith.constant 25 : i32
        %lt3A_64 = arith.cmpi slt, %add3A_63, %lt3A : i32
        %gt3A = arith.constant 0 : i32
        %gt3A_65 = arith.cmpi sgt, %scan3A_50, %gt3A : i32
        %and3A = arith.andi %lt3A_64, %gt3A_65 : i1
        %convert_element_type3A = arith.extui %and3A : i1 to i32
        %cond3A = arith.constant 0 : i32
        %cond3A_66 = arith.cmpi ne, %convert_element_type3A, %cond3A : i32
        scf.if %cond3A_66 {
          %sub3A = arith.constant 1 : i32
          %sub3A_90 = arith.subi %sub3A, %rem3A_51 : i32
          %dma_wait3A_91 = arith.constant 0 : i32
          %dma_wait3A_92 = arith.constant 0 : i32
          %dma_wait3A_93 = arith.constant 0 : i32
          %dma_wait3A_94 = tpu.memref_slice %arg11[%sub3A_90, %dma_wait3A_92, %dma_wait3A_93] : memref<2x80x128xf32, #tpu.memory_space<vmem>> -> memref<1x80x128xf32, #tpu.memory_space<vmem>>
          %dma_wait3A_95 = tpu.memref_squeeze %dma_wait3A_94 : memref<1x80x128xf32, #tpu.memory_space<vmem>> -> memref<80x128xf32, #tpu.memory_space<vmem>>
          %dma_wait3A_96 = arith.constant 0 : i32
          %dma_wait3A_97 = tpu.memref_slice %arg9[%dma_wait3A_91, %dma_wait3A_96] : memref<25x80xi32, #tpu.memory_space<vmem>> -> memref<1x80xi32, #tpu.memory_space<vmem>>
          %dma_wait3A_98 = tpu.memref_squeeze %dma_wait3A_97 : memref<1x80xi32, #tpu.memory_space<vmem>> -> memref<80xi32, #tpu.memory_space<vmem>>
          %dma_wait3A_99 = arith.constant 0 : i32
          %dma_wait3A_100 = arith.constant 0 : i32
          %dma_wait3A_101 = tpu.memref_slice %arg12[%dma_wait3A_99, %dma_wait3A_100] : memref<10112x128xf32, #tpu.memory_space<vmem_shared>> -> memref<10112x128xf32, #tpu.memory_space<vmem_shared>>
          tpu.wait_indirect_dma semaphore(%arg14 : memref<!tpu.dma_semaphore, #tpu.memory_space<semaphore_mem>>) src(%dma_wait3A_95 : memref<80x128xf32, #tpu.memory_space<vmem>>) dst(%dma_wait3A_101 : memref<10112x128xf32, #tpu.memory_space<vmem_shared>>)
        } else {
        }
        %add3A_67 = arith.constant 1 : i32
        %add3A_68 = arith.addi %scan3A_50, %add3A_67 : i32
        %lt3A_69 = arith.constant 25 : i32
        %lt3A_70 = arith.cmpi slt, %add3A_68, %lt3A_69 : i32
        %convert_element_type3A_71 = arith.extui %lt3A_70 : i1 to i32
        %cond3A_72 = arith.constant 0 : i32
        %cond3A_73 = arith.cmpi ne, %convert_element_type3A_71, %cond3A_72 : i32
        scf.if %cond3A_73 {
          %add3A_90 = arith.constant 1 : i32
          %add3A_91 = arith.addi %scan3A_50, %add3A_90 : i32
          %sub3A = arith.constant 1 : i32
          %sub3A_92 = arith.subi %sub3A, %rem3A_51 : i32
          %dma_start3A_93 = arith.constant 0 : i32
          %dma_start3A_94 = arith.constant 0 : i32
          %dma_start3A_95 = tpu.memref_slice %arg11[%sub3A_92, %dma_start3A_93, %dma_start3A_94] : memref<2x80x128xf32, #tpu.memory_space<vmem>> -> memref<1x80x128xf32, #tpu.memory_space<vmem>>
          %dma_start3A_96 = tpu.memref_squeeze %dma_start3A_95 : memref<1x80x128xf32, #tpu.memory_space<vmem>> -> memref<80x128xf32, #tpu.memory_space<vmem>>
          %dma_start3A_97 = arith.constant 0 : i32
          %dma_start3A_98 = tpu.memref_slice %arg8[%add3A_91, %dma_start3A_97] : memref<25x80xi32, #tpu.memory_space<vmem>> -> memref<1x80xi32, #tpu.memory_space<vmem>>
          %dma_start3A_99 = tpu.memref_squeeze %dma_start3A_98 : memref<1x80xi32, #tpu.memory_space<vmem>> -> memref<80xi32, #tpu.memory_space<vmem>>
          %dma_start3A_100 = arith.constant 0 : i32
          %dma_start3A_101 = arith.constant 0 : i32
          %dma_start3A_102 = tpu.memref_slice %arg2[%dma_start3A_100, %dma_start3A_101] : memref<10000x128xf32, #tpu.memory_space<hbm>> -> memref<10000x128xf32, #tpu.memory_space<hbm>>
          tpu.enqueue_indirect_dma source(%dma_start3A_102 : memref<10000x128xf32, #tpu.memory_space<hbm>>) target(%dma_start3A_96 : memref<80x128xf32, #tpu.memory_space<vmem>>) offsets(%dma_start3A_99 : memref<80xi32, #tpu.memory_space<vmem>>) semaphore(%arg13 : memref<!tpu.dma_semaphore, #tpu.memory_space<semaphore_mem>>)
        } else {
        }
        %scan3A_74 = arith.constant 0 : i32
        %scan3A_75 = arith.constant 0 : i32
        %scan3A_76 = arith.constant 5 : i32
        %scan3A_77 = arith.addi %scan3A_75, %scan3A_76 : i32
        %scan3A_78 = arith.constant 1 : i32
        scf.for %scan3A_90 = %scan3A_75 to %scan3A_77 step %scan3A_78  : i32 {
          %mul3A_91 = arith.constant 16 : i32
          %mul3A_92 = arith.muli %scan3A_90, %mul3A_91 : i32
          %add3A_93 = arith.constant 0 : i32
          %add3A_94 = arith.addi %mul3A_92, %add3A_93 : i32
          %broadcast_in_dim3A = arith.constant 0 : i32
          %broadcast_in_dim3A_95 = vector.broadcast %broadcast_in_dim3A : i32 to vector<16xi32>
          %mul3A_96 = arith.constant 80 : i32
          %mul3A_97 = arith.muli %scan3A_50, %mul3A_96 : i32
          %add3A_98 = arith.addi %mul3A_97, %add3A_94 : i32
          %add3A_99 = vector.broadcast %add3A_98 : i32 to vector<16xi32>
          %add3A_100 = arith.addi %broadcast_in_dim3A_95, %add3A_99 : vector<16xi32>
          %gather3A = tpu.vector_load_idx %arg10[%add3A_100] : memref<2000xf32, #tpu.memory_space<vmem>>[vector<16xi32>], vector<16xf32>,
          %get3A = arith.index_cast %rem3A_51 : i32 to index
          %get3A_101 = arith.index_cast %add3A_94 : i32 to index
          %get3A_102 = arith.constant 0 : index
          %get3A_103 = tpu.vector_load %arg11[%get3A, %get3A_101, %get3A_102] {strides = array<i32>} : memref<2x80x128xf32, #tpu.memory_space<vmem>>, vector<16xf32>,
          %mul3A_104 = arith.mulf %get3A_103, %gather3A : vector<16xf32>
          %swap3A = arith.index_cast %rem3A_51 : i32 to index
          %swap3A_105 = arith.index_cast %add3A_94 : i32 to index
          %swap3A_106 = arith.constant 0 : index
          %swap3A_107 = tpu.vector_load %arg11[%swap3A, %swap3A_105, %swap3A_106] {strides = array<i32>} : memref<2x80x128xf32, #tpu.memory_space<vmem>>, vector<16xf32>,
          tpu.vector_store %arg11[%swap3A, %swap3A_105, %swap3A_106], %mul3A_104 {strides = array<i32>} : memref<2x80x128xf32, #tpu.memory_space<vmem>>, vector<16xf32>,
          %get3A_108 = arith.index_cast %rem3A_51 : i32 to index
          %get3A_109 = arith.index_cast %add3A_94 : i32 to index
          %get3A_110 = arith.constant 16 : index
          %get3A_111 = tpu.vector_load %arg11[%get3A_108, %get3A_109, %get3A_110] {strides = array<i32>} : memref<2x80x128xf32, #tpu.memory_space<vmem>>, vector<16xf32>,
          %mul3A_112 = arith.mulf %get3A_111, %gather3A : vector<16xf32>
          %swap3A_113 = arith.index_cast %rem3A_51 : i32 to index
          %swap3A_114 = arith.index_cast %add3A_94 : i32 to index
          %swap3A_115 = arith.constant 16 : index
          %swap3A_116 = tpu.vector_load %arg11[%swap3A_113, %swap3A_114, %swap3A_115] {strides = array<i32>} : memref<2x80x128xf32, #tpu.memory_space<vmem>>, vector<16xf32>,
          tpu.vector_store %arg11[%swap3A_113, %swap3A_114, %swap3A_115], %mul3A_112 {strides = array<i32>} : memref<2x80x128xf32, #tpu.memory_space<vmem>>, vector<16xf32>,
          %get3A_117 = arith.index_cast %rem3A_51 : i32 to index
          %get3A_118 = arith.index_cast %add3A_94 : i32 to index
          %get3A_119 = arith.constant 32 : index
          %get3A_120 = tpu.vector_load %arg11[%get3A_117, %get3A_118, %get3A_119] {strides = array<i32>} : memref<2x80x128xf32, #tpu.memory_space<vmem>>, vector<16xf32>,
          %mul3A_121 = arith.mulf %get3A_120, %gather3A : vector<16xf32>
          %swap3A_122 = arith.index_cast %rem3A_51 : i32 to index
          %swap3A_123 = arith.index_cast %add3A_94 : i32 to index
          %swap3A_124 = arith.constant 32 : index
          %swap3A_125 = tpu.vector_load %arg11[%swap3A_122, %swap3A_123, %swap3A_124] {strides = array<i32>} : memref<2x80x128xf32, #tpu.memory_space<vmem>>, vector<16xf32>,
          tpu.vector_store %arg11[%swap3A_122, %swap3A_123, %swap3A_124], %mul3A_121 {strides = array<i32>} : memref<2x80x128xf32, #tpu.memory_space<vmem>>, vector<16xf32>,
          %get3A_126 = arith.index_cast %rem3A_51 : i32 to index
          %get3A_127 = arith.index_cast %add3A_94 : i32 to index
          %get3A_128 = arith.constant 48 : index
          %get3A_129 = tpu.vector_load %arg11[%get3A_126, %get3A_127, %get3A_128] {strides = array<i32>} : memref<2x80x128xf32, #tpu.memory_space<vmem>>, vector<16xf32>,
          %mul3A_130 = arith.mulf %get3A_129, %gather3A : vector<16xf32>
          %swap3A_131 = arith.index_cast %rem3A_51 : i32 to index
          %swap3A_132 = arith.index_cast %add3A_94 : i32 to index
          %swap3A_133 = arith.constant 48 : index
          %swap3A_134 = tpu.vector_load %arg11[%swap3A_131, %swap3A_132, %swap3A_133] {strides = array<i32>} : memref<2x80x128xf32, #tpu.memory_space<vmem>>, vector<16xf32>,
          tpu.vector_store %arg11[%swap3A_131, %swap3A_132, %swap3A_133], %mul3A_130 {strides = array<i32>} : memref<2x80x128xf32, #tpu.memory_space<vmem>>, vector<16xf32>,
          %get3A_135 = arith.index_cast %rem3A_51 : i32 to index
          %get3A_136 = arith.index_cast %add3A_94 : i32 to index
          %get3A_137 = arith.constant 64 : index
          %get3A_138 = tpu.vector_load %arg11[%get3A_135, %get3A_136, %get3A_137] {strides = array<i32>} : memref<2x80x128xf32, #tpu.memory_space<vmem>>, vector<16xf32>,
          %mul3A_139 = arith.mulf %get3A_138, %gather3A : vector<16xf32>
          %swap3A_140 = arith.index_cast %rem3A_51 : i32 to index
          %swap3A_141 = arith.index_cast %add3A_94 : i32 to index
          %swap3A_142 = arith.constant 64 : index
          %swap3A_143 = tpu.vector_load %arg11[%swap3A_140, %swap3A_141, %swap3A_142] {strides = array<i32>} : memref<2x80x128xf32, #tpu.memory_space<vmem>>, vector<16xf32>,
          tpu.vector_store %arg11[%swap3A_140, %swap3A_141, %swap3A_142], %mul3A_139 {strides = array<i32>} : memref<2x80x128xf32, #tpu.memory_space<vmem>>, vector<16xf32>,
          %get3A_144 = arith.index_cast %rem3A_51 : i32 to index
          %get3A_145 = arith.index_cast %add3A_94 : i32 to index
          %get3A_146 = arith.constant 80 : index
          %get3A_147 = tpu.vector_load %arg11[%get3A_144, %get3A_145, %get3A_146] {strides = array<i32>} : memref<2x80x128xf32, #tpu.memory_space<vmem>>, vector<16xf32>,
          %mul3A_148 = arith.mulf %get3A_147, %gather3A : vector<16xf32>
          %swap3A_149 = arith.index_cast %rem3A_51 : i32 to index
          %swap3A_150 = arith.index_cast %add3A_94 : i32 to index
          %swap3A_151 = arith.constant 80 : index
          %swap3A_152 = tpu.vector_load %arg11[%swap3A_149, %swap3A_150, %swap3A_151] {strides = array<i32>} : memref<2x80x128xf32, #tpu.memory_space<vmem>>, vector<16xf32>,
          tpu.vector_store %arg11[%swap3A_149, %swap3A_150, %swap3A_151], %mul3A_148 {strides = array<i32>} : memref<2x80x128xf32, #tpu.memory_space<vmem>>, vector<16xf32>,
          %get3A_153 = arith.index_cast %rem3A_51 : i32 to index
          %get3A_154 = arith.index_cast %add3A_94 : i32 to index
          %get3A_155 = arith.constant 96 : index
          %get3A_156 = tpu.vector_load %arg11[%get3A_153, %get3A_154, %get3A_155] {strides = array<i32>} : memref<2x80x128xf32, #tpu.memory_space<vmem>>, vector<16xf32>,
          %mul3A_157 = arith.mulf %get3A_156, %gather3A : vector<16xf32>
          %swap3A_158 = arith.index_cast %rem3A_51 : i32 to index
          %swap3A_159 = arith.index_cast %add3A_94 : i32 to index
          %swap3A_160 = arith.constant 96 : index
          %swap3A_161 = tpu.vector_load %arg11[%swap3A_158, %swap3A_159, %swap3A_160] {strides = array<i32>} : memref<2x80x128xf32, #tpu.memory_space<vmem>>, vector<16xf32>,
          tpu.vector_store %arg11[%swap3A_158, %swap3A_159, %swap3A_160], %mul3A_157 {strides = array<i32>} : memref<2x80x128xf32, #tpu.memory_space<vmem>>, vector<16xf32>,
          %get3A_162 = arith.index_cast %rem3A_51 : i32 to index
          %get3A_163 = arith.index_cast %add3A_94 : i32 to index
          %get3A_164 = arith.constant 112 : index
          %get3A_165 = tpu.vector_load %arg11[%get3A_162, %get3A_163, %get3A_164] {strides = array<i32>} : memref<2x80x128xf32, #tpu.memory_space<vmem>>, vector<16xf32>,
          %mul3A_166 = arith.mulf %get3A_165, %gather3A : vector<16xf32>
          %swap3A_167 = arith.index_cast %rem3A_51 : i32 to index
          %swap3A_168 = arith.index_cast %add3A_94 : i32 to index
          %swap3A_169 = arith.constant 112 : index
          %swap3A_170 = tpu.vector_load %arg11[%swap3A_167, %swap3A_168, %swap3A_169] {strides = array<i32>} : memref<2x80x128xf32, #tpu.memory_space<vmem>>, vector<16xf32>,
          tpu.vector_store %arg11[%swap3A_167, %swap3A_168, %swap3A_169], %mul3A_166 {strides = array<i32>} : memref<2x80x128xf32, #tpu.memory_space<vmem>>, vector<16xf32>,
          %add3A_171 = arith.constant 1 : i32
          %add3A_172 = arith.addi %mul3A_92, %add3A_171 : i32
          %broadcast_in_dim3A_173 = arith.constant 0 : i32
          %broadcast_in_dim3A_174 = vector.broadcast %broadcast_in_dim3A_173 : i32 to vector<16xi32>
          %mul3A_175 = arith.constant 80 : i32
          %mul3A_176 = arith.muli %scan3A_50, %mul3A_175 : i32
          %add3A_177 = arith.addi %mul3A_176, %add3A_172 : i32
          %add3A_178 = vector.broadcast %add3A_177 : i32 to vector<16xi32>
          %add3A_179 = arith.addi %broadcast_in_dim3A_174, %add3A_178 : vector<16xi32>
          %gather3A_180 = tpu.vector_load_idx %arg10[%add3A_179] : memref<2000xf32, #tpu.memory_space<vmem>>[vector<16xi32>], vector<16xf32>,
          %get3A_181 = arith.index_cast %rem3A_51 : i32 to index
          %get3A_182 = arith.index_cast %add3A_172 : i32 to index
          %get3A_183 = arith.constant 0 : index
          %get3A_184 = tpu.vector_load %arg11[%get3A_181, %get3A_182, %get3A_183] {strides = array<i32>} : memref<2x80x128xf32, #tpu.memory_space<vmem>>, vector<16xf32>,
          %mul3A_185 = arith.mulf %get3A_184, %gather3A_180 : vector<16xf32>
          %swap3A_186 = arith.index_cast %rem3A_51 : i32 to index
          %swap3A_187 = arith.index_cast %add3A_172 : i32 to index
          %swap3A_188 = arith.constant 0 : index
          %swap3A_189 = tpu.vector_load %arg11[%swap3A_186, %swap3A_187, %swap3A_188] {strides = array<i32>} : memref<2x80x128xf32, #tpu.memory_space<vmem>>, vector<16xf32>,
          tpu.vector_store %arg11[%swap3A_186, %swap3A_187, %swap3A_188], %mul3A_185 {strides = array<i32>} : memref<2x80x128xf32, #tpu.memory_space<vmem>>, vector<16xf32>,
          %get3A_190 = arith.index_cast %rem3A_51 : i32 to index
          %get3A_191 = arith.index_cast %add3A_172 : i32 to index
          %get3A_192 = arith.constant 16 : index
          %get3A_193 = tpu.vector_load %arg11[%get3A_190, %get3A_191, %get3A_192] {strides = array<i32>} : memref<2x80x128xf32, #tpu.memory_space<vmem>>, vector<16xf32>,
          %mul3A_194 = arith.mulf %get3A_193, %gather3A_180 : vector<16xf32>
          %swap3A_195 = arith.index_cast %rem3A_51 : i32 to index
          %swap3A_196 = arith.index_cast %add3A_172 : i32 to index
          %swap3A_197 = arith.constant 16 : index
          %swap3A_198 = tpu.vector_load %arg11[%swap3A_195, %swap3A_196, %swap3A_197] {strides = array<i32>} : memref<2x80x128xf32, #tpu.memory_space<vmem>>, vector<16xf32>,
          tpu.vector_store %arg11[%swap3A_195, %swap3A_196, %swap3A_197], %mul3A_194 {strides = array<i32>} : memref<2x80x128xf32, #tpu.memory_space<vmem>>, vector<16xf32>,
          %get3A_199 = arith.index_cast %rem3A_51 : i32 to index
          %get3A_200 = arith.index_cast %add3A_172 : i32 to index
          %get3A_201 = arith.constant 32 : index
          %get3A_202 = tpu.vector_load %arg11[%get3A_199, %get3A_200, %get3A_201] {strides = array<i32>} : memref<2x80x128xf32, #tpu.memory_space<vmem>>, vector<16xf32>,
          %mul3A_203 = arith.mulf %get3A_202, %gather3A_180 : vector<16xf32>
          %swap3A_204 = arith.index_cast %rem3A_51 : i32 to index
          %swap3A_205 = arith.index_cast %add3A_172 : i32 to index
          %swap3A_206 = arith.constant 32 : index
          %swap3A_207 = tpu.vector_load %arg11[%swap3A_204, %swap3A_205, %swap3A_206] {strides = array<i32>} : memref<2x80x128xf32, #tpu.memory_space<vmem>>, vector<16xf32>,
          tpu.vector_store %arg11[%swap3A_204, %swap3A_205, %swap3A_206], %mul3A_203 {strides = array<i32>} : memref<2x80x128xf32, #tpu.memory_space<vmem>>, vector<16xf32>,
          %get3A_208 = arith.index_cast %rem3A_51 : i32 to index
          %get3A_209 = arith.index_cast %add3A_172 : i32 to index
          %get3A_210 = arith.constant 48 : index
          %get3A_211 = tpu.vector_load %arg11[%get3A_208, %get3A_209, %get3A_210] {strides = array<i32>} : memref<2x80x128xf32, #tpu.memory_space<vmem>>, vector<16xf32>,
          %mul3A_212 = arith.mulf %get3A_211, %gather3A_180 : vector<16xf32>
          %swap3A_213 = arith.index_cast %rem3A_51 : i32 to index
          %swap3A_214 = arith.index_cast %add3A_172 : i32 to index
          %swap3A_215 = arith.constant 48 : index
          %swap3A_216 = tpu.vector_load %arg11[%swap3A_213, %swap3A_214, %swap3A_215] {strides = array<i32>} : memref<2x80x128xf32, #tpu.memory_space<vmem>>, vector<16xf32>,
          tpu.vector_store %arg11[%swap3A_213, %swap3A_214, %swap3A_215], %mul3A_212 {strides = array<i32>} : memref<2x80x128xf32, #tpu.memory_space<vmem>>, vector<16xf32>,
          %get3A_217 = arith.index_cast %rem3A_51 : i32 to index
          %get3A_218 = arith.index_cast %add3A_172 : i32 to index
          %get3A_219 = arith.constant 64 : index
          %get3A_220 = tpu.vector_load %arg11[%get3A_217, %get3A_218, %get3A_219] {strides = array<i32>} : memref<2x80x128xf32, #tpu.memory_space<vmem>>, vector<16xf32>,
          %mul3A_221 = arith.mulf %get3A_220, %gather3A_180 : vector<16xf32>
          %swap3A_222 = arith.index_cast %rem3A_51 : i32 to index
          %swap3A_223 = arith.index_cast %add3A_172 : i32 to index
          %swap3A_224 = arith.constant 64 : index
          %swap3A_225 = tpu.vector_load %arg11[%swap3A_222, %swap3A_223, %swap3A_224] {strides = array<i32>} : memref<2x80x128xf32, #tpu.memory_space<vmem>>, vector<16xf32>,
          tpu.vector_store %arg11[%swap3A_222, %swap3A_223, %swap3A_224], %mul3A_221 {strides = array<i32>} : memref<2x80x128xf32, #tpu.memory_space<vmem>>, vector<16xf32>,
          %get3A_226 = arith.index_cast %rem3A_51 : i32 to index
          %get3A_227 = arith.index_cast %add3A_172 : i32 to index
          %get3A_228 = arith.constant 80 : index
          %get3A_229 = tpu.vector_load %arg11[%get3A_226, %get3A_227, %get3A_228] {strides = array<i32>} : memref<2x80x128xf32, #tpu.memory_space<vmem>>, vector<16xf32>,
          %mul3A_230 = arith.mulf %get3A_229, %gather3A_180 : vector<16xf32>
          %swap3A_231 = arith.index_cast %rem3A_51 : i32 to index
          %swap3A_232 = arith.index_cast %add3A_172 : i32 to index
          %swap3A_233 = arith.constant 80 : index
          %swap3A_234 = tpu.vector_load %arg11[%swap3A_231, %swap3A_232, %swap3A_233] {strides = array<i32>} : memref<2x80x128xf32, #tpu.memory_space<vmem>>, vector<16xf32>,
          tpu.vector_store %arg11[%swap3A_231, %swap3A_232, %swap3A_233], %mul3A_230 {strides = array<i32>} : memref<2x80x128xf32, #tpu.memory_space<vmem>>, vector<16xf32>,
          %get3A_235 = arith.index_cast %rem3A_51 : i32 to index
          %get3A_236 = arith.index_cast %add3A_172 : i32 to index
          %get3A_237 = arith.constant 96 : index
          %get3A_238 = tpu.vector_load %arg11[%get3A_235, %get3A_236, %get3A_237] {strides = array<i32>} : memref<2x80x128xf32, #tpu.memory_space<vmem>>, vector<16xf32>,
          %mul3A_239 = arith.mulf %get3A_238, %gather3A_180 : vector<16xf32>
          %swap3A_240 = arith.index_cast %rem3A_51 : i32 to index
          %swap3A_241 = arith.index_cast %add3A_172 : i32 to index
          %swap3A_242 = arith.constant 96 : index
          %swap3A_243 = tpu.vector_load %arg11[%swap3A_240, %swap3A_241, %swap3A_242] {strides = array<i32>} : memref<2x80x128xf32, #tpu.memory_space<vmem>>, vector<16xf32>,
          tpu.vector_store %arg11[%swap3A_240, %swap3A_241, %swap3A_242], %mul3A_239 {strides = array<i32>} : memref<2x80x128xf32, #tpu.memory_space<vmem>>, vector<16xf32>,
          %get3A_244 = arith.index_cast %rem3A_51 : i32 to index
          %get3A_245 = arith.index_cast %add3A_172 : i32 to index
          %get3A_246 = arith.constant 112 : index
          %get3A_247 = tpu.vector_load %arg11[%get3A_244, %get3A_245, %get3A_246] {strides = array<i32>} : memref<2x80x128xf32, #tpu.memory_space<vmem>>, vector<16xf32>,
          %mul3A_248 = arith.mulf %get3A_247, %gather3A_180 : vector<16xf32>
          %swap3A_249 = arith.index_cast %rem3A_51 : i32 to index
          %swap3A_250 = arith.index_cast %add3A_172 : i32 to index
          %swap3A_251 = arith.constant 112 : index
          %swap3A_252 = tpu.vector_load %arg11[%swap3A_249, %swap3A_250, %swap3A_251] {strides = array<i32>} : memref<2x80x128xf32, #tpu.memory_space<vmem>>, vector<16xf32>,
          tpu.vector_store %arg11[%swap3A_249, %swap3A_250, %swap3A_251], %mul3A_248 {strides = array<i32>} : memref<2x80x128xf32, #tpu.memory_space<vmem>>, vector<16xf32>,
          %add3A_253 = arith.constant 2 : i32
          %add3A_254 = arith.addi %mul3A_92, %add3A_253 : i32
          %broadcast_in_dim3A_255 = arith.constant 0 : i32
          %broadcast_in_dim3A_256 = vector.broadcast %broadcast_in_dim3A_255 : i32 to vector<16xi32>
          %mul3A_257 = arith.constant 80 : i32
          %mul3A_258 = arith.muli %scan3A_50, %mul3A_257 : i32
          %add3A_259 = arith.addi %mul3A_258, %add3A_254 : i32
          %add3A_260 = vector.broadcast %add3A_259 : i32 to vector<16xi32>
          %add3A_261 = arith.addi %broadcast_in_dim3A_256, %add3A_260 : vector<16xi32>
          %gather3A_262 = tpu.vector_load_idx %arg10[%add3A_261] : memref<2000xf32, #tpu.memory_space<vmem>>[vector<16xi32>], vector<16xf32>,
          %get3A_263 = arith.index_cast %rem3A_51 : i32 to index
          %get3A_264 = arith.index_cast %add3A_254 : i32 to index
          %get3A_265 = arith.constant 0 : index
          %get3A_266 = tpu.vector_load %arg11[%get3A_263, %get3A_264, %get3A_265] {strides = array<i32>} : memref<2x80x128xf32, #tpu.memory_space<vmem>>, vector<16xf32>,
          %mul3A_267 = arith.mulf %get3A_266, %gather3A_262 : vector<16xf32>
          %swap3A_268 = arith.index_cast %rem3A_51 : i32 to index
          %swap3A_269 = arith.index_cast %add3A_254 : i32 to index
          %swap3A_270 = arith.constant 0 : index
          %swap3A_271 = tpu.vector_load %arg11[%swap3A_268, %swap3A_269, %swap3A_270] {strides = array<i32>} : memref<2x80x128xf32, #tpu.memory_space<vmem>>, vector<16xf32>,
          tpu.vector_store %arg11[%swap3A_268, %swap3A_269, %swap3A_270], %mul3A_267 {strides = array<i32>} : memref<2x80x128xf32, #tpu.memory_space<vmem>>, vector<16xf32>,
          %get3A_272 = arith.index_cast %rem3A_51 : i32 to index
          %get3A_273 = arith.index_cast %add3A_254 : i32 to index
          %get3A_274 = arith.constant 16 : index
          %get3A_275 = tpu.vector_load %arg11[%get3A_272, %get3A_273, %get3A_274] {strides = array<i32>} : memref<2x80x128xf32, #tpu.memory_space<vmem>>, vector<16xf32>,
          %mul3A_276 = arith.mulf %get3A_275, %gather3A_262 : vector<16xf32>
          %swap3A_277 = arith.index_cast %rem3A_51 : i32 to index
          %swap3A_278 = arith.index_cast %add3A_254 : i32 to index
          %swap3A_279 = arith.constant 16 : index
          %swap3A_280 = tpu.vector_load %arg11[%swap3A_277, %swap3A_278, %swap3A_279] {strides = array<i32>} : memref<2x80x128xf32, #tpu.memory_space<vmem>>, vector<16xf32>,
          tpu.vector_store %arg11[%swap3A_277, %swap3A_278, %swap3A_279], %mul3A_276 {strides = array<i32>} : memref<2x80x128xf32, #tpu.memory_space<vmem>>, vector<16xf32>,
          %get3A_281 = arith.index_cast %rem3A_51 : i32 to index
          %get3A_282 = arith.index_cast %add3A_254 : i32 to index
          %get3A_283 = arith.constant 32 : index
          %get3A_284 = tpu.vector_load %arg11[%get3A_281, %get3A_282, %get3A_283] {strides = array<i32>} : memref<2x80x128xf32, #tpu.memory_space<vmem>>, vector<16xf32>,
          %mul3A_285 = arith.mulf %get3A_284, %gather3A_262 : vector<16xf32>
          %swap3A_286 = arith.index_cast %rem3A_51 : i32 to index
          %swap3A_287 = arith.index_cast %add3A_254 : i32 to index
          %swap3A_288 = arith.constant 32 : index
          %swap3A_289 = tpu.vector_load %arg11[%swap3A_286, %swap3A_287, %swap3A_288] {strides = array<i32>} : memref<2x80x128xf32, #tpu.memory_space<vmem>>, vector<16xf32>,
          tpu.vector_store %arg11[%swap3A_286, %swap3A_287, %swap3A_288], %mul3A_285 {strides = array<i32>} : memref<2x80x128xf32, #tpu.memory_space<vmem>>, vector<16xf32>,
          %get3A_290 = arith.index_cast %rem3A_51 : i32 to index
          %get3A_291 = arith.index_cast %add3A_254 : i32 to index
          %get3A_292 = arith.constant 48 : index
          %get3A_293 = tpu.vector_load %arg11[%get3A_290, %get3A_291, %get3A_292] {strides = array<i32>} : memref<2x80x128xf32, #tpu.memory_space<vmem>>, vector<16xf32>,
          %mul3A_294 = arith.mulf %get3A_293, %gather3A_262 : vector<16xf32>
          %swap3A_295 = arith.index_cast %rem3A_51 : i32 to index
          %swap3A_296 = arith.index_cast %add3A_254 : i32 to index
          %swap3A_297 = arith.constant 48 : index
          %swap3A_298 = tpu.vector_load %arg11[%swap3A_295, %swap3A_296, %swap3A_297] {strides = array<i32>} : memref<2x80x128xf32, #tpu.memory_space<vmem>>, vector<16xf32>,
          tpu.vector_store %arg11[%swap3A_295, %swap3A_296, %swap3A_297], %mul3A_294 {strides = array<i32>} : memref<2x80x128xf32, #tpu.memory_space<vmem>>, vector<16xf32>,
          %get3A_299 = arith.index_cast %rem3A_51 : i32 to index
          %get3A_300 = arith.index_cast %add3A_254 : i32 to index
          %get3A_301 = arith.constant 64 : index
          %get3A_302 = tpu.vector_load %arg11[%get3A_299, %get3A_300, %get3A_301] {strides = array<i32>} : memref<2x80x128xf32, #tpu.memory_space<vmem>>, vector<16xf32>,
          %mul3A_303 = arith.mulf %get3A_302, %gather3A_262 : vector<16xf32>
          %swap3A_304 = arith.index_cast %rem3A_51 : i32 to index
          %swap3A_305 = arith.index_cast %add3A_254 : i32 to index
          %swap3A_306 = arith.constant 64 : index
          %swap3A_307 = tpu.vector_load %arg11[%swap3A_304, %swap3A_305, %swap3A_306] {strides = array<i32>} : memref<2x80x128xf32, #tpu.memory_space<vmem>>, vector<16xf32>,
          tpu.vector_store %arg11[%swap3A_304, %swap3A_305, %swap3A_306], %mul3A_303 {strides = array<i32>} : memref<2x80x128xf32, #tpu.memory_space<vmem>>, vector<16xf32>,
          %get3A_308 = arith.index_cast %rem3A_51 : i32 to index
          %get3A_309 = arith.index_cast %add3A_254 : i32 to index
          %get3A_310 = arith.constant 80 : index
          %get3A_311 = tpu.vector_load %arg11[%get3A_308, %get3A_309, %get3A_310] {strides = array<i32>} : memref<2x80x128xf32, #tpu.memory_space<vmem>>, vector<16xf32>,
          %mul3A_312 = arith.mulf %get3A_311, %gather3A_262 : vector<16xf32>
          %swap3A_313 = arith.index_cast %rem3A_51 : i32 to index
          %swap3A_314 = arith.index_cast %add3A_254 : i32 to index
          %swap3A_315 = arith.constant 80 : index
          %swap3A_316 = tpu.vector_load %arg11[%swap3A_313, %swap3A_314, %swap3A_315] {strides = array<i32>} : memref<2x80x128xf32, #tpu.memory_space<vmem>>, vector<16xf32>,
          tpu.vector_store %arg11[%swap3A_313, %swap3A_314, %swap3A_315], %mul3A_312 {strides = array<i32>} : memref<2x80x128xf32, #tpu.memory_space<vmem>>, vector<16xf32>,
          %get3A_317 = arith.index_cast %rem3A_51 : i32 to index
          %get3A_318 = arith.index_cast %add3A_254 : i32 to index
          %get3A_319 = arith.constant 96 : index
          %get3A_320 = tpu.vector_load %arg11[%get3A_317, %get3A_318, %get3A_319] {strides = array<i32>} : memref<2x80x128xf32, #tpu.memory_space<vmem>>, vector<16xf32>,
          %mul3A_321 = arith.mulf %get3A_320, %gather3A_262 : vector<16xf32>
          %swap3A_322 = arith.index_cast %rem3A_51 : i32 to index
          %swap3A_323 = arith.index_cast %add3A_254 : i32 to index
          %swap3A_324 = arith.constant 96 : index
          %swap3A_325 = tpu.vector_load %arg11[%swap3A_322, %swap3A_323, %swap3A_324] {strides = array<i32>} : memref<2x80x128xf32, #tpu.memory_space<vmem>>, vector<16xf32>,
          tpu.vector_store %arg11[%swap3A_322, %swap3A_323, %swap3A_324], %mul3A_321 {strides = array<i32>} : memref<2x80x128xf32, #tpu.memory_space<vmem>>, vector<16xf32>,
          %get3A_326 = arith.index_cast %rem3A_51 : i32 to index
          %get3A_327 = arith.index_cast %add3A_254 : i32 to index
          %get3A_328 = arith.constant 112 : index
          %get3A_329 = tpu.vector_load %arg11[%get3A_326, %get3A_327, %get3A_328] {strides = array<i32>} : memref<2x80x128xf32, #tpu.memory_space<vmem>>, vector<16xf32>,
          %mul3A_330 = arith.mulf %get3A_329, %gather3A_262 : vector<16xf32>
          %swap3A_331 = arith.index_cast %rem3A_51 : i32 to index
          %swap3A_332 = arith.index_cast %add3A_254 : i32 to index
          %swap3A_333 = arith.constant 112 : index
          %swap3A_334 = tpu.vector_load %arg11[%swap3A_331, %swap3A_332, %swap3A_333] {strides = array<i32>} : memref<2x80x128xf32, #tpu.memory_space<vmem>>, vector<16xf32>,
          tpu.vector_store %arg11[%swap3A_331, %swap3A_332, %swap3A_333], %mul3A_330 {strides = array<i32>} : memref<2x80x128xf32, #tpu.memory_space<vmem>>, vector<16xf32>,
          %add3A_335 = arith.constant 3 : i32
          %add3A_336 = arith.addi %mul3A_92, %add3A_335 : i32
          %broadcast_in_dim3A_337 = arith.constant 0 : i32
          %broadcast_in_dim3A_338 = vector.broadcast %broadcast_in_dim3A_337 : i32 to vector<16xi32>
          %mul3A_339 = arith.constant 80 : i32
          %mul3A_340 = arith.muli %scan3A_50, %mul3A_339 : i32
          %add3A_341 = arith.addi %mul3A_340, %add3A_336 : i32
          %add3A_342 = vector.broadcast %add3A_341 : i32 to vector<16xi32>
          %add3A_343 = arith.addi %broadcast_in_dim3A_338, %add3A_342 : vector<16xi32>
          %gather3A_344 = tpu.vector_load_idx %arg10[%add3A_343] : memref<2000xf32, #tpu.memory_space<vmem>>[vector<16xi32>], vector<16xf32>,
          %get3A_345 = arith.index_cast %rem3A_51 : i32 to index
          %get3A_346 = arith.index_cast %add3A_336 : i32 to index
          %get3A_347 = arith.constant 0 : index
          %get3A_348 = tpu.vector_load %arg11[%get3A_345, %get3A_346, %get3A_347] {strides = array<i32>} : memref<2x80x128xf32, #tpu.memory_space<vmem>>, vector<16xf32>,
          %mul3A_349 = arith.mulf %get3A_348, %gather3A_344 : vector<16xf32>
          %swap3A_350 = arith.index_cast %rem3A_51 : i32 to index
          %swap3A_351 = arith.index_cast %add3A_336 : i32 to index
          %swap3A_352 = arith.constant 0 : index
          %swap3A_353 = tpu.vector_load %arg11[%swap3A_350, %swap3A_351, %swap3A_352] {strides = array<i32>} : memref<2x80x128xf32, #tpu.memory_space<vmem>>, vector<16xf32>,
          tpu.vector_store %arg11[%swap3A_350, %swap3A_351, %swap3A_352], %mul3A_349 {strides = array<i32>} : memref<2x80x128xf32, #tpu.memory_space<vmem>>, vector<16xf32>,
          %get3A_354 = arith.index_cast %rem3A_51 : i32 to index
          %get3A_355 = arith.index_cast %add3A_336 : i32 to index
          %get3A_356 = arith.constant 16 : index
          %get3A_357 = tpu.vector_load %arg11[%get3A_354, %get3A_355, %get3A_356] {strides = array<i32>} : memref<2x80x128xf32, #tpu.memory_space<vmem>>, vector<16xf32>,
          %mul3A_358 = arith.mulf %get3A_357, %gather3A_344 : vector<16xf32>
          %swap3A_359 = arith.index_cast %rem3A_51 : i32 to index
          %swap3A_360 = arith.index_cast %add3A_336 : i32 to index
          %swap3A_361 = arith.constant 16 : index
          %swap3A_362 = tpu.vector_load %arg11[%swap3A_359, %swap3A_360, %swap3A_361] {strides = array<i32>} : memref<2x80x128xf32, #tpu.memory_space<vmem>>, vector<16xf32>,
          tpu.vector_store %arg11[%swap3A_359, %swap3A_360, %swap3A_361], %mul3A_358 {strides = array<i32>} : memref<2x80x128xf32, #tpu.memory_space<vmem>>, vector<16xf32>,
          %get3A_363 = arith.index_cast %rem3A_51 : i32 to index
          %get3A_364 = arith.index_cast %add3A_336 : i32 to index
          %get3A_365 = arith.constant 32 : index
          %get3A_366 = tpu.vector_load %arg11[%get3A_363, %get3A_364, %get3A_365] {strides = array<i32>} : memref<2x80x128xf32, #tpu.memory_space<vmem>>, vector<16xf32>,
          %mul3A_367 = arith.mulf %get3A_366, %gather3A_344 : vector<16xf32>
          %swap3A_368 = arith.index_cast %rem3A_51 : i32 to index
          %swap3A_369 = arith.index_cast %add3A_336 : i32 to index
          %swap3A_370 = arith.constant 32 : index
          %swap3A_371 = tpu.vector_load %arg11[%swap3A_368, %swap3A_369, %swap3A_370] {strides = array<i32>} : memref<2x80x128xf32, #tpu.memory_space<vmem>>, vector<16xf32>,
          tpu.vector_store %arg11[%swap3A_368, %swap3A_369, %swap3A_370], %mul3A_367 {strides = array<i32>} : memref<2x80x128xf32, #tpu.memory_space<vmem>>, vector<16xf32>,
          %get3A_372 = arith.index_cast %rem3A_51 : i32 to index
          %get3A_373 = arith.index_cast %add3A_336 : i32 to index
          %get3A_374 = arith.constant 48 : index
          %get3A_375 = tpu.vector_load %arg11[%get3A_372, %get3A_373, %get3A_374] {strides = array<i32>} : memref<2x80x128xf32, #tpu.memory_space<vmem>>, vector<16xf32>,
          %mul3A_376 = arith.mulf %get3A_375, %gather3A_344 : vector<16xf32>
          %swap3A_377 = arith.index_cast %rem3A_51 : i32 to index
          %swap3A_378 = arith.index_cast %add3A_336 : i32 to index
          %swap3A_379 = arith.constant 48 : index
          %swap3A_380 = tpu.vector_load %arg11[%swap3A_377, %swap3A_378, %swap3A_379] {strides = array<i32>} : memref<2x80x128xf32, #tpu.memory_space<vmem>>, vector<16xf32>,
          tpu.vector_store %arg11[%swap3A_377, %swap3A_378, %swap3A_379], %mul3A_376 {strides = array<i32>} : memref<2x80x128xf32, #tpu.memory_space<vmem>>, vector<16xf32>,
          %get3A_381 = arith.index_cast %rem3A_51 : i32 to index
          %get3A_382 = arith.index_cast %add3A_336 : i32 to index
          %get3A_383 = arith.constant 64 : index
          %get3A_384 = tpu.vector_load %arg11[%get3A_381, %get3A_382, %get3A_383] {strides = array<i32>} : memref<2x80x128xf32, #tpu.memory_space<vmem>>, vector<16xf32>,
          %mul3A_385 = arith.mulf %get3A_384, %gather3A_344 : vector<16xf32>
          %swap3A_386 = arith.index_cast %rem3A_51 : i32 to index
          %swap3A_387 = arith.index_cast %add3A_336 : i32 to index
          %swap3A_388 = arith.constant 64 : index
          %swap3A_389 = tpu.vector_load %arg11[%swap3A_386, %swap3A_387, %swap3A_388] {strides = array<i32>} : memref<2x80x128xf32, #tpu.memory_space<vmem>>, vector<16xf32>,
          tpu.vector_store %arg11[%swap3A_386, %swap3A_387, %swap3A_388], %mul3A_385 {strides = array<i32>} : memref<2x80x128xf32, #tpu.memory_space<vmem>>, vector<16xf32>,
          %get3A_390 = arith.index_cast %rem3A_51 : i32 to index
          %get3A_391 = arith.index_cast %add3A_336 : i32 to index
          %get3A_392 = arith.constant 80 : index
          %get3A_393 = tpu.vector_load %arg11[%get3A_390, %get3A_391, %get3A_392] {strides = array<i32>} : memref<2x80x128xf32, #tpu.memory_space<vmem>>, vector<16xf32>,
          %mul3A_394 = arith.mulf %get3A_393, %gather3A_344 : vector<16xf32>
          %swap3A_395 = arith.index_cast %rem3A_51 : i32 to index
          %swap3A_396 = arith.index_cast %add3A_336 : i32 to index
          %swap3A_397 = arith.constant 80 : index
          %swap3A_398 = tpu.vector_load %arg11[%swap3A_395, %swap3A_396, %swap3A_397] {strides = array<i32>} : memref<2x80x128xf32, #tpu.memory_space<vmem>>, vector<16xf32>,
          tpu.vector_store %arg11[%swap3A_395, %swap3A_396, %swap3A_397], %mul3A_394 {strides = array<i32>} : memref<2x80x128xf32, #tpu.memory_space<vmem>>, vector<16xf32>,
          %get3A_399 = arith.index_cast %rem3A_51 : i32 to index
          %get3A_400 = arith.index_cast %add3A_336 : i32 to index
          %get3A_401 = arith.constant 96 : index
          %get3A_402 = tpu.vector_load %arg11[%get3A_399, %get3A_400, %get3A_401] {strides = array<i32>} : memref<2x80x128xf32, #tpu.memory_space<vmem>>, vector<16xf32>,
          %mul3A_403 = arith.mulf %get3A_402, %gather3A_344 : vector<16xf32>
          %swap3A_404 = arith.index_cast %rem3A_51 : i32 to index
          %swap3A_405 = arith.index_cast %add3A_336 : i32 to index
          %swap3A_406 = arith.constant 96 : index
          %swap3A_407 = tpu.vector_load %arg11[%swap3A_404, %swap3A_405, %swap3A_406] {strides = array<i32>} : memref<2x80x128xf32, #tpu.memory_space<vmem>>, vector<16xf32>,
          tpu.vector_store %arg11[%swap3A_404, %swap3A_405, %swap3A_406], %mul3A_403 {strides = array<i32>} : memref<2x80x128xf32, #tpu.memory_space<vmem>>, vector<16xf32>,
          %get3A_408 = arith.index_cast %rem3A_51 : i32 to index
          %get3A_409 = arith.index_cast %add3A_336 : i32 to index
          %get3A_410 = arith.constant 112 : index
          %get3A_411 = tpu.vector_load %arg11[%get3A_408, %get3A_409, %get3A_410] {strides = array<i32>} : memref<2x80x128xf32, #tpu.memory_space<vmem>>, vector<16xf32>,
          %mul3A_412 = arith.mulf %get3A_411, %gather3A_344 : vector<16xf32>
          %swap3A_413 = arith.index_cast %rem3A_51 : i32 to index
          %swap3A_414 = arith.index_cast %add3A_336 : i32 to index
          %swap3A_415 = arith.constant 112 : index
          %swap3A_416 = tpu.vector_load %arg11[%swap3A_413, %swap3A_414, %swap3A_415] {strides = array<i32>} : memref<2x80x128xf32, #tpu.memory_space<vmem>>, vector<16xf32>,
          tpu.vector_store %arg11[%swap3A_413, %swap3A_414, %swap3A_415], %mul3A_412 {strides = array<i32>} : memref<2x80x128xf32, #tpu.memory_space<vmem>>, vector<16xf32>,
          %add3A_417 = arith.constant 4 : i32
          %add3A_418 = arith.addi %mul3A_92, %add3A_417 : i32
          %broadcast_in_dim3A_419 = arith.constant 0 : i32
          %broadcast_in_dim3A_420 = vector.broadcast %broadcast_in_dim3A_419 : i32 to vector<16xi32>
          %mul3A_421 = arith.constant 80 : i32
          %mul3A_422 = arith.muli %scan3A_50, %mul3A_421 : i32
          %add3A_423 = arith.addi %mul3A_422, %add3A_418 : i32
          %add3A_424 = vector.broadcast %add3A_423 : i32 to vector<16xi32>
          %add3A_425 = arith.addi %broadcast_in_dim3A_420, %add3A_424 : vector<16xi32>
          %gather3A_426 = tpu.vector_load_idx %arg10[%add3A_425] : memref<2000xf32, #tpu.memory_space<vmem>>[vector<16xi32>], vector<16xf32>,
          %get3A_427 = arith.index_cast %rem3A_51 : i32 to index
          %get3A_428 = arith.index_cast %add3A_418 : i32 to index
          %get3A_429 = arith.constant 0 : index
          %get3A_430 = tpu.vector_load %arg11[%get3A_427, %get3A_428, %get3A_429] {strides = array<i32>} : memref<2x80x128xf32, #tpu.memory_space<vmem>>, vector<16xf32>,
          %mul3A_431 = arith.mulf %get3A_430, %gather3A_426 : vector<16xf32>
          %swap3A_432 = arith.index_cast %rem3A_51 : i32 to index
          %swap3A_433 = arith.index_cast %add3A_418 : i32 to index
          %swap3A_434 = arith.constant 0 : index
          %swap3A_435 = tpu.vector_load %arg11[%swap3A_432, %swap3A_433, %swap3A_434] {strides = array<i32>} : memref<2x80x128xf32, #tpu.memory_space<vmem>>, vector<16xf32>,
          tpu.vector_store %arg11[%swap3A_432, %swap3A_433, %swap3A_434], %mul3A_431 {strides = array<i32>} : memref<2x80x128xf32, #tpu.memory_space<vmem>>, vector<16xf32>,
          %get3A_436 = arith.index_cast %rem3A_51 : i32 to index
          %get3A_437 = arith.index_cast %add3A_418 : i32 to index
          %get3A_438 = arith.constant 16 : index
          %get3A_439 = tpu.vector_load %arg11[%get3A_436, %get3A_437, %get3A_438] {strides = array<i32>} : memref<2x80x128xf32, #tpu.memory_space<vmem>>, vector<16xf32>,
          %mul3A_440 = arith.mulf %get3A_439, %gather3A_426 : vector<16xf32>
          %swap3A_441 = arith.index_cast %rem3A_51 : i32 to index
          %swap3A_442 = arith.index_cast %add3A_418 : i32 to index
          %swap3A_443 = arith.constant 16 : index
          %swap3A_444 = tpu.vector_load %arg11[%swap3A_441, %swap3A_442, %swap3A_443] {strides = array<i32>} : memref<2x80x128xf32, #tpu.memory_space<vmem>>, vector<16xf32>,
          tpu.vector_store %arg11[%swap3A_441, %swap3A_442, %swap3A_443], %mul3A_440 {strides = array<i32>} : memref<2x80x128xf32, #tpu.memory_space<vmem>>, vector<16xf32>,
          %get3A_445 = arith.index_cast %rem3A_51 : i32 to index
          %get3A_446 = arith.index_cast %add3A_418 : i32 to index
          %get3A_447 = arith.constant 32 : index
          %get3A_448 = tpu.vector_load %arg11[%get3A_445, %get3A_446, %get3A_447] {strides = array<i32>} : memref<2x80x128xf32, #tpu.memory_space<vmem>>, vector<16xf32>,
          %mul3A_449 = arith.mulf %get3A_448, %gather3A_426 : vector<16xf32>
          %swap3A_450 = arith.index_cast %rem3A_51 : i32 to index
          %swap3A_451 = arith.index_cast %add3A_418 : i32 to index
          %swap3A_452 = arith.constant 32 : index
          %swap3A_453 = tpu.vector_load %arg11[%swap3A_450, %swap3A_451, %swap3A_452] {strides = array<i32>} : memref<2x80x128xf32, #tpu.memory_space<vmem>>, vector<16xf32>,
          tpu.vector_store %arg11[%swap3A_450, %swap3A_451, %swap3A_452], %mul3A_449 {strides = array<i32>} : memref<2x80x128xf32, #tpu.memory_space<vmem>>, vector<16xf32>,
          %get3A_454 = arith.index_cast %rem3A_51 : i32 to index
          %get3A_455 = arith.index_cast %add3A_418 : i32 to index
          %get3A_456 = arith.constant 48 : index
          %get3A_457 = tpu.vector_load %arg11[%get3A_454, %get3A_455, %get3A_456] {strides = array<i32>} : memref<2x80x128xf32, #tpu.memory_space<vmem>>, vector<16xf32>,
          %mul3A_458 = arith.mulf %get3A_457, %gather3A_426 : vector<16xf32>
          %swap3A_459 = arith.index_cast %rem3A_51 : i32 to index
          %swap3A_460 = arith.index_cast %add3A_418 : i32 to index
          %swap3A_461 = arith.constant 48 : index
          %swap3A_462 = tpu.vector_load %arg11[%swap3A_459, %swap3A_460, %swap3A_461] {strides = array<i32>} : memref<2x80x128xf32, #tpu.memory_space<vmem>>, vector<16xf32>,
          tpu.vector_store %arg11[%swap3A_459, %swap3A_460, %swap3A_461], %mul3A_458 {strides = array<i32>} : memref<2x80x128xf32, #tpu.memory_space<vmem>>, vector<16xf32>,
          %get3A_463 = arith.index_cast %rem3A_51 : i32 to index
          %get3A_464 = arith.index_cast %add3A_418 : i32 to index
          %get3A_465 = arith.constant 64 : index
          %get3A_466 = tpu.vector_load %arg11[%get3A_463, %get3A_464, %get3A_465] {strides = array<i32>} : memref<2x80x128xf32, #tpu.memory_space<vmem>>, vector<16xf32>,
          %mul3A_467 = arith.mulf %get3A_466, %gather3A_426 : vector<16xf32>
          %swap3A_468 = arith.index_cast %rem3A_51 : i32 to index
          %swap3A_469 = arith.index_cast %add3A_418 : i32 to index
          %swap3A_470 = arith.constant 64 : index
          %swap3A_471 = tpu.vector_load %arg11[%swap3A_468, %swap3A_469, %swap3A_470] {strides = array<i32>} : memref<2x80x128xf32, #tpu.memory_space<vmem>>, vector<16xf32>,
          tpu.vector_store %arg11[%swap3A_468, %swap3A_469, %swap3A_470], %mul3A_467 {strides = array<i32>} : memref<2x80x128xf32, #tpu.memory_space<vmem>>, vector<16xf32>,
          %get3A_472 = arith.index_cast %rem3A_51 : i32 to index
          %get3A_473 = arith.index_cast %add3A_418 : i32 to index
          %get3A_474 = arith.constant 80 : index
          %get3A_475 = tpu.vector_load %arg11[%get3A_472, %get3A_473, %get3A_474] {strides = array<i32>} : memref<2x80x128xf32, #tpu.memory_space<vmem>>, vector<16xf32>,
          %mul3A_476 = arith.mulf %get3A_475, %gather3A_426 : vector<16xf32>
          %swap3A_477 = arith.index_cast %rem3A_51 : i32 to index
          %swap3A_478 = arith.index_cast %add3A_418 : i32 to index
          %swap3A_479 = arith.constant 80 : index
          %swap3A_480 = tpu.vector_load %arg11[%swap3A_477, %swap3A_478, %swap3A_479] {strides = array<i32>} : memref<2x80x128xf32, #tpu.memory_space<vmem>>, vector<16xf32>,
          tpu.vector_store %arg11[%swap3A_477, %swap3A_478, %swap3A_479], %mul3A_476 {strides = array<i32>} : memref<2x80x128xf32, #tpu.memory_space<vmem>>, vector<16xf32>,
          %get3A_481 = arith.index_cast %rem3A_51 : i32 to index
          %get3A_482 = arith.index_cast %add3A_418 : i32 to index
          %get3A_483 = arith.constant 96 : index
          %get3A_484 = tpu.vector_load %arg11[%get3A_481, %get3A_482, %get3A_483] {strides = array<i32>} : memref<2x80x128xf32, #tpu.memory_space<vmem>>, vector<16xf32>,
          %mul3A_485 = arith.mulf %get3A_484, %gather3A_426 : vector<16xf32>
          %swap3A_486 = arith.index_cast %rem3A_51 : i32 to index
          %swap3A_487 = arith.index_cast %add3A_418 : i32 to index
          %swap3A_488 = arith.constant 96 : index
          %swap3A_489 = tpu.vector_load %arg11[%swap3A_486, %swap3A_487, %swap3A_488] {strides = array<i32>} : memref<2x80x128xf32, #tpu.memory_space<vmem>>, vector<16xf32>,
          tpu.vector_store %arg11[%swap3A_486, %swap3A_487, %swap3A_488], %mul3A_485 {strides = array<i32>} : memref<2x80x128xf32, #tpu.memory_space<vmem>>, vector<16xf32>,
          %get3A_490 = arith.index_cast %rem3A_51 : i32 to index
          %get3A_491 = arith.index_cast %add3A_418 : i32 to index
          %get3A_492 = arith.constant 112 : index
          %get3A_493 = tpu.vector_load %arg11[%get3A_490, %get3A_491, %get3A_492] {strides = array<i32>} : memref<2x80x128xf32, #tpu.memory_space<vmem>>, vector<16xf32>,
          %mul3A_494 = arith.mulf %get3A_493, %gather3A_426 : vector<16xf32>
          %swap3A_495 = arith.index_cast %rem3A_51 : i32 to index
          %swap3A_496 = arith.index_cast %add3A_418 : i32 to index
          %swap3A_497 = arith.constant 112 : index
          %swap3A_498 = tpu.vector_load %arg11[%swap3A_495, %swap3A_496, %swap3A_497] {strides = array<i32>} : memref<2x80x128xf32, #tpu.memory_space<vmem>>, vector<16xf32>,
          tpu.vector_store %arg11[%swap3A_495, %swap3A_496, %swap3A_497], %mul3A_494 {strides = array<i32>} : memref<2x80x128xf32, #tpu.memory_space<vmem>>, vector<16xf32>,
          %add3A_499 = arith.constant 5 : i32
          %add3A_500 = arith.addi %mul3A_92, %add3A_499 : i32
          %broadcast_in_dim3A_501 = arith.constant 0 : i32
          %broadcast_in_dim3A_502 = vector.broadcast %broadcast_in_dim3A_501 : i32 to vector<16xi32>
          %mul3A_503 = arith.constant 80 : i32
          %mul3A_504 = arith.muli %scan3A_50, %mul3A_503 : i32
          %add3A_505 = arith.addi %mul3A_504, %add3A_500 : i32
          %add3A_506 = vector.broadcast %add3A_505 : i32 to vector<16xi32>
          %add3A_507 = arith.addi %broadcast_in_dim3A_502, %add3A_506 : vector<16xi32>
          %gather3A_508 = tpu.vector_load_idx %arg10[%add3A_507] : memref<2000xf32, #tpu.memory_space<vmem>>[vector<16xi32>], vector<16xf32>,
          %get3A_509 = arith.index_cast %rem3A_51 : i32 to index
          %get3A_510 = arith.index_cast %add3A_500 : i32 to index
          %get3A_511 = arith.constant 0 : index
          %get3A_512 = tpu.vector_load %arg11[%get3A_509, %get3A_510, %get3A_511] {strides = array<i32>} : memref<2x80x128xf32, #tpu.memory_space<vmem>>, vector<16xf32>,
          %mul3A_513 = arith.mulf %get3A_512, %gather3A_508 : vector<16xf32>
          %swap3A_514 = arith.index_cast %rem3A_51 : i32 to index
          %swap3A_515 = arith.index_cast %add3A_500 : i32 to index
          %swap3A_516 = arith.constant 0 : index
          %swap3A_517 = tpu.vector_load %arg11[%swap3A_514, %swap3A_515, %swap3A_516] {strides = array<i32>} : memref<2x80x128xf32, #tpu.memory_space<vmem>>, vector<16xf32>,
          tpu.vector_store %arg11[%swap3A_514, %swap3A_515, %swap3A_516], %mul3A_513 {strides = array<i32>} : memref<2x80x128xf32, #tpu.memory_space<vmem>>, vector<16xf32>,
          %get3A_518 = arith.index_cast %rem3A_51 : i32 to index
          %get3A_519 = arith.index_cast %add3A_500 : i32 to index
          %get3A_520 = arith.constant 16 : index
          %get3A_521 = tpu.vector_load %arg11[%get3A_518, %get3A_519, %get3A_520] {strides = array<i32>} : memref<2x80x128xf32, #tpu.memory_space<vmem>>, vector<16xf32>,
          %mul3A_522 = arith.mulf %get3A_521, %gather3A_508 : vector<16xf32>
          %swap3A_523 = arith.index_cast %rem3A_51 : i32 to index
          %swap3A_524 = arith.index_cast %add3A_500 : i32 to index
          %swap3A_525 = arith.constant 16 : index
          %swap3A_526 = tpu.vector_load %arg11[%swap3A_523, %swap3A_524, %swap3A_525] {strides = array<i32>} : memref<2x80x128xf32, #tpu.memory_space<vmem>>, vector<16xf32>,
          tpu.vector_store %arg11[%swap3A_523, %swap3A_524, %swap3A_525], %mul3A_522 {strides = array<i32>} : memref<2x80x128xf32, #tpu.memory_space<vmem>>, vector<16xf32>,
          %get3A_527 = arith.index_cast %rem3A_51 : i32 to index
          %get3A_528 = arith.index_cast %add3A_500 : i32 to index
          %get3A_529 = arith.constant 32 : index
          %get3A_530 = tpu.vector_load %arg11[%get3A_527, %get3A_528, %get3A_529] {strides = array<i32>} : memref<2x80x128xf32, #tpu.memory_space<vmem>>, vector<16xf32>,
          %mul3A_531 = arith.mulf %get3A_530, %gather3A_508 : vector<16xf32>
          %swap3A_532 = arith.index_cast %rem3A_51 : i32 to index
          %swap3A_533 = arith.index_cast %add3A_500 : i32 to index
          %swap3A_534 = arith.constant 32 : index
          %swap3A_535 = tpu.vector_load %arg11[%swap3A_532, %swap3A_533, %swap3A_534] {strides = array<i32>} : memref<2x80x128xf32, #tpu.memory_space<vmem>>, vector<16xf32>,
          tpu.vector_store %arg11[%swap3A_532, %swap3A_533, %swap3A_534], %mul3A_531 {strides = array<i32>} : memref<2x80x128xf32, #tpu.memory_space<vmem>>, vector<16xf32>,
          %get3A_536 = arith.index_cast %rem3A_51 : i32 to index
          %get3A_537 = arith.index_cast %add3A_500 : i32 to index
          %get3A_538 = arith.constant 48 : index
          %get3A_539 = tpu.vector_load %arg11[%get3A_536, %get3A_537, %get3A_538] {strides = array<i32>} : memref<2x80x128xf32, #tpu.memory_space<vmem>>, vector<16xf32>,
          %mul3A_540 = arith.mulf %get3A_539, %gather3A_508 : vector<16xf32>
          %swap3A_541 = arith.index_cast %rem3A_51 : i32 to index
          %swap3A_542 = arith.index_cast %add3A_500 : i32 to index
          %swap3A_543 = arith.constant 48 : index
          %swap3A_544 = tpu.vector_load %arg11[%swap3A_541, %swap3A_542, %swap3A_543] {strides = array<i32>} : memref<2x80x128xf32, #tpu.memory_space<vmem>>, vector<16xf32>,
          tpu.vector_store %arg11[%swap3A_541, %swap3A_542, %swap3A_543], %mul3A_540 {strides = array<i32>} : memref<2x80x128xf32, #tpu.memory_space<vmem>>, vector<16xf32>,
          %get3A_545 = arith.index_cast %rem3A_51 : i32 to index
          %get3A_546 = arith.index_cast %add3A_500 : i32 to index
          %get3A_547 = arith.constant 64 : index
          %get3A_548 = tpu.vector_load %arg11[%get3A_545, %get3A_546, %get3A_547] {strides = array<i32>} : memref<2x80x128xf32, #tpu.memory_space<vmem>>, vector<16xf32>,
          %mul3A_549 = arith.mulf %get3A_548, %gather3A_508 : vector<16xf32>
          %swap3A_550 = arith.index_cast %rem3A_51 : i32 to index
          %swap3A_551 = arith.index_cast %add3A_500 : i32 to index
          %swap3A_552 = arith.constant 64 : index
          %swap3A_553 = tpu.vector_load %arg11[%swap3A_550, %swap3A_551, %swap3A_552] {strides = array<i32>} : memref<2x80x128xf32, #tpu.memory_space<vmem>>, vector<16xf32>,
          tpu.vector_store %arg11[%swap3A_550, %swap3A_551, %swap3A_552], %mul3A_549 {strides = array<i32>} : memref<2x80x128xf32, #tpu.memory_space<vmem>>, vector<16xf32>,
          %get3A_554 = arith.index_cast %rem3A_51 : i32 to index
          %get3A_555 = arith.index_cast %add3A_500 : i32 to index
          %get3A_556 = arith.constant 80 : index
          %get3A_557 = tpu.vector_load %arg11[%get3A_554, %get3A_555, %get3A_556] {strides = array<i32>} : memref<2x80x128xf32, #tpu.memory_space<vmem>>, vector<16xf32>,
          %mul3A_558 = arith.mulf %get3A_557, %gather3A_508 : vector<16xf32>
          %swap3A_559 = arith.index_cast %rem3A_51 : i32 to index
          %swap3A_560 = arith.index_cast %add3A_500 : i32 to index
          %swap3A_561 = arith.constant 80 : index
          %swap3A_562 = tpu.vector_load %arg11[%swap3A_559, %swap3A_560, %swap3A_561] {strides = array<i32>} : memref<2x80x128xf32, #tpu.memory_space<vmem>>, vector<16xf32>,
          tpu.vector_store %arg11[%swap3A_559, %swap3A_560, %swap3A_561], %mul3A_558 {strides = array<i32>} : memref<2x80x128xf32, #tpu.memory_space<vmem>>, vector<16xf32>,
          %get3A_563 = arith.index_cast %rem3A_51 : i32 to index
          %get3A_564 = arith.index_cast %add3A_500 : i32 to index
          %get3A_565 = arith.constant 96 : index
          %get3A_566 = tpu.vector_load %arg11[%get3A_563, %get3A_564, %get3A_565] {strides = array<i32>} : memref<2x80x128xf32, #tpu.memory_space<vmem>>, vector<16xf32>,
          %mul3A_567 = arith.mulf %get3A_566, %gather3A_508 : vector<16xf32>
          %swap3A_568 = arith.index_cast %rem3A_51 : i32 to index
          %swap3A_569 = arith.index_cast %add3A_500 : i32 to index
          %swap3A_570 = arith.constant 96 : index
          %swap3A_571 = tpu.vector_load %arg11[%swap3A_568, %swap3A_569, %swap3A_570] {strides = array<i32>} : memref<2x80x128xf32, #tpu.memory_space<vmem>>, vector<16xf32>,
          tpu.vector_store %arg11[%swap3A_568, %swap3A_569, %swap3A_570], %mul3A_567 {strides = array<i32>} : memref<2x80x128xf32, #tpu.memory_space<vmem>>, vector<16xf32>,
          %get3A_572 = arith.index_cast %rem3A_51 : i32 to index
          %get3A_573 = arith.index_cast %add3A_500 : i32 to index
          %get3A_574 = arith.constant 112 : index
          %get3A_575 = tpu.vector_load %arg11[%get3A_572, %get3A_573, %get3A_574] {strides = array<i32>} : memref<2x80x128xf32, #tpu.memory_space<vmem>>, vector<16xf32>,
          %mul3A_576 = arith.mulf %get3A_575, %gather3A_508 : vector<16xf32>
          %swap3A_577 = arith.index_cast %rem3A_51 : i32 to index
          %swap3A_578 = arith.index_cast %add3A_500 : i32 to index
          %swap3A_579 = arith.constant 112 : index
          %swap3A_580 = tpu.vector_load %arg11[%swap3A_577, %swap3A_578, %swap3A_579] {strides = array<i32>} : memref<2x80x128xf32, #tpu.memory_space<vmem>>, vector<16xf32>,
          tpu.vector_store %arg11[%swap3A_577, %swap3A_578, %swap3A_579], %mul3A_576 {strides = array<i32>} : memref<2x80x128xf32, #tpu.memory_space<vmem>>, vector<16xf32>,
          %add3A_581 = arith.constant 6 : i32
          %add3A_582 = arith.addi %mul3A_92, %add3A_581 : i32
          %broadcast_in_dim3A_583 = arith.constant 0 : i32
          %broadcast_in_dim3A_584 = vector.broadcast %broadcast_in_dim3A_583 : i32 to vector<16xi32>
          %mul3A_585 = arith.constant 80 : i32
          %mul3A_586 = arith.muli %scan3A_50, %mul3A_585 : i32
          %add3A_587 = arith.addi %mul3A_586, %add3A_582 : i32
          %add3A_588 = vector.broadcast %add3A_587 : i32 to vector<16xi32>
          %add3A_589 = arith.addi %broadcast_in_dim3A_584, %add3A_588 : vector<16xi32>
          %gather3A_590 = tpu.vector_load_idx %arg10[%add3A_589] : memref<2000xf32, #tpu.memory_space<vmem>>[vector<16xi32>], vector<16xf32>,
          %get3A_591 = arith.index_cast %rem3A_51 : i32 to index
          %get3A_592 = arith.index_cast %add3A_582 : i32 to index
          %get3A_593 = arith.constant 0 : index
          %get3A_594 = tpu.vector_load %arg11[%get3A_591, %get3A_592, %get3A_593] {strides = array<i32>} : memref<2x80x128xf32, #tpu.memory_space<vmem>>, vector<16xf32>,
          %mul3A_595 = arith.mulf %get3A_594, %gather3A_590 : vector<16xf32>
          %swap3A_596 = arith.index_cast %rem3A_51 : i32 to index
          %swap3A_597 = arith.index_cast %add3A_582 : i32 to index
          %swap3A_598 = arith.constant 0 : index
          %swap3A_599 = tpu.vector_load %arg11[%swap3A_596, %swap3A_597, %swap3A_598] {strides = array<i32>} : memref<2x80x128xf32, #tpu.memory_space<vmem>>, vector<16xf32>,
          tpu.vector_store %arg11[%swap3A_596, %swap3A_597, %swap3A_598], %mul3A_595 {strides = array<i32>} : memref<2x80x128xf32, #tpu.memory_space<vmem>>, vector<16xf32>,
          %get3A_600 = arith.index_cast %rem3A_51 : i32 to index
          %get3A_601 = arith.index_cast %add3A_582 : i32 to index
          %get3A_602 = arith.constant 16 : index
          %get3A_603 = tpu.vector_load %arg11[%get3A_600, %get3A_601, %get3A_602] {strides = array<i32>} : memref<2x80x128xf32, #tpu.memory_space<vmem>>, vector<16xf32>,
          %mul3A_604 = arith.mulf %get3A_603, %gather3A_590 : vector<16xf32>
          %swap3A_605 = arith.index_cast %rem3A_51 : i32 to index
          %swap3A_606 = arith.index_cast %add3A_582 : i32 to index
          %swap3A_607 = arith.constant 16 : index
          %swap3A_608 = tpu.vector_load %arg11[%swap3A_605, %swap3A_606, %swap3A_607] {strides = array<i32>} : memref<2x80x128xf32, #tpu.memory_space<vmem>>, vector<16xf32>,
          tpu.vector_store %arg11[%swap3A_605, %swap3A_606, %swap3A_607], %mul3A_604 {strides = array<i32>} : memref<2x80x128xf32, #tpu.memory_space<vmem>>, vector<16xf32>,
          %get3A_609 = arith.index_cast %rem3A_51 : i32 to index
          %get3A_610 = arith.index_cast %add3A_582 : i32 to index
          %get3A_611 = arith.constant 32 : index
          %get3A_612 = tpu.vector_load %arg11[%get3A_609, %get3A_610, %get3A_611] {strides = array<i32>} : memref<2x80x128xf32, #tpu.memory_space<vmem>>, vector<16xf32>,
          %mul3A_613 = arith.mulf %get3A_612, %gather3A_590 : vector<16xf32>
          %swap3A_614 = arith.index_cast %rem3A_51 : i32 to index
          %swap3A_615 = arith.index_cast %add3A_582 : i32 to index
          %swap3A_616 = arith.constant 32 : index
          %swap3A_617 = tpu.vector_load %arg11[%swap3A_614, %swap3A_615, %swap3A_616] {strides = array<i32>} : memref<2x80x128xf32, #tpu.memory_space<vmem>>, vector<16xf32>,
          tpu.vector_store %arg11[%swap3A_614, %swap3A_615, %swap3A_616], %mul3A_613 {strides = array<i32>} : memref<2x80x128xf32, #tpu.memory_space<vmem>>, vector<16xf32>,
          %get3A_618 = arith.index_cast %rem3A_51 : i32 to index
          %get3A_619 = arith.index_cast %add3A_582 : i32 to index
          %get3A_620 = arith.constant 48 : index
          %get3A_621 = tpu.vector_load %arg11[%get3A_618, %get3A_619, %get3A_620] {strides = array<i32>} : memref<2x80x128xf32, #tpu.memory_space<vmem>>, vector<16xf32>,
          %mul3A_622 = arith.mulf %get3A_621, %gather3A_590 : vector<16xf32>
          %swap3A_623 = arith.index_cast %rem3A_51 : i32 to index
          %swap3A_624 = arith.index_cast %add3A_582 : i32 to index
          %swap3A_625 = arith.constant 48 : index
          %swap3A_626 = tpu.vector_load %arg11[%swap3A_623, %swap3A_624, %swap3A_625] {strides = array<i32>} : memref<2x80x128xf32, #tpu.memory_space<vmem>>, vector<16xf32>,
          tpu.vector_store %arg11[%swap3A_623, %swap3A_624, %swap3A_625], %mul3A_622 {strides = array<i32>} : memref<2x80x128xf32, #tpu.memory_space<vmem>>, vector<16xf32>,
          %get3A_627 = arith.index_cast %rem3A_51 : i32 to index
          %get3A_628 = arith.index_cast %add3A_582 : i32 to index
          %get3A_629 = arith.constant 64 : index
          %get3A_630 = tpu.vector_load %arg11[%get3A_627, %get3A_628, %get3A_629] {strides = array<i32>} : memref<2x80x128xf32, #tpu.memory_space<vmem>>, vector<16xf32>,
          %mul3A_631 = arith.mulf %get3A_630, %gather3A_590 : vector<16xf32>
          %swap3A_632 = arith.index_cast %rem3A_51 : i32 to index
          %swap3A_633 = arith.index_cast %add3A_582 : i32 to index
          %swap3A_634 = arith.constant 64 : index
          %swap3A_635 = tpu.vector_load %arg11[%swap3A_632, %swap3A_633, %swap3A_634] {strides = array<i32>} : memref<2x80x128xf32, #tpu.memory_space<vmem>>, vector<16xf32>,
          tpu.vector_store %arg11[%swap3A_632, %swap3A_633, %swap3A_634], %mul3A_631 {strides = array<i32>} : memref<2x80x128xf32, #tpu.memory_space<vmem>>, vector<16xf32>,
          %get3A_636 = arith.index_cast %rem3A_51 : i32 to index
          %get3A_637 = arith.index_cast %add3A_582 : i32 to index
          %get3A_638 = arith.constant 80 : index
          %get3A_639 = tpu.vector_load %arg11[%get3A_636, %get3A_637, %get3A_638] {strides = array<i32>} : memref<2x80x128xf32, #tpu.memory_space<vmem>>, vector<16xf32>,
          %mul3A_640 = arith.mulf %get3A_639, %gather3A_590 : vector<16xf32>
          %swap3A_641 = arith.index_cast %rem3A_51 : i32 to index
          %swap3A_642 = arith.index_cast %add3A_582 : i32 to index
          %swap3A_643 = arith.constant 80 : index
          %swap3A_644 = tpu.vector_load %arg11[%swap3A_641, %swap3A_642, %swap3A_643] {strides = array<i32>} : memref<2x80x128xf32, #tpu.memory_space<vmem>>, vector<16xf32>,
          tpu.vector_store %arg11[%swap3A_641, %swap3A_642, %swap3A_643], %mul3A_640 {strides = array<i32>} : memref<2x80x128xf32, #tpu.memory_space<vmem>>, vector<16xf32>,
          %get3A_645 = arith.index_cast %rem3A_51 : i32 to index
          %get3A_646 = arith.index_cast %add3A_582 : i32 to index
          %get3A_647 = arith.constant 96 : index
          %get3A_648 = tpu.vector_load %arg11[%get3A_645, %get3A_646, %get3A_647] {strides = array<i32>} : memref<2x80x128xf32, #tpu.memory_space<vmem>>, vector<16xf32>,
          %mul3A_649 = arith.mulf %get3A_648, %gather3A_590 : vector<16xf32>
          %swap3A_650 = arith.index_cast %rem3A_51 : i32 to index
          %swap3A_651 = arith.index_cast %add3A_582 : i32 to index
          %swap3A_652 = arith.constant 96 : index
          %swap3A_653 = tpu.vector_load %arg11[%swap3A_650, %swap3A_651, %swap3A_652] {strides = array<i32>} : memref<2x80x128xf32, #tpu.memory_space<vmem>>, vector<16xf32>,
          tpu.vector_store %arg11[%swap3A_650, %swap3A_651, %swap3A_652], %mul3A_649 {strides = array<i32>} : memref<2x80x128xf32, #tpu.memory_space<vmem>>, vector<16xf32>,
          %get3A_654 = arith.index_cast %rem3A_51 : i32 to index
          %get3A_655 = arith.index_cast %add3A_582 : i32 to index
          %get3A_656 = arith.constant 112 : index
          %get3A_657 = tpu.vector_load %arg11[%get3A_654, %get3A_655, %get3A_656] {strides = array<i32>} : memref<2x80x128xf32, #tpu.memory_space<vmem>>, vector<16xf32>,
          %mul3A_658 = arith.mulf %get3A_657, %gather3A_590 : vector<16xf32>
          %swap3A_659 = arith.index_cast %rem3A_51 : i32 to index
          %swap3A_660 = arith.index_cast %add3A_582 : i32 to index
          %swap3A_661 = arith.constant 112 : index
          %swap3A_662 = tpu.vector_load %arg11[%swap3A_659, %swap3A_660, %swap3A_661] {strides = array<i32>} : memref<2x80x128xf32, #tpu.memory_space<vmem>>, vector<16xf32>,
          tpu.vector_store %arg11[%swap3A_659, %swap3A_660, %swap3A_661], %mul3A_658 {strides = array<i32>} : memref<2x80x128xf32, #tpu.memory_space<vmem>>, vector<16xf32>,
          %add3A_663 = arith.constant 7 : i32
          %add3A_664 = arith.addi %mul3A_92, %add3A_663 : i32
          %broadcast_in_dim3A_665 = arith.constant 0 : i32
          %broadcast_in_dim3A_666 = vector.broadcast %broadcast_in_dim3A_665 : i32 to vector<16xi32>
          %mul3A_667 = arith.constant 80 : i32
          %mul3A_668 = arith.muli %scan3A_50, %mul3A_667 : i32
          %add3A_669 = arith.addi %mul3A_668, %add3A_664 : i32
          %add3A_670 = vector.broadcast %add3A_669 : i32 to vector<16xi32>
          %add3A_671 = arith.addi %broadcast_in_dim3A_666, %add3A_670 : vector<16xi32>
          %gather3A_672 = tpu.vector_load_idx %arg10[%add3A_671] : memref<2000xf32, #tpu.memory_space<vmem>>[vector<16xi32>], vector<16xf32>,
          %get3A_673 = arith.index_cast %rem3A_51 : i32 to index
          %get3A_674 = arith.index_cast %add3A_664 : i32 to index
          %get3A_675 = arith.constant 0 : index
          %get3A_676 = tpu.vector_load %arg11[%get3A_673, %get3A_674, %get3A_675] {strides = array<i32>} : memref<2x80x128xf32, #tpu.memory_space<vmem>>, vector<16xf32>,
          %mul3A_677 = arith.mulf %get3A_676, %gather3A_672 : vector<16xf32>
          %swap3A_678 = arith.index_cast %rem3A_51 : i32 to index
          %swap3A_679 = arith.index_cast %add3A_664 : i32 to index
          %swap3A_680 = arith.constant 0 : index
          %swap3A_681 = tpu.vector_load %arg11[%swap3A_678, %swap3A_679, %swap3A_680] {strides = array<i32>} : memref<2x80x128xf32, #tpu.memory_space<vmem>>, vector<16xf32>,
          tpu.vector_store %arg11[%swap3A_678, %swap3A_679, %swap3A_680], %mul3A_677 {strides = array<i32>} : memref<2x80x128xf32, #tpu.memory_space<vmem>>, vector<16xf32>,
          %get3A_682 = arith.index_cast %rem3A_51 : i32 to index
          %get3A_683 = arith.index_cast %add3A_664 : i32 to index
          %get3A_684 = arith.constant 16 : index
          %get3A_685 = tpu.vector_load %arg11[%get3A_682, %get3A_683, %get3A_684] {strides = array<i32>} : memref<2x80x128xf32, #tpu.memory_space<vmem>>, vector<16xf32>,
          %mul3A_686 = arith.mulf %get3A_685, %gather3A_672 : vector<16xf32>
          %swap3A_687 = arith.index_cast %rem3A_51 : i32 to index
          %swap3A_688 = arith.index_cast %add3A_664 : i32 to index
          %swap3A_689 = arith.constant 16 : index
          %swap3A_690 = tpu.vector_load %arg11[%swap3A_687, %swap3A_688, %swap3A_689] {strides = array<i32>} : memref<2x80x128xf32, #tpu.memory_space<vmem>>, vector<16xf32>,
          tpu.vector_store %arg11[%swap3A_687, %swap3A_688, %swap3A_689], %mul3A_686 {strides = array<i32>} : memref<2x80x128xf32, #tpu.memory_space<vmem>>, vector<16xf32>,
          %get3A_691 = arith.index_cast %rem3A_51 : i32 to index
          %get3A_692 = arith.index_cast %add3A_664 : i32 to index
          %get3A_693 = arith.constant 32 : index
          %get3A_694 = tpu.vector_load %arg11[%get3A_691, %get3A_692, %get3A_693] {strides = array<i32>} : memref<2x80x128xf32, #tpu.memory_space<vmem>>, vector<16xf32>,
          %mul3A_695 = arith.mulf %get3A_694, %gather3A_672 : vector<16xf32>
          %swap3A_696 = arith.index_cast %rem3A_51 : i32 to index
          %swap3A_697 = arith.index_cast %add3A_664 : i32 to index
          %swap3A_698 = arith.constant 32 : index
          %swap3A_699 = tpu.vector_load %arg11[%swap3A_696, %swap3A_697, %swap3A_698] {strides = array<i32>} : memref<2x80x128xf32, #tpu.memory_space<vmem>>, vector<16xf32>,
          tpu.vector_store %arg11[%swap3A_696, %swap3A_697, %swap3A_698], %mul3A_695 {strides = array<i32>} : memref<2x80x128xf32, #tpu.memory_space<vmem>>, vector<16xf32>,
          %get3A_700 = arith.index_cast %rem3A_51 : i32 to index
          %get3A_701 = arith.index_cast %add3A_664 : i32 to index
          %get3A_702 = arith.constant 48 : index
          %get3A_703 = tpu.vector_load %arg11[%get3A_700, %get3A_701, %get3A_702] {strides = array<i32>} : memref<2x80x128xf32, #tpu.memory_space<vmem>>, vector<16xf32>,
          %mul3A_704 = arith.mulf %get3A_703, %gather3A_672 : vector<16xf32>
          %swap3A_705 = arith.index_cast %rem3A_51 : i32 to index
          %swap3A_706 = arith.index_cast %add3A_664 : i32 to index
          %swap3A_707 = arith.constant 48 : index
          %swap3A_708 = tpu.vector_load %arg11[%swap3A_705, %swap3A_706, %swap3A_707] {strides = array<i32>} : memref<2x80x128xf32, #tpu.memory_space<vmem>>, vector<16xf32>,
          tpu.vector_store %arg11[%swap3A_705, %swap3A_706, %swap3A_707], %mul3A_704 {strides = array<i32>} : memref<2x80x128xf32, #tpu.memory_space<vmem>>, vector<16xf32>,
          %get3A_709 = arith.index_cast %rem3A_51 : i32 to index
          %get3A_710 = arith.index_cast %add3A_664 : i32 to index
          %get3A_711 = arith.constant 64 : index
          %get3A_712 = tpu.vector_load %arg11[%get3A_709, %get3A_710, %get3A_711] {strides = array<i32>} : memref<2x80x128xf32, #tpu.memory_space<vmem>>, vector<16xf32>,
          %mul3A_713 = arith.mulf %get3A_712, %gather3A_672 : vector<16xf32>
          %swap3A_714 = arith.index_cast %rem3A_51 : i32 to index
          %swap3A_715 = arith.index_cast %add3A_664 : i32 to index
          %swap3A_716 = arith.constant 64 : index
          %swap3A_717 = tpu.vector_load %arg11[%swap3A_714, %swap3A_715, %swap3A_716] {strides = array<i32>} : memref<2x80x128xf32, #tpu.memory_space<vmem>>, vector<16xf32>,
          tpu.vector_store %arg11[%swap3A_714, %swap3A_715, %swap3A_716], %mul3A_713 {strides = array<i32>} : memref<2x80x128xf32, #tpu.memory_space<vmem>>, vector<16xf32>,
          %get3A_718 = arith.index_cast %rem3A_51 : i32 to index
          %get3A_719 = arith.index_cast %add3A_664 : i32 to index
          %get3A_720 = arith.constant 80 : index
          %get3A_721 = tpu.vector_load %arg11[%get3A_718, %get3A_719, %get3A_720] {strides = array<i32>} : memref<2x80x128xf32, #tpu.memory_space<vmem>>, vector<16xf32>,
          %mul3A_722 = arith.mulf %get3A_721, %gather3A_672 : vector<16xf32>
          %swap3A_723 = arith.index_cast %rem3A_51 : i32 to index
          %swap3A_724 = arith.index_cast %add3A_664 : i32 to index
          %swap3A_725 = arith.constant 80 : index
          %swap3A_726 = tpu.vector_load %arg11[%swap3A_723, %swap3A_724, %swap3A_725] {strides = array<i32>} : memref<2x80x128xf32, #tpu.memory_space<vmem>>, vector<16xf32>,
          tpu.vector_store %arg11[%swap3A_723, %swap3A_724, %swap3A_725], %mul3A_722 {strides = array<i32>} : memref<2x80x128xf32, #tpu.memory_space<vmem>>, vector<16xf32>,
          %get3A_727 = arith.index_cast %rem3A_51 : i32 to index
          %get3A_728 = arith.index_cast %add3A_664 : i32 to index
          %get3A_729 = arith.constant 96 : index
          %get3A_730 = tpu.vector_load %arg11[%get3A_727, %get3A_728, %get3A_729] {strides = array<i32>} : memref<2x80x128xf32, #tpu.memory_space<vmem>>, vector<16xf32>,
          %mul3A_731 = arith.mulf %get3A_730, %gather3A_672 : vector<16xf32>
          %swap3A_732 = arith.index_cast %rem3A_51 : i32 to index
          %swap3A_733 = arith.index_cast %add3A_664 : i32 to index
          %swap3A_734 = arith.constant 96 : index
          %swap3A_735 = tpu.vector_load %arg11[%swap3A_732, %swap3A_733, %swap3A_734] {strides = array<i32>} : memref<2x80x128xf32, #tpu.memory_space<vmem>>, vector<16xf32>,
          tpu.vector_store %arg11[%swap3A_732, %swap3A_733, %swap3A_734], %mul3A_731 {strides = array<i32>} : memref<2x80x128xf32, #tpu.memory_space<vmem>>, vector<16xf32>,
          %get3A_736 = arith.index_cast %rem3A_51 : i32 to index
          %get3A_737 = arith.index_cast %add3A_664 : i32 to index
          %get3A_738 = arith.constant 112 : index
          %get3A_739 = tpu.vector_load %arg11[%get3A_736, %get3A_737, %get3A_738] {strides = array<i32>} : memref<2x80x128xf32, #tpu.memory_space<vmem>>, vector<16xf32>,
          %mul3A_740 = arith.mulf %get3A_739, %gather3A_672 : vector<16xf32>
          %swap3A_741 = arith.index_cast %rem3A_51 : i32 to index
          %swap3A_742 = arith.index_cast %add3A_664 : i32 to index
          %swap3A_743 = arith.constant 112 : index
          %swap3A_744 = tpu.vector_load %arg11[%swap3A_741, %swap3A_742, %swap3A_743] {strides = array<i32>} : memref<2x80x128xf32, #tpu.memory_space<vmem>>, vector<16xf32>,
          tpu.vector_store %arg11[%swap3A_741, %swap3A_742, %swap3A_743], %mul3A_740 {strides = array<i32>} : memref<2x80x128xf32, #tpu.memory_space<vmem>>, vector<16xf32>,
          %add3A_745 = arith.constant 8 : i32
          %add3A_746 = arith.addi %mul3A_92, %add3A_745 : i32
          %broadcast_in_dim3A_747 = arith.constant 0 : i32
          %broadcast_in_dim3A_748 = vector.broadcast %broadcast_in_dim3A_747 : i32 to vector<16xi32>
          %mul3A_749 = arith.constant 80 : i32
          %mul3A_750 = arith.muli %scan3A_50, %mul3A_749 : i32
          %add3A_751 = arith.addi %mul3A_750, %add3A_746 : i32
          %add3A_752 = vector.broadcast %add3A_751 : i32 to vector<16xi32>
          %add3A_753 = arith.addi %broadcast_in_dim3A_748, %add3A_752 : vector<16xi32>
          %gather3A_754 = tpu.vector_load_idx %arg10[%add3A_753] : memref<2000xf32, #tpu.memory_space<vmem>>[vector<16xi32>], vector<16xf32>,
          %get3A_755 = arith.index_cast %rem3A_51 : i32 to index
          %get3A_756 = arith.index_cast %add3A_746 : i32 to index
          %get3A_757 = arith.constant 0 : index
          %get3A_758 = tpu.vector_load %arg11[%get3A_755, %get3A_756, %get3A_757] {strides = array<i32>} : memref<2x80x128xf32, #tpu.memory_space<vmem>>, vector<16xf32>,
          %mul3A_759 = arith.mulf %get3A_758, %gather3A_754 : vector<16xf32>
          %swap3A_760 = arith.index_cast %rem3A_51 : i32 to index
          %swap3A_761 = arith.index_cast %add3A_746 : i32 to index
          %swap3A_762 = arith.constant 0 : index
          %swap3A_763 = tpu.vector_load %arg11[%swap3A_760, %swap3A_761, %swap3A_762] {strides = array<i32>} : memref<2x80x128xf32, #tpu.memory_space<vmem>>, vector<16xf32>,
          tpu.vector_store %arg11[%swap3A_760, %swap3A_761, %swap3A_762], %mul3A_759 {strides = array<i32>} : memref<2x80x128xf32, #tpu.memory_space<vmem>>, vector<16xf32>,
          %get3A_764 = arith.index_cast %rem3A_51 : i32 to index
          %get3A_765 = arith.index_cast %add3A_746 : i32 to index
          %get3A_766 = arith.constant 16 : index
          %get3A_767 = tpu.vector_load %arg11[%get3A_764, %get3A_765, %get3A_766] {strides = array<i32>} : memref<2x80x128xf32, #tpu.memory_space<vmem>>, vector<16xf32>,
          %mul3A_768 = arith.mulf %get3A_767, %gather3A_754 : vector<16xf32>
          %swap3A_769 = arith.index_cast %rem3A_51 : i32 to index
          %swap3A_770 = arith.index_cast %add3A_746 : i32 to index
          %swap3A_771 = arith.constant 16 : index
          %swap3A_772 = tpu.vector_load %arg11[%swap3A_769, %swap3A_770, %swap3A_771] {strides = array<i32>} : memref<2x80x128xf32, #tpu.memory_space<vmem>>, vector<16xf32>,
          tpu.vector_store %arg11[%swap3A_769, %swap3A_770, %swap3A_771], %mul3A_768 {strides = array<i32>} : memref<2x80x128xf32, #tpu.memory_space<vmem>>, vector<16xf32>,
          %get3A_773 = arith.index_cast %rem3A_51 : i32 to index
          %get3A_774 = arith.index_cast %add3A_746 : i32 to index
          %get3A_775 = arith.constant 32 : index
          %get3A_776 = tpu.vector_load %arg11[%get3A_773, %get3A_774, %get3A_775] {strides = array<i32>} : memref<2x80x128xf32, #tpu.memory_space<vmem>>, vector<16xf32>,
          %mul3A_777 = arith.mulf %get3A_776, %gather3A_754 : vector<16xf32>
          %swap3A_778 = arith.index_cast %rem3A_51 : i32 to index
          %swap3A_779 = arith.index_cast %add3A_746 : i32 to index
          %swap3A_780 = arith.constant 32 : index
          %swap3A_781 = tpu.vector_load %arg11[%swap3A_778, %swap3A_779, %swap3A_780] {strides = array<i32>} : memref<2x80x128xf32, #tpu.memory_space<vmem>>, vector<16xf32>,
          tpu.vector_store %arg11[%swap3A_778, %swap3A_779, %swap3A_780], %mul3A_777 {strides = array<i32>} : memref<2x80x128xf32, #tpu.memory_space<vmem>>, vector<16xf32>,
          %get3A_782 = arith.index_cast %rem3A_51 : i32 to index
          %get3A_783 = arith.index_cast %add3A_746 : i32 to index
          %get3A_784 = arith.constant 48 : index
          %get3A_785 = tpu.vector_load %arg11[%get3A_782, %get3A_783, %get3A_784] {strides = array<i32>} : memref<2x80x128xf32, #tpu.memory_space<vmem>>, vector<16xf32>,
          %mul3A_786 = arith.mulf %get3A_785, %gather3A_754 : vector<16xf32>
          %swap3A_787 = arith.index_cast %rem3A_51 : i32 to index
          %swap3A_788 = arith.index_cast %add3A_746 : i32 to index
          %swap3A_789 = arith.constant 48 : index
          %swap3A_790 = tpu.vector_load %arg11[%swap3A_787, %swap3A_788, %swap3A_789] {strides = array<i32>} : memref<2x80x128xf32, #tpu.memory_space<vmem>>, vector<16xf32>,
          tpu.vector_store %arg11[%swap3A_787, %swap3A_788, %swap3A_789], %mul3A_786 {strides = array<i32>} : memref<2x80x128xf32, #tpu.memory_space<vmem>>, vector<16xf32>,
          %get3A_791 = arith.index_cast %rem3A_51 : i32 to index
          %get3A_792 = arith.index_cast %add3A_746 : i32 to index
          %get3A_793 = arith.constant 64 : index
          %get3A_794 = tpu.vector_load %arg11[%get3A_791, %get3A_792, %get3A_793] {strides = array<i32>} : memref<2x80x128xf32, #tpu.memory_space<vmem>>, vector<16xf32>,
          %mul3A_795 = arith.mulf %get3A_794, %gather3A_754 : vector<16xf32>
          %swap3A_796 = arith.index_cast %rem3A_51 : i32 to index
          %swap3A_797 = arith.index_cast %add3A_746 : i32 to index
          %swap3A_798 = arith.constant 64 : index
          %swap3A_799 = tpu.vector_load %arg11[%swap3A_796, %swap3A_797, %swap3A_798] {strides = array<i32>} : memref<2x80x128xf32, #tpu.memory_space<vmem>>, vector<16xf32>,
          tpu.vector_store %arg11[%swap3A_796, %swap3A_797, %swap3A_798], %mul3A_795 {strides = array<i32>} : memref<2x80x128xf32, #tpu.memory_space<vmem>>, vector<16xf32>,
          %get3A_800 = arith.index_cast %rem3A_51 : i32 to index
          %get3A_801 = arith.index_cast %add3A_746 : i32 to index
          %get3A_802 = arith.constant 80 : index
          %get3A_803 = tpu.vector_load %arg11[%get3A_800, %get3A_801, %get3A_802] {strides = array<i32>} : memref<2x80x128xf32, #tpu.memory_space<vmem>>, vector<16xf32>,
          %mul3A_804 = arith.mulf %get3A_803, %gather3A_754 : vector<16xf32>
          %swap3A_805 = arith.index_cast %rem3A_51 : i32 to index
          %swap3A_806 = arith.index_cast %add3A_746 : i32 to index
          %swap3A_807 = arith.constant 80 : index
          %swap3A_808 = tpu.vector_load %arg11[%swap3A_805, %swap3A_806, %swap3A_807] {strides = array<i32>} : memref<2x80x128xf32, #tpu.memory_space<vmem>>, vector<16xf32>,
          tpu.vector_store %arg11[%swap3A_805, %swap3A_806, %swap3A_807], %mul3A_804 {strides = array<i32>} : memref<2x80x128xf32, #tpu.memory_space<vmem>>, vector<16xf32>,
          %get3A_809 = arith.index_cast %rem3A_51 : i32 to index
          %get3A_810 = arith.index_cast %add3A_746 : i32 to index
          %get3A_811 = arith.constant 96 : index
          %get3A_812 = tpu.vector_load %arg11[%get3A_809, %get3A_810, %get3A_811] {strides = array<i32>} : memref<2x80x128xf32, #tpu.memory_space<vmem>>, vector<16xf32>,
          %mul3A_813 = arith.mulf %get3A_812, %gather3A_754 : vector<16xf32>
          %swap3A_814 = arith.index_cast %rem3A_51 : i32 to index
          %swap3A_815 = arith.index_cast %add3A_746 : i32 to index
          %swap3A_816 = arith.constant 96 : index
          %swap3A_817 = tpu.vector_load %arg11[%swap3A_814, %swap3A_815, %swap3A_816] {strides = array<i32>} : memref<2x80x128xf32, #tpu.memory_space<vmem>>, vector<16xf32>,
          tpu.vector_store %arg11[%swap3A_814, %swap3A_815, %swap3A_816], %mul3A_813 {strides = array<i32>} : memref<2x80x128xf32, #tpu.memory_space<vmem>>, vector<16xf32>,
          %get3A_818 = arith.index_cast %rem3A_51 : i32 to index
          %get3A_819 = arith.index_cast %add3A_746 : i32 to index
          %get3A_820 = arith.constant 112 : index
          %get3A_821 = tpu.vector_load %arg11[%get3A_818, %get3A_819, %get3A_820] {strides = array<i32>} : memref<2x80x128xf32, #tpu.memory_space<vmem>>, vector<16xf32>,
          %mul3A_822 = arith.mulf %get3A_821, %gather3A_754 : vector<16xf32>
          %swap3A_823 = arith.index_cast %rem3A_51 : i32 to index
          %swap3A_824 = arith.index_cast %add3A_746 : i32 to index
          %swap3A_825 = arith.constant 112 : index
          %swap3A_826 = tpu.vector_load %arg11[%swap3A_823, %swap3A_824, %swap3A_825] {strides = array<i32>} : memref<2x80x128xf32, #tpu.memory_space<vmem>>, vector<16xf32>,
          tpu.vector_store %arg11[%swap3A_823, %swap3A_824, %swap3A_825], %mul3A_822 {strides = array<i32>} : memref<2x80x128xf32, #tpu.memory_space<vmem>>, vector<16xf32>,
          %add3A_827 = arith.constant 9 : i32
          %add3A_828 = arith.addi %mul3A_92, %add3A_827 : i32
          %broadcast_in_dim3A_829 = arith.constant 0 : i32
          %broadcast_in_dim3A_830 = vector.broadcast %broadcast_in_dim3A_829 : i32 to vector<16xi32>
          %mul3A_831 = arith.constant 80 : i32
          %mul3A_832 = arith.muli %scan3A_50, %mul3A_831 : i32
          %add3A_833 = arith.addi %mul3A_832, %add3A_828 : i32
          %add3A_834 = vector.broadcast %add3A_833 : i32 to vector<16xi32>
          %add3A_835 = arith.addi %broadcast_in_dim3A_830, %add3A_834 : vector<16xi32>
          %gather3A_836 = tpu.vector_load_idx %arg10[%add3A_835] : memref<2000xf32, #tpu.memory_space<vmem>>[vector<16xi32>], vector<16xf32>,
          %get3A_837 = arith.index_cast %rem3A_51 : i32 to index
          %get3A_838 = arith.index_cast %add3A_828 : i32 to index
          %get3A_839 = arith.constant 0 : index
          %get3A_840 = tpu.vector_load %arg11[%get3A_837, %get3A_838, %get3A_839] {strides = array<i32>} : memref<2x80x128xf32, #tpu.memory_space<vmem>>, vector<16xf32>,
          %mul3A_841 = arith.mulf %get3A_840, %gather3A_836 : vector<16xf32>
          %swap3A_842 = arith.index_cast %rem3A_51 : i32 to index
          %swap3A_843 = arith.index_cast %add3A_828 : i32 to index
          %swap3A_844 = arith.constant 0 : index
          %swap3A_845 = tpu.vector_load %arg11[%swap3A_842, %swap3A_843, %swap3A_844] {strides = array<i32>} : memref<2x80x128xf32, #tpu.memory_space<vmem>>, vector<16xf32>,
          tpu.vector_store %arg11[%swap3A_842, %swap3A_843, %swap3A_844], %mul3A_841 {strides = array<i32>} : memref<2x80x128xf32, #tpu.memory_space<vmem>>, vector<16xf32>,
          %get3A_846 = arith.index_cast %rem3A_51 : i32 to index
          %get3A_847 = arith.index_cast %add3A_828 : i32 to index
          %get3A_848 = arith.constant 16 : index
          %get3A_849 = tpu.vector_load %arg11[%get3A_846, %get3A_847, %get3A_848] {strides = array<i32>} : memref<2x80x128xf32, #tpu.memory_space<vmem>>, vector<16xf32>,
          %mul3A_850 = arith.mulf %get3A_849, %gather3A_836 : vector<16xf32>
          %swap3A_851 = arith.index_cast %rem3A_51 : i32 to index
          %swap3A_852 = arith.index_cast %add3A_828 : i32 to index
          %swap3A_853 = arith.constant 16 : index
          %swap3A_854 = tpu.vector_load %arg11[%swap3A_851, %swap3A_852, %swap3A_853] {strides = array<i32>} : memref<2x80x128xf32, #tpu.memory_space<vmem>>, vector<16xf32>,
          tpu.vector_store %arg11[%swap3A_851, %swap3A_852, %swap3A_853], %mul3A_850 {strides = array<i32>} : memref<2x80x128xf32, #tpu.memory_space<vmem>>, vector<16xf32>,
          %get3A_855 = arith.index_cast %rem3A_51 : i32 to index
          %get3A_856 = arith.index_cast %add3A_828 : i32 to index
          %get3A_857 = arith.constant 32 : index
          %get3A_858 = tpu.vector_load %arg11[%get3A_855, %get3A_856, %get3A_857] {strides = array<i32>} : memref<2x80x128xf32, #tpu.memory_space<vmem>>, vector<16xf32>,
          %mul3A_859 = arith.mulf %get3A_858, %gather3A_836 : vector<16xf32>
          %swap3A_860 = arith.index_cast %rem3A_51 : i32 to index
          %swap3A_861 = arith.index_cast %add3A_828 : i32 to index
          %swap3A_862 = arith.constant 32 : index
          %swap3A_863 = tpu.vector_load %arg11[%swap3A_860, %swap3A_861, %swap3A_862] {strides = array<i32>} : memref<2x80x128xf32, #tpu.memory_space<vmem>>, vector<16xf32>,
          tpu.vector_store %arg11[%swap3A_860, %swap3A_861, %swap3A_862], %mul3A_859 {strides = array<i32>} : memref<2x80x128xf32, #tpu.memory_space<vmem>>, vector<16xf32>,
          %get3A_864 = arith.index_cast %rem3A_51 : i32 to index
          %get3A_865 = arith.index_cast %add3A_828 : i32 to index
          %get3A_866 = arith.constant 48 : index
          %get3A_867 = tpu.vector_load %arg11[%get3A_864, %get3A_865, %get3A_866] {strides = array<i32>} : memref<2x80x128xf32, #tpu.memory_space<vmem>>, vector<16xf32>,
          %mul3A_868 = arith.mulf %get3A_867, %gather3A_836 : vector<16xf32>
          %swap3A_869 = arith.index_cast %rem3A_51 : i32 to index
          %swap3A_870 = arith.index_cast %add3A_828 : i32 to index
          %swap3A_871 = arith.constant 48 : index
          %swap3A_872 = tpu.vector_load %arg11[%swap3A_869, %swap3A_870, %swap3A_871] {strides = array<i32>} : memref<2x80x128xf32, #tpu.memory_space<vmem>>, vector<16xf32>,
          tpu.vector_store %arg11[%swap3A_869, %swap3A_870, %swap3A_871], %mul3A_868 {strides = array<i32>} : memref<2x80x128xf32, #tpu.memory_space<vmem>>, vector<16xf32>,
          %get3A_873 = arith.index_cast %rem3A_51 : i32 to index
          %get3A_874 = arith.index_cast %add3A_828 : i32 to index
          %get3A_875 = arith.constant 64 : index
          %get3A_876 = tpu.vector_load %arg11[%get3A_873, %get3A_874, %get3A_875] {strides = array<i32>} : memref<2x80x128xf32, #tpu.memory_space<vmem>>, vector<16xf32>,
          %mul3A_877 = arith.mulf %get3A_876, %gather3A_836 : vector<16xf32>
          %swap3A_878 = arith.index_cast %rem3A_51 : i32 to index
          %swap3A_879 = arith.index_cast %add3A_828 : i32 to index
          %swap3A_880 = arith.constant 64 : index
          %swap3A_881 = tpu.vector_load %arg11[%swap3A_878, %swap3A_879, %swap3A_880] {strides = array<i32>} : memref<2x80x128xf32, #tpu.memory_space<vmem>>, vector<16xf32>,
          tpu.vector_store %arg11[%swap3A_878, %swap3A_879, %swap3A_880], %mul3A_877 {strides = array<i32>} : memref<2x80x128xf32, #tpu.memory_space<vmem>>, vector<16xf32>,
          %get3A_882 = arith.index_cast %rem3A_51 : i32 to index
          %get3A_883 = arith.index_cast %add3A_828 : i32 to index
          %get3A_884 = arith.constant 80 : index
          %get3A_885 = tpu.vector_load %arg11[%get3A_882, %get3A_883, %get3A_884] {strides = array<i32>} : memref<2x80x128xf32, #tpu.memory_space<vmem>>, vector<16xf32>,
          %mul3A_886 = arith.mulf %get3A_885, %gather3A_836 : vector<16xf32>
          %swap3A_887 = arith.index_cast %rem3A_51 : i32 to index
          %swap3A_888 = arith.index_cast %add3A_828 : i32 to index
          %swap3A_889 = arith.constant 80 : index
          %swap3A_890 = tpu.vector_load %arg11[%swap3A_887, %swap3A_888, %swap3A_889] {strides = array<i32>} : memref<2x80x128xf32, #tpu.memory_space<vmem>>, vector<16xf32>,
          tpu.vector_store %arg11[%swap3A_887, %swap3A_888, %swap3A_889], %mul3A_886 {strides = array<i32>} : memref<2x80x128xf32, #tpu.memory_space<vmem>>, vector<16xf32>,
          %get3A_891 = arith.index_cast %rem3A_51 : i32 to index
          %get3A_892 = arith.index_cast %add3A_828 : i32 to index
          %get3A_893 = arith.constant 96 : index
          %get3A_894 = tpu.vector_load %arg11[%get3A_891, %get3A_892, %get3A_893] {strides = array<i32>} : memref<2x80x128xf32, #tpu.memory_space<vmem>>, vector<16xf32>,
          %mul3A_895 = arith.mulf %get3A_894, %gather3A_836 : vector<16xf32>
          %swap3A_896 = arith.index_cast %rem3A_51 : i32 to index
          %swap3A_897 = arith.index_cast %add3A_828 : i32 to index
          %swap3A_898 = arith.constant 96 : index
          %swap3A_899 = tpu.vector_load %arg11[%swap3A_896, %swap3A_897, %swap3A_898] {strides = array<i32>} : memref<2x80x128xf32, #tpu.memory_space<vmem>>, vector<16xf32>,
          tpu.vector_store %arg11[%swap3A_896, %swap3A_897, %swap3A_898], %mul3A_895 {strides = array<i32>} : memref<2x80x128xf32, #tpu.memory_space<vmem>>, vector<16xf32>,
          %get3A_900 = arith.index_cast %rem3A_51 : i32 to index
          %get3A_901 = arith.index_cast %add3A_828 : i32 to index
          %get3A_902 = arith.constant 112 : index
          %get3A_903 = tpu.vector_load %arg11[%get3A_900, %get3A_901, %get3A_902] {strides = array<i32>} : memref<2x80x128xf32, #tpu.memory_space<vmem>>, vector<16xf32>,
          %mul3A_904 = arith.mulf %get3A_903, %gather3A_836 : vector<16xf32>
          %swap3A_905 = arith.index_cast %rem3A_51 : i32 to index
          %swap3A_906 = arith.index_cast %add3A_828 : i32 to index
          %swap3A_907 = arith.constant 112 : index
          %swap3A_908 = tpu.vector_load %arg11[%swap3A_905, %swap3A_906, %swap3A_907] {strides = array<i32>} : memref<2x80x128xf32, #tpu.memory_space<vmem>>, vector<16xf32>,
          tpu.vector_store %arg11[%swap3A_905, %swap3A_906, %swap3A_907], %mul3A_904 {strides = array<i32>} : memref<2x80x128xf32, #tpu.memory_space<vmem>>, vector<16xf32>,
          %add3A_909 = arith.constant 10 : i32
          %add3A_910 = arith.addi %mul3A_92, %add3A_909 : i32
          %broadcast_in_dim3A_911 = arith.constant 0 : i32
          %broadcast_in_dim3A_912 = vector.broadcast %broadcast_in_dim3A_911 : i32 to vector<16xi32>
          %mul3A_913 = arith.constant 80 : i32
          %mul3A_914 = arith.muli %scan3A_50, %mul3A_913 : i32
          %add3A_915 = arith.addi %mul3A_914, %add3A_910 : i32
          %add3A_916 = vector.broadcast %add3A_915 : i32 to vector<16xi32>
          %add3A_917 = arith.addi %broadcast_in_dim3A_912, %add3A_916 : vector<16xi32>
          %gather3A_918 = tpu.vector_load_idx %arg10[%add3A_917] : memref<2000xf32, #tpu.memory_space<vmem>>[vector<16xi32>], vector<16xf32>,
          %get3A_919 = arith.index_cast %rem3A_51 : i32 to index
          %get3A_920 = arith.index_cast %add3A_910 : i32 to index
          %get3A_921 = arith.constant 0 : index
          %get3A_922 = tpu.vector_load %arg11[%get3A_919, %get3A_920, %get3A_921] {strides = array<i32>} : memref<2x80x128xf32, #tpu.memory_space<vmem>>, vector<16xf32>,
          %mul3A_923 = arith.mulf %get3A_922, %gather3A_918 : vector<16xf32>
          %swap3A_924 = arith.index_cast %rem3A_51 : i32 to index
          %swap3A_925 = arith.index_cast %add3A_910 : i32 to index
          %swap3A_926 = arith.constant 0 : index
          %swap3A_927 = tpu.vector_load %arg11[%swap3A_924, %swap3A_925, %swap3A_926] {strides = array<i32>} : memref<2x80x128xf32, #tpu.memory_space<vmem>>, vector<16xf32>,
          tpu.vector_store %arg11[%swap3A_924, %swap3A_925, %swap3A_926], %mul3A_923 {strides = array<i32>} : memref<2x80x128xf32, #tpu.memory_space<vmem>>, vector<16xf32>,
          %get3A_928 = arith.index_cast %rem3A_51 : i32 to index
          %get3A_929 = arith.index_cast %add3A_910 : i32 to index
          %get3A_930 = arith.constant 16 : index
          %get3A_931 = tpu.vector_load %arg11[%get3A_928, %get3A_929, %get3A_930] {strides = array<i32>} : memref<2x80x128xf32, #tpu.memory_space<vmem>>, vector<16xf32>,
          %mul3A_932 = arith.mulf %get3A_931, %gather3A_918 : vector<16xf32>
          %swap3A_933 = arith.index_cast %rem3A_51 : i32 to index
          %swap3A_934 = arith.index_cast %add3A_910 : i32 to index
          %swap3A_935 = arith.constant 16 : index
          %swap3A_936 = tpu.vector_load %arg11[%swap3A_933, %swap3A_934, %swap3A_935] {strides = array<i32>} : memref<2x80x128xf32, #tpu.memory_space<vmem>>, vector<16xf32>,
          tpu.vector_store %arg11[%swap3A_933, %swap3A_934, %swap3A_935], %mul3A_932 {strides = array<i32>} : memref<2x80x128xf32, #tpu.memory_space<vmem>>, vector<16xf32>,
          %get3A_937 = arith.index_cast %rem3A_51 : i32 to index
          %get3A_938 = arith.index_cast %add3A_910 : i32 to index
          %get3A_939 = arith.constant 32 : index
          %get3A_940 = tpu.vector_load %arg11[%get3A_937, %get3A_938, %get3A_939] {strides = array<i32>} : memref<2x80x128xf32, #tpu.memory_space<vmem>>, vector<16xf32>,
          %mul3A_941 = arith.mulf %get3A_940, %gather3A_918 : vector<16xf32>
          %swap3A_942 = arith.index_cast %rem3A_51 : i32 to index
          %swap3A_943 = arith.index_cast %add3A_910 : i32 to index
          %swap3A_944 = arith.constant 32 : index
          %swap3A_945 = tpu.vector_load %arg11[%swap3A_942, %swap3A_943, %swap3A_944] {strides = array<i32>} : memref<2x80x128xf32, #tpu.memory_space<vmem>>, vector<16xf32>,
          tpu.vector_store %arg11[%swap3A_942, %swap3A_943, %swap3A_944], %mul3A_941 {strides = array<i32>} : memref<2x80x128xf32, #tpu.memory_space<vmem>>, vector<16xf32>,
          %get3A_946 = arith.index_cast %rem3A_51 : i32 to index
          %get3A_947 = arith.index_cast %add3A_910 : i32 to index
          %get3A_948 = arith.constant 48 : index
          %get3A_949 = tpu.vector_load %arg11[%get3A_946, %get3A_947, %get3A_948] {strides = array<i32>} : memref<2x80x128xf32, #tpu.memory_space<vmem>>, vector<16xf32>,
          %mul3A_950 = arith.mulf %get3A_949, %gather3A_918 : vector<16xf32>
          %swap3A_951 = arith.index_cast %rem3A_51 : i32 to index
          %swap3A_952 = arith.index_cast %add3A_910 : i32 to index
          %swap3A_953 = arith.constant 48 : index
          %swap3A_954 = tpu.vector_load %arg11[%swap3A_951, %swap3A_952, %swap3A_953] {strides = array<i32>} : memref<2x80x128xf32, #tpu.memory_space<vmem>>, vector<16xf32>,
          tpu.vector_store %arg11[%swap3A_951, %swap3A_952, %swap3A_953], %mul3A_950 {strides = array<i32>} : memref<2x80x128xf32, #tpu.memory_space<vmem>>, vector<16xf32>,
          %get3A_955 = arith.index_cast %rem3A_51 : i32 to index
          %get3A_956 = arith.index_cast %add3A_910 : i32 to index
          %get3A_957 = arith.constant 64 : index
          %get3A_958 = tpu.vector_load %arg11[%get3A_955, %get3A_956, %get3A_957] {strides = array<i32>} : memref<2x80x128xf32, #tpu.memory_space<vmem>>, vector<16xf32>,
          %mul3A_959 = arith.mulf %get3A_958, %gather3A_918 : vector<16xf32>
          %swap3A_960 = arith.index_cast %rem3A_51 : i32 to index
          %swap3A_961 = arith.index_cast %add3A_910 : i32 to index
          %swap3A_962 = arith.constant 64 : index
          %swap3A_963 = tpu.vector_load %arg11[%swap3A_960, %swap3A_961, %swap3A_962] {strides = array<i32>} : memref<2x80x128xf32, #tpu.memory_space<vmem>>, vector<16xf32>,
          tpu.vector_store %arg11[%swap3A_960, %swap3A_961, %swap3A_962], %mul3A_959 {strides = array<i32>} : memref<2x80x128xf32, #tpu.memory_space<vmem>>, vector<16xf32>,
          %get3A_964 = arith.index_cast %rem3A_51 : i32 to index
          %get3A_965 = arith.index_cast %add3A_910 : i32 to index
          %get3A_966 = arith.constant 80 : index
          %get3A_967 = tpu.vector_load %arg11[%get3A_964, %get3A_965, %get3A_966] {strides = array<i32>} : memref<2x80x128xf32, #tpu.memory_space<vmem>>, vector<16xf32>,
          %mul3A_968 = arith.mulf %get3A_967, %gather3A_918 : vector<16xf32>
          %swap3A_969 = arith.index_cast %rem3A_51 : i32 to index
          %swap3A_970 = arith.index_cast %add3A_910 : i32 to index
          %swap3A_971 = arith.constant 80 : index
          %swap3A_972 = tpu.vector_load %arg11[%swap3A_969, %swap3A_970, %swap3A_971] {strides = array<i32>} : memref<2x80x128xf32, #tpu.memory_space<vmem>>, vector<16xf32>,
          tpu.vector_store %arg11[%swap3A_969, %swap3A_970, %swap3A_971], %mul3A_968 {strides = array<i32>} : memref<2x80x128xf32, #tpu.memory_space<vmem>>, vector<16xf32>,
          %get3A_973 = arith.index_cast %rem3A_51 : i32 to index
          %get3A_974 = arith.index_cast %add3A_910 : i32 to index
          %get3A_975 = arith.constant 96 : index
          %get3A_976 = tpu.vector_load %arg11[%get3A_973, %get3A_974, %get3A_975] {strides = array<i32>} : memref<2x80x128xf32, #tpu.memory_space<vmem>>, vector<16xf32>,
          %mul3A_977 = arith.mulf %get3A_976, %gather3A_918 : vector<16xf32>
          %swap3A_978 = arith.index_cast %rem3A_51 : i32 to index
          %swap3A_979 = arith.index_cast %add3A_910 : i32 to index
          %swap3A_980 = arith.constant 96 : index
          %swap3A_981 = tpu.vector_load %arg11[%swap3A_978, %swap3A_979, %swap3A_980] {strides = array<i32>} : memref<2x80x128xf32, #tpu.memory_space<vmem>>, vector<16xf32>,
          tpu.vector_store %arg11[%swap3A_978, %swap3A_979, %swap3A_980], %mul3A_977 {strides = array<i32>} : memref<2x80x128xf32, #tpu.memory_space<vmem>>, vector<16xf32>,
          %get3A_982 = arith.index_cast %rem3A_51 : i32 to index
          %get3A_983 = arith.index_cast %add3A_910 : i32 to index
          %get3A_984 = arith.constant 112 : index
          %get3A_985 = tpu.vector_load %arg11[%get3A_982, %get3A_983, %get3A_984] {strides = array<i32>} : memref<2x80x128xf32, #tpu.memory_space<vmem>>, vector<16xf32>,
          %mul3A_986 = arith.mulf %get3A_985, %gather3A_918 : vector<16xf32>
          %swap3A_987 = arith.index_cast %rem3A_51 : i32 to index
          %swap3A_988 = arith.index_cast %add3A_910 : i32 to index
          %swap3A_989 = arith.constant 112 : index
          %swap3A_990 = tpu.vector_load %arg11[%swap3A_987, %swap3A_988, %swap3A_989] {strides = array<i32>} : memref<2x80x128xf32, #tpu.memory_space<vmem>>, vector<16xf32>,
          tpu.vector_store %arg11[%swap3A_987, %swap3A_988, %swap3A_989], %mul3A_986 {strides = array<i32>} : memref<2x80x128xf32, #tpu.memory_space<vmem>>, vector<16xf32>,
          %add3A_991 = arith.constant 11 : i32
          %add3A_992 = arith.addi %mul3A_92, %add3A_991 : i32
          %broadcast_in_dim3A_993 = arith.constant 0 : i32
          %broadcast_in_dim3A_994 = vector.broadcast %broadcast_in_dim3A_993 : i32 to vector<16xi32>
          %mul3A_995 = arith.constant 80 : i32
          %mul3A_996 = arith.muli %scan3A_50, %mul3A_995 : i32
          %add3A_997 = arith.addi %mul3A_996, %add3A_992 : i32
          %add3A_998 = vector.broadcast %add3A_997 : i32 to vector<16xi32>
          %add3A_999 = arith.addi %broadcast_in_dim3A_994, %add3A_998 : vector<16xi32>
          %gather3A_1000 = tpu.vector_load_idx %arg10[%add3A_999] : memref<2000xf32, #tpu.memory_space<vmem>>[vector<16xi32>], vector<16xf32>,
          %get3A_1001 = arith.index_cast %rem3A_51 : i32 to index
          %get3A_1002 = arith.index_cast %add3A_992 : i32 to index
          %get3A_1003 = arith.constant 0 : index
          %get3A_1004 = tpu.vector_load %arg11[%get3A_1001, %get3A_1002, %get3A_1003] {strides = array<i32>} : memref<2x80x128xf32, #tpu.memory_space<vmem>>, vector<16xf32>,
          %mul3A_1005 = arith.mulf %get3A_1004, %gather3A_1000 : vector<16xf32>
          %swap3A_1006 = arith.index_cast %rem3A_51 : i32 to index
          %swap3A_1007 = arith.index_cast %add3A_992 : i32 to index
          %swap3A_1008 = arith.constant 0 : index
          %swap3A_1009 = tpu.vector_load %arg11[%swap3A_1006, %swap3A_1007, %swap3A_1008] {strides = array<i32>} : memref<2x80x128xf32, #tpu.memory_space<vmem>>, vector<16xf32>,
          tpu.vector_store %arg11[%swap3A_1006, %swap3A_1007, %swap3A_1008], %mul3A_1005 {strides = array<i32>} : memref<2x80x128xf32, #tpu.memory_space<vmem>>, vector<16xf32>,
          %get3A_1010 = arith.index_cast %rem3A_51 : i32 to index
          %get3A_1011 = arith.index_cast %add3A_992 : i32 to index
          %get3A_1012 = arith.constant 16 : index
          %get3A_1013 = tpu.vector_load %arg11[%get3A_1010, %get3A_1011, %get3A_1012] {strides = array<i32>} : memref<2x80x128xf32, #tpu.memory_space<vmem>>, vector<16xf32>,
          %mul3A_1014 = arith.mulf %get3A_1013, %gather3A_1000 : vector<16xf32>
          %swap3A_1015 = arith.index_cast %rem3A_51 : i32 to index
          %swap3A_1016 = arith.index_cast %add3A_992 : i32 to index
          %swap3A_1017 = arith.constant 16 : index
          %swap3A_1018 = tpu.vector_load %arg11[%swap3A_1015, %swap3A_1016, %swap3A_1017] {strides = array<i32>} : memref<2x80x128xf32, #tpu.memory_space<vmem>>, vector<16xf32>,
          tpu.vector_store %arg11[%swap3A_1015, %swap3A_1016, %swap3A_1017], %mul3A_1014 {strides = array<i32>} : memref<2x80x128xf32, #tpu.memory_space<vmem>>, vector<16xf32>,
          %get3A_1019 = arith.index_cast %rem3A_51 : i32 to index
          %get3A_1020 = arith.index_cast %add3A_992 : i32 to index
          %get3A_1021 = arith.constant 32 : index
          %get3A_1022 = tpu.vector_load %arg11[%get3A_1019, %get3A_1020, %get3A_1021] {strides = array<i32>} : memref<2x80x128xf32, #tpu.memory_space<vmem>>, vector<16xf32>,
          %mul3A_1023 = arith.mulf %get3A_1022, %gather3A_1000 : vector<16xf32>
          %swap3A_1024 = arith.index_cast %rem3A_51 : i32 to index
          %swap3A_1025 = arith.index_cast %add3A_992 : i32 to index
          %swap3A_1026 = arith.constant 32 : index
          %swap3A_1027 = tpu.vector_load %arg11[%swap3A_1024, %swap3A_1025, %swap3A_1026] {strides = array<i32>} : memref<2x80x128xf32, #tpu.memory_space<vmem>>, vector<16xf32>,
          tpu.vector_store %arg11[%swap3A_1024, %swap3A_1025, %swap3A_1026], %mul3A_1023 {strides = array<i32>} : memref<2x80x128xf32, #tpu.memory_space<vmem>>, vector<16xf32>,
          %get3A_1028 = arith.index_cast %rem3A_51 : i32 to index
          %get3A_1029 = arith.index_cast %add3A_992 : i32 to index
          %get3A_1030 = arith.constant 48 : index
          %get3A_1031 = tpu.vector_load %arg11[%get3A_1028, %get3A_1029, %get3A_1030] {strides = array<i32>} : memref<2x80x128xf32, #tpu.memory_space<vmem>>, vector<16xf32>,
          %mul3A_1032 = arith.mulf %get3A_1031, %gather3A_1000 : vector<16xf32>
          %swap3A_1033 = arith.index_cast %rem3A_51 : i32 to index
          %swap3A_1034 = arith.index_cast %add3A_992 : i32 to index
          %swap3A_1035 = arith.constant 48 : index
          %swap3A_1036 = tpu.vector_load %arg11[%swap3A_1033, %swap3A_1034, %swap3A_1035] {strides = array<i32>} : memref<2x80x128xf32, #tpu.memory_space<vmem>>, vector<16xf32>,
          tpu.vector_store %arg11[%swap3A_1033, %swap3A_1034, %swap3A_1035], %mul3A_1032 {strides = array<i32>} : memref<2x80x128xf32, #tpu.memory_space<vmem>>, vector<16xf32>,
          %get3A_1037 = arith.index_cast %rem3A_51 : i32 to index
          %get3A_1038 = arith.index_cast %add3A_992 : i32 to index
          %get3A_1039 = arith.constant 64 : index
          %get3A_1040 = tpu.vector_load %arg11[%get3A_1037, %get3A_1038, %get3A_1039] {strides = array<i32>} : memref<2x80x128xf32, #tpu.memory_space<vmem>>, vector<16xf32>,
          %mul3A_1041 = arith.mulf %get3A_1040, %gather3A_1000 : vector<16xf32>
          %swap3A_1042 = arith.index_cast %rem3A_51 : i32 to index
          %swap3A_1043 = arith.index_cast %add3A_992 : i32 to index
          %swap3A_1044 = arith.constant 64 : index
          %swap3A_1045 = tpu.vector_load %arg11[%swap3A_1042, %swap3A_1043, %swap3A_1044] {strides = array<i32>} : memref<2x80x128xf32, #tpu.memory_space<vmem>>, vector<16xf32>,
          tpu.vector_store %arg11[%swap3A_1042, %swap3A_1043, %swap3A_1044], %mul3A_1041 {strides = array<i32>} : memref<2x80x128xf32, #tpu.memory_space<vmem>>, vector<16xf32>,
          %get3A_1046 = arith.index_cast %rem3A_51 : i32 to index
          %get3A_1047 = arith.index_cast %add3A_992 : i32 to index
          %get3A_1048 = arith.constant 80 : index
          %get3A_1049 = tpu.vector_load %arg11[%get3A_1046, %get3A_1047, %get3A_1048] {strides = array<i32>} : memref<2x80x128xf32, #tpu.memory_space<vmem>>, vector<16xf32>,
          %mul3A_1050 = arith.mulf %get3A_1049, %gather3A_1000 : vector<16xf32>
          %swap3A_1051 = arith.index_cast %rem3A_51 : i32 to index
          %swap3A_1052 = arith.index_cast %add3A_992 : i32 to index
          %swap3A_1053 = arith.constant 80 : index
          %swap3A_1054 = tpu.vector_load %arg11[%swap3A_1051, %swap3A_1052, %swap3A_1053] {strides = array<i32>} : memref<2x80x128xf32, #tpu.memory_space<vmem>>, vector<16xf32>,
          tpu.vector_store %arg11[%swap3A_1051, %swap3A_1052, %swap3A_1053], %mul3A_1050 {strides = array<i32>} : memref<2x80x128xf32, #tpu.memory_space<vmem>>, vector<16xf32>,
          %get3A_1055 = arith.index_cast %rem3A_51 : i32 to index
          %get3A_1056 = arith.index_cast %add3A_992 : i32 to index
          %get3A_1057 = arith.constant 96 : index
          %get3A_1058 = tpu.vector_load %arg11[%get3A_1055, %get3A_1056, %get3A_1057] {strides = array<i32>} : memref<2x80x128xf32, #tpu.memory_space<vmem>>, vector<16xf32>,
          %mul3A_1059 = arith.mulf %get3A_1058, %gather3A_1000 : vector<16xf32>
          %swap3A_1060 = arith.index_cast %rem3A_51 : i32 to index
          %swap3A_1061 = arith.index_cast %add3A_992 : i32 to index
          %swap3A_1062 = arith.constant 96 : index
          %swap3A_1063 = tpu.vector_load %arg11[%swap3A_1060, %swap3A_1061, %swap3A_1062] {strides = array<i32>} : memref<2x80x128xf32, #tpu.memory_space<vmem>>, vector<16xf32>,
          tpu.vector_store %arg11[%swap3A_1060, %swap3A_1061, %swap3A_1062], %mul3A_1059 {strides = array<i32>} : memref<2x80x128xf32, #tpu.memory_space<vmem>>, vector<16xf32>,
          %get3A_1064 = arith.index_cast %rem3A_51 : i32 to index
          %get3A_1065 = arith.index_cast %add3A_992 : i32 to index
          %get3A_1066 = arith.constant 112 : index
          %get3A_1067 = tpu.vector_load %arg11[%get3A_1064, %get3A_1065, %get3A_1066] {strides = array<i32>} : memref<2x80x128xf32, #tpu.memory_space<vmem>>, vector<16xf32>,
          %mul3A_1068 = arith.mulf %get3A_1067, %gather3A_1000 : vector<16xf32>
          %swap3A_1069 = arith.index_cast %rem3A_51 : i32 to index
          %swap3A_1070 = arith.index_cast %add3A_992 : i32 to index
          %swap3A_1071 = arith.constant 112 : index
          %swap3A_1072 = tpu.vector_load %arg11[%swap3A_1069, %swap3A_1070, %swap3A_1071] {strides = array<i32>} : memref<2x80x128xf32, #tpu.memory_space<vmem>>, vector<16xf32>,
          tpu.vector_store %arg11[%swap3A_1069, %swap3A_1070, %swap3A_1071], %mul3A_1068 {strides = array<i32>} : memref<2x80x128xf32, #tpu.memory_space<vmem>>, vector<16xf32>,
          %add3A_1073 = arith.constant 12 : i32
          %add3A_1074 = arith.addi %mul3A_92, %add3A_1073 : i32
          %broadcast_in_dim3A_1075 = arith.constant 0 : i32
          %broadcast_in_dim3A_1076 = vector.broadcast %broadcast_in_dim3A_1075 : i32 to vector<16xi32>
          %mul3A_1077 = arith.constant 80 : i32
          %mul3A_1078 = arith.muli %scan3A_50, %mul3A_1077 : i32
          %add3A_1079 = arith.addi %mul3A_1078, %add3A_1074 : i32
          %add3A_1080 = vector.broadcast %add3A_1079 : i32 to vector<16xi32>
          %add3A_1081 = arith.addi %broadcast_in_dim3A_1076, %add3A_1080 : vector<16xi32>
          %gather3A_1082 = tpu.vector_load_idx %arg10[%add3A_1081] : memref<2000xf32, #tpu.memory_space<vmem>>[vector<16xi32>], vector<16xf32>,
          %get3A_1083 = arith.index_cast %rem3A_51 : i32 to index
          %get3A_1084 = arith.index_cast %add3A_1074 : i32 to index
          %get3A_1085 = arith.constant 0 : index
          %get3A_1086 = tpu.vector_load %arg11[%get3A_1083, %get3A_1084, %get3A_1085] {strides = array<i32>} : memref<2x80x128xf32, #tpu.memory_space<vmem>>, vector<16xf32>,
          %mul3A_1087 = arith.mulf %get3A_1086, %gather3A_1082 : vector<16xf32>
          %swap3A_1088 = arith.index_cast %rem3A_51 : i32 to index
          %swap3A_1089 = arith.index_cast %add3A_1074 : i32 to index
          %swap3A_1090 = arith.constant 0 : index
          %swap3A_1091 = tpu.vector_load %arg11[%swap3A_1088, %swap3A_1089, %swap3A_1090] {strides = array<i32>} : memref<2x80x128xf32, #tpu.memory_space<vmem>>, vector<16xf32>,
          tpu.vector_store %arg11[%swap3A_1088, %swap3A_1089, %swap3A_1090], %mul3A_1087 {strides = array<i32>} : memref<2x80x128xf32, #tpu.memory_space<vmem>>, vector<16xf32>,
          %get3A_1092 = arith.index_cast %rem3A_51 : i32 to index
          %get3A_1093 = arith.index_cast %add3A_1074 : i32 to index
          %get3A_1094 = arith.constant 16 : index
          %get3A_1095 = tpu.vector_load %arg11[%get3A_1092, %get3A_1093, %get3A_1094] {strides = array<i32>} : memref<2x80x128xf32, #tpu.memory_space<vmem>>, vector<16xf32>,
          %mul3A_1096 = arith.mulf %get3A_1095, %gather3A_1082 : vector<16xf32>
          %swap3A_1097 = arith.index_cast %rem3A_51 : i32 to index
          %swap3A_1098 = arith.index_cast %add3A_1074 : i32 to index
          %swap3A_1099 = arith.constant 16 : index
          %swap3A_1100 = tpu.vector_load %arg11[%swap3A_1097, %swap3A_1098, %swap3A_1099] {strides = array<i32>} : memref<2x80x128xf32, #tpu.memory_space<vmem>>, vector<16xf32>,
          tpu.vector_store %arg11[%swap3A_1097, %swap3A_1098, %swap3A_1099], %mul3A_1096 {strides = array<i32>} : memref<2x80x128xf32, #tpu.memory_space<vmem>>, vector<16xf32>,
          %get3A_1101 = arith.index_cast %rem3A_51 : i32 to index
          %get3A_1102 = arith.index_cast %add3A_1074 : i32 to index
          %get3A_1103 = arith.constant 32 : index
          %get3A_1104 = tpu.vector_load %arg11[%get3A_1101, %get3A_1102, %get3A_1103] {strides = array<i32>} : memref<2x80x128xf32, #tpu.memory_space<vmem>>, vector<16xf32>,
          %mul3A_1105 = arith.mulf %get3A_1104, %gather3A_1082 : vector<16xf32>
          %swap3A_1106 = arith.index_cast %rem3A_51 : i32 to index
          %swap3A_1107 = arith.index_cast %add3A_1074 : i32 to index
          %swap3A_1108 = arith.constant 32 : index
          %swap3A_1109 = tpu.vector_load %arg11[%swap3A_1106, %swap3A_1107, %swap3A_1108] {strides = array<i32>} : memref<2x80x128xf32, #tpu.memory_space<vmem>>, vector<16xf32>,
          tpu.vector_store %arg11[%swap3A_1106, %swap3A_1107, %swap3A_1108], %mul3A_1105 {strides = array<i32>} : memref<2x80x128xf32, #tpu.memory_space<vmem>>, vector<16xf32>,
          %get3A_1110 = arith.index_cast %rem3A_51 : i32 to index
          %get3A_1111 = arith.index_cast %add3A_1074 : i32 to index
          %get3A_1112 = arith.constant 48 : index
          %get3A_1113 = tpu.vector_load %arg11[%get3A_1110, %get3A_1111, %get3A_1112] {strides = array<i32>} : memref<2x80x128xf32, #tpu.memory_space<vmem>>, vector<16xf32>,
          %mul3A_1114 = arith.mulf %get3A_1113, %gather3A_1082 : vector<16xf32>
          %swap3A_1115 = arith.index_cast %rem3A_51 : i32 to index
          %swap3A_1116 = arith.index_cast %add3A_1074 : i32 to index
          %swap3A_1117 = arith.constant 48 : index
          %swap3A_1118 = tpu.vector_load %arg11[%swap3A_1115, %swap3A_1116, %swap3A_1117] {strides = array<i32>} : memref<2x80x128xf32, #tpu.memory_space<vmem>>, vector<16xf32>,
          tpu.vector_store %arg11[%swap3A_1115, %swap3A_1116, %swap3A_1117], %mul3A_1114 {strides = array<i32>} : memref<2x80x128xf32, #tpu.memory_space<vmem>>, vector<16xf32>,
          %get3A_1119 = arith.index_cast %rem3A_51 : i32 to index
          %get3A_1120 = arith.index_cast %add3A_1074 : i32 to index
          %get3A_1121 = arith.constant 64 : index
          %get3A_1122 = tpu.vector_load %arg11[%get3A_1119, %get3A_1120, %get3A_1121] {strides = array<i32>} : memref<2x80x128xf32, #tpu.memory_space<vmem>>, vector<16xf32>,
          %mul3A_1123 = arith.mulf %get3A_1122, %gather3A_1082 : vector<16xf32>
          %swap3A_1124 = arith.index_cast %rem3A_51 : i32 to index
          %swap3A_1125 = arith.index_cast %add3A_1074 : i32 to index
          %swap3A_1126 = arith.constant 64 : index
          %swap3A_1127 = tpu.vector_load %arg11[%swap3A_1124, %swap3A_1125, %swap3A_1126] {strides = array<i32>} : memref<2x80x128xf32, #tpu.memory_space<vmem>>, vector<16xf32>,
          tpu.vector_store %arg11[%swap3A_1124, %swap3A_1125, %swap3A_1126], %mul3A_1123 {strides = array<i32>} : memref<2x80x128xf32, #tpu.memory_space<vmem>>, vector<16xf32>,
          %get3A_1128 = arith.index_cast %rem3A_51 : i32 to index
          %get3A_1129 = arith.index_cast %add3A_1074 : i32 to index
          %get3A_1130 = arith.constant 80 : index
          %get3A_1131 = tpu.vector_load %arg11[%get3A_1128, %get3A_1129, %get3A_1130] {strides = array<i32>} : memref<2x80x128xf32, #tpu.memory_space<vmem>>, vector<16xf32>,
          %mul3A_1132 = arith.mulf %get3A_1131, %gather3A_1082 : vector<16xf32>
          %swap3A_1133 = arith.index_cast %rem3A_51 : i32 to index
          %swap3A_1134 = arith.index_cast %add3A_1074 : i32 to index
          %swap3A_1135 = arith.constant 80 : index
          %swap3A_1136 = tpu.vector_load %arg11[%swap3A_1133, %swap3A_1134, %swap3A_1135] {strides = array<i32>} : memref<2x80x128xf32, #tpu.memory_space<vmem>>, vector<16xf32>,
          tpu.vector_store %arg11[%swap3A_1133, %swap3A_1134, %swap3A_1135], %mul3A_1132 {strides = array<i32>} : memref<2x80x128xf32, #tpu.memory_space<vmem>>, vector<16xf32>,
          %get3A_1137 = arith.index_cast %rem3A_51 : i32 to index
          %get3A_1138 = arith.index_cast %add3A_1074 : i32 to index
          %get3A_1139 = arith.constant 96 : index
          %get3A_1140 = tpu.vector_load %arg11[%get3A_1137, %get3A_1138, %get3A_1139] {strides = array<i32>} : memref<2x80x128xf32, #tpu.memory_space<vmem>>, vector<16xf32>,
          %mul3A_1141 = arith.mulf %get3A_1140, %gather3A_1082 : vector<16xf32>
          %swap3A_1142 = arith.index_cast %rem3A_51 : i32 to index
          %swap3A_1143 = arith.index_cast %add3A_1074 : i32 to index
          %swap3A_1144 = arith.constant 96 : index
          %swap3A_1145 = tpu.vector_load %arg11[%swap3A_1142, %swap3A_1143, %swap3A_1144] {strides = array<i32>} : memref<2x80x128xf32, #tpu.memory_space<vmem>>, vector<16xf32>,
          tpu.vector_store %arg11[%swap3A_1142, %swap3A_1143, %swap3A_1144], %mul3A_1141 {strides = array<i32>} : memref<2x80x128xf32, #tpu.memory_space<vmem>>, vector<16xf32>,
          %get3A_1146 = arith.index_cast %rem3A_51 : i32 to index
          %get3A_1147 = arith.index_cast %add3A_1074 : i32 to index
          %get3A_1148 = arith.constant 112 : index
          %get3A_1149 = tpu.vector_load %arg11[%get3A_1146, %get3A_1147, %get3A_1148] {strides = array<i32>} : memref<2x80x128xf32, #tpu.memory_space<vmem>>, vector<16xf32>,
          %mul3A_1150 = arith.mulf %get3A_1149, %gather3A_1082 : vector<16xf32>
          %swap3A_1151 = arith.index_cast %rem3A_51 : i32 to index
          %swap3A_1152 = arith.index_cast %add3A_1074 : i32 to index
          %swap3A_1153 = arith.constant 112 : index
          %swap3A_1154 = tpu.vector_load %arg11[%swap3A_1151, %swap3A_1152, %swap3A_1153] {strides = array<i32>} : memref<2x80x128xf32, #tpu.memory_space<vmem>>, vector<16xf32>,
          tpu.vector_store %arg11[%swap3A_1151, %swap3A_1152, %swap3A_1153], %mul3A_1150 {strides = array<i32>} : memref<2x80x128xf32, #tpu.memory_space<vmem>>, vector<16xf32>,
          %add3A_1155 = arith.constant 13 : i32
          %add3A_1156 = arith.addi %mul3A_92, %add3A_1155 : i32
          %broadcast_in_dim3A_1157 = arith.constant 0 : i32
          %broadcast_in_dim3A_1158 = vector.broadcast %broadcast_in_dim3A_1157 : i32 to vector<16xi32>
          %mul3A_1159 = arith.constant 80 : i32
          %mul3A_1160 = arith.muli %scan3A_50, %mul3A_1159 : i32
          %add3A_1161 = arith.addi %mul3A_1160, %add3A_1156 : i32
          %add3A_1162 = vector.broadcast %add3A_1161 : i32 to vector<16xi32>
          %add3A_1163 = arith.addi %broadcast_in_dim3A_1158, %add3A_1162 : vector<16xi32>
          %gather3A_1164 = tpu.vector_load_idx %arg10[%add3A_1163] : memref<2000xf32, #tpu.memory_space<vmem>>[vector<16xi32>], vector<16xf32>,
          %get3A_1165 = arith.index_cast %rem3A_51 : i32 to index
          %get3A_1166 = arith.index_cast %add3A_1156 : i32 to index
          %get3A_1167 = arith.constant 0 : index
          %get3A_1168 = tpu.vector_load %arg11[%get3A_1165, %get3A_1166, %get3A_1167] {strides = array<i32>} : memref<2x80x128xf32, #tpu.memory_space<vmem>>, vector<16xf32>,
          %mul3A_1169 = arith.mulf %get3A_1168, %gather3A_1164 : vector<16xf32>
          %swap3A_1170 = arith.index_cast %rem3A_51 : i32 to index
          %swap3A_1171 = arith.index_cast %add3A_1156 : i32 to index
          %swap3A_1172 = arith.constant 0 : index
          %swap3A_1173 = tpu.vector_load %arg11[%swap3A_1170, %swap3A_1171, %swap3A_1172] {strides = array<i32>} : memref<2x80x128xf32, #tpu.memory_space<vmem>>, vector<16xf32>,
          tpu.vector_store %arg11[%swap3A_1170, %swap3A_1171, %swap3A_1172], %mul3A_1169 {strides = array<i32>} : memref<2x80x128xf32, #tpu.memory_space<vmem>>, vector<16xf32>,
          %get3A_1174 = arith.index_cast %rem3A_51 : i32 to index
          %get3A_1175 = arith.index_cast %add3A_1156 : i32 to index
          %get3A_1176 = arith.constant 16 : index
          %get3A_1177 = tpu.vector_load %arg11[%get3A_1174, %get3A_1175, %get3A_1176] {strides = array<i32>} : memref<2x80x128xf32, #tpu.memory_space<vmem>>, vector<16xf32>,
          %mul3A_1178 = arith.mulf %get3A_1177, %gather3A_1164 : vector<16xf32>
          %swap3A_1179 = arith.index_cast %rem3A_51 : i32 to index
          %swap3A_1180 = arith.index_cast %add3A_1156 : i32 to index
          %swap3A_1181 = arith.constant 16 : index
          %swap3A_1182 = tpu.vector_load %arg11[%swap3A_1179, %swap3A_1180, %swap3A_1181] {strides = array<i32>} : memref<2x80x128xf32, #tpu.memory_space<vmem>>, vector<16xf32>,
          tpu.vector_store %arg11[%swap3A_1179, %swap3A_1180, %swap3A_1181], %mul3A_1178 {strides = array<i32>} : memref<2x80x128xf32, #tpu.memory_space<vmem>>, vector<16xf32>,
          %get3A_1183 = arith.index_cast %rem3A_51 : i32 to index
          %get3A_1184 = arith.index_cast %add3A_1156 : i32 to index
          %get3A_1185 = arith.constant 32 : index
          %get3A_1186 = tpu.vector_load %arg11[%get3A_1183, %get3A_1184, %get3A_1185] {strides = array<i32>} : memref<2x80x128xf32, #tpu.memory_space<vmem>>, vector<16xf32>,
          %mul3A_1187 = arith.mulf %get3A_1186, %gather3A_1164 : vector<16xf32>
          %swap3A_1188 = arith.index_cast %rem3A_51 : i32 to index
          %swap3A_1189 = arith.index_cast %add3A_1156 : i32 to index
          %swap3A_1190 = arith.constant 32 : index
          %swap3A_1191 = tpu.vector_load %arg11[%swap3A_1188, %swap3A_1189, %swap3A_1190] {strides = array<i32>} : memref<2x80x128xf32, #tpu.memory_space<vmem>>, vector<16xf32>,
          tpu.vector_store %arg11[%swap3A_1188, %swap3A_1189, %swap3A_1190], %mul3A_1187 {strides = array<i32>} : memref<2x80x128xf32, #tpu.memory_space<vmem>>, vector<16xf32>,
          %get3A_1192 = arith.index_cast %rem3A_51 : i32 to index
          %get3A_1193 = arith.index_cast %add3A_1156 : i32 to index
          %get3A_1194 = arith.constant 48 : index
          %get3A_1195 = tpu.vector_load %arg11[%get3A_1192, %get3A_1193, %get3A_1194] {strides = array<i32>} : memref<2x80x128xf32, #tpu.memory_space<vmem>>, vector<16xf32>,
          %mul3A_1196 = arith.mulf %get3A_1195, %gather3A_1164 : vector<16xf32>
          %swap3A_1197 = arith.index_cast %rem3A_51 : i32 to index
          %swap3A_1198 = arith.index_cast %add3A_1156 : i32 to index
          %swap3A_1199 = arith.constant 48 : index
          %swap3A_1200 = tpu.vector_load %arg11[%swap3A_1197, %swap3A_1198, %swap3A_1199] {strides = array<i32>} : memref<2x80x128xf32, #tpu.memory_space<vmem>>, vector<16xf32>,
          tpu.vector_store %arg11[%swap3A_1197, %swap3A_1198, %swap3A_1199], %mul3A_1196 {strides = array<i32>} : memref<2x80x128xf32, #tpu.memory_space<vmem>>, vector<16xf32>,
          %get3A_1201 = arith.index_cast %rem3A_51 : i32 to index
          %get3A_1202 = arith.index_cast %add3A_1156 : i32 to index
          %get3A_1203 = arith.constant 64 : index
          %get3A_1204 = tpu.vector_load %arg11[%get3A_1201, %get3A_1202, %get3A_1203] {strides = array<i32>} : memref<2x80x128xf32, #tpu.memory_space<vmem>>, vector<16xf32>,
          %mul3A_1205 = arith.mulf %get3A_1204, %gather3A_1164 : vector<16xf32>
          %swap3A_1206 = arith.index_cast %rem3A_51 : i32 to index
          %swap3A_1207 = arith.index_cast %add3A_1156 : i32 to index
          %swap3A_1208 = arith.constant 64 : index
          %swap3A_1209 = tpu.vector_load %arg11[%swap3A_1206, %swap3A_1207, %swap3A_1208] {strides = array<i32>} : memref<2x80x128xf32, #tpu.memory_space<vmem>>, vector<16xf32>,
          tpu.vector_store %arg11[%swap3A_1206, %swap3A_1207, %swap3A_1208], %mul3A_1205 {strides = array<i32>} : memref<2x80x128xf32, #tpu.memory_space<vmem>>, vector<16xf32>,
          %get3A_1210 = arith.index_cast %rem3A_51 : i32 to index
          %get3A_1211 = arith.index_cast %add3A_1156 : i32 to index
          %get3A_1212 = arith.constant 80 : index
          %get3A_1213 = tpu.vector_load %arg11[%get3A_1210, %get3A_1211, %get3A_1212] {strides = array<i32>} : memref<2x80x128xf32, #tpu.memory_space<vmem>>, vector<16xf32>,
          %mul3A_1214 = arith.mulf %get3A_1213, %gather3A_1164 : vector<16xf32>
          %swap3A_1215 = arith.index_cast %rem3A_51 : i32 to index
          %swap3A_1216 = arith.index_cast %add3A_1156 : i32 to index
          %swap3A_1217 = arith.constant 80 : index
          %swap3A_1218 = tpu.vector_load %arg11[%swap3A_1215, %swap3A_1216, %swap3A_1217] {strides = array<i32>} : memref<2x80x128xf32, #tpu.memory_space<vmem>>, vector<16xf32>,
          tpu.vector_store %arg11[%swap3A_1215, %swap3A_1216, %swap3A_1217], %mul3A_1214 {strides = array<i32>} : memref<2x80x128xf32, #tpu.memory_space<vmem>>, vector<16xf32>,
          %get3A_1219 = arith.index_cast %rem3A_51 : i32 to index
          %get3A_1220 = arith.index_cast %add3A_1156 : i32 to index
          %get3A_1221 = arith.constant 96 : index
          %get3A_1222 = tpu.vector_load %arg11[%get3A_1219, %get3A_1220, %get3A_1221] {strides = array<i32>} : memref<2x80x128xf32, #tpu.memory_space<vmem>>, vector<16xf32>,
          %mul3A_1223 = arith.mulf %get3A_1222, %gather3A_1164 : vector<16xf32>
          %swap3A_1224 = arith.index_cast %rem3A_51 : i32 to index
          %swap3A_1225 = arith.index_cast %add3A_1156 : i32 to index
          %swap3A_1226 = arith.constant 96 : index
          %swap3A_1227 = tpu.vector_load %arg11[%swap3A_1224, %swap3A_1225, %swap3A_1226] {strides = array<i32>} : memref<2x80x128xf32, #tpu.memory_space<vmem>>, vector<16xf32>,
          tpu.vector_store %arg11[%swap3A_1224, %swap3A_1225, %swap3A_1226], %mul3A_1223 {strides = array<i32>} : memref<2x80x128xf32, #tpu.memory_space<vmem>>, vector<16xf32>,
          %get3A_1228 = arith.index_cast %rem3A_51 : i32 to index
          %get3A_1229 = arith.index_cast %add3A_1156 : i32 to index
          %get3A_1230 = arith.constant 112 : index
          %get3A_1231 = tpu.vector_load %arg11[%get3A_1228, %get3A_1229, %get3A_1230] {strides = array<i32>} : memref<2x80x128xf32, #tpu.memory_space<vmem>>, vector<16xf32>,
          %mul3A_1232 = arith.mulf %get3A_1231, %gather3A_1164 : vector<16xf32>
          %swap3A_1233 = arith.index_cast %rem3A_51 : i32 to index
          %swap3A_1234 = arith.index_cast %add3A_1156 : i32 to index
          %swap3A_1235 = arith.constant 112 : index
          %swap3A_1236 = tpu.vector_load %arg11[%swap3A_1233, %swap3A_1234, %swap3A_1235] {strides = array<i32>} : memref<2x80x128xf32, #tpu.memory_space<vmem>>, vector<16xf32>,
          tpu.vector_store %arg11[%swap3A_1233, %swap3A_1234, %swap3A_1235], %mul3A_1232 {strides = array<i32>} : memref<2x80x128xf32, #tpu.memory_space<vmem>>, vector<16xf32>,
          %add3A_1237 = arith.constant 14 : i32
          %add3A_1238 = arith.addi %mul3A_92, %add3A_1237 : i32
          %broadcast_in_dim3A_1239 = arith.constant 0 : i32
          %broadcast_in_dim3A_1240 = vector.broadcast %broadcast_in_dim3A_1239 : i32 to vector<16xi32>
          %mul3A_1241 = arith.constant 80 : i32
          %mul3A_1242 = arith.muli %scan3A_50, %mul3A_1241 : i32
          %add3A_1243 = arith.addi %mul3A_1242, %add3A_1238 : i32
          %add3A_1244 = vector.broadcast %add3A_1243 : i32 to vector<16xi32>
          %add3A_1245 = arith.addi %broadcast_in_dim3A_1240, %add3A_1244 : vector<16xi32>
          %gather3A_1246 = tpu.vector_load_idx %arg10[%add3A_1245] : memref<2000xf32, #tpu.memory_space<vmem>>[vector<16xi32>], vector<16xf32>,
          %get3A_1247 = arith.index_cast %rem3A_51 : i32 to index
          %get3A_1248 = arith.index_cast %add3A_1238 : i32 to index
          %get3A_1249 = arith.constant 0 : index
          %get3A_1250 = tpu.vector_load %arg11[%get3A_1247, %get3A_1248, %get3A_1249] {strides = array<i32>} : memref<2x80x128xf32, #tpu.memory_space<vmem>>, vector<16xf32>,
          %mul3A_1251 = arith.mulf %get3A_1250, %gather3A_1246 : vector<16xf32>
          %swap3A_1252 = arith.index_cast %rem3A_51 : i32 to index
          %swap3A_1253 = arith.index_cast %add3A_1238 : i32 to index
          %swap3A_1254 = arith.constant 0 : index
          %swap3A_1255 = tpu.vector_load %arg11[%swap3A_1252, %swap3A_1253, %swap3A_1254] {strides = array<i32>} : memref<2x80x128xf32, #tpu.memory_space<vmem>>, vector<16xf32>,
          tpu.vector_store %arg11[%swap3A_1252, %swap3A_1253, %swap3A_1254], %mul3A_1251 {strides = array<i32>} : memref<2x80x128xf32, #tpu.memory_space<vmem>>, vector<16xf32>,
          %get3A_1256 = arith.index_cast %rem3A_51 : i32 to index
          %get3A_1257 = arith.index_cast %add3A_1238 : i32 to index
          %get3A_1258 = arith.constant 16 : index
          %get3A_1259 = tpu.vector_load %arg11[%get3A_1256, %get3A_1257, %get3A_1258] {strides = array<i32>} : memref<2x80x128xf32, #tpu.memory_space<vmem>>, vector<16xf32>,
          %mul3A_1260 = arith.mulf %get3A_1259, %gather3A_1246 : vector<16xf32>
          %swap3A_1261 = arith.index_cast %rem3A_51 : i32 to index
          %swap3A_1262 = arith.index_cast %add3A_1238 : i32 to index
          %swap3A_1263 = arith.constant 16 : index
          %swap3A_1264 = tpu.vector_load %arg11[%swap3A_1261, %swap3A_1262, %swap3A_1263] {strides = array<i32>} : memref<2x80x128xf32, #tpu.memory_space<vmem>>, vector<16xf32>,
          tpu.vector_store %arg11[%swap3A_1261, %swap3A_1262, %swap3A_1263], %mul3A_1260 {strides = array<i32>} : memref<2x80x128xf32, #tpu.memory_space<vmem>>, vector<16xf32>,
          %get3A_1265 = arith.index_cast %rem3A_51 : i32 to index
          %get3A_1266 = arith.index_cast %add3A_1238 : i32 to index
          %get3A_1267 = arith.constant 32 : index
          %get3A_1268 = tpu.vector_load %arg11[%get3A_1265, %get3A_1266, %get3A_1267] {strides = array<i32>} : memref<2x80x128xf32, #tpu.memory_space<vmem>>, vector<16xf32>,
          %mul3A_1269 = arith.mulf %get3A_1268, %gather3A_1246 : vector<16xf32>
          %swap3A_1270 = arith.index_cast %rem3A_51 : i32 to index
          %swap3A_1271 = arith.index_cast %add3A_1238 : i32 to index
          %swap3A_1272 = arith.constant 32 : index
          %swap3A_1273 = tpu.vector_load %arg11[%swap3A_1270, %swap3A_1271, %swap3A_1272] {strides = array<i32>} : memref<2x80x128xf32, #tpu.memory_space<vmem>>, vector<16xf32>,
          tpu.vector_store %arg11[%swap3A_1270, %swap3A_1271, %swap3A_1272], %mul3A_1269 {strides = array<i32>} : memref<2x80x128xf32, #tpu.memory_space<vmem>>, vector<16xf32>,
          %get3A_1274 = arith.index_cast %rem3A_51 : i32 to index
          %get3A_1275 = arith.index_cast %add3A_1238 : i32 to index
          %get3A_1276 = arith.constant 48 : index
          %get3A_1277 = tpu.vector_load %arg11[%get3A_1274, %get3A_1275, %get3A_1276] {strides = array<i32>} : memref<2x80x128xf32, #tpu.memory_space<vmem>>, vector<16xf32>,
          %mul3A_1278 = arith.mulf %get3A_1277, %gather3A_1246 : vector<16xf32>
          %swap3A_1279 = arith.index_cast %rem3A_51 : i32 to index
          %swap3A_1280 = arith.index_cast %add3A_1238 : i32 to index
          %swap3A_1281 = arith.constant 48 : index
          %swap3A_1282 = tpu.vector_load %arg11[%swap3A_1279, %swap3A_1280, %swap3A_1281] {strides = array<i32>} : memref<2x80x128xf32, #tpu.memory_space<vmem>>, vector<16xf32>,
          tpu.vector_store %arg11[%swap3A_1279, %swap3A_1280, %swap3A_1281], %mul3A_1278 {strides = array<i32>} : memref<2x80x128xf32, #tpu.memory_space<vmem>>, vector<16xf32>,
          %get3A_1283 = arith.index_cast %rem3A_51 : i32 to index
          %get3A_1284 = arith.index_cast %add3A_1238 : i32 to index
          %get3A_1285 = arith.constant 64 : index
          %get3A_1286 = tpu.vector_load %arg11[%get3A_1283, %get3A_1284, %get3A_1285] {strides = array<i32>} : memref<2x80x128xf32, #tpu.memory_space<vmem>>, vector<16xf32>,
          %mul3A_1287 = arith.mulf %get3A_1286, %gather3A_1246 : vector<16xf32>
          %swap3A_1288 = arith.index_cast %rem3A_51 : i32 to index
          %swap3A_1289 = arith.index_cast %add3A_1238 : i32 to index
          %swap3A_1290 = arith.constant 64 : index
          %swap3A_1291 = tpu.vector_load %arg11[%swap3A_1288, %swap3A_1289, %swap3A_1290] {strides = array<i32>} : memref<2x80x128xf32, #tpu.memory_space<vmem>>, vector<16xf32>,
          tpu.vector_store %arg11[%swap3A_1288, %swap3A_1289, %swap3A_1290], %mul3A_1287 {strides = array<i32>} : memref<2x80x128xf32, #tpu.memory_space<vmem>>, vector<16xf32>,
          %get3A_1292 = arith.index_cast %rem3A_51 : i32 to index
          %get3A_1293 = arith.index_cast %add3A_1238 : i32 to index
          %get3A_1294 = arith.constant 80 : index
          %get3A_1295 = tpu.vector_load %arg11[%get3A_1292, %get3A_1293, %get3A_1294] {strides = array<i32>} : memref<2x80x128xf32, #tpu.memory_space<vmem>>, vector<16xf32>,
          %mul3A_1296 = arith.mulf %get3A_1295, %gather3A_1246 : vector<16xf32>
          %swap3A_1297 = arith.index_cast %rem3A_51 : i32 to index
          %swap3A_1298 = arith.index_cast %add3A_1238 : i32 to index
          %swap3A_1299 = arith.constant 80 : index
          %swap3A_1300 = tpu.vector_load %arg11[%swap3A_1297, %swap3A_1298, %swap3A_1299] {strides = array<i32>} : memref<2x80x128xf32, #tpu.memory_space<vmem>>, vector<16xf32>,
          tpu.vector_store %arg11[%swap3A_1297, %swap3A_1298, %swap3A_1299], %mul3A_1296 {strides = array<i32>} : memref<2x80x128xf32, #tpu.memory_space<vmem>>, vector<16xf32>,
          %get3A_1301 = arith.index_cast %rem3A_51 : i32 to index
          %get3A_1302 = arith.index_cast %add3A_1238 : i32 to index
          %get3A_1303 = arith.constant 96 : index
          %get3A_1304 = tpu.vector_load %arg11[%get3A_1301, %get3A_1302, %get3A_1303] {strides = array<i32>} : memref<2x80x128xf32, #tpu.memory_space<vmem>>, vector<16xf32>,
          %mul3A_1305 = arith.mulf %get3A_1304, %gather3A_1246 : vector<16xf32>
          %swap3A_1306 = arith.index_cast %rem3A_51 : i32 to index
          %swap3A_1307 = arith.index_cast %add3A_1238 : i32 to index
          %swap3A_1308 = arith.constant 96 : index
          %swap3A_1309 = tpu.vector_load %arg11[%swap3A_1306, %swap3A_1307, %swap3A_1308] {strides = array<i32>} : memref<2x80x128xf32, #tpu.memory_space<vmem>>, vector<16xf32>,
          tpu.vector_store %arg11[%swap3A_1306, %swap3A_1307, %swap3A_1308], %mul3A_1305 {strides = array<i32>} : memref<2x80x128xf32, #tpu.memory_space<vmem>>, vector<16xf32>,
          %get3A_1310 = arith.index_cast %rem3A_51 : i32 to index
          %get3A_1311 = arith.index_cast %add3A_1238 : i32 to index
          %get3A_1312 = arith.constant 112 : index
          %get3A_1313 = tpu.vector_load %arg11[%get3A_1310, %get3A_1311, %get3A_1312] {strides = array<i32>} : memref<2x80x128xf32, #tpu.memory_space<vmem>>, vector<16xf32>,
          %mul3A_1314 = arith.mulf %get3A_1313, %gather3A_1246 : vector<16xf32>
          %swap3A_1315 = arith.index_cast %rem3A_51 : i32 to index
          %swap3A_1316 = arith.index_cast %add3A_1238 : i32 to index
          %swap3A_1317 = arith.constant 112 : index
          %swap3A_1318 = tpu.vector_load %arg11[%swap3A_1315, %swap3A_1316, %swap3A_1317] {strides = array<i32>} : memref<2x80x128xf32, #tpu.memory_space<vmem>>, vector<16xf32>,
          tpu.vector_store %arg11[%swap3A_1315, %swap3A_1316, %swap3A_1317], %mul3A_1314 {strides = array<i32>} : memref<2x80x128xf32, #tpu.memory_space<vmem>>, vector<16xf32>,
          %add3A_1319 = arith.constant 15 : i32
          %add3A_1320 = arith.addi %mul3A_92, %add3A_1319 : i32
          %broadcast_in_dim3A_1321 = arith.constant 0 : i32
          %broadcast_in_dim3A_1322 = vector.broadcast %broadcast_in_dim3A_1321 : i32 to vector<16xi32>
          %mul3A_1323 = arith.constant 80 : i32
          %mul3A_1324 = arith.muli %scan3A_50, %mul3A_1323 : i32
          %add3A_1325 = arith.addi %mul3A_1324, %add3A_1320 : i32
          %add3A_1326 = vector.broadcast %add3A_1325 : i32 to vector<16xi32>
          %add3A_1327 = arith.addi %broadcast_in_dim3A_1322, %add3A_1326 : vector<16xi32>
          %gather3A_1328 = tpu.vector_load_idx %arg10[%add3A_1327] : memref<2000xf32, #tpu.memory_space<vmem>>[vector<16xi32>], vector<16xf32>,
          %get3A_1329 = arith.index_cast %rem3A_51 : i32 to index
          %get3A_1330 = arith.index_cast %add3A_1320 : i32 to index
          %get3A_1331 = arith.constant 0 : index
          %get3A_1332 = tpu.vector_load %arg11[%get3A_1329, %get3A_1330, %get3A_1331] {strides = array<i32>} : memref<2x80x128xf32, #tpu.memory_space<vmem>>, vector<16xf32>,
          %mul3A_1333 = arith.mulf %get3A_1332, %gather3A_1328 : vector<16xf32>
          %swap3A_1334 = arith.index_cast %rem3A_51 : i32 to index
          %swap3A_1335 = arith.index_cast %add3A_1320 : i32 to index
          %swap3A_1336 = arith.constant 0 : index
          %swap3A_1337 = tpu.vector_load %arg11[%swap3A_1334, %swap3A_1335, %swap3A_1336] {strides = array<i32>} : memref<2x80x128xf32, #tpu.memory_space<vmem>>, vector<16xf32>,
          tpu.vector_store %arg11[%swap3A_1334, %swap3A_1335, %swap3A_1336], %mul3A_1333 {strides = array<i32>} : memref<2x80x128xf32, #tpu.memory_space<vmem>>, vector<16xf32>,
          %get3A_1338 = arith.index_cast %rem3A_51 : i32 to index
          %get3A_1339 = arith.index_cast %add3A_1320 : i32 to index
          %get3A_1340 = arith.constant 16 : index
          %get3A_1341 = tpu.vector_load %arg11[%get3A_1338, %get3A_1339, %get3A_1340] {strides = array<i32>} : memref<2x80x128xf32, #tpu.memory_space<vmem>>, vector<16xf32>,
          %mul3A_1342 = arith.mulf %get3A_1341, %gather3A_1328 : vector<16xf32>
          %swap3A_1343 = arith.index_cast %rem3A_51 : i32 to index
          %swap3A_1344 = arith.index_cast %add3A_1320 : i32 to index
          %swap3A_1345 = arith.constant 16 : index
          %swap3A_1346 = tpu.vector_load %arg11[%swap3A_1343, %swap3A_1344, %swap3A_1345] {strides = array<i32>} : memref<2x80x128xf32, #tpu.memory_space<vmem>>, vector<16xf32>,
          tpu.vector_store %arg11[%swap3A_1343, %swap3A_1344, %swap3A_1345], %mul3A_1342 {strides = array<i32>} : memref<2x80x128xf32, #tpu.memory_space<vmem>>, vector<16xf32>,
          %get3A_1347 = arith.index_cast %rem3A_51 : i32 to index
          %get3A_1348 = arith.index_cast %add3A_1320 : i32 to index
          %get3A_1349 = arith.constant 32 : index
          %get3A_1350 = tpu.vector_load %arg11[%get3A_1347, %get3A_1348, %get3A_1349] {strides = array<i32>} : memref<2x80x128xf32, #tpu.memory_space<vmem>>, vector<16xf32>,
          %mul3A_1351 = arith.mulf %get3A_1350, %gather3A_1328 : vector<16xf32>
          %swap3A_1352 = arith.index_cast %rem3A_51 : i32 to index
          %swap3A_1353 = arith.index_cast %add3A_1320 : i32 to index
          %swap3A_1354 = arith.constant 32 : index
          %swap3A_1355 = tpu.vector_load %arg11[%swap3A_1352, %swap3A_1353, %swap3A_1354] {strides = array<i32>} : memref<2x80x128xf32, #tpu.memory_space<vmem>>, vector<16xf32>,
          tpu.vector_store %arg11[%swap3A_1352, %swap3A_1353, %swap3A_1354], %mul3A_1351 {strides = array<i32>} : memref<2x80x128xf32, #tpu.memory_space<vmem>>, vector<16xf32>,
          %get3A_1356 = arith.index_cast %rem3A_51 : i32 to index
          %get3A_1357 = arith.index_cast %add3A_1320 : i32 to index
          %get3A_1358 = arith.constant 48 : index
          %get3A_1359 = tpu.vector_load %arg11[%get3A_1356, %get3A_1357, %get3A_1358] {strides = array<i32>} : memref<2x80x128xf32, #tpu.memory_space<vmem>>, vector<16xf32>,
          %mul3A_1360 = arith.mulf %get3A_1359, %gather3A_1328 : vector<16xf32>
          %swap3A_1361 = arith.index_cast %rem3A_51 : i32 to index
          %swap3A_1362 = arith.index_cast %add3A_1320 : i32 to index
          %swap3A_1363 = arith.constant 48 : index
          %swap3A_1364 = tpu.vector_load %arg11[%swap3A_1361, %swap3A_1362, %swap3A_1363] {strides = array<i32>} : memref<2x80x128xf32, #tpu.memory_space<vmem>>, vector<16xf32>,
          tpu.vector_store %arg11[%swap3A_1361, %swap3A_1362, %swap3A_1363], %mul3A_1360 {strides = array<i32>} : memref<2x80x128xf32, #tpu.memory_space<vmem>>, vector<16xf32>,
          %get3A_1365 = arith.index_cast %rem3A_51 : i32 to index
          %get3A_1366 = arith.index_cast %add3A_1320 : i32 to index
          %get3A_1367 = arith.constant 64 : index
          %get3A_1368 = tpu.vector_load %arg11[%get3A_1365, %get3A_1366, %get3A_1367] {strides = array<i32>} : memref<2x80x128xf32, #tpu.memory_space<vmem>>, vector<16xf32>,
          %mul3A_1369 = arith.mulf %get3A_1368, %gather3A_1328 : vector<16xf32>
          %swap3A_1370 = arith.index_cast %rem3A_51 : i32 to index
          %swap3A_1371 = arith.index_cast %add3A_1320 : i32 to index
          %swap3A_1372 = arith.constant 64 : index
          %swap3A_1373 = tpu.vector_load %arg11[%swap3A_1370, %swap3A_1371, %swap3A_1372] {strides = array<i32>} : memref<2x80x128xf32, #tpu.memory_space<vmem>>, vector<16xf32>,
          tpu.vector_store %arg11[%swap3A_1370, %swap3A_1371, %swap3A_1372], %mul3A_1369 {strides = array<i32>} : memref<2x80x128xf32, #tpu.memory_space<vmem>>, vector<16xf32>,
          %get3A_1374 = arith.index_cast %rem3A_51 : i32 to index
          %get3A_1375 = arith.index_cast %add3A_1320 : i32 to index
          %get3A_1376 = arith.constant 80 : index
          %get3A_1377 = tpu.vector_load %arg11[%get3A_1374, %get3A_1375, %get3A_1376] {strides = array<i32>} : memref<2x80x128xf32, #tpu.memory_space<vmem>>, vector<16xf32>,
          %mul3A_1378 = arith.mulf %get3A_1377, %gather3A_1328 : vector<16xf32>
          %swap3A_1379 = arith.index_cast %rem3A_51 : i32 to index
          %swap3A_1380 = arith.index_cast %add3A_1320 : i32 to index
          %swap3A_1381 = arith.constant 80 : index
          %swap3A_1382 = tpu.vector_load %arg11[%swap3A_1379, %swap3A_1380, %swap3A_1381] {strides = array<i32>} : memref<2x80x128xf32, #tpu.memory_space<vmem>>, vector<16xf32>,
          tpu.vector_store %arg11[%swap3A_1379, %swap3A_1380, %swap3A_1381], %mul3A_1378 {strides = array<i32>} : memref<2x80x128xf32, #tpu.memory_space<vmem>>, vector<16xf32>,
          %get3A_1383 = arith.index_cast %rem3A_51 : i32 to index
          %get3A_1384 = arith.index_cast %add3A_1320 : i32 to index
          %get3A_1385 = arith.constant 96 : index
          %get3A_1386 = tpu.vector_load %arg11[%get3A_1383, %get3A_1384, %get3A_1385] {strides = array<i32>} : memref<2x80x128xf32, #tpu.memory_space<vmem>>, vector<16xf32>,
          %mul3A_1387 = arith.mulf %get3A_1386, %gather3A_1328 : vector<16xf32>
          %swap3A_1388 = arith.index_cast %rem3A_51 : i32 to index
          %swap3A_1389 = arith.index_cast %add3A_1320 : i32 to index
          %swap3A_1390 = arith.constant 96 : index
          %swap3A_1391 = tpu.vector_load %arg11[%swap3A_1388, %swap3A_1389, %swap3A_1390] {strides = array<i32>} : memref<2x80x128xf32, #tpu.memory_space<vmem>>, vector<16xf32>,
          tpu.vector_store %arg11[%swap3A_1388, %swap3A_1389, %swap3A_1390], %mul3A_1387 {strides = array<i32>} : memref<2x80x128xf32, #tpu.memory_space<vmem>>, vector<16xf32>,
          %get3A_1392 = arith.index_cast %rem3A_51 : i32 to index
          %get3A_1393 = arith.index_cast %add3A_1320 : i32 to index
          %get3A_1394 = arith.constant 112 : index
          %get3A_1395 = tpu.vector_load %arg11[%get3A_1392, %get3A_1393, %get3A_1394] {strides = array<i32>} : memref<2x80x128xf32, #tpu.memory_space<vmem>>, vector<16xf32>,
          %mul3A_1396 = arith.mulf %get3A_1395, %gather3A_1328 : vector<16xf32>
          %swap3A_1397 = arith.index_cast %rem3A_51 : i32 to index
          %swap3A_1398 = arith.index_cast %add3A_1320 : i32 to index
          %swap3A_1399 = arith.constant 112 : index
          %swap3A_1400 = tpu.vector_load %arg11[%swap3A_1397, %swap3A_1398, %swap3A_1399] {strides = array<i32>} : memref<2x80x128xf32, #tpu.memory_space<vmem>>, vector<16xf32>,
          tpu.vector_store %arg11[%swap3A_1397, %swap3A_1398, %swap3A_1399], %mul3A_1396 {strides = array<i32>} : memref<2x80x128xf32, #tpu.memory_space<vmem>>, vector<16xf32>,
        }
        %scan3A_79 = arith.constant 5 : i32
        %dma_start3A_80 = arith.constant 0 : i32
        %dma_start3A_81 = arith.constant 0 : i32
        %dma_start3A_82 = tpu.memref_slice %arg11[%rem3A_51, %dma_start3A_80, %dma_start3A_81] : memref<2x80x128xf32, #tpu.memory_space<vmem>> -> memref<1x80x128xf32, #tpu.memory_space<vmem>>
        %dma_start3A_83 = tpu.memref_squeeze %dma_start3A_82 : memref<1x80x128xf32, #tpu.memory_space<vmem>> -> memref<80x128xf32, #tpu.memory_space<vmem>>
        %dma_start3A_84 = arith.constant 0 : i32
        %dma_start3A_85 = tpu.memref_slice %arg9[%scan3A_50, %dma_start3A_84] : memref<25x80xi32, #tpu.memory_space<vmem>> -> memref<1x80xi32, #tpu.memory_space<vmem>>
        %dma_start3A_86 = tpu.memref_squeeze %dma_start3A_85 : memref<1x80xi32, #tpu.memory_space<vmem>> -> memref<80xi32, #tpu.memory_space<vmem>>
        %dma_start3A_87 = arith.constant 0 : i32
        %dma_start3A_88 = arith.constant 0 : i32
        %dma_start3A_89 = tpu.memref_slice %arg12[%dma_start3A_87, %dma_start3A_88] : memref<10112x128xf32, #tpu.memory_space<vmem_shared>> -> memref<10112x128xf32, #tpu.memory_space<vmem_shared>>
        tpu.enqueue_indirect_dma source(%dma_start3A_83 : memref<80x128xf32, #tpu.memory_space<vmem>>) target(%dma_start3A_89 : memref<10112x128xf32, #tpu.memory_space<vmem_shared>>) offsets(%dma_start3A_86 : memref<80xi32, #tpu.memory_space<vmem>>) semaphore(%arg14 : memref<!tpu.dma_semaphore, #tpu.memory_space<semaphore_mem>>) {add = true}
      }
      %scan3A_26 = arith.constant 25 : i32
      %dma_wait3A = arith.constant 0 : i32
      %dma_wait3A_27 = arith.constant 0 : i32
      %dma_wait3A_28 = arith.constant 0 : i32
      %dma_wait3A_29 = arith.constant 0 : i32
      %dma_wait3A_30 = tpu.memref_slice %arg11[%dma_wait3A, %dma_wait3A_28, %dma_wait3A_29] : memref<2x80x128xf32, #tpu.memory_space<vmem>> -> memref<1x80x128xf32, #tpu.memory_space<vmem>>
      %dma_wait3A_31 = tpu.memref_squeeze %dma_wait3A_30 : memref<1x80x128xf32, #tpu.memory_space<vmem>> -> memref<80x128xf32, #tpu.memory_space<vmem>>
      %dma_wait3A_32 = arith.constant 0 : i32
      %dma_wait3A_33 = tpu.memref_slice %arg9[%dma_wait3A_27, %dma_wait3A_32] : memref<25x80xi32, #tpu.memory_space<vmem>> -> memref<1x80xi32, #tpu.memory_space<vmem>>
      %dma_wait3A_34 = tpu.memref_squeeze %dma_wait3A_33 : memref<1x80xi32, #tpu.memory_space<vmem>> -> memref<80xi32, #tpu.memory_space<vmem>>
      %dma_wait3A_35 = arith.constant 0 : i32
      %dma_wait3A_36 = arith.constant 0 : i32
      %dma_wait3A_37 = tpu.memref_slice %arg12[%dma_wait3A_35, %dma_wait3A_36] : memref<10112x128xf32, #tpu.memory_space<vmem_shared>> -> memref<10112x128xf32, #tpu.memory_space<vmem_shared>>
      tpu.wait_indirect_dma semaphore(%arg14 : memref<!tpu.dma_semaphore, #tpu.memory_space<semaphore_mem>>) src(%dma_wait3A_31 : memref<80x128xf32, #tpu.memory_space<vmem>>) dst(%dma_wait3A_37 : memref<10112x128xf32, #tpu.memory_space<vmem_shared>>)
      %dma_wait3A_38 = arith.constant 0 : i32
      %dma_wait3A_39 = arith.constant 0 : i32
      %dma_wait3A_40 = arith.constant 0 : i32
      %dma_wait3A_41 = arith.constant 0 : i32
      %dma_wait3A_42 = tpu.memref_slice %arg11[%dma_wait3A_38, %dma_wait3A_40, %dma_wait3A_41] : memref<2x80x128xf32, #tpu.memory_space<vmem>> -> memref<1x80x128xf32, #tpu.memory_space<vmem>>
      %dma_wait3A_43 = tpu.memref_squeeze %dma_wait3A_42 : memref<1x80x128xf32, #tpu.memory_space<vmem>> -> memref<80x128xf32, #tpu.memory_space<vmem>>
      %dma_wait3A_44 = arith.constant 0 : i32
      %dma_wait3A_45 = tpu.memref_slice %arg9[%dma_wait3A_39, %dma_wait3A_44] : memref<25x80xi32, #tpu.memory_space<vmem>> -> memref<1x80xi32, #tpu.memory_space<vmem>>
      %dma_wait3A_46 = tpu.memref_squeeze %dma_wait3A_45 : memref<1x80xi32, #tpu.memory_space<vmem>> -> memref<80xi32, #tpu.memory_space<vmem>>
      %dma_wait3A_47 = arith.constant 0 : i32
      %dma_wait3A_48 = arith.constant 0 : i32
      %dma_wait3A_49 = tpu.memref_slice %arg12[%dma_wait3A_47, %dma_wait3A_48] : memref<10112x128xf32, #tpu.memory_space<vmem_shared>> -> memref<10112x128xf32, #tpu.memory_space<vmem_shared>>
      tpu.wait_indirect_dma semaphore(%arg14 : memref<!tpu.dma_semaphore, #tpu.memory_space<semaphore_mem>>) src(%dma_wait3A_43 : memref<80x128xf32, #tpu.memory_space<vmem>>) dst(%dma_wait3A_49 : memref<10112x128xf32, #tpu.memory_space<vmem_shared>>)
    }
    %scan3A_7 = arith.constant 5 : i32
    %barrier3A_8 = arith.constant 0 : index
    tpu.barrier barrier_id(%barrier3A_8)
    "tpu.region"() ({
      %run_scoped3A = tpu.sem_alloc : memref<!tpu.dma_semaphore, #tpu.memory_space<semaphore_mem>>
      %dma_start3A = arith.constant 0 : i32
      %dma_start3A_9 = tpu.memref_slice %arg7[%arg0, %mul3A_2, %dma_start3A] : memref<2x10112x128xf32, #tpu.memory_space<hbm>> -> memref<1x632x128xf32, #tpu.memory_space<hbm>>
      %dma_start3A_10 = tpu.memref_squeeze %dma_start3A_9 : memref<1x632x128xf32, #tpu.memory_space<hbm>> -> memref<632x128xf32, #tpu.memory_space<hbm>>
      %dma_start3A_11 = arith.constant 0 : i32
      %dma_start3A_12 = tpu.memref_slice %arg12[%mul3A_2, %dma_start3A_11] : memref<10112x128xf32, #tpu.memory_space<vmem_shared>> -> memref<632x128xf32, #tpu.memory_space<vmem_shared>>
      tpu.enqueue_dma source(%dma_start3A_12 : memref<632x128xf32, #tpu.memory_space<vmem_shared>>) target(%dma_start3A_10 : memref<632x128xf32, #tpu.memory_space<hbm>>) target_semaphore(%run_scoped3A : memref<!tpu.dma_semaphore, #tpu.memory_space<semaphore_mem>>)
      %dma_wait3A = arith.constant 0 : i32
      %dma_wait3A_13 = tpu.memref_slice %arg7[%arg0, %mul3A_2, %dma_wait3A] : memref<2x10112x128xf32, #tpu.memory_space<hbm>> -> memref<1x632x128xf32, #tpu.memory_space<hbm>>
      %dma_wait3A_14 = tpu.memref_squeeze %dma_wait3A_13 : memref<1x632x128xf32, #tpu.memory_space<hbm>> -> memref<632x128xf32, #tpu.memory_space<hbm>>
      %dma_wait3A_15 = arith.constant 0 : i32
      %dma_wait3A_16 = tpu.memref_slice %arg12[%mul3A_2, %dma_wait3A_15] : memref<10112x128xf32, #tpu.memory_space<vmem_shared>> -> memref<632x128xf32, #tpu.memory_space<vmem_shared>>
      tpu.wait_dma2 semaphore(%run_scoped3A : memref<!tpu.dma_semaphore, #tpu.memory_space<semaphore_mem>>) src(%dma_wait3A_16 : memref<632x128xf32, #tpu.memory_space<vmem_shared>>) dst(%dma_wait3A_14 : memref<632x128xf32, #tpu.memory_space<hbm>>)
      tpu.yield
    }) : () -> ()
    return
  }
}

#map = affine_map<(d0, d1) -> (0)>
#map1 = affine_map<(d0, d1) -> (0, 0, 0)>
module attributes {stable_mosaic.version = 14 : i64} {
  func.func @wpass(%arg0: i32, %arg1: i32, %arg2: memref<10000xf32, #tpu.memory_space<hbm>>, %arg3: memref<10000xf32, #tpu.memory_space<hbm>>, %arg4: memref<32x125x80xi32, #tpu.memory_space<hbm>>, %arg5: memref<32x125x80xi32, #tpu.memory_space<hbm>>, %arg6: memref<32x125x80xf32, #tpu.memory_space<hbm>>, %arg7: memref<323584xf32, #tpu.memory_space<hbm>>, %arg8: memref<125x80xi32, #tpu.memory_space<vmem>>, %arg9: memref<125x80xi32, #tpu.memory_space<vmem>>, %arg10: memref<10000xf32, #tpu.memory_space<vmem>>, %arg11: memref<10000xf32, #tpu.memory_space<vmem>>, %arg12: memref<10000xf32, #tpu.memory_space<vmem>>, %arg13: memref<125x80xf32, #tpu.memory_space<vmem>>) attributes {dimension_semantics = [#tpu.dimension_semantics<core_parallel>, #tpu.dimension_semantics<subcore_parallel>], iteration_bounds = array<i64: 2, 16>, scalar_prefetch = 0 : i64, scratch_operands = 6 : i64, tpu.core_type = #tpu.core_type<sc_vector_subcore>, window_params = [{transform_indices = #map}, {transform_indices = #map}, {transform_indices = #map1}, {transform_indices = #map1}, {transform_indices = #map1}, {transform_indices = #map}]} {
    %mul3A = arith.constant 2 : i32
    %mul3A_0 = arith.muli %arg1, %mul3A : i32
    %add3A = arith.addi %mul3A_0, %arg0 : i32
    "tpu.region"() ({
      %run_scoped3A = tpu.sem_alloc : memref<!tpu.dma_semaphore, #tpu.memory_space<semaphore_mem>>
      %dma_start3A = arith.constant 0 : i32
      %dma_start3A_14 = arith.constant 0 : i32
      %dma_start3A_15 = tpu.memref_slice %arg4[%add3A, %dma_start3A, %dma_start3A_14] : memref<32x125x80xi32, #tpu.memory_space<hbm>> -> memref<1x125x80xi32, #tpu.memory_space<hbm>>
      %dma_start3A_16 = tpu.memref_squeeze %dma_start3A_15 : memref<1x125x80xi32, #tpu.memory_space<hbm>> -> memref<125x80xi32, #tpu.memory_space<hbm>>
      %dma_start3A_17 = arith.constant 0 : i32
      %dma_start3A_18 = arith.constant 0 : i32
      %dma_start3A_19 = tpu.memref_slice %arg4[%add3A, %dma_start3A_17, %dma_start3A_18] : memref<32x125x80xi32, #tpu.memory_space<hbm>> -> memref<1x125x80xi32, #tpu.memory_space<hbm>>
      %dma_start3A_20 = tpu.memref_squeeze %dma_start3A_19 : memref<1x125x80xi32, #tpu.memory_space<hbm>> -> memref<125x80xi32, #tpu.memory_space<hbm>>
      tpu.enqueue_dma source(%dma_start3A_20 : memref<125x80xi32, #tpu.memory_space<hbm>>) target(%arg8 : memref<125x80xi32, #tpu.memory_space<vmem>>) target_semaphore(%run_scoped3A : memref<!tpu.dma_semaphore, #tpu.memory_space<semaphore_mem>>)
      %dma_wait3A = arith.constant 0 : i32
      %dma_wait3A_21 = arith.constant 0 : i32
      %dma_wait3A_22 = tpu.memref_slice %arg4[%add3A, %dma_wait3A, %dma_wait3A_21] : memref<32x125x80xi32, #tpu.memory_space<hbm>> -> memref<1x125x80xi32, #tpu.memory_space<hbm>>
      %dma_wait3A_23 = tpu.memref_squeeze %dma_wait3A_22 : memref<1x125x80xi32, #tpu.memory_space<hbm>> -> memref<125x80xi32, #tpu.memory_space<hbm>>
      %dma_wait3A_24 = arith.constant 0 : i32
      %dma_wait3A_25 = arith.constant 0 : i32
      %dma_wait3A_26 = tpu.memref_slice %arg4[%add3A, %dma_wait3A_24, %dma_wait3A_25] : memref<32x125x80xi32, #tpu.memory_space<hbm>> -> memref<1x125x80xi32, #tpu.memory_space<hbm>>
      %dma_wait3A_27 = tpu.memref_squeeze %dma_wait3A_26 : memref<1x125x80xi32, #tpu.memory_space<hbm>> -> memref<125x80xi32, #tpu.memory_space<hbm>>
      tpu.wait_dma2 semaphore(%run_scoped3A : memref<!tpu.dma_semaphore, #tpu.memory_space<semaphore_mem>>) src(%dma_wait3A_27 : memref<125x80xi32, #tpu.memory_space<hbm>>) dst(%arg8 : memref<125x80xi32, #tpu.memory_space<vmem>>)
      tpu.yield
    }) : () -> ()
    "tpu.region"() ({
      %run_scoped3A = tpu.sem_alloc : memref<!tpu.dma_semaphore, #tpu.memory_space<semaphore_mem>>
      %dma_start3A = arith.constant 0 : i32
      %dma_start3A_14 = arith.constant 0 : i32
      %dma_start3A_15 = tpu.memref_slice %arg5[%add3A, %dma_start3A, %dma_start3A_14] : memref<32x125x80xi32, #tpu.memory_space<hbm>> -> memref<1x125x80xi32, #tpu.memory_space<hbm>>
      %dma_start3A_16 = tpu.memref_squeeze %dma_start3A_15 : memref<1x125x80xi32, #tpu.memory_space<hbm>> -> memref<125x80xi32, #tpu.memory_space<hbm>>
      %dma_start3A_17 = arith.constant 0 : i32
      %dma_start3A_18 = arith.constant 0 : i32
      %dma_start3A_19 = tpu.memref_slice %arg5[%add3A, %dma_start3A_17, %dma_start3A_18] : memref<32x125x80xi32, #tpu.memory_space<hbm>> -> memref<1x125x80xi32, #tpu.memory_space<hbm>>
      %dma_start3A_20 = tpu.memref_squeeze %dma_start3A_19 : memref<1x125x80xi32, #tpu.memory_space<hbm>> -> memref<125x80xi32, #tpu.memory_space<hbm>>
      tpu.enqueue_dma source(%dma_start3A_20 : memref<125x80xi32, #tpu.memory_space<hbm>>) target(%arg9 : memref<125x80xi32, #tpu.memory_space<vmem>>) target_semaphore(%run_scoped3A : memref<!tpu.dma_semaphore, #tpu.memory_space<semaphore_mem>>)
      %dma_wait3A = arith.constant 0 : i32
      %dma_wait3A_21 = arith.constant 0 : i32
      %dma_wait3A_22 = tpu.memref_slice %arg5[%add3A, %dma_wait3A, %dma_wait3A_21] : memref<32x125x80xi32, #tpu.memory_space<hbm>> -> memref<1x125x80xi32, #tpu.memory_space<hbm>>
      %dma_wait3A_23 = tpu.memref_squeeze %dma_wait3A_22 : memref<1x125x80xi32, #tpu.memory_space<hbm>> -> memref<125x80xi32, #tpu.memory_space<hbm>>
      %dma_wait3A_24 = arith.constant 0 : i32
      %dma_wait3A_25 = arith.constant 0 : i32
      %dma_wait3A_26 = tpu.memref_slice %arg5[%add3A, %dma_wait3A_24, %dma_wait3A_25] : memref<32x125x80xi32, #tpu.memory_space<hbm>> -> memref<1x125x80xi32, #tpu.memory_space<hbm>>
      %dma_wait3A_27 = tpu.memref_squeeze %dma_wait3A_26 : memref<1x125x80xi32, #tpu.memory_space<hbm>> -> memref<125x80xi32, #tpu.memory_space<hbm>>
      tpu.wait_dma2 semaphore(%run_scoped3A : memref<!tpu.dma_semaphore, #tpu.memory_space<semaphore_mem>>) src(%dma_wait3A_27 : memref<125x80xi32, #tpu.memory_space<hbm>>) dst(%arg9 : memref<125x80xi32, #tpu.memory_space<vmem>>)
      tpu.yield
    }) : () -> ()
    "tpu.region"() ({
      %run_scoped3A = tpu.sem_alloc : memref<!tpu.dma_semaphore, #tpu.memory_space<semaphore_mem>>
      tpu.enqueue_dma source(%arg2 : memref<10000xf32, #tpu.memory_space<hbm>>) target(%arg10 : memref<10000xf32, #tpu.memory_space<vmem>>) target_semaphore(%run_scoped3A : memref<!tpu.dma_semaphore, #tpu.memory_space<semaphore_mem>>)
      tpu.wait_dma2 semaphore(%run_scoped3A : memref<!tpu.dma_semaphore, #tpu.memory_space<semaphore_mem>>) src(%arg2 : memref<10000xf32, #tpu.memory_space<hbm>>) dst(%arg10 : memref<10000xf32, #tpu.memory_space<vmem>>)
      tpu.yield
    }) : () -> ()
    "tpu.region"() ({
      %run_scoped3A = tpu.sem_alloc : memref<!tpu.dma_semaphore, #tpu.memory_space<semaphore_mem>>
      tpu.enqueue_dma source(%arg3 : memref<10000xf32, #tpu.memory_space<hbm>>) target(%arg11 : memref<10000xf32, #tpu.memory_space<vmem>>) target_semaphore(%run_scoped3A : memref<!tpu.dma_semaphore, #tpu.memory_space<semaphore_mem>>)
      tpu.wait_dma2 semaphore(%run_scoped3A : memref<!tpu.dma_semaphore, #tpu.memory_space<semaphore_mem>>) src(%arg3 : memref<10000xf32, #tpu.memory_space<hbm>>) dst(%arg11 : memref<10000xf32, #tpu.memory_space<vmem>>)
      tpu.yield
    }) : () -> ()
    %scan3A = arith.constant 0 : i32
    %scan3A_1 = arith.constant 0 : i32
    %scan3A_2 = arith.constant 625 : i32
    %scan3A_3 = arith.addi %scan3A_1, %scan3A_2 : i32
    %scan3A_4 = arith.constant 1 : i32
    scf.for %scan3A_14 = %scan3A_1 to %scan3A_3 step %scan3A_4  : i32 {
      %broadcast_in_dim3A = arith.constant 0.000000e+00 : f32
      %broadcast_in_dim3A_15 = vector.broadcast %broadcast_in_dim3A : f32 to vector<16xf32>
      %mul3A_16 = arith.constant 16 : i32
      %mul3A_17 = arith.muli %scan3A_14, %mul3A_16 : i32
      %swap3A = arith.index_cast %mul3A_17 : i32 to index
      %swap3A_18 = tpu.vector_load %arg12[%swap3A] {strides = array<i32>} : memref<10000xf32, #tpu.memory_space<vmem>>, vector<16xf32>,
      tpu.vector_store %arg12[%swap3A], %broadcast_in_dim3A_15 {strides = array<i32>} : memref<10000xf32, #tpu.memory_space<vmem>>, vector<16xf32>,
    }
    %scan3A_5 = arith.constant 625 : i32
    %scan3A_6 = arith.constant 0 : i32
    %scan3A_7 = arith.constant 0 : i32
    %scan3A_8 = arith.constant 125 : i32
    %scan3A_9 = arith.addi %scan3A_7, %scan3A_8 : i32
    %scan3A_10 = arith.constant 1 : i32
    scf.for %scan3A_14 = %scan3A_7 to %scan3A_9 step %scan3A_10  : i32 {
      %scan3A_15 = arith.constant 0 : i32
      %scan3A_16 = arith.constant 0 : i32
      %scan3A_17 = arith.constant 5 : i32
      %scan3A_18 = arith.addi %scan3A_16, %scan3A_17 : i32
      %scan3A_19 = arith.constant 1 : i32
      scf.for %scan3A_21 = %scan3A_16 to %scan3A_18 step %scan3A_19  : i32 {
        %mul3A_22 = arith.constant 16 : i32
        %mul3A_23 = arith.muli %scan3A_21, %mul3A_22 : i32
        %get3A = arith.index_cast %scan3A_14 : i32 to index
        %get3A_24 = arith.index_cast %mul3A_23 : i32 to index
        %get3A_25 = tpu.vector_load %arg8[%get3A, %get3A_24] {strides = array<i32>} : memref<125x80xi32, #tpu.memory_space<vmem>>, vector<16xi32>,
        %mul3A_26 = arith.constant 16 : i32
        %mul3A_27 = arith.muli %scan3A_21, %mul3A_26 : i32
        %get3A_28 = arith.index_cast %scan3A_14 : i32 to index
        %get3A_29 = arith.index_cast %mul3A_27 : i32 to index
        %get3A_30 = tpu.vector_load %arg9[%get3A_28, %get3A_29] {strides = array<i32>} : memref<125x80xi32, #tpu.memory_space<vmem>>, vector<16xi32>,
        %gather3A = tpu.vector_load_idx %arg10[%get3A_25] : memref<10000xf32, #tpu.memory_space<vmem>>[vector<16xi32>], vector<16xf32>,
        %gather3A_31 = tpu.vector_load_idx %arg11[%get3A_30] : memref<10000xf32, #tpu.memory_space<vmem>>[vector<16xi32>], vector<16xf32>,
        %add3A_32 = arith.addf %gather3A, %gather3A_31 : vector<16xf32>
        %ge3A = arith.constant 0.000000e+00 : f32
        %ge3A_33 = vector.broadcast %ge3A : f32 to vector<16xf32>
        %ge3A_34 = arith.cmpf oge, %add3A_32, %ge3A_33 : vector<16xf32>
        %mul3A_35 = arith.constant 2.000000e-01 : f32
        %mul3A_36 = vector.broadcast %mul3A_35 : f32 to vector<16xf32>
        %mul3A_37 = arith.mulf %add3A_32, %mul3A_36 : vector<16xf32>
        %select_n3A = arith.select %ge3A_34, %add3A_32, %mul3A_37 : vector<16xi1>, vector<16xf32>
        %exp3A = math.exp %select_n3A : vector<16xf32>
        %mul3A_38 = arith.constant 16 : i32
        %mul3A_39 = arith.muli %scan3A_21, %mul3A_38 : i32
        %swap3A = arith.index_cast %scan3A_14 : i32 to index
        %swap3A_40 = arith.index_cast %mul3A_39 : i32 to index
        %swap3A_41 = tpu.vector_load %arg13[%swap3A, %swap3A_40] {strides = array<i32>} : memref<125x80xf32, #tpu.memory_space<vmem>>, vector<16xf32>,
        tpu.vector_store %arg13[%swap3A, %swap3A_40], %exp3A {strides = array<i32>} : memref<125x80xf32, #tpu.memory_space<vmem>>, vector<16xf32>,
        tpu.vector_store_idx %arg12[%get3A_30], %exp3A {add = true} : memref<10000xf32, #tpu.memory_space<vmem>>[vector<16xi32>], vector<16xf32>,
      }
      %scan3A_20 = arith.constant 5 : i32
    }
    %scan3A_11 = arith.constant 125 : i32
    "tpu.region"() ({
      %run_scoped3A = tpu.sem_alloc : memref<!tpu.dma_semaphore, #tpu.memory_space<semaphore_mem>>
      %dma_start3A = arith.constant 0 : i32
      %dma_start3A_14 = arith.constant 0 : i32
      %dma_start3A_15 = tpu.memref_slice %arg6[%add3A, %dma_start3A, %dma_start3A_14] : memref<32x125x80xf32, #tpu.memory_space<hbm>> -> memref<1x125x80xf32, #tpu.memory_space<hbm>>
      %dma_start3A_16 = tpu.memref_squeeze %dma_start3A_15 : memref<1x125x80xf32, #tpu.memory_space<hbm>> -> memref<125x80xf32, #tpu.memory_space<hbm>>
      %dma_start3A_17 = arith.constant 0 : i32
      %dma_start3A_18 = arith.constant 0 : i32
      %dma_start3A_19 = tpu.memref_slice %arg6[%add3A, %dma_start3A_17, %dma_start3A_18] : memref<32x125x80xf32, #tpu.memory_space<hbm>> -> memref<1x125x80xf32, #tpu.memory_space<hbm>>
      %dma_start3A_20 = tpu.memref_squeeze %dma_start3A_19 : memref<1x125x80xf32, #tpu.memory_space<hbm>> -> memref<125x80xf32, #tpu.memory_space<hbm>>
      tpu.enqueue_dma source(%arg13 : memref<125x80xf32, #tpu.memory_space<vmem>>) target(%dma_start3A_20 : memref<125x80xf32, #tpu.memory_space<hbm>>) target_semaphore(%run_scoped3A : memref<!tpu.dma_semaphore, #tpu.memory_space<semaphore_mem>>)
      %dma_wait3A = arith.constant 0 : i32
      %dma_wait3A_21 = arith.constant 0 : i32
      %dma_wait3A_22 = tpu.memref_slice %arg6[%add3A, %dma_wait3A, %dma_wait3A_21] : memref<32x125x80xf32, #tpu.memory_space<hbm>> -> memref<1x125x80xf32, #tpu.memory_space<hbm>>
      %dma_wait3A_23 = tpu.memref_squeeze %dma_wait3A_22 : memref<1x125x80xf32, #tpu.memory_space<hbm>> -> memref<125x80xf32, #tpu.memory_space<hbm>>
      %dma_wait3A_24 = arith.constant 0 : i32
      %dma_wait3A_25 = arith.constant 0 : i32
      %dma_wait3A_26 = tpu.memref_slice %arg6[%add3A, %dma_wait3A_24, %dma_wait3A_25] : memref<32x125x80xf32, #tpu.memory_space<hbm>> -> memref<1x125x80xf32, #tpu.memory_space<hbm>>
      %dma_wait3A_27 = tpu.memref_squeeze %dma_wait3A_26 : memref<1x125x80xf32, #tpu.memory_space<hbm>> -> memref<125x80xf32, #tpu.memory_space<hbm>>
      tpu.wait_dma2 semaphore(%run_scoped3A : memref<!tpu.dma_semaphore, #tpu.memory_space<semaphore_mem>>) src(%arg13 : memref<125x80xf32, #tpu.memory_space<vmem>>) dst(%dma_wait3A_27 : memref<125x80xf32, #tpu.memory_space<hbm>>)
      tpu.yield
    }) : () -> ()
    %mul3A_12 = arith.constant 10112 : i32
    %mul3A_13 = arith.muli %add3A, %mul3A_12 : i32
    "tpu.region"() ({
      %run_scoped3A = tpu.sem_alloc : memref<!tpu.dma_semaphore, #tpu.memory_space<semaphore_mem>>
      %dma_start3A = tpu.memref_slice %arg7[%mul3A_13] : memref<323584xf32, #tpu.memory_space<hbm>> -> memref<10000xf32, #tpu.memory_space<hbm>>
      %dma_start3A_14 = tpu.memref_slice %arg7[%mul3A_13] : memref<323584xf32, #tpu.memory_space<hbm>> -> memref<10000xf32, #tpu.memory_space<hbm>>
      tpu.enqueue_dma source(%arg12 : memref<10000xf32, #tpu.memory_space<vmem>>) target(%dma_start3A_14 : memref<10000xf32, #tpu.memory_space<hbm>>) target_semaphore(%run_scoped3A : memref<!tpu.dma_semaphore, #tpu.memory_space<semaphore_mem>>)
      %dma_wait3A = tpu.memref_slice %arg7[%mul3A_13] : memref<323584xf32, #tpu.memory_space<hbm>> -> memref<10000xf32, #tpu.memory_space<hbm>>
      %dma_wait3A_15 = tpu.memref_slice %arg7[%mul3A_13] : memref<323584xf32, #tpu.memory_space<hbm>> -> memref<10000xf32, #tpu.memory_space<hbm>>
      tpu.wait_dma2 semaphore(%run_scoped3A : memref<!tpu.dma_semaphore, #tpu.memory_space<semaphore_mem>>) src(%arg12 : memref<10000xf32, #tpu.memory_space<vmem>>) dst(%dma_wait3A_15 : memref<10000xf32, #tpu.memory_space<hbm>>)
      tpu.yield
    }) : () -> ()
    return
  }
}

#map = affine_map<(d0, d1) -> (0)>
#map1 = affine_map<(d0, d1) -> (0, 0, 0)>
module attributes {stable_mosaic.version = 14 : i64} {
  func.func @wpass(%arg0: i32, %arg1: i32, %arg2: memref<10000xf32, #tpu.memory_space<hbm>>, %arg3: memref<10000xf32, #tpu.memory_space<hbm>>, %arg4: memref<32x125x80xi32, #tpu.memory_space<hbm>>, %arg5: memref<32x125x80xi32, #tpu.memory_space<hbm>>, %arg6: memref<32x125x80xf32, #tpu.memory_space<hbm>>, %arg7: memref<323584xf32, #tpu.memory_space<hbm>>, %arg8: memref<125x80xi32, #tpu.memory_space<vmem>>, %arg9: memref<125x80xi32, #tpu.memory_space<vmem>>, %arg10: memref<10000xf32, #tpu.memory_space<vmem>>, %arg11: memref<10000xf32, #tpu.memory_space<vmem>>, %arg12: memref<10000xf32, #tpu.memory_space<vmem>>, %arg13: memref<125x80xf32, #tpu.memory_space<vmem>>) attributes {dimension_semantics = [#tpu.dimension_semantics<core_parallel>, #tpu.dimension_semantics<subcore_parallel>], iteration_bounds = array<i64: 2, 16>, scalar_prefetch = 0 : i64, scratch_operands = 6 : i64, tpu.core_type = #tpu.core_type<sc_vector_subcore>, window_params = [{transform_indices = #map}, {transform_indices = #map}, {transform_indices = #map1}, {transform_indices = #map1}, {transform_indices = #map1}, {transform_indices = #map}]} {
    %mul3A = arith.constant 2 : i32
    %mul3A_0 = arith.muli %arg1, %mul3A : i32
    %add3A = arith.addi %mul3A_0, %arg0 : i32
    "tpu.region"() ({
      %run_scoped3A = tpu.sem_alloc : memref<!tpu.dma_semaphore, #tpu.memory_space<semaphore_mem>>
      %dma_start3A = arith.constant 0 : i32
      %dma_start3A_14 = arith.constant 0 : i32
      %dma_start3A_15 = tpu.memref_slice %arg4[%add3A, %dma_start3A, %dma_start3A_14] : memref<32x125x80xi32, #tpu.memory_space<hbm>> -> memref<1x125x80xi32, #tpu.memory_space<hbm>>
      %dma_start3A_16 = tpu.memref_squeeze %dma_start3A_15 : memref<1x125x80xi32, #tpu.memory_space<hbm>> -> memref<125x80xi32, #tpu.memory_space<hbm>>
      %dma_start3A_17 = arith.constant 0 : i32
      %dma_start3A_18 = arith.constant 0 : i32
      %dma_start3A_19 = tpu.memref_slice %arg4[%add3A, %dma_start3A_17, %dma_start3A_18] : memref<32x125x80xi32, #tpu.memory_space<hbm>> -> memref<1x125x80xi32, #tpu.memory_space<hbm>>
      %dma_start3A_20 = tpu.memref_squeeze %dma_start3A_19 : memref<1x125x80xi32, #tpu.memory_space<hbm>> -> memref<125x80xi32, #tpu.memory_space<hbm>>
      tpu.enqueue_dma source(%dma_start3A_20 : memref<125x80xi32, #tpu.memory_space<hbm>>) target(%arg8 : memref<125x80xi32, #tpu.memory_space<vmem>>) target_semaphore(%run_scoped3A : memref<!tpu.dma_semaphore, #tpu.memory_space<semaphore_mem>>)
      %dma_wait3A = arith.constant 0 : i32
      %dma_wait3A_21 = arith.constant 0 : i32
      %dma_wait3A_22 = tpu.memref_slice %arg4[%add3A, %dma_wait3A, %dma_wait3A_21] : memref<32x125x80xi32, #tpu.memory_space<hbm>> -> memref<1x125x80xi32, #tpu.memory_space<hbm>>
      %dma_wait3A_23 = tpu.memref_squeeze %dma_wait3A_22 : memref<1x125x80xi32, #tpu.memory_space<hbm>> -> memref<125x80xi32, #tpu.memory_space<hbm>>
      %dma_wait3A_24 = arith.constant 0 : i32
      %dma_wait3A_25 = arith.constant 0 : i32
      %dma_wait3A_26 = tpu.memref_slice %arg4[%add3A, %dma_wait3A_24, %dma_wait3A_25] : memref<32x125x80xi32, #tpu.memory_space<hbm>> -> memref<1x125x80xi32, #tpu.memory_space<hbm>>
      %dma_wait3A_27 = tpu.memref_squeeze %dma_wait3A_26 : memref<1x125x80xi32, #tpu.memory_space<hbm>> -> memref<125x80xi32, #tpu.memory_space<hbm>>
      tpu.wait_dma2 semaphore(%run_scoped3A : memref<!tpu.dma_semaphore, #tpu.memory_space<semaphore_mem>>) src(%dma_wait3A_27 : memref<125x80xi32, #tpu.memory_space<hbm>>) dst(%arg8 : memref<125x80xi32, #tpu.memory_space<vmem>>)
      tpu.yield
    }) : () -> ()
    "tpu.region"() ({
      %run_scoped3A = tpu.sem_alloc : memref<!tpu.dma_semaphore, #tpu.memory_space<semaphore_mem>>
      %dma_start3A = arith.constant 0 : i32
      %dma_start3A_14 = arith.constant 0 : i32
      %dma_start3A_15 = tpu.memref_slice %arg5[%add3A, %dma_start3A, %dma_start3A_14] : memref<32x125x80xi32, #tpu.memory_space<hbm>> -> memref<1x125x80xi32, #tpu.memory_space<hbm>>
      %dma_start3A_16 = tpu.memref_squeeze %dma_start3A_15 : memref<1x125x80xi32, #tpu.memory_space<hbm>> -> memref<125x80xi32, #tpu.memory_space<hbm>>
      %dma_start3A_17 = arith.constant 0 : i32
      %dma_start3A_18 = arith.constant 0 : i32
      %dma_start3A_19 = tpu.memref_slice %arg5[%add3A, %dma_start3A_17, %dma_start3A_18] : memref<32x125x80xi32, #tpu.memory_space<hbm>> -> memref<1x125x80xi32, #tpu.memory_space<hbm>>
      %dma_start3A_20 = tpu.memref_squeeze %dma_start3A_19 : memref<1x125x80xi32, #tpu.memory_space<hbm>> -> memref<125x80xi32, #tpu.memory_space<hbm>>
      tpu.enqueue_dma source(%dma_start3A_20 : memref<125x80xi32, #tpu.memory_space<hbm>>) target(%arg9 : memref<125x80xi32, #tpu.memory_space<vmem>>) target_semaphore(%run_scoped3A : memref<!tpu.dma_semaphore, #tpu.memory_space<semaphore_mem>>)
      %dma_wait3A = arith.constant 0 : i32
      %dma_wait3A_21 = arith.constant 0 : i32
      %dma_wait3A_22 = tpu.memref_slice %arg5[%add3A, %dma_wait3A, %dma_wait3A_21] : memref<32x125x80xi32, #tpu.memory_space<hbm>> -> memref<1x125x80xi32, #tpu.memory_space<hbm>>
      %dma_wait3A_23 = tpu.memref_squeeze %dma_wait3A_22 : memref<1x125x80xi32, #tpu.memory_space<hbm>> -> memref<125x80xi32, #tpu.memory_space<hbm>>
      %dma_wait3A_24 = arith.constant 0 : i32
      %dma_wait3A_25 = arith.constant 0 : i32
      %dma_wait3A_26 = tpu.memref_slice %arg5[%add3A, %dma_wait3A_24, %dma_wait3A_25] : memref<32x125x80xi32, #tpu.memory_space<hbm>> -> memref<1x125x80xi32, #tpu.memory_space<hbm>>
      %dma_wait3A_27 = tpu.memref_squeeze %dma_wait3A_26 : memref<1x125x80xi32, #tpu.memory_space<hbm>> -> memref<125x80xi32, #tpu.memory_space<hbm>>
      tpu.wait_dma2 semaphore(%run_scoped3A : memref<!tpu.dma_semaphore, #tpu.memory_space<semaphore_mem>>) src(%dma_wait3A_27 : memref<125x80xi32, #tpu.memory_space<hbm>>) dst(%arg9 : memref<125x80xi32, #tpu.memory_space<vmem>>)
      tpu.yield
    }) : () -> ()
    "tpu.region"() ({
      %run_scoped3A = tpu.sem_alloc : memref<!tpu.dma_semaphore, #tpu.memory_space<semaphore_mem>>
      tpu.enqueue_dma source(%arg2 : memref<10000xf32, #tpu.memory_space<hbm>>) target(%arg10 : memref<10000xf32, #tpu.memory_space<vmem>>) target_semaphore(%run_scoped3A : memref<!tpu.dma_semaphore, #tpu.memory_space<semaphore_mem>>)
      tpu.wait_dma2 semaphore(%run_scoped3A : memref<!tpu.dma_semaphore, #tpu.memory_space<semaphore_mem>>) src(%arg2 : memref<10000xf32, #tpu.memory_space<hbm>>) dst(%arg10 : memref<10000xf32, #tpu.memory_space<vmem>>)
      tpu.yield
    }) : () -> ()
    "tpu.region"() ({
      %run_scoped3A = tpu.sem_alloc : memref<!tpu.dma_semaphore, #tpu.memory_space<semaphore_mem>>
      tpu.enqueue_dma source(%arg3 : memref<10000xf32, #tpu.memory_space<hbm>>) target(%arg11 : memref<10000xf32, #tpu.memory_space<vmem>>) target_semaphore(%run_scoped3A : memref<!tpu.dma_semaphore, #tpu.memory_space<semaphore_mem>>)
      tpu.wait_dma2 semaphore(%run_scoped3A : memref<!tpu.dma_semaphore, #tpu.memory_space<semaphore_mem>>) src(%arg3 : memref<10000xf32, #tpu.memory_space<hbm>>) dst(%arg11 : memref<10000xf32, #tpu.memory_space<vmem>>)
      tpu.yield
    }) : () -> ()
    %scan3A = arith.constant 0 : i32
    %scan3A_1 = arith.constant 0 : i32
    %scan3A_2 = arith.constant 625 : i32
    %scan3A_3 = arith.addi %scan3A_1, %scan3A_2 : i32
    %scan3A_4 = arith.constant 1 : i32
    scf.for %scan3A_14 = %scan3A_1 to %scan3A_3 step %scan3A_4  : i32 {
      %broadcast_in_dim3A = arith.constant 0.000000e+00 : f32
      %broadcast_in_dim3A_15 = vector.broadcast %broadcast_in_dim3A : f32 to vector<16xf32>
      %mul3A_16 = arith.constant 16 : i32
      %mul3A_17 = arith.muli %scan3A_14, %mul3A_16 : i32
      %swap3A = arith.index_cast %mul3A_17 : i32 to index
      %swap3A_18 = tpu.vector_load %arg12[%swap3A] {strides = array<i32>} : memref<10000xf32, #tpu.memory_space<vmem>>, vector<16xf32>,
      tpu.vector_store %arg12[%swap3A], %broadcast_in_dim3A_15 {strides = array<i32>} : memref<10000xf32, #tpu.memory_space<vmem>>, vector<16xf32>,
    }
    %scan3A_5 = arith.constant 625 : i32
    %scan3A_6 = arith.constant 0 : i32
    %scan3A_7 = arith.constant 0 : i32
    %scan3A_8 = arith.constant 125 : i32
    %scan3A_9 = arith.addi %scan3A_7, %scan3A_8 : i32
    %scan3A_10 = arith.constant 1 : i32
    scf.for %scan3A_14 = %scan3A_7 to %scan3A_9 step %scan3A_10  : i32 {
      %scan3A_15 = arith.constant 0 : i32
      %scan3A_16 = arith.constant 0 : i32
      %scan3A_17 = arith.constant 5 : i32
      %scan3A_18 = arith.addi %scan3A_16, %scan3A_17 : i32
      %scan3A_19 = arith.constant 1 : i32
      scf.for %scan3A_21 = %scan3A_16 to %scan3A_18 step %scan3A_19  : i32 {
        %mul3A_22 = arith.constant 16 : i32
        %mul3A_23 = arith.muli %scan3A_21, %mul3A_22 : i32
        %get3A = arith.index_cast %scan3A_14 : i32 to index
        %get3A_24 = arith.index_cast %mul3A_23 : i32 to index
        %get3A_25 = tpu.vector_load %arg8[%get3A, %get3A_24] {strides = array<i32>} : memref<125x80xi32, #tpu.memory_space<vmem>>, vector<16xi32>,
        %mul3A_26 = arith.constant 16 : i32
        %mul3A_27 = arith.muli %scan3A_21, %mul3A_26 : i32
        %get3A_28 = arith.index_cast %scan3A_14 : i32 to index
        %get3A_29 = arith.index_cast %mul3A_27 : i32 to index
        %get3A_30 = tpu.vector_load %arg9[%get3A_28, %get3A_29] {strides = array<i32>} : memref<125x80xi32, #tpu.memory_space<vmem>>, vector<16xi32>,
        %gather3A = tpu.vector_load_idx %arg10[%get3A_25] : memref<10000xf32, #tpu.memory_space<vmem>>[vector<16xi32>], vector<16xf32>,
        %gather3A_31 = tpu.vector_load_idx %arg11[%get3A_30] : memref<10000xf32, #tpu.memory_space<vmem>>[vector<16xi32>], vector<16xf32>,
        %add3A_32 = arith.addf %gather3A, %gather3A_31 : vector<16xf32>
        %ge3A = arith.constant 0.000000e+00 : f32
        %ge3A_33 = vector.broadcast %ge3A : f32 to vector<16xf32>
        %ge3A_34 = arith.cmpf oge, %add3A_32, %ge3A_33 : vector<16xf32>
        %mul3A_35 = arith.constant 2.000000e-01 : f32
        %mul3A_36 = vector.broadcast %mul3A_35 : f32 to vector<16xf32>
        %mul3A_37 = arith.mulf %add3A_32, %mul3A_36 : vector<16xf32>
        %select_n3A = arith.select %ge3A_34, %add3A_32, %mul3A_37 : vector<16xi1>, vector<16xf32>
        %exp3A = math.exp %select_n3A : vector<16xf32>
        %mul3A_38 = arith.constant 16 : i32
        %mul3A_39 = arith.muli %scan3A_21, %mul3A_38 : i32
        %swap3A = arith.index_cast %scan3A_14 : i32 to index
        %swap3A_40 = arith.index_cast %mul3A_39 : i32 to index
        %swap3A_41 = tpu.vector_load %arg13[%swap3A, %swap3A_40] {strides = array<i32>} : memref<125x80xf32, #tpu.memory_space<vmem>>, vector<16xf32>,
        tpu.vector_store %arg13[%swap3A, %swap3A_40], %exp3A {strides = array<i32>} : memref<125x80xf32, #tpu.memory_space<vmem>>, vector<16xf32>,
        tpu.vector_store_idx %arg12[%get3A_30], %exp3A {add = true} : memref<10000xf32, #tpu.memory_space<vmem>>[vector<16xi32>], vector<16xf32>,
      }
      %scan3A_20 = arith.constant 5 : i32
    }
    %scan3A_11 = arith.constant 125 : i32
    "tpu.region"() ({
      %run_scoped3A = tpu.sem_alloc : memref<!tpu.dma_semaphore, #tpu.memory_space<semaphore_mem>>
      %dma_start3A = arith.constant 0 : i32
      %dma_start3A_14 = arith.constant 0 : i32
      %dma_start3A_15 = tpu.memref_slice %arg6[%add3A, %dma_start3A, %dma_start3A_14] : memref<32x125x80xf32, #tpu.memory_space<hbm>> -> memref<1x125x80xf32, #tpu.memory_space<hbm>>
      %dma_start3A_16 = tpu.memref_squeeze %dma_start3A_15 : memref<1x125x80xf32, #tpu.memory_space<hbm>> -> memref<125x80xf32, #tpu.memory_space<hbm>>
      %dma_start3A_17 = arith.constant 0 : i32
      %dma_start3A_18 = arith.constant 0 : i32
      %dma_start3A_19 = tpu.memref_slice %arg6[%add3A, %dma_start3A_17, %dma_start3A_18] : memref<32x125x80xf32, #tpu.memory_space<hbm>> -> memref<1x125x80xf32, #tpu.memory_space<hbm>>
      %dma_start3A_20 = tpu.memref_squeeze %dma_start3A_19 : memref<1x125x80xf32, #tpu.memory_space<hbm>> -> memref<125x80xf32, #tpu.memory_space<hbm>>
      tpu.enqueue_dma source(%arg13 : memref<125x80xf32, #tpu.memory_space<vmem>>) target(%dma_start3A_20 : memref<125x80xf32, #tpu.memory_space<hbm>>) target_semaphore(%run_scoped3A : memref<!tpu.dma_semaphore, #tpu.memory_space<semaphore_mem>>)
      %dma_wait3A = arith.constant 0 : i32
      %dma_wait3A_21 = arith.constant 0 : i32
      %dma_wait3A_22 = tpu.memref_slice %arg6[%add3A, %dma_wait3A, %dma_wait3A_21] : memref<32x125x80xf32, #tpu.memory_space<hbm>> -> memref<1x125x80xf32, #tpu.memory_space<hbm>>
      %dma_wait3A_23 = tpu.memref_squeeze %dma_wait3A_22 : memref<1x125x80xf32, #tpu.memory_space<hbm>> -> memref<125x80xf32, #tpu.memory_space<hbm>>
      %dma_wait3A_24 = arith.constant 0 : i32
      %dma_wait3A_25 = arith.constant 0 : i32
      %dma_wait3A_26 = tpu.memref_slice %arg6[%add3A, %dma_wait3A_24, %dma_wait3A_25] : memref<32x125x80xf32, #tpu.memory_space<hbm>> -> memref<1x125x80xf32, #tpu.memory_space<hbm>>
      %dma_wait3A_27 = tpu.memref_squeeze %dma_wait3A_26 : memref<1x125x80xf32, #tpu.memory_space<hbm>> -> memref<125x80xf32, #tpu.memory_space<hbm>>
      tpu.wait_dma2 semaphore(%run_scoped3A : memref<!tpu.dma_semaphore, #tpu.memory_space<semaphore_mem>>) src(%arg13 : memref<125x80xf32, #tpu.memory_space<vmem>>) dst(%dma_wait3A_27 : memref<125x80xf32, #tpu.memory_space<hbm>>)
      tpu.yield
    }) : () -> ()
    %mul3A_12 = arith.constant 10112 : i32
    %mul3A_13 = arith.muli %add3A, %mul3A_12 : i32
    "tpu.region"() ({
      %run_scoped3A = tpu.sem_alloc : memref<!tpu.dma_semaphore, #tpu.memory_space<semaphore_mem>>
      %dma_start3A = tpu.memref_slice %arg7[%mul3A_13] : memref<323584xf32, #tpu.memory_space<hbm>> -> memref<10000xf32, #tpu.memory_space<hbm>>
      %dma_start3A_14 = tpu.memref_slice %arg7[%mul3A_13] : memref<323584xf32, #tpu.memory_space<hbm>> -> memref<10000xf32, #tpu.memory_space<hbm>>
      tpu.enqueue_dma source(%arg12 : memref<10000xf32, #tpu.memory_space<vmem>>) target(%dma_start3A_14 : memref<10000xf32, #tpu.memory_space<hbm>>) target_semaphore(%run_scoped3A : memref<!tpu.dma_semaphore, #tpu.memory_space<semaphore_mem>>)
      %dma_wait3A = tpu.memref_slice %arg7[%mul3A_13] : memref<323584xf32, #tpu.memory_space<hbm>> -> memref<10000xf32, #tpu.memory_space<hbm>>
      %dma_wait3A_15 = tpu.memref_slice %arg7[%mul3A_13] : memref<323584xf32, #tpu.memory_space<hbm>> -> memref<10000xf32, #tpu.memory_space<hbm>>
      tpu.wait_dma2 semaphore(%run_scoped3A : memref<!tpu.dma_semaphore, #tpu.memory_space<semaphore_mem>>) src(%arg12 : memref<10000xf32, #tpu.memory_space<vmem>>) dst(%dma_wait3A_15 : memref<10000xf32, #tpu.memory_space<hbm>>)
      tpu.yield
    }) : () -> ()
    return
  }
}

#map = affine_map<(d0, d1) -> (0, 0)>
#map1 = affine_map<(d0, d1) -> (0, 0, 0, 0)>
#map2 = affine_map<(d0, d1) -> (0, 0, 0)>
module attributes {stable_mosaic.version = 14 : i64} {
  func.func @rowpass(%arg0: i32, %arg1: i32, %arg2: memref<10000x128xf32, #tpu.memory_space<hbm>>, %arg3: memref<32x5x25x80xi32, #tpu.memory_space<hbm>>, %arg4: memref<32x5x25x80xi32, #tpu.memory_space<hbm>>, %arg5: memref<32x5x2000xf32, #tpu.memory_space<hbm>>, %arg6: memref<10112x128xf32, #tpu.memory_space<hbm>>, %arg7: memref<2x10112x128xf32, #tpu.memory_space<hbm>>, %arg8: memref<25x80xi32, #tpu.memory_space<vmem>>, %arg9: memref<25x80xi32, #tpu.memory_space<vmem>>, %arg10: memref<2000xf32, #tpu.memory_space<vmem>>, %arg11: memref<2x80x128xf32, #tpu.memory_space<vmem>>, %arg12: memref<10112x128xf32, #tpu.memory_space<vmem_shared>>, %arg13: memref<!tpu.dma_semaphore, #tpu.memory_space<semaphore_mem>>, %arg14: memref<!tpu.dma_semaphore, #tpu.memory_space<semaphore_mem>>) attributes {dimension_semantics = [#tpu.dimension_semantics<core_parallel>, #tpu.dimension_semantics<subcore_parallel>], iteration_bounds = array<i64: 2, 16>, scalar_prefetch = 0 : i64, scratch_operands = 7 : i64, tpu.core_type = #tpu.core_type<sc_vector_subcore>, window_params = [{transform_indices = #map}, {transform_indices = #map1}, {transform_indices = #map1}, {transform_indices = #map2}, {transform_indices = #map}, {transform_indices = #map2}]} {
    %mul3A = arith.constant 2 : i32
    %mul3A_0 = arith.muli %arg1, %mul3A : i32
    %add3A = arith.addi %mul3A_0, %arg0 : i32
    %mul3A_1 = arith.constant 632 : i32
    %mul3A_2 = arith.muli %arg1, %mul3A_1 : i32
    "tpu.region"() ({
      %run_scoped3A = tpu.sem_alloc : memref<!tpu.dma_semaphore, #tpu.memory_space<semaphore_mem>>
      %dma_start3A = arith.constant 0 : i32
      %dma_start3A_9 = tpu.memref_slice %arg12[%mul3A_2, %dma_start3A] : memref<10112x128xf32, #tpu.memory_space<vmem_shared>> -> memref<632x128xf32, #tpu.memory_space<vmem_shared>>
      %dma_start3A_10 = arith.constant 0 : i32
      %dma_start3A_11 = tpu.memref_slice %arg6[%mul3A_2, %dma_start3A_10] : memref<10112x128xf32, #tpu.memory_space<hbm>> -> memref<632x128xf32, #tpu.memory_space<hbm>>
      tpu.enqueue_dma source(%dma_start3A_11 : memref<632x128xf32, #tpu.memory_space<hbm>>) target(%dma_start3A_9 : memref<632x128xf32, #tpu.memory_space<vmem_shared>>) target_semaphore(%run_scoped3A : memref<!tpu.dma_semaphore, #tpu.memory_space<semaphore_mem>>)
      %dma_wait3A = arith.constant 0 : i32
      %dma_wait3A_12 = tpu.memref_slice %arg12[%mul3A_2, %dma_wait3A] : memref<10112x128xf32, #tpu.memory_space<vmem_shared>> -> memref<632x128xf32, #tpu.memory_space<vmem_shared>>
      %dma_wait3A_13 = arith.constant 0 : i32
      %dma_wait3A_14 = tpu.memref_slice %arg6[%mul3A_2, %dma_wait3A_13] : memref<10112x128xf32, #tpu.memory_space<hbm>> -> memref<632x128xf32, #tpu.memory_space<hbm>>
      tpu.wait_dma2 semaphore(%run_scoped3A : memref<!tpu.dma_semaphore, #tpu.memory_space<semaphore_mem>>) src(%dma_wait3A_14 : memref<632x128xf32, #tpu.memory_space<hbm>>) dst(%dma_wait3A_12 : memref<632x128xf32, #tpu.memory_space<vmem_shared>>)
      tpu.yield
    }) : () -> ()
    %barrier3A = arith.constant 0 : index
    tpu.barrier barrier_id(%barrier3A)
    %scan3A = arith.constant 0 : i32
    %scan3A_3 = arith.constant 0 : i32
    %scan3A_4 = arith.constant 5 : i32
    %scan3A_5 = arith.addi %scan3A_3, %scan3A_4 : i32
    %scan3A_6 = arith.constant 1 : i32
    scf.for %scan3A_9 = %scan3A_3 to %scan3A_5 step %scan3A_6  : i32 {
      "tpu.region"() ({
        %run_scoped3A = tpu.sem_alloc : memref<!tpu.dma_semaphore, #tpu.memory_space<semaphore_mem>>
        %dma_start3A_50 = arith.constant 0 : i32
        %dma_start3A_51 = arith.constant 0 : i32
        %dma_start3A_52 = tpu.memref_slice %arg3[%add3A, %scan3A_9, %dma_start3A_50, %dma_start3A_51] : memref<32x5x25x80xi32, #tpu.memory_space<hbm>> -> memref<1x1x25x80xi32, #tpu.memory_space<hbm>>
        %dma_start3A_53 = tpu.memref_squeeze %dma_start3A_52 : memref<1x1x25x80xi32, #tpu.memory_space<hbm>> -> memref<25x80xi32, #tpu.memory_space<hbm>>
        %dma_start3A_54 = arith.constant 0 : i32
        %dma_start3A_55 = arith.constant 0 : i32
        %dma_start3A_56 = tpu.memref_slice %arg3[%add3A, %scan3A_9, %dma_start3A_54, %dma_start3A_55] : memref<32x5x25x80xi32, #tpu.memory_space<hbm>> -> memref<1x1x25x80xi32, #tpu.memory_space<hbm>>
        %dma_start3A_57 = tpu.memref_squeeze %dma_start3A_56 : memref<1x1x25x80xi32, #tpu.memory_space<hbm>> -> memref<25x80xi32, #tpu.memory_space<hbm>>
        tpu.enqueue_dma source(%dma_start3A_57 : memref<25x80xi32, #tpu.memory_space<hbm>>) target(%arg8 : memref<25x80xi32, #tpu.memory_space<vmem>>) target_semaphore(%run_scoped3A : memref<!tpu.dma_semaphore, #tpu.memory_space<semaphore_mem>>)
        %dma_wait3A_58 = arith.constant 0 : i32
        %dma_wait3A_59 = arith.constant 0 : i32
        %dma_wait3A_60 = tpu.memref_slice %arg3[%add3A, %scan3A_9, %dma_wait3A_58, %dma_wait3A_59] : memref<32x5x25x80xi32, #tpu.memory_space<hbm>> -> memref<1x1x25x80xi32, #tpu.memory_space<hbm>>
        %dma_wait3A_61 = tpu.memref_squeeze %dma_wait3A_60 : memref<1x1x25x80xi32, #tpu.memory_space<hbm>> -> memref<25x80xi32, #tpu.memory_space<hbm>>
        %dma_wait3A_62 = arith.constant 0 : i32
        %dma_wait3A_63 = arith.constant 0 : i32
        %dma_wait3A_64 = tpu.memref_slice %arg3[%add3A, %scan3A_9, %dma_wait3A_62, %dma_wait3A_63] : memref<32x5x25x80xi32, #tpu.memory_space<hbm>> -> memref<1x1x25x80xi32, #tpu.memory_space<hbm>>
        %dma_wait3A_65 = tpu.memref_squeeze %dma_wait3A_64 : memref<1x1x25x80xi32, #tpu.memory_space<hbm>> -> memref<25x80xi32, #tpu.memory_space<hbm>>
        tpu.wait_dma2 semaphore(%run_scoped3A : memref<!tpu.dma_semaphore, #tpu.memory_space<semaphore_mem>>) src(%dma_wait3A_65 : memref<25x80xi32, #tpu.memory_space<hbm>>) dst(%arg8 : memref<25x80xi32, #tpu.memory_space<vmem>>)
        tpu.yield
      }) : () -> ()
      "tpu.region"() ({
        %run_scoped3A = tpu.sem_alloc : memref<!tpu.dma_semaphore, #tpu.memory_space<semaphore_mem>>
        %dma_start3A_50 = arith.constant 0 : i32
        %dma_start3A_51 = arith.constant 0 : i32
        %dma_start3A_52 = tpu.memref_slice %arg4[%add3A, %scan3A_9, %dma_start3A_50, %dma_start3A_51] : memref<32x5x25x80xi32, #tpu.memory_space<hbm>> -> memref<1x1x25x80xi32, #tpu.memory_space<hbm>>
        %dma_start3A_53 = tpu.memref_squeeze %dma_start3A_52 : memref<1x1x25x80xi32, #tpu.memory_space<hbm>> -> memref<25x80xi32, #tpu.memory_space<hbm>>
        %dma_start3A_54 = arith.constant 0 : i32
        %dma_start3A_55 = arith.constant 0 : i32
        %dma_start3A_56 = tpu.memref_slice %arg4[%add3A, %scan3A_9, %dma_start3A_54, %dma_start3A_55] : memref<32x5x25x80xi32, #tpu.memory_space<hbm>> -> memref<1x1x25x80xi32, #tpu.memory_space<hbm>>
        %dma_start3A_57 = tpu.memref_squeeze %dma_start3A_56 : memref<1x1x25x80xi32, #tpu.memory_space<hbm>> -> memref<25x80xi32, #tpu.memory_space<hbm>>
        tpu.enqueue_dma source(%dma_start3A_57 : memref<25x80xi32, #tpu.memory_space<hbm>>) target(%arg9 : memref<25x80xi32, #tpu.memory_space<vmem>>) target_semaphore(%run_scoped3A : memref<!tpu.dma_semaphore, #tpu.memory_space<semaphore_mem>>)
        %dma_wait3A_58 = arith.constant 0 : i32
        %dma_wait3A_59 = arith.constant 0 : i32
        %dma_wait3A_60 = tpu.memref_slice %arg4[%add3A, %scan3A_9, %dma_wait3A_58, %dma_wait3A_59] : memref<32x5x25x80xi32, #tpu.memory_space<hbm>> -> memref<1x1x25x80xi32, #tpu.memory_space<hbm>>
        %dma_wait3A_61 = tpu.memref_squeeze %dma_wait3A_60 : memref<1x1x25x80xi32, #tpu.memory_space<hbm>> -> memref<25x80xi32, #tpu.memory_space<hbm>>
        %dma_wait3A_62 = arith.constant 0 : i32
        %dma_wait3A_63 = arith.constant 0 : i32
        %dma_wait3A_64 = tpu.memref_slice %arg4[%add3A, %scan3A_9, %dma_wait3A_62, %dma_wait3A_63] : memref<32x5x25x80xi32, #tpu.memory_space<hbm>> -> memref<1x1x25x80xi32, #tpu.memory_space<hbm>>
        %dma_wait3A_65 = tpu.memref_squeeze %dma_wait3A_64 : memref<1x1x25x80xi32, #tpu.memory_space<hbm>> -> memref<25x80xi32, #tpu.memory_space<hbm>>
        tpu.wait_dma2 semaphore(%run_scoped3A : memref<!tpu.dma_semaphore, #tpu.memory_space<semaphore_mem>>) src(%dma_wait3A_65 : memref<25x80xi32, #tpu.memory_space<hbm>>) dst(%arg9 : memref<25x80xi32, #tpu.memory_space<vmem>>)
        tpu.yield
      }) : () -> ()
      "tpu.region"() ({
        %run_scoped3A = tpu.sem_alloc : memref<!tpu.dma_semaphore, #tpu.memory_space<semaphore_mem>>
        %dma_start3A_50 = arith.constant 0 : i32
        %dma_start3A_51 = tpu.memref_slice %arg5[%add3A, %scan3A_9, %dma_start3A_50] : memref<32x5x2000xf32, #tpu.memory_space<hbm>> -> memref<1x1x2000xf32, #tpu.memory_space<hbm>>
        %dma_start3A_52 = tpu.memref_squeeze %dma_start3A_51 : memref<1x1x2000xf32, #tpu.memory_space<hbm>> -> memref<2000xf32, #tpu.memory_space<hbm>>
        %dma_start3A_53 = arith.constant 0 : i32
        %dma_start3A_54 = tpu.memref_slice %arg5[%add3A, %scan3A_9, %dma_start3A_53] : memref<32x5x2000xf32, #tpu.memory_space<hbm>> -> memref<1x1x2000xf32, #tpu.memory_space<hbm>>
        %dma_start3A_55 = tpu.memref_squeeze %dma_start3A_54 : memref<1x1x2000xf32, #tpu.memory_space<hbm>> -> memref<2000xf32, #tpu.memory_space<hbm>>
        tpu.enqueue_dma source(%dma_start3A_55 : memref<2000xf32, #tpu.memory_space<hbm>>) target(%arg10 : memref<2000xf32, #tpu.memory_space<vmem>>) target_semaphore(%run_scoped3A : memref<!tpu.dma_semaphore, #tpu.memory_space<semaphore_mem>>)
        %dma_wait3A_56 = arith.constant 0 : i32
        %dma_wait3A_57 = tpu.memref_slice %arg5[%add3A, %scan3A_9, %dma_wait3A_56] : memref<32x5x2000xf32, #tpu.memory_space<hbm>> -> memref<1x1x2000xf32, #tpu.memory_space<hbm>>
        %dma_wait3A_58 = tpu.memref_squeeze %dma_wait3A_57 : memref<1x1x2000xf32, #tpu.memory_space<hbm>> -> memref<2000xf32, #tpu.memory_space<hbm>>
        %dma_wait3A_59 = arith.constant 0 : i32
        %dma_wait3A_60 = tpu.memref_slice %arg5[%add3A, %scan3A_9, %dma_wait3A_59] : memref<32x5x2000xf32, #tpu.memory_space<hbm>> -> memref<1x1x2000xf32, #tpu.memory_space<hbm>>
        %dma_wait3A_61 = tpu.memref_squeeze %dma_wait3A_60 : memref<1x1x2000xf32, #tpu.memory_space<hbm>> -> memref<2000xf32, #tpu.memory_space<hbm>>
        tpu.wait_dma2 semaphore(%run_scoped3A : memref<!tpu.dma_semaphore, #tpu.memory_space<semaphore_mem>>) src(%dma_wait3A_61 : memref<2000xf32, #tpu.memory_space<hbm>>) dst(%arg10 : memref<2000xf32, #tpu.memory_space<vmem>>)
        tpu.yield
      }) : () -> ()
      %dma_start3A = arith.constant 0 : i32
      %dma_start3A_10 = arith.constant 0 : i32
      %dma_start3A_11 = arith.constant 0 : i32
      %dma_start3A_12 = arith.constant 0 : i32
      %dma_start3A_13 = tpu.memref_slice %arg11[%dma_start3A_10, %dma_start3A_11, %dma_start3A_12] : memref<2x80x128xf32, #tpu.memory_space<vmem>> -> memref<1x80x128xf32, #tpu.memory_space<vmem>>
      %dma_start3A_14 = tpu.memref_squeeze %dma_start3A_13 : memref<1x80x128xf32, #tpu.memory_space<vmem>> -> memref<80x128xf32, #tpu.memory_space<vmem>>
      %dma_start3A_15 = arith.constant 0 : i32
      %dma_start3A_16 = tpu.memref_slice %arg8[%dma_start3A, %dma_start3A_15] : memref<25x80xi32, #tpu.memory_space<vmem>> -> memref<1x80xi32, #tpu.memory_space<vmem>>
      %dma_start3A_17 = tpu.memref_squeeze %dma_start3A_16 : memref<1x80xi32, #tpu.memory_space<vmem>> -> memref<80xi32, #tpu.memory_space<vmem>>
      %dma_start3A_18 = arith.constant 0 : i32
      %dma_start3A_19 = arith.constant 0 : i32
      %dma_start3A_20 = tpu.memref_slice %arg2[%dma_start3A_18, %dma_start3A_19] : memref<10000x128xf32, #tpu.memory_space<hbm>> -> memref<10000x128xf32, #tpu.memory_space<hbm>>
      tpu.enqueue_indirect_dma source(%dma_start3A_20 : memref<10000x128xf32, #tpu.memory_space<hbm>>) target(%dma_start3A_14 : memref<80x128xf32, #tpu.memory_space<vmem>>) offsets(%dma_start3A_17 : memref<80xi32, #tpu.memory_space<vmem>>) semaphore(%arg13 : memref<!tpu.dma_semaphore, #tpu.memory_space<semaphore_mem>>)
      %scan3A_21 = arith.constant 0 : i32
      %scan3A_22 = arith.constant 0 : i32
      %scan3A_23 = arith.constant 25 : i32
      %scan3A_24 = arith.addi %scan3A_22, %scan3A_23 : i32
      %scan3A_25 = arith.constant 1 : i32
      scf.for %scan3A_50 = %scan3A_22 to %scan3A_24 step %scan3A_25  : i32 {
        %rem3A = arith.constant 2 : i32
        %rem3A_51 = arith.remsi %scan3A_50, %rem3A : i32
        %dma_wait3A_52 = arith.constant 0 : i32
        %dma_wait3A_53 = arith.constant 0 : i32
        %dma_wait3A_54 = tpu.memref_slice %arg11[%rem3A_51, %dma_wait3A_52, %dma_wait3A_53] : memref<2x80x128xf32, #tpu.memory_space<vmem>> -> memref<1x80x128xf32, #tpu.memory_space<vmem>>
        %dma_wait3A_55 = tpu.memref_squeeze %dma_wait3A_54 : memref<1x80x128xf32, #tpu.memory_space<vmem>> -> memref<80x128xf32, #tpu.memory_space<vmem>>
        %dma_wait3A_56 = arith.constant 0 : i32
        %dma_wait3A_57 = tpu.memref_slice %arg8[%scan3A_50, %dma_wait3A_56] : memref<25x80xi32, #tpu.memory_space<vmem>> -> memref<1x80xi32, #tpu.memory_space<vmem>>
        %dma_wait3A_58 = tpu.memref_squeeze %dma_wait3A_57 : memref<1x80xi32, #tpu.memory_space<vmem>> -> memref<80xi32, #tpu.memory_space<vmem>>
        %dma_wait3A_59 = arith.constant 0 : i32
        %dma_wait3A_60 = arith.constant 0 : i32
        %dma_wait3A_61 = tpu.memref_slice %arg2[%dma_wait3A_59, %dma_wait3A_60] : memref<10000x128xf32, #tpu.memory_space<hbm>> -> memref<10000x128xf32, #tpu.memory_space<hbm>>
        tpu.wait_indirect_dma semaphore(%arg13 : memref<!tpu.dma_semaphore, #tpu.memory_space<semaphore_mem>>) src(%dma_wait3A_61 : memref<10000x128xf32, #tpu.memory_space<hbm>>) dst(%dma_wait3A_55 : memref<80x128xf32, #tpu.memory_space<vmem>>)
        %add3A_62 = arith.constant 1 : i32
        %add3A_63 = arith.addi %scan3A_50, %add3A_62 : i32
        %lt3A = arith.constant 25 : i32
        %lt3A_64 = arith.cmpi slt, %add3A_63, %lt3A : i32
        %gt3A = arith.constant 0 : i32
        %gt3A_65 = arith.cmpi sgt, %scan3A_50, %gt3A : i32
        %and3A = arith.andi %lt3A_64, %gt3A_65 : i1
        %convert_element_type3A = arith.extui %and3A : i1 to i32
        %cond3A = arith.constant 0 : i32
        %cond3A_66 = arith.cmpi ne, %convert_element_type3A, %cond3A : i32
        scf.if %cond3A_66 {
          %sub3A = arith.constant 1 : i32
          %sub3A_90 = arith.subi %sub3A, %rem3A_51 : i32
          %dma_wait3A_91 = arith.constant 0 : i32
          %dma_wait3A_92 = arith.constant 0 : i32
          %dma_wait3A_93 = arith.constant 0 : i32
          %dma_wait3A_94 = tpu.memref_slice %arg11[%sub3A_90, %dma_wait3A_92, %dma_wait3A_93] : memref<2x80x128xf32, #tpu.memory_space<vmem>> -> memref<1x80x128xf32, #tpu.memory_space<vmem>>
          %dma_wait3A_95 = tpu.memref_squeeze %dma_wait3A_94 : memref<1x80x128xf32, #tpu.memory_space<vmem>> -> memref<80x128xf32, #tpu.memory_space<vmem>>
          %dma_wait3A_96 = arith.constant 0 : i32
          %dma_wait3A_97 = tpu.memref_slice %arg9[%dma_wait3A_91, %dma_wait3A_96] : memref<25x80xi32, #tpu.memory_space<vmem>> -> memref<1x80xi32, #tpu.memory_space<vmem>>
          %dma_wait3A_98 = tpu.memref_squeeze %dma_wait3A_97 : memref<1x80xi32, #tpu.memory_space<vmem>> -> memref<80xi32, #tpu.memory_space<vmem>>
          %dma_wait3A_99 = arith.constant 0 : i32
          %dma_wait3A_100 = arith.constant 0 : i32
          %dma_wait3A_101 = tpu.memref_slice %arg12[%dma_wait3A_99, %dma_wait3A_100] : memref<10112x128xf32, #tpu.memory_space<vmem_shared>> -> memref<10112x128xf32, #tpu.memory_space<vmem_shared>>
          tpu.wait_indirect_dma semaphore(%arg14 : memref<!tpu.dma_semaphore, #tpu.memory_space<semaphore_mem>>) src(%dma_wait3A_95 : memref<80x128xf32, #tpu.memory_space<vmem>>) dst(%dma_wait3A_101 : memref<10112x128xf32, #tpu.memory_space<vmem_shared>>)
        } else {
        }
        %add3A_67 = arith.constant 1 : i32
        %add3A_68 = arith.addi %scan3A_50, %add3A_67 : i32
        %lt3A_69 = arith.constant 25 : i32
        %lt3A_70 = arith.cmpi slt, %add3A_68, %lt3A_69 : i32
        %convert_element_type3A_71 = arith.extui %lt3A_70 : i1 to i32
        %cond3A_72 = arith.constant 0 : i32
        %cond3A_73 = arith.cmpi ne, %convert_element_type3A_71, %cond3A_72 : i32
        scf.if %cond3A_73 {
          %add3A_90 = arith.constant 1 : i32
          %add3A_91 = arith.addi %scan3A_50, %add3A_90 : i32
          %sub3A = arith.constant 1 : i32
          %sub3A_92 = arith.subi %sub3A, %rem3A_51 : i32
          %dma_start3A_93 = arith.constant 0 : i32
          %dma_start3A_94 = arith.constant 0 : i32
          %dma_start3A_95 = tpu.memref_slice %arg11[%sub3A_92, %dma_start3A_93, %dma_start3A_94] : memref<2x80x128xf32, #tpu.memory_space<vmem>> -> memref<1x80x128xf32, #tpu.memory_space<vmem>>
          %dma_start3A_96 = tpu.memref_squeeze %dma_start3A_95 : memref<1x80x128xf32, #tpu.memory_space<vmem>> -> memref<80x128xf32, #tpu.memory_space<vmem>>
          %dma_start3A_97 = arith.constant 0 : i32
          %dma_start3A_98 = tpu.memref_slice %arg8[%add3A_91, %dma_start3A_97] : memref<25x80xi32, #tpu.memory_space<vmem>> -> memref<1x80xi32, #tpu.memory_space<vmem>>
          %dma_start3A_99 = tpu.memref_squeeze %dma_start3A_98 : memref<1x80xi32, #tpu.memory_space<vmem>> -> memref<80xi32, #tpu.memory_space<vmem>>
          %dma_start3A_100 = arith.constant 0 : i32
          %dma_start3A_101 = arith.constant 0 : i32
          %dma_start3A_102 = tpu.memref_slice %arg2[%dma_start3A_100, %dma_start3A_101] : memref<10000x128xf32, #tpu.memory_space<hbm>> -> memref<10000x128xf32, #tpu.memory_space<hbm>>
          tpu.enqueue_indirect_dma source(%dma_start3A_102 : memref<10000x128xf32, #tpu.memory_space<hbm>>) target(%dma_start3A_96 : memref<80x128xf32, #tpu.memory_space<vmem>>) offsets(%dma_start3A_99 : memref<80xi32, #tpu.memory_space<vmem>>) semaphore(%arg13 : memref<!tpu.dma_semaphore, #tpu.memory_space<semaphore_mem>>)
        } else {
        }
        %scan3A_74 = arith.constant 0 : i32
        %scan3A_75 = arith.constant 0 : i32
        %scan3A_76 = arith.constant 5 : i32
        %scan3A_77 = arith.addi %scan3A_75, %scan3A_76 : i32
        %scan3A_78 = arith.constant 1 : i32
        scf.for %scan3A_90 = %scan3A_75 to %scan3A_77 step %scan3A_78  : i32 {
          %mul3A_91 = arith.constant 16 : i32
          %mul3A_92 = arith.muli %scan3A_90, %mul3A_91 : i32
          %add3A_93 = arith.constant 0 : i32
          %add3A_94 = arith.addi %mul3A_92, %add3A_93 : i32
          %broadcast_in_dim3A = arith.constant 0 : i32
          %broadcast_in_dim3A_95 = vector.broadcast %broadcast_in_dim3A : i32 to vector<16xi32>
          %mul3A_96 = arith.constant 80 : i32
          %mul3A_97 = arith.muli %scan3A_50, %mul3A_96 : i32
          %add3A_98 = arith.addi %mul3A_97, %add3A_94 : i32
          %add3A_99 = vector.broadcast %add3A_98 : i32 to vector<16xi32>
          %add3A_100 = arith.addi %broadcast_in_dim3A_95, %add3A_99 : vector<16xi32>
          %gather3A = tpu.vector_load_idx %arg10[%add3A_100] : memref<2000xf32, #tpu.memory_space<vmem>>[vector<16xi32>], vector<16xf32>,
          %get3A = arith.index_cast %rem3A_51 : i32 to index
          %get3A_101 = arith.index_cast %add3A_94 : i32 to index
          %get3A_102 = arith.constant 0 : index
          %get3A_103 = tpu.vector_load %arg11[%get3A, %get3A_101, %get3A_102] {strides = array<i32>} : memref<2x80x128xf32, #tpu.memory_space<vmem>>, vector<16xf32>,
          %mul3A_104 = arith.mulf %get3A_103, %gather3A : vector<16xf32>
          %swap3A = arith.index_cast %rem3A_51 : i32 to index
          %swap3A_105 = arith.index_cast %add3A_94 : i32 to index
          %swap3A_106 = arith.constant 0 : index
          %swap3A_107 = tpu.vector_load %arg11[%swap3A, %swap3A_105, %swap3A_106] {strides = array<i32>} : memref<2x80x128xf32, #tpu.memory_space<vmem>>, vector<16xf32>,
          tpu.vector_store %arg11[%swap3A, %swap3A_105, %swap3A_106], %mul3A_104 {strides = array<i32>} : memref<2x80x128xf32, #tpu.memory_space<vmem>>, vector<16xf32>,
          %get3A_108 = arith.index_cast %rem3A_51 : i32 to index
          %get3A_109 = arith.index_cast %add3A_94 : i32 to index
          %get3A_110 = arith.constant 16 : index
          %get3A_111 = tpu.vector_load %arg11[%get3A_108, %get3A_109, %get3A_110] {strides = array<i32>} : memref<2x80x128xf32, #tpu.memory_space<vmem>>, vector<16xf32>,
          %mul3A_112 = arith.mulf %get3A_111, %gather3A : vector<16xf32>
          %swap3A_113 = arith.index_cast %rem3A_51 : i32 to index
          %swap3A_114 = arith.index_cast %add3A_94 : i32 to index
          %swap3A_115 = arith.constant 16 : index
          %swap3A_116 = tpu.vector_load %arg11[%swap3A_113, %swap3A_114, %swap3A_115] {strides = array<i32>} : memref<2x80x128xf32, #tpu.memory_space<vmem>>, vector<16xf32>,
          tpu.vector_store %arg11[%swap3A_113, %swap3A_114, %swap3A_115], %mul3A_112 {strides = array<i32>} : memref<2x80x128xf32, #tpu.memory_space<vmem>>, vector<16xf32>,
          %get3A_117 = arith.index_cast %rem3A_51 : i32 to index
          %get3A_118 = arith.index_cast %add3A_94 : i32 to index
          %get3A_119 = arith.constant 32 : index
          %get3A_120 = tpu.vector_load %arg11[%get3A_117, %get3A_118, %get3A_119] {strides = array<i32>} : memref<2x80x128xf32, #tpu.memory_space<vmem>>, vector<16xf32>,
          %mul3A_121 = arith.mulf %get3A_120, %gather3A : vector<16xf32>
          %swap3A_122 = arith.index_cast %rem3A_51 : i32 to index
          %swap3A_123 = arith.index_cast %add3A_94 : i32 to index
          %swap3A_124 = arith.constant 32 : index
          %swap3A_125 = tpu.vector_load %arg11[%swap3A_122, %swap3A_123, %swap3A_124] {strides = array<i32>} : memref<2x80x128xf32, #tpu.memory_space<vmem>>, vector<16xf32>,
          tpu.vector_store %arg11[%swap3A_122, %swap3A_123, %swap3A_124], %mul3A_121 {strides = array<i32>} : memref<2x80x128xf32, #tpu.memory_space<vmem>>, vector<16xf32>,
          %get3A_126 = arith.index_cast %rem3A_51 : i32 to index
          %get3A_127 = arith.index_cast %add3A_94 : i32 to index
          %get3A_128 = arith.constant 48 : index
          %get3A_129 = tpu.vector_load %arg11[%get3A_126, %get3A_127, %get3A_128] {strides = array<i32>} : memref<2x80x128xf32, #tpu.memory_space<vmem>>, vector<16xf32>,
          %mul3A_130 = arith.mulf %get3A_129, %gather3A : vector<16xf32>
          %swap3A_131 = arith.index_cast %rem3A_51 : i32 to index
          %swap3A_132 = arith.index_cast %add3A_94 : i32 to index
          %swap3A_133 = arith.constant 48 : index
          %swap3A_134 = tpu.vector_load %arg11[%swap3A_131, %swap3A_132, %swap3A_133] {strides = array<i32>} : memref<2x80x128xf32, #tpu.memory_space<vmem>>, vector<16xf32>,
          tpu.vector_store %arg11[%swap3A_131, %swap3A_132, %swap3A_133], %mul3A_130 {strides = array<i32>} : memref<2x80x128xf32, #tpu.memory_space<vmem>>, vector<16xf32>,
          %get3A_135 = arith.index_cast %rem3A_51 : i32 to index
          %get3A_136 = arith.index_cast %add3A_94 : i32 to index
          %get3A_137 = arith.constant 64 : index
          %get3A_138 = tpu.vector_load %arg11[%get3A_135, %get3A_136, %get3A_137] {strides = array<i32>} : memref<2x80x128xf32, #tpu.memory_space<vmem>>, vector<16xf32>,
          %mul3A_139 = arith.mulf %get3A_138, %gather3A : vector<16xf32>
          %swap3A_140 = arith.index_cast %rem3A_51 : i32 to index
          %swap3A_141 = arith.index_cast %add3A_94 : i32 to index
          %swap3A_142 = arith.constant 64 : index
          %swap3A_143 = tpu.vector_load %arg11[%swap3A_140, %swap3A_141, %swap3A_142] {strides = array<i32>} : memref<2x80x128xf32, #tpu.memory_space<vmem>>, vector<16xf32>,
          tpu.vector_store %arg11[%swap3A_140, %swap3A_141, %swap3A_142], %mul3A_139 {strides = array<i32>} : memref<2x80x128xf32, #tpu.memory_space<vmem>>, vector<16xf32>,
          %get3A_144 = arith.index_cast %rem3A_51 : i32 to index
          %get3A_145 = arith.index_cast %add3A_94 : i32 to index
          %get3A_146 = arith.constant 80 : index
          %get3A_147 = tpu.vector_load %arg11[%get3A_144, %get3A_145, %get3A_146] {strides = array<i32>} : memref<2x80x128xf32, #tpu.memory_space<vmem>>, vector<16xf32>,
          %mul3A_148 = arith.mulf %get3A_147, %gather3A : vector<16xf32>
          %swap3A_149 = arith.index_cast %rem3A_51 : i32 to index
          %swap3A_150 = arith.index_cast %add3A_94 : i32 to index
          %swap3A_151 = arith.constant 80 : index
          %swap3A_152 = tpu.vector_load %arg11[%swap3A_149, %swap3A_150, %swap3A_151] {strides = array<i32>} : memref<2x80x128xf32, #tpu.memory_space<vmem>>, vector<16xf32>,
          tpu.vector_store %arg11[%swap3A_149, %swap3A_150, %swap3A_151], %mul3A_148 {strides = array<i32>} : memref<2x80x128xf32, #tpu.memory_space<vmem>>, vector<16xf32>,
          %get3A_153 = arith.index_cast %rem3A_51 : i32 to index
          %get3A_154 = arith.index_cast %add3A_94 : i32 to index
          %get3A_155 = arith.constant 96 : index
          %get3A_156 = tpu.vector_load %arg11[%get3A_153, %get3A_154, %get3A_155] {strides = array<i32>} : memref<2x80x128xf32, #tpu.memory_space<vmem>>, vector<16xf32>,
          %mul3A_157 = arith.mulf %get3A_156, %gather3A : vector<16xf32>
          %swap3A_158 = arith.index_cast %rem3A_51 : i32 to index
          %swap3A_159 = arith.index_cast %add3A_94 : i32 to index
          %swap3A_160 = arith.constant 96 : index
          %swap3A_161 = tpu.vector_load %arg11[%swap3A_158, %swap3A_159, %swap3A_160] {strides = array<i32>} : memref<2x80x128xf32, #tpu.memory_space<vmem>>, vector<16xf32>,
          tpu.vector_store %arg11[%swap3A_158, %swap3A_159, %swap3A_160], %mul3A_157 {strides = array<i32>} : memref<2x80x128xf32, #tpu.memory_space<vmem>>, vector<16xf32>,
          %get3A_162 = arith.index_cast %rem3A_51 : i32 to index
          %get3A_163 = arith.index_cast %add3A_94 : i32 to index
          %get3A_164 = arith.constant 112 : index
          %get3A_165 = tpu.vector_load %arg11[%get3A_162, %get3A_163, %get3A_164] {strides = array<i32>} : memref<2x80x128xf32, #tpu.memory_space<vmem>>, vector<16xf32>,
          %mul3A_166 = arith.mulf %get3A_165, %gather3A : vector<16xf32>
          %swap3A_167 = arith.index_cast %rem3A_51 : i32 to index
          %swap3A_168 = arith.index_cast %add3A_94 : i32 to index
          %swap3A_169 = arith.constant 112 : index
          %swap3A_170 = tpu.vector_load %arg11[%swap3A_167, %swap3A_168, %swap3A_169] {strides = array<i32>} : memref<2x80x128xf32, #tpu.memory_space<vmem>>, vector<16xf32>,
          tpu.vector_store %arg11[%swap3A_167, %swap3A_168, %swap3A_169], %mul3A_166 {strides = array<i32>} : memref<2x80x128xf32, #tpu.memory_space<vmem>>, vector<16xf32>,
          %add3A_171 = arith.constant 1 : i32
          %add3A_172 = arith.addi %mul3A_92, %add3A_171 : i32
          %broadcast_in_dim3A_173 = arith.constant 0 : i32
          %broadcast_in_dim3A_174 = vector.broadcast %broadcast_in_dim3A_173 : i32 to vector<16xi32>
          %mul3A_175 = arith.constant 80 : i32
          %mul3A_176 = arith.muli %scan3A_50, %mul3A_175 : i32
          %add3A_177 = arith.addi %mul3A_176, %add3A_172 : i32
          %add3A_178 = vector.broadcast %add3A_177 : i32 to vector<16xi32>
          %add3A_179 = arith.addi %broadcast_in_dim3A_174, %add3A_178 : vector<16xi32>
          %gather3A_180 = tpu.vector_load_idx %arg10[%add3A_179] : memref<2000xf32, #tpu.memory_space<vmem>>[vector<16xi32>], vector<16xf32>,
          %get3A_181 = arith.index_cast %rem3A_51 : i32 to index
          %get3A_182 = arith.index_cast %add3A_172 : i32 to index
          %get3A_183 = arith.constant 0 : index
          %get3A_184 = tpu.vector_load %arg11[%get3A_181, %get3A_182, %get3A_183] {strides = array<i32>} : memref<2x80x128xf32, #tpu.memory_space<vmem>>, vector<16xf32>,
          %mul3A_185 = arith.mulf %get3A_184, %gather3A_180 : vector<16xf32>
          %swap3A_186 = arith.index_cast %rem3A_51 : i32 to index
          %swap3A_187 = arith.index_cast %add3A_172 : i32 to index
          %swap3A_188 = arith.constant 0 : index
          %swap3A_189 = tpu.vector_load %arg11[%swap3A_186, %swap3A_187, %swap3A_188] {strides = array<i32>} : memref<2x80x128xf32, #tpu.memory_space<vmem>>, vector<16xf32>,
          tpu.vector_store %arg11[%swap3A_186, %swap3A_187, %swap3A_188], %mul3A_185 {strides = array<i32>} : memref<2x80x128xf32, #tpu.memory_space<vmem>>, vector<16xf32>,
          %get3A_190 = arith.index_cast %rem3A_51 : i32 to index
          %get3A_191 = arith.index_cast %add3A_172 : i32 to index
          %get3A_192 = arith.constant 16 : index
          %get3A_193 = tpu.vector_load %arg11[%get3A_190, %get3A_191, %get3A_192] {strides = array<i32>} : memref<2x80x128xf32, #tpu.memory_space<vmem>>, vector<16xf32>,
          %mul3A_194 = arith.mulf %get3A_193, %gather3A_180 : vector<16xf32>
          %swap3A_195 = arith.index_cast %rem3A_51 : i32 to index
          %swap3A_196 = arith.index_cast %add3A_172 : i32 to index
          %swap3A_197 = arith.constant 16 : index
          %swap3A_198 = tpu.vector_load %arg11[%swap3A_195, %swap3A_196, %swap3A_197] {strides = array<i32>} : memref<2x80x128xf32, #tpu.memory_space<vmem>>, vector<16xf32>,
          tpu.vector_store %arg11[%swap3A_195, %swap3A_196, %swap3A_197], %mul3A_194 {strides = array<i32>} : memref<2x80x128xf32, #tpu.memory_space<vmem>>, vector<16xf32>,
          %get3A_199 = arith.index_cast %rem3A_51 : i32 to index
          %get3A_200 = arith.index_cast %add3A_172 : i32 to index
          %get3A_201 = arith.constant 32 : index
          %get3A_202 = tpu.vector_load %arg11[%get3A_199, %get3A_200, %get3A_201] {strides = array<i32>} : memref<2x80x128xf32, #tpu.memory_space<vmem>>, vector<16xf32>,
          %mul3A_203 = arith.mulf %get3A_202, %gather3A_180 : vector<16xf32>
          %swap3A_204 = arith.index_cast %rem3A_51 : i32 to index
          %swap3A_205 = arith.index_cast %add3A_172 : i32 to index
          %swap3A_206 = arith.constant 32 : index
          %swap3A_207 = tpu.vector_load %arg11[%swap3A_204, %swap3A_205, %swap3A_206] {strides = array<i32>} : memref<2x80x128xf32, #tpu.memory_space<vmem>>, vector<16xf32>,
          tpu.vector_store %arg11[%swap3A_204, %swap3A_205, %swap3A_206], %mul3A_203 {strides = array<i32>} : memref<2x80x128xf32, #tpu.memory_space<vmem>>, vector<16xf32>,
          %get3A_208 = arith.index_cast %rem3A_51 : i32 to index
          %get3A_209 = arith.index_cast %add3A_172 : i32 to index
          %get3A_210 = arith.constant 48 : index
          %get3A_211 = tpu.vector_load %arg11[%get3A_208, %get3A_209, %get3A_210] {strides = array<i32>} : memref<2x80x128xf32, #tpu.memory_space<vmem>>, vector<16xf32>,
          %mul3A_212 = arith.mulf %get3A_211, %gather3A_180 : vector<16xf32>
          %swap3A_213 = arith.index_cast %rem3A_51 : i32 to index
          %swap3A_214 = arith.index_cast %add3A_172 : i32 to index
          %swap3A_215 = arith.constant 48 : index
          %swap3A_216 = tpu.vector_load %arg11[%swap3A_213, %swap3A_214, %swap3A_215] {strides = array<i32>} : memref<2x80x128xf32, #tpu.memory_space<vmem>>, vector<16xf32>,
          tpu.vector_store %arg11[%swap3A_213, %swap3A_214, %swap3A_215], %mul3A_212 {strides = array<i32>} : memref<2x80x128xf32, #tpu.memory_space<vmem>>, vector<16xf32>,
          %get3A_217 = arith.index_cast %rem3A_51 : i32 to index
          %get3A_218 = arith.index_cast %add3A_172 : i32 to index
          %get3A_219 = arith.constant 64 : index
          %get3A_220 = tpu.vector_load %arg11[%get3A_217, %get3A_218, %get3A_219] {strides = array<i32>} : memref<2x80x128xf32, #tpu.memory_space<vmem>>, vector<16xf32>,
          %mul3A_221 = arith.mulf %get3A_220, %gather3A_180 : vector<16xf32>
          %swap3A_222 = arith.index_cast %rem3A_51 : i32 to index
          %swap3A_223 = arith.index_cast %add3A_172 : i32 to index
          %swap3A_224 = arith.constant 64 : index
          %swap3A_225 = tpu.vector_load %arg11[%swap3A_222, %swap3A_223, %swap3A_224] {strides = array<i32>} : memref<2x80x128xf32, #tpu.memory_space<vmem>>, vector<16xf32>,
          tpu.vector_store %arg11[%swap3A_222, %swap3A_223, %swap3A_224], %mul3A_221 {strides = array<i32>} : memref<2x80x128xf32, #tpu.memory_space<vmem>>, vector<16xf32>,
          %get3A_226 = arith.index_cast %rem3A_51 : i32 to index
          %get3A_227 = arith.index_cast %add3A_172 : i32 to index
          %get3A_228 = arith.constant 80 : index
          %get3A_229 = tpu.vector_load %arg11[%get3A_226, %get3A_227, %get3A_228] {strides = array<i32>} : memref<2x80x128xf32, #tpu.memory_space<vmem>>, vector<16xf32>,
          %mul3A_230 = arith.mulf %get3A_229, %gather3A_180 : vector<16xf32>
          %swap3A_231 = arith.index_cast %rem3A_51 : i32 to index
          %swap3A_232 = arith.index_cast %add3A_172 : i32 to index
          %swap3A_233 = arith.constant 80 : index
          %swap3A_234 = tpu.vector_load %arg11[%swap3A_231, %swap3A_232, %swap3A_233] {strides = array<i32>} : memref<2x80x128xf32, #tpu.memory_space<vmem>>, vector<16xf32>,
          tpu.vector_store %arg11[%swap3A_231, %swap3A_232, %swap3A_233], %mul3A_230 {strides = array<i32>} : memref<2x80x128xf32, #tpu.memory_space<vmem>>, vector<16xf32>,
          %get3A_235 = arith.index_cast %rem3A_51 : i32 to index
          %get3A_236 = arith.index_cast %add3A_172 : i32 to index
          %get3A_237 = arith.constant 96 : index
          %get3A_238 = tpu.vector_load %arg11[%get3A_235, %get3A_236, %get3A_237] {strides = array<i32>} : memref<2x80x128xf32, #tpu.memory_space<vmem>>, vector<16xf32>,
          %mul3A_239 = arith.mulf %get3A_238, %gather3A_180 : vector<16xf32>
          %swap3A_240 = arith.index_cast %rem3A_51 : i32 to index
          %swap3A_241 = arith.index_cast %add3A_172 : i32 to index
          %swap3A_242 = arith.constant 96 : index
          %swap3A_243 = tpu.vector_load %arg11[%swap3A_240, %swap3A_241, %swap3A_242] {strides = array<i32>} : memref<2x80x128xf32, #tpu.memory_space<vmem>>, vector<16xf32>,
          tpu.vector_store %arg11[%swap3A_240, %swap3A_241, %swap3A_242], %mul3A_239 {strides = array<i32>} : memref<2x80x128xf32, #tpu.memory_space<vmem>>, vector<16xf32>,
          %get3A_244 = arith.index_cast %rem3A_51 : i32 to index
          %get3A_245 = arith.index_cast %add3A_172 : i32 to index
          %get3A_246 = arith.constant 112 : index
          %get3A_247 = tpu.vector_load %arg11[%get3A_244, %get3A_245, %get3A_246] {strides = array<i32>} : memref<2x80x128xf32, #tpu.memory_space<vmem>>, vector<16xf32>,
          %mul3A_248 = arith.mulf %get3A_247, %gather3A_180 : vector<16xf32>
          %swap3A_249 = arith.index_cast %rem3A_51 : i32 to index
          %swap3A_250 = arith.index_cast %add3A_172 : i32 to index
          %swap3A_251 = arith.constant 112 : index
          %swap3A_252 = tpu.vector_load %arg11[%swap3A_249, %swap3A_250, %swap3A_251] {strides = array<i32>} : memref<2x80x128xf32, #tpu.memory_space<vmem>>, vector<16xf32>,
          tpu.vector_store %arg11[%swap3A_249, %swap3A_250, %swap3A_251], %mul3A_248 {strides = array<i32>} : memref<2x80x128xf32, #tpu.memory_space<vmem>>, vector<16xf32>,
          %add3A_253 = arith.constant 2 : i32
          %add3A_254 = arith.addi %mul3A_92, %add3A_253 : i32
          %broadcast_in_dim3A_255 = arith.constant 0 : i32
          %broadcast_in_dim3A_256 = vector.broadcast %broadcast_in_dim3A_255 : i32 to vector<16xi32>
          %mul3A_257 = arith.constant 80 : i32
          %mul3A_258 = arith.muli %scan3A_50, %mul3A_257 : i32
          %add3A_259 = arith.addi %mul3A_258, %add3A_254 : i32
          %add3A_260 = vector.broadcast %add3A_259 : i32 to vector<16xi32>
          %add3A_261 = arith.addi %broadcast_in_dim3A_256, %add3A_260 : vector<16xi32>
          %gather3A_262 = tpu.vector_load_idx %arg10[%add3A_261] : memref<2000xf32, #tpu.memory_space<vmem>>[vector<16xi32>], vector<16xf32>,
          %get3A_263 = arith.index_cast %rem3A_51 : i32 to index
          %get3A_264 = arith.index_cast %add3A_254 : i32 to index
          %get3A_265 = arith.constant 0 : index
          %get3A_266 = tpu.vector_load %arg11[%get3A_263, %get3A_264, %get3A_265] {strides = array<i32>} : memref<2x80x128xf32, #tpu.memory_space<vmem>>, vector<16xf32>,
          %mul3A_267 = arith.mulf %get3A_266, %gather3A_262 : vector<16xf32>
          %swap3A_268 = arith.index_cast %rem3A_51 : i32 to index
          %swap3A_269 = arith.index_cast %add3A_254 : i32 to index
          %swap3A_270 = arith.constant 0 : index
          %swap3A_271 = tpu.vector_load %arg11[%swap3A_268, %swap3A_269, %swap3A_270] {strides = array<i32>} : memref<2x80x128xf32, #tpu.memory_space<vmem>>, vector<16xf32>,
          tpu.vector_store %arg11[%swap3A_268, %swap3A_269, %swap3A_270], %mul3A_267 {strides = array<i32>} : memref<2x80x128xf32, #tpu.memory_space<vmem>>, vector<16xf32>,
          %get3A_272 = arith.index_cast %rem3A_51 : i32 to index
          %get3A_273 = arith.index_cast %add3A_254 : i32 to index
          %get3A_274 = arith.constant 16 : index
          %get3A_275 = tpu.vector_load %arg11[%get3A_272, %get3A_273, %get3A_274] {strides = array<i32>} : memref<2x80x128xf32, #tpu.memory_space<vmem>>, vector<16xf32>,
          %mul3A_276 = arith.mulf %get3A_275, %gather3A_262 : vector<16xf32>
          %swap3A_277 = arith.index_cast %rem3A_51 : i32 to index
          %swap3A_278 = arith.index_cast %add3A_254 : i32 to index
          %swap3A_279 = arith.constant 16 : index
          %swap3A_280 = tpu.vector_load %arg11[%swap3A_277, %swap3A_278, %swap3A_279] {strides = array<i32>} : memref<2x80x128xf32, #tpu.memory_space<vmem>>, vector<16xf32>,
          tpu.vector_store %arg11[%swap3A_277, %swap3A_278, %swap3A_279], %mul3A_276 {strides = array<i32>} : memref<2x80x128xf32, #tpu.memory_space<vmem>>, vector<16xf32>,
          %get3A_281 = arith.index_cast %rem3A_51 : i32 to index
          %get3A_282 = arith.index_cast %add3A_254 : i32 to index
          %get3A_283 = arith.constant 32 : index
          %get3A_284 = tpu.vector_load %arg11[%get3A_281, %get3A_282, %get3A_283] {strides = array<i32>} : memref<2x80x128xf32, #tpu.memory_space<vmem>>, vector<16xf32>,
          %mul3A_285 = arith.mulf %get3A_284, %gather3A_262 : vector<16xf32>
          %swap3A_286 = arith.index_cast %rem3A_51 : i32 to index
          %swap3A_287 = arith.index_cast %add3A_254 : i32 to index
          %swap3A_288 = arith.constant 32 : index
          %swap3A_289 = tpu.vector_load %arg11[%swap3A_286, %swap3A_287, %swap3A_288] {strides = array<i32>} : memref<2x80x128xf32, #tpu.memory_space<vmem>>, vector<16xf32>,
          tpu.vector_store %arg11[%swap3A_286, %swap3A_287, %swap3A_288], %mul3A_285 {strides = array<i32>} : memref<2x80x128xf32, #tpu.memory_space<vmem>>, vector<16xf32>,
          %get3A_290 = arith.index_cast %rem3A_51 : i32 to index
          %get3A_291 = arith.index_cast %add3A_254 : i32 to index
          %get3A_292 = arith.constant 48 : index
          %get3A_293 = tpu.vector_load %arg11[%get3A_290, %get3A_291, %get3A_292] {strides = array<i32>} : memref<2x80x128xf32, #tpu.memory_space<vmem>>, vector<16xf32>,
          %mul3A_294 = arith.mulf %get3A_293, %gather3A_262 : vector<16xf32>
          %swap3A_295 = arith.index_cast %rem3A_51 : i32 to index
          %swap3A_296 = arith.index_cast %add3A_254 : i32 to index
          %swap3A_297 = arith.constant 48 : index
          %swap3A_298 = tpu.vector_load %arg11[%swap3A_295, %swap3A_296, %swap3A_297] {strides = array<i32>} : memref<2x80x128xf32, #tpu.memory_space<vmem>>, vector<16xf32>,
          tpu.vector_store %arg11[%swap3A_295, %swap3A_296, %swap3A_297], %mul3A_294 {strides = array<i32>} : memref<2x80x128xf32, #tpu.memory_space<vmem>>, vector<16xf32>,
          %get3A_299 = arith.index_cast %rem3A_51 : i32 to index
          %get3A_300 = arith.index_cast %add3A_254 : i32 to index
          %get3A_301 = arith.constant 64 : index
          %get3A_302 = tpu.vector_load %arg11[%get3A_299, %get3A_300, %get3A_301] {strides = array<i32>} : memref<2x80x128xf32, #tpu.memory_space<vmem>>, vector<16xf32>,
          %mul3A_303 = arith.mulf %get3A_302, %gather3A_262 : vector<16xf32>
          %swap3A_304 = arith.index_cast %rem3A_51 : i32 to index
          %swap3A_305 = arith.index_cast %add3A_254 : i32 to index
          %swap3A_306 = arith.constant 64 : index
          %swap3A_307 = tpu.vector_load %arg11[%swap3A_304, %swap3A_305, %swap3A_306] {strides = array<i32>} : memref<2x80x128xf32, #tpu.memory_space<vmem>>, vector<16xf32>,
          tpu.vector_store %arg11[%swap3A_304, %swap3A_305, %swap3A_306], %mul3A_303 {strides = array<i32>} : memref<2x80x128xf32, #tpu.memory_space<vmem>>, vector<16xf32>,
          %get3A_308 = arith.index_cast %rem3A_51 : i32 to index
          %get3A_309 = arith.index_cast %add3A_254 : i32 to index
          %get3A_310 = arith.constant 80 : index
          %get3A_311 = tpu.vector_load %arg11[%get3A_308, %get3A_309, %get3A_310] {strides = array<i32>} : memref<2x80x128xf32, #tpu.memory_space<vmem>>, vector<16xf32>,
          %mul3A_312 = arith.mulf %get3A_311, %gather3A_262 : vector<16xf32>
          %swap3A_313 = arith.index_cast %rem3A_51 : i32 to index
          %swap3A_314 = arith.index_cast %add3A_254 : i32 to index
          %swap3A_315 = arith.constant 80 : index
          %swap3A_316 = tpu.vector_load %arg11[%swap3A_313, %swap3A_314, %swap3A_315] {strides = array<i32>} : memref<2x80x128xf32, #tpu.memory_space<vmem>>, vector<16xf32>,
          tpu.vector_store %arg11[%swap3A_313, %swap3A_314, %swap3A_315], %mul3A_312 {strides = array<i32>} : memref<2x80x128xf32, #tpu.memory_space<vmem>>, vector<16xf32>,
          %get3A_317 = arith.index_cast %rem3A_51 : i32 to index
          %get3A_318 = arith.index_cast %add3A_254 : i32 to index
          %get3A_319 = arith.constant 96 : index
          %get3A_320 = tpu.vector_load %arg11[%get3A_317, %get3A_318, %get3A_319] {strides = array<i32>} : memref<2x80x128xf32, #tpu.memory_space<vmem>>, vector<16xf32>,
          %mul3A_321 = arith.mulf %get3A_320, %gather3A_262 : vector<16xf32>
          %swap3A_322 = arith.index_cast %rem3A_51 : i32 to index
          %swap3A_323 = arith.index_cast %add3A_254 : i32 to index
          %swap3A_324 = arith.constant 96 : index
          %swap3A_325 = tpu.vector_load %arg11[%swap3A_322, %swap3A_323, %swap3A_324] {strides = array<i32>} : memref<2x80x128xf32, #tpu.memory_space<vmem>>, vector<16xf32>,
          tpu.vector_store %arg11[%swap3A_322, %swap3A_323, %swap3A_324], %mul3A_321 {strides = array<i32>} : memref<2x80x128xf32, #tpu.memory_space<vmem>>, vector<16xf32>,
          %get3A_326 = arith.index_cast %rem3A_51 : i32 to index
          %get3A_327 = arith.index_cast %add3A_254 : i32 to index
          %get3A_328 = arith.constant 112 : index
          %get3A_329 = tpu.vector_load %arg11[%get3A_326, %get3A_327, %get3A_328] {strides = array<i32>} : memref<2x80x128xf32, #tpu.memory_space<vmem>>, vector<16xf32>,
          %mul3A_330 = arith.mulf %get3A_329, %gather3A_262 : vector<16xf32>
          %swap3A_331 = arith.index_cast %rem3A_51 : i32 to index
          %swap3A_332 = arith.index_cast %add3A_254 : i32 to index
          %swap3A_333 = arith.constant 112 : index
          %swap3A_334 = tpu.vector_load %arg11[%swap3A_331, %swap3A_332, %swap3A_333] {strides = array<i32>} : memref<2x80x128xf32, #tpu.memory_space<vmem>>, vector<16xf32>,
          tpu.vector_store %arg11[%swap3A_331, %swap3A_332, %swap3A_333], %mul3A_330 {strides = array<i32>} : memref<2x80x128xf32, #tpu.memory_space<vmem>>, vector<16xf32>,
          %add3A_335 = arith.constant 3 : i32
          %add3A_336 = arith.addi %mul3A_92, %add3A_335 : i32
          %broadcast_in_dim3A_337 = arith.constant 0 : i32
          %broadcast_in_dim3A_338 = vector.broadcast %broadcast_in_dim3A_337 : i32 to vector<16xi32>
          %mul3A_339 = arith.constant 80 : i32
          %mul3A_340 = arith.muli %scan3A_50, %mul3A_339 : i32
          %add3A_341 = arith.addi %mul3A_340, %add3A_336 : i32
          %add3A_342 = vector.broadcast %add3A_341 : i32 to vector<16xi32>
          %add3A_343 = arith.addi %broadcast_in_dim3A_338, %add3A_342 : vector<16xi32>
          %gather3A_344 = tpu.vector_load_idx %arg10[%add3A_343] : memref<2000xf32, #tpu.memory_space<vmem>>[vector<16xi32>], vector<16xf32>,
          %get3A_345 = arith.index_cast %rem3A_51 : i32 to index
          %get3A_346 = arith.index_cast %add3A_336 : i32 to index
          %get3A_347 = arith.constant 0 : index
          %get3A_348 = tpu.vector_load %arg11[%get3A_345, %get3A_346, %get3A_347] {strides = array<i32>} : memref<2x80x128xf32, #tpu.memory_space<vmem>>, vector<16xf32>,
          %mul3A_349 = arith.mulf %get3A_348, %gather3A_344 : vector<16xf32>
          %swap3A_350 = arith.index_cast %rem3A_51 : i32 to index
          %swap3A_351 = arith.index_cast %add3A_336 : i32 to index
          %swap3A_352 = arith.constant 0 : index
          %swap3A_353 = tpu.vector_load %arg11[%swap3A_350, %swap3A_351, %swap3A_352] {strides = array<i32>} : memref<2x80x128xf32, #tpu.memory_space<vmem>>, vector<16xf32>,
          tpu.vector_store %arg11[%swap3A_350, %swap3A_351, %swap3A_352], %mul3A_349 {strides = array<i32>} : memref<2x80x128xf32, #tpu.memory_space<vmem>>, vector<16xf32>,
          %get3A_354 = arith.index_cast %rem3A_51 : i32 to index
          %get3A_355 = arith.index_cast %add3A_336 : i32 to index
          %get3A_356 = arith.constant 16 : index
          %get3A_357 = tpu.vector_load %arg11[%get3A_354, %get3A_355, %get3A_356] {strides = array<i32>} : memref<2x80x128xf32, #tpu.memory_space<vmem>>, vector<16xf32>,
          %mul3A_358 = arith.mulf %get3A_357, %gather3A_344 : vector<16xf32>
          %swap3A_359 = arith.index_cast %rem3A_51 : i32 to index
          %swap3A_360 = arith.index_cast %add3A_336 : i32 to index
          %swap3A_361 = arith.constant 16 : index
          %swap3A_362 = tpu.vector_load %arg11[%swap3A_359, %swap3A_360, %swap3A_361] {strides = array<i32>} : memref<2x80x128xf32, #tpu.memory_space<vmem>>, vector<16xf32>,
          tpu.vector_store %arg11[%swap3A_359, %swap3A_360, %swap3A_361], %mul3A_358 {strides = array<i32>} : memref<2x80x128xf32, #tpu.memory_space<vmem>>, vector<16xf32>,
          %get3A_363 = arith.index_cast %rem3A_51 : i32 to index
          %get3A_364 = arith.index_cast %add3A_336 : i32 to index
          %get3A_365 = arith.constant 32 : index
          %get3A_366 = tpu.vector_load %arg11[%get3A_363, %get3A_364, %get3A_365] {strides = array<i32>} : memref<2x80x128xf32, #tpu.memory_space<vmem>>, vector<16xf32>,
          %mul3A_367 = arith.mulf %get3A_366, %gather3A_344 : vector<16xf32>
          %swap3A_368 = arith.index_cast %rem3A_51 : i32 to index
          %swap3A_369 = arith.index_cast %add3A_336 : i32 to index
          %swap3A_370 = arith.constant 32 : index
          %swap3A_371 = tpu.vector_load %arg11[%swap3A_368, %swap3A_369, %swap3A_370] {strides = array<i32>} : memref<2x80x128xf32, #tpu.memory_space<vmem>>, vector<16xf32>,
          tpu.vector_store %arg11[%swap3A_368, %swap3A_369, %swap3A_370], %mul3A_367 {strides = array<i32>} : memref<2x80x128xf32, #tpu.memory_space<vmem>>, vector<16xf32>,
          %get3A_372 = arith.index_cast %rem3A_51 : i32 to index
          %get3A_373 = arith.index_cast %add3A_336 : i32 to index
          %get3A_374 = arith.constant 48 : index
          %get3A_375 = tpu.vector_load %arg11[%get3A_372, %get3A_373, %get3A_374] {strides = array<i32>} : memref<2x80x128xf32, #tpu.memory_space<vmem>>, vector<16xf32>,
          %mul3A_376 = arith.mulf %get3A_375, %gather3A_344 : vector<16xf32>
          %swap3A_377 = arith.index_cast %rem3A_51 : i32 to index
          %swap3A_378 = arith.index_cast %add3A_336 : i32 to index
          %swap3A_379 = arith.constant 48 : index
          %swap3A_380 = tpu.vector_load %arg11[%swap3A_377, %swap3A_378, %swap3A_379] {strides = array<i32>} : memref<2x80x128xf32, #tpu.memory_space<vmem>>, vector<16xf32>,
          tpu.vector_store %arg11[%swap3A_377, %swap3A_378, %swap3A_379], %mul3A_376 {strides = array<i32>} : memref<2x80x128xf32, #tpu.memory_space<vmem>>, vector<16xf32>,
          %get3A_381 = arith.index_cast %rem3A_51 : i32 to index
          %get3A_382 = arith.index_cast %add3A_336 : i32 to index
          %get3A_383 = arith.constant 64 : index
          %get3A_384 = tpu.vector_load %arg11[%get3A_381, %get3A_382, %get3A_383] {strides = array<i32>} : memref<2x80x128xf32, #tpu.memory_space<vmem>>, vector<16xf32>,
          %mul3A_385 = arith.mulf %get3A_384, %gather3A_344 : vector<16xf32>
          %swap3A_386 = arith.index_cast %rem3A_51 : i32 to index
          %swap3A_387 = arith.index_cast %add3A_336 : i32 to index
          %swap3A_388 = arith.constant 64 : index
          %swap3A_389 = tpu.vector_load %arg11[%swap3A_386, %swap3A_387, %swap3A_388] {strides = array<i32>} : memref<2x80x128xf32, #tpu.memory_space<vmem>>, vector<16xf32>,
          tpu.vector_store %arg11[%swap3A_386, %swap3A_387, %swap3A_388], %mul3A_385 {strides = array<i32>} : memref<2x80x128xf32, #tpu.memory_space<vmem>>, vector<16xf32>,
          %get3A_390 = arith.index_cast %rem3A_51 : i32 to index
          %get3A_391 = arith.index_cast %add3A_336 : i32 to index
          %get3A_392 = arith.constant 80 : index
          %get3A_393 = tpu.vector_load %arg11[%get3A_390, %get3A_391, %get3A_392] {strides = array<i32>} : memref<2x80x128xf32, #tpu.memory_space<vmem>>, vector<16xf32>,
          %mul3A_394 = arith.mulf %get3A_393, %gather3A_344 : vector<16xf32>
          %swap3A_395 = arith.index_cast %rem3A_51 : i32 to index
          %swap3A_396 = arith.index_cast %add3A_336 : i32 to index
          %swap3A_397 = arith.constant 80 : index
          %swap3A_398 = tpu.vector_load %arg11[%swap3A_395, %swap3A_396, %swap3A_397] {strides = array<i32>} : memref<2x80x128xf32, #tpu.memory_space<vmem>>, vector<16xf32>,
          tpu.vector_store %arg11[%swap3A_395, %swap3A_396, %swap3A_397], %mul3A_394 {strides = array<i32>} : memref<2x80x128xf32, #tpu.memory_space<vmem>>, vector<16xf32>,
          %get3A_399 = arith.index_cast %rem3A_51 : i32 to index
          %get3A_400 = arith.index_cast %add3A_336 : i32 to index
          %get3A_401 = arith.constant 96 : index
          %get3A_402 = tpu.vector_load %arg11[%get3A_399, %get3A_400, %get3A_401] {strides = array<i32>} : memref<2x80x128xf32, #tpu.memory_space<vmem>>, vector<16xf32>,
          %mul3A_403 = arith.mulf %get3A_402, %gather3A_344 : vector<16xf32>
          %swap3A_404 = arith.index_cast %rem3A_51 : i32 to index
          %swap3A_405 = arith.index_cast %add3A_336 : i32 to index
          %swap3A_406 = arith.constant 96 : index
          %swap3A_407 = tpu.vector_load %arg11[%swap3A_404, %swap3A_405, %swap3A_406] {strides = array<i32>} : memref<2x80x128xf32, #tpu.memory_space<vmem>>, vector<16xf32>,
          tpu.vector_store %arg11[%swap3A_404, %swap3A_405, %swap3A_406], %mul3A_403 {strides = array<i32>} : memref<2x80x128xf32, #tpu.memory_space<vmem>>, vector<16xf32>,
          %get3A_408 = arith.index_cast %rem3A_51 : i32 to index
          %get3A_409 = arith.index_cast %add3A_336 : i32 to index
          %get3A_410 = arith.constant 112 : index
          %get3A_411 = tpu.vector_load %arg11[%get3A_408, %get3A_409, %get3A_410] {strides = array<i32>} : memref<2x80x128xf32, #tpu.memory_space<vmem>>, vector<16xf32>,
          %mul3A_412 = arith.mulf %get3A_411, %gather3A_344 : vector<16xf32>
          %swap3A_413 = arith.index_cast %rem3A_51 : i32 to index
          %swap3A_414 = arith.index_cast %add3A_336 : i32 to index
          %swap3A_415 = arith.constant 112 : index
          %swap3A_416 = tpu.vector_load %arg11[%swap3A_413, %swap3A_414, %swap3A_415] {strides = array<i32>} : memref<2x80x128xf32, #tpu.memory_space<vmem>>, vector<16xf32>,
          tpu.vector_store %arg11[%swap3A_413, %swap3A_414, %swap3A_415], %mul3A_412 {strides = array<i32>} : memref<2x80x128xf32, #tpu.memory_space<vmem>>, vector<16xf32>,
          %add3A_417 = arith.constant 4 : i32
          %add3A_418 = arith.addi %mul3A_92, %add3A_417 : i32
          %broadcast_in_dim3A_419 = arith.constant 0 : i32
          %broadcast_in_dim3A_420 = vector.broadcast %broadcast_in_dim3A_419 : i32 to vector<16xi32>
          %mul3A_421 = arith.constant 80 : i32
          %mul3A_422 = arith.muli %scan3A_50, %mul3A_421 : i32
          %add3A_423 = arith.addi %mul3A_422, %add3A_418 : i32
          %add3A_424 = vector.broadcast %add3A_423 : i32 to vector<16xi32>
          %add3A_425 = arith.addi %broadcast_in_dim3A_420, %add3A_424 : vector<16xi32>
          %gather3A_426 = tpu.vector_load_idx %arg10[%add3A_425] : memref<2000xf32, #tpu.memory_space<vmem>>[vector<16xi32>], vector<16xf32>,
          %get3A_427 = arith.index_cast %rem3A_51 : i32 to index
          %get3A_428 = arith.index_cast %add3A_418 : i32 to index
          %get3A_429 = arith.constant 0 : index
          %get3A_430 = tpu.vector_load %arg11[%get3A_427, %get3A_428, %get3A_429] {strides = array<i32>} : memref<2x80x128xf32, #tpu.memory_space<vmem>>, vector<16xf32>,
          %mul3A_431 = arith.mulf %get3A_430, %gather3A_426 : vector<16xf32>
          %swap3A_432 = arith.index_cast %rem3A_51 : i32 to index
          %swap3A_433 = arith.index_cast %add3A_418 : i32 to index
          %swap3A_434 = arith.constant 0 : index
          %swap3A_435 = tpu.vector_load %arg11[%swap3A_432, %swap3A_433, %swap3A_434] {strides = array<i32>} : memref<2x80x128xf32, #tpu.memory_space<vmem>>, vector<16xf32>,
          tpu.vector_store %arg11[%swap3A_432, %swap3A_433, %swap3A_434], %mul3A_431 {strides = array<i32>} : memref<2x80x128xf32, #tpu.memory_space<vmem>>, vector<16xf32>,
          %get3A_436 = arith.index_cast %rem3A_51 : i32 to index
          %get3A_437 = arith.index_cast %add3A_418 : i32 to index
          %get3A_438 = arith.constant 16 : index
          %get3A_439 = tpu.vector_load %arg11[%get3A_436, %get3A_437, %get3A_438] {strides = array<i32>} : memref<2x80x128xf32, #tpu.memory_space<vmem>>, vector<16xf32>,
          %mul3A_440 = arith.mulf %get3A_439, %gather3A_426 : vector<16xf32>
          %swap3A_441 = arith.index_cast %rem3A_51 : i32 to index
          %swap3A_442 = arith.index_cast %add3A_418 : i32 to index
          %swap3A_443 = arith.constant 16 : index
          %swap3A_444 = tpu.vector_load %arg11[%swap3A_441, %swap3A_442, %swap3A_443] {strides = array<i32>} : memref<2x80x128xf32, #tpu.memory_space<vmem>>, vector<16xf32>,
          tpu.vector_store %arg11[%swap3A_441, %swap3A_442, %swap3A_443], %mul3A_440 {strides = array<i32>} : memref<2x80x128xf32, #tpu.memory_space<vmem>>, vector<16xf32>,
          %get3A_445 = arith.index_cast %rem3A_51 : i32 to index
          %get3A_446 = arith.index_cast %add3A_418 : i32 to index
          %get3A_447 = arith.constant 32 : index
          %get3A_448 = tpu.vector_load %arg11[%get3A_445, %get3A_446, %get3A_447] {strides = array<i32>} : memref<2x80x128xf32, #tpu.memory_space<vmem>>, vector<16xf32>,
          %mul3A_449 = arith.mulf %get3A_448, %gather3A_426 : vector<16xf32>
          %swap3A_450 = arith.index_cast %rem3A_51 : i32 to index
          %swap3A_451 = arith.index_cast %add3A_418 : i32 to index
          %swap3A_452 = arith.constant 32 : index
          %swap3A_453 = tpu.vector_load %arg11[%swap3A_450, %swap3A_451, %swap3A_452] {strides = array<i32>} : memref<2x80x128xf32, #tpu.memory_space<vmem>>, vector<16xf32>,
          tpu.vector_store %arg11[%swap3A_450, %swap3A_451, %swap3A_452], %mul3A_449 {strides = array<i32>} : memref<2x80x128xf32, #tpu.memory_space<vmem>>, vector<16xf32>,
          %get3A_454 = arith.index_cast %rem3A_51 : i32 to index
          %get3A_455 = arith.index_cast %add3A_418 : i32 to index
          %get3A_456 = arith.constant 48 : index
          %get3A_457 = tpu.vector_load %arg11[%get3A_454, %get3A_455, %get3A_456] {strides = array<i32>} : memref<2x80x128xf32, #tpu.memory_space<vmem>>, vector<16xf32>,
          %mul3A_458 = arith.mulf %get3A_457, %gather3A_426 : vector<16xf32>
          %swap3A_459 = arith.index_cast %rem3A_51 : i32 to index
          %swap3A_460 = arith.index_cast %add3A_418 : i32 to index
          %swap3A_461 = arith.constant 48 : index
          %swap3A_462 = tpu.vector_load %arg11[%swap3A_459, %swap3A_460, %swap3A_461] {strides = array<i32>} : memref<2x80x128xf32, #tpu.memory_space<vmem>>, vector<16xf32>,
          tpu.vector_store %arg11[%swap3A_459, %swap3A_460, %swap3A_461], %mul3A_458 {strides = array<i32>} : memref<2x80x128xf32, #tpu.memory_space<vmem>>, vector<16xf32>,
          %get3A_463 = arith.index_cast %rem3A_51 : i32 to index
          %get3A_464 = arith.index_cast %add3A_418 : i32 to index
          %get3A_465 = arith.constant 64 : index
          %get3A_466 = tpu.vector_load %arg11[%get3A_463, %get3A_464, %get3A_465] {strides = array<i32>} : memref<2x80x128xf32, #tpu.memory_space<vmem>>, vector<16xf32>,
          %mul3A_467 = arith.mulf %get3A_466, %gather3A_426 : vector<16xf32>
          %swap3A_468 = arith.index_cast %rem3A_51 : i32 to index
          %swap3A_469 = arith.index_cast %add3A_418 : i32 to index
          %swap3A_470 = arith.constant 64 : index
          %swap3A_471 = tpu.vector_load %arg11[%swap3A_468, %swap3A_469, %swap3A_470] {strides = array<i32>} : memref<2x80x128xf32, #tpu.memory_space<vmem>>, vector<16xf32>,
          tpu.vector_store %arg11[%swap3A_468, %swap3A_469, %swap3A_470], %mul3A_467 {strides = array<i32>} : memref<2x80x128xf32, #tpu.memory_space<vmem>>, vector<16xf32>,
          %get3A_472 = arith.index_cast %rem3A_51 : i32 to index
          %get3A_473 = arith.index_cast %add3A_418 : i32 to index
          %get3A_474 = arith.constant 80 : index
          %get3A_475 = tpu.vector_load %arg11[%get3A_472, %get3A_473, %get3A_474] {strides = array<i32>} : memref<2x80x128xf32, #tpu.memory_space<vmem>>, vector<16xf32>,
          %mul3A_476 = arith.mulf %get3A_475, %gather3A_426 : vector<16xf32>
          %swap3A_477 = arith.index_cast %rem3A_51 : i32 to index
          %swap3A_478 = arith.index_cast %add3A_418 : i32 to index
          %swap3A_479 = arith.constant 80 : index
          %swap3A_480 = tpu.vector_load %arg11[%swap3A_477, %swap3A_478, %swap3A_479] {strides = array<i32>} : memref<2x80x128xf32, #tpu.memory_space<vmem>>, vector<16xf32>,
          tpu.vector_store %arg11[%swap3A_477, %swap3A_478, %swap3A_479], %mul3A_476 {strides = array<i32>} : memref<2x80x128xf32, #tpu.memory_space<vmem>>, vector<16xf32>,
          %get3A_481 = arith.index_cast %rem3A_51 : i32 to index
          %get3A_482 = arith.index_cast %add3A_418 : i32 to index
          %get3A_483 = arith.constant 96 : index
          %get3A_484 = tpu.vector_load %arg11[%get3A_481, %get3A_482, %get3A_483] {strides = array<i32>} : memref<2x80x128xf32, #tpu.memory_space<vmem>>, vector<16xf32>,
          %mul3A_485 = arith.mulf %get3A_484, %gather3A_426 : vector<16xf32>
          %swap3A_486 = arith.index_cast %rem3A_51 : i32 to index
          %swap3A_487 = arith.index_cast %add3A_418 : i32 to index
          %swap3A_488 = arith.constant 96 : index
          %swap3A_489 = tpu.vector_load %arg11[%swap3A_486, %swap3A_487, %swap3A_488] {strides = array<i32>} : memref<2x80x128xf32, #tpu.memory_space<vmem>>, vector<16xf32>,
          tpu.vector_store %arg11[%swap3A_486, %swap3A_487, %swap3A_488], %mul3A_485 {strides = array<i32>} : memref<2x80x128xf32, #tpu.memory_space<vmem>>, vector<16xf32>,
          %get3A_490 = arith.index_cast %rem3A_51 : i32 to index
          %get3A_491 = arith.index_cast %add3A_418 : i32 to index
          %get3A_492 = arith.constant 112 : index
          %get3A_493 = tpu.vector_load %arg11[%get3A_490, %get3A_491, %get3A_492] {strides = array<i32>} : memref<2x80x128xf32, #tpu.memory_space<vmem>>, vector<16xf32>,
          %mul3A_494 = arith.mulf %get3A_493, %gather3A_426 : vector<16xf32>
          %swap3A_495 = arith.index_cast %rem3A_51 : i32 to index
          %swap3A_496 = arith.index_cast %add3A_418 : i32 to index
          %swap3A_497 = arith.constant 112 : index
          %swap3A_498 = tpu.vector_load %arg11[%swap3A_495, %swap3A_496, %swap3A_497] {strides = array<i32>} : memref<2x80x128xf32, #tpu.memory_space<vmem>>, vector<16xf32>,
          tpu.vector_store %arg11[%swap3A_495, %swap3A_496, %swap3A_497], %mul3A_494 {strides = array<i32>} : memref<2x80x128xf32, #tpu.memory_space<vmem>>, vector<16xf32>,
          %add3A_499 = arith.constant 5 : i32
          %add3A_500 = arith.addi %mul3A_92, %add3A_499 : i32
          %broadcast_in_dim3A_501 = arith.constant 0 : i32
          %broadcast_in_dim3A_502 = vector.broadcast %broadcast_in_dim3A_501 : i32 to vector<16xi32>
          %mul3A_503 = arith.constant 80 : i32
          %mul3A_504 = arith.muli %scan3A_50, %mul3A_503 : i32
          %add3A_505 = arith.addi %mul3A_504, %add3A_500 : i32
          %add3A_506 = vector.broadcast %add3A_505 : i32 to vector<16xi32>
          %add3A_507 = arith.addi %broadcast_in_dim3A_502, %add3A_506 : vector<16xi32>
          %gather3A_508 = tpu.vector_load_idx %arg10[%add3A_507] : memref<2000xf32, #tpu.memory_space<vmem>>[vector<16xi32>], vector<16xf32>,
          %get3A_509 = arith.index_cast %rem3A_51 : i32 to index
          %get3A_510 = arith.index_cast %add3A_500 : i32 to index
          %get3A_511 = arith.constant 0 : index
          %get3A_512 = tpu.vector_load %arg11[%get3A_509, %get3A_510, %get3A_511] {strides = array<i32>} : memref<2x80x128xf32, #tpu.memory_space<vmem>>, vector<16xf32>,
          %mul3A_513 = arith.mulf %get3A_512, %gather3A_508 : vector<16xf32>
          %swap3A_514 = arith.index_cast %rem3A_51 : i32 to index
          %swap3A_515 = arith.index_cast %add3A_500 : i32 to index
          %swap3A_516 = arith.constant 0 : index
          %swap3A_517 = tpu.vector_load %arg11[%swap3A_514, %swap3A_515, %swap3A_516] {strides = array<i32>} : memref<2x80x128xf32, #tpu.memory_space<vmem>>, vector<16xf32>,
          tpu.vector_store %arg11[%swap3A_514, %swap3A_515, %swap3A_516], %mul3A_513 {strides = array<i32>} : memref<2x80x128xf32, #tpu.memory_space<vmem>>, vector<16xf32>,
          %get3A_518 = arith.index_cast %rem3A_51 : i32 to index
          %get3A_519 = arith.index_cast %add3A_500 : i32 to index
          %get3A_520 = arith.constant 16 : index
          %get3A_521 = tpu.vector_load %arg11[%get3A_518, %get3A_519, %get3A_520] {strides = array<i32>} : memref<2x80x128xf32, #tpu.memory_space<vmem>>, vector<16xf32>,
          %mul3A_522 = arith.mulf %get3A_521, %gather3A_508 : vector<16xf32>
          %swap3A_523 = arith.index_cast %rem3A_51 : i32 to index
          %swap3A_524 = arith.index_cast %add3A_500 : i32 to index
          %swap3A_525 = arith.constant 16 : index
          %swap3A_526 = tpu.vector_load %arg11[%swap3A_523, %swap3A_524, %swap3A_525] {strides = array<i32>} : memref<2x80x128xf32, #tpu.memory_space<vmem>>, vector<16xf32>,
          tpu.vector_store %arg11[%swap3A_523, %swap3A_524, %swap3A_525], %mul3A_522 {strides = array<i32>} : memref<2x80x128xf32, #tpu.memory_space<vmem>>, vector<16xf32>,
          %get3A_527 = arith.index_cast %rem3A_51 : i32 to index
          %get3A_528 = arith.index_cast %add3A_500 : i32 to index
          %get3A_529 = arith.constant 32 : index
          %get3A_530 = tpu.vector_load %arg11[%get3A_527, %get3A_528, %get3A_529] {strides = array<i32>} : memref<2x80x128xf32, #tpu.memory_space<vmem>>, vector<16xf32>,
          %mul3A_531 = arith.mulf %get3A_530, %gather3A_508 : vector<16xf32>
          %swap3A_532 = arith.index_cast %rem3A_51 : i32 to index
          %swap3A_533 = arith.index_cast %add3A_500 : i32 to index
          %swap3A_534 = arith.constant 32 : index
          %swap3A_535 = tpu.vector_load %arg11[%swap3A_532, %swap3A_533, %swap3A_534] {strides = array<i32>} : memref<2x80x128xf32, #tpu.memory_space<vmem>>, vector<16xf32>,
          tpu.vector_store %arg11[%swap3A_532, %swap3A_533, %swap3A_534], %mul3A_531 {strides = array<i32>} : memref<2x80x128xf32, #tpu.memory_space<vmem>>, vector<16xf32>,
          %get3A_536 = arith.index_cast %rem3A_51 : i32 to index
          %get3A_537 = arith.index_cast %add3A_500 : i32 to index
          %get3A_538 = arith.constant 48 : index
          %get3A_539 = tpu.vector_load %arg11[%get3A_536, %get3A_537, %get3A_538] {strides = array<i32>} : memref<2x80x128xf32, #tpu.memory_space<vmem>>, vector<16xf32>,
          %mul3A_540 = arith.mulf %get3A_539, %gather3A_508 : vector<16xf32>
          %swap3A_541 = arith.index_cast %rem3A_51 : i32 to index
          %swap3A_542 = arith.index_cast %add3A_500 : i32 to index
          %swap3A_543 = arith.constant 48 : index
          %swap3A_544 = tpu.vector_load %arg11[%swap3A_541, %swap3A_542, %swap3A_543] {strides = array<i32>} : memref<2x80x128xf32, #tpu.memory_space<vmem>>, vector<16xf32>,
          tpu.vector_store %arg11[%swap3A_541, %swap3A_542, %swap3A_543], %mul3A_540 {strides = array<i32>} : memref<2x80x128xf32, #tpu.memory_space<vmem>>, vector<16xf32>,
          %get3A_545 = arith.index_cast %rem3A_51 : i32 to index
          %get3A_546 = arith.index_cast %add3A_500 : i32 to index
          %get3A_547 = arith.constant 64 : index
          %get3A_548 = tpu.vector_load %arg11[%get3A_545, %get3A_546, %get3A_547] {strides = array<i32>} : memref<2x80x128xf32, #tpu.memory_space<vmem>>, vector<16xf32>,
          %mul3A_549 = arith.mulf %get3A_548, %gather3A_508 : vector<16xf32>
          %swap3A_550 = arith.index_cast %rem3A_51 : i32 to index
          %swap3A_551 = arith.index_cast %add3A_500 : i32 to index
          %swap3A_552 = arith.constant 64 : index
          %swap3A_553 = tpu.vector_load %arg11[%swap3A_550, %swap3A_551, %swap3A_552] {strides = array<i32>} : memref<2x80x128xf32, #tpu.memory_space<vmem>>, vector<16xf32>,
          tpu.vector_store %arg11[%swap3A_550, %swap3A_551, %swap3A_552], %mul3A_549 {strides = array<i32>} : memref<2x80x128xf32, #tpu.memory_space<vmem>>, vector<16xf32>,
          %get3A_554 = arith.index_cast %rem3A_51 : i32 to index
          %get3A_555 = arith.index_cast %add3A_500 : i32 to index
          %get3A_556 = arith.constant 80 : index
          %get3A_557 = tpu.vector_load %arg11[%get3A_554, %get3A_555, %get3A_556] {strides = array<i32>} : memref<2x80x128xf32, #tpu.memory_space<vmem>>, vector<16xf32>,
          %mul3A_558 = arith.mulf %get3A_557, %gather3A_508 : vector<16xf32>
          %swap3A_559 = arith.index_cast %rem3A_51 : i32 to index
          %swap3A_560 = arith.index_cast %add3A_500 : i32 to index
          %swap3A_561 = arith.constant 80 : index
          %swap3A_562 = tpu.vector_load %arg11[%swap3A_559, %swap3A_560, %swap3A_561] {strides = array<i32>} : memref<2x80x128xf32, #tpu.memory_space<vmem>>, vector<16xf32>,
          tpu.vector_store %arg11[%swap3A_559, %swap3A_560, %swap3A_561], %mul3A_558 {strides = array<i32>} : memref<2x80x128xf32, #tpu.memory_space<vmem>>, vector<16xf32>,
          %get3A_563 = arith.index_cast %rem3A_51 : i32 to index
          %get3A_564 = arith.index_cast %add3A_500 : i32 to index
          %get3A_565 = arith.constant 96 : index
          %get3A_566 = tpu.vector_load %arg11[%get3A_563, %get3A_564, %get3A_565] {strides = array<i32>} : memref<2x80x128xf32, #tpu.memory_space<vmem>>, vector<16xf32>,
          %mul3A_567 = arith.mulf %get3A_566, %gather3A_508 : vector<16xf32>
          %swap3A_568 = arith.index_cast %rem3A_51 : i32 to index
          %swap3A_569 = arith.index_cast %add3A_500 : i32 to index
          %swap3A_570 = arith.constant 96 : index
          %swap3A_571 = tpu.vector_load %arg11[%swap3A_568, %swap3A_569, %swap3A_570] {strides = array<i32>} : memref<2x80x128xf32, #tpu.memory_space<vmem>>, vector<16xf32>,
          tpu.vector_store %arg11[%swap3A_568, %swap3A_569, %swap3A_570], %mul3A_567 {strides = array<i32>} : memref<2x80x128xf32, #tpu.memory_space<vmem>>, vector<16xf32>,
          %get3A_572 = arith.index_cast %rem3A_51 : i32 to index
          %get3A_573 = arith.index_cast %add3A_500 : i32 to index
          %get3A_574 = arith.constant 112 : index
          %get3A_575 = tpu.vector_load %arg11[%get3A_572, %get3A_573, %get3A_574] {strides = array<i32>} : memref<2x80x128xf32, #tpu.memory_space<vmem>>, vector<16xf32>,
          %mul3A_576 = arith.mulf %get3A_575, %gather3A_508 : vector<16xf32>
          %swap3A_577 = arith.index_cast %rem3A_51 : i32 to index
          %swap3A_578 = arith.index_cast %add3A_500 : i32 to index
          %swap3A_579 = arith.constant 112 : index
          %swap3A_580 = tpu.vector_load %arg11[%swap3A_577, %swap3A_578, %swap3A_579] {strides = array<i32>} : memref<2x80x128xf32, #tpu.memory_space<vmem>>, vector<16xf32>,
          tpu.vector_store %arg11[%swap3A_577, %swap3A_578, %swap3A_579], %mul3A_576 {strides = array<i32>} : memref<2x80x128xf32, #tpu.memory_space<vmem>>, vector<16xf32>,
          %add3A_581 = arith.constant 6 : i32
          %add3A_582 = arith.addi %mul3A_92, %add3A_581 : i32
          %broadcast_in_dim3A_583 = arith.constant 0 : i32
          %broadcast_in_dim3A_584 = vector.broadcast %broadcast_in_dim3A_583 : i32 to vector<16xi32>
          %mul3A_585 = arith.constant 80 : i32
          %mul3A_586 = arith.muli %scan3A_50, %mul3A_585 : i32
          %add3A_587 = arith.addi %mul3A_586, %add3A_582 : i32
          %add3A_588 = vector.broadcast %add3A_587 : i32 to vector<16xi32>
          %add3A_589 = arith.addi %broadcast_in_dim3A_584, %add3A_588 : vector<16xi32>
          %gather3A_590 = tpu.vector_load_idx %arg10[%add3A_589] : memref<2000xf32, #tpu.memory_space<vmem>>[vector<16xi32>], vector<16xf32>,
          %get3A_591 = arith.index_cast %rem3A_51 : i32 to index
          %get3A_592 = arith.index_cast %add3A_582 : i32 to index
          %get3A_593 = arith.constant 0 : index
          %get3A_594 = tpu.vector_load %arg11[%get3A_591, %get3A_592, %get3A_593] {strides = array<i32>} : memref<2x80x128xf32, #tpu.memory_space<vmem>>, vector<16xf32>,
          %mul3A_595 = arith.mulf %get3A_594, %gather3A_590 : vector<16xf32>
          %swap3A_596 = arith.index_cast %rem3A_51 : i32 to index
          %swap3A_597 = arith.index_cast %add3A_582 : i32 to index
          %swap3A_598 = arith.constant 0 : index
          %swap3A_599 = tpu.vector_load %arg11[%swap3A_596, %swap3A_597, %swap3A_598] {strides = array<i32>} : memref<2x80x128xf32, #tpu.memory_space<vmem>>, vector<16xf32>,
          tpu.vector_store %arg11[%swap3A_596, %swap3A_597, %swap3A_598], %mul3A_595 {strides = array<i32>} : memref<2x80x128xf32, #tpu.memory_space<vmem>>, vector<16xf32>,
          %get3A_600 = arith.index_cast %rem3A_51 : i32 to index
          %get3A_601 = arith.index_cast %add3A_582 : i32 to index
          %get3A_602 = arith.constant 16 : index
          %get3A_603 = tpu.vector_load %arg11[%get3A_600, %get3A_601, %get3A_602] {strides = array<i32>} : memref<2x80x128xf32, #tpu.memory_space<vmem>>, vector<16xf32>,
          %mul3A_604 = arith.mulf %get3A_603, %gather3A_590 : vector<16xf32>
          %swap3A_605 = arith.index_cast %rem3A_51 : i32 to index
          %swap3A_606 = arith.index_cast %add3A_582 : i32 to index
          %swap3A_607 = arith.constant 16 : index
          %swap3A_608 = tpu.vector_load %arg11[%swap3A_605, %swap3A_606, %swap3A_607] {strides = array<i32>} : memref<2x80x128xf32, #tpu.memory_space<vmem>>, vector<16xf32>,
          tpu.vector_store %arg11[%swap3A_605, %swap3A_606, %swap3A_607], %mul3A_604 {strides = array<i32>} : memref<2x80x128xf32, #tpu.memory_space<vmem>>, vector<16xf32>,
          %get3A_609 = arith.index_cast %rem3A_51 : i32 to index
          %get3A_610 = arith.index_cast %add3A_582 : i32 to index
          %get3A_611 = arith.constant 32 : index
          %get3A_612 = tpu.vector_load %arg11[%get3A_609, %get3A_610, %get3A_611] {strides = array<i32>} : memref<2x80x128xf32, #tpu.memory_space<vmem>>, vector<16xf32>,
          %mul3A_613 = arith.mulf %get3A_612, %gather3A_590 : vector<16xf32>
          %swap3A_614 = arith.index_cast %rem3A_51 : i32 to index
          %swap3A_615 = arith.index_cast %add3A_582 : i32 to index
          %swap3A_616 = arith.constant 32 : index
          %swap3A_617 = tpu.vector_load %arg11[%swap3A_614, %swap3A_615, %swap3A_616] {strides = array<i32>} : memref<2x80x128xf32, #tpu.memory_space<vmem>>, vector<16xf32>,
          tpu.vector_store %arg11[%swap3A_614, %swap3A_615, %swap3A_616], %mul3A_613 {strides = array<i32>} : memref<2x80x128xf32, #tpu.memory_space<vmem>>, vector<16xf32>,
          %get3A_618 = arith.index_cast %rem3A_51 : i32 to index
          %get3A_619 = arith.index_cast %add3A_582 : i32 to index
          %get3A_620 = arith.constant 48 : index
          %get3A_621 = tpu.vector_load %arg11[%get3A_618, %get3A_619, %get3A_620] {strides = array<i32>} : memref<2x80x128xf32, #tpu.memory_space<vmem>>, vector<16xf32>,
          %mul3A_622 = arith.mulf %get3A_621, %gather3A_590 : vector<16xf32>
          %swap3A_623 = arith.index_cast %rem3A_51 : i32 to index
          %swap3A_624 = arith.index_cast %add3A_582 : i32 to index
          %swap3A_625 = arith.constant 48 : index
          %swap3A_626 = tpu.vector_load %arg11[%swap3A_623, %swap3A_624, %swap3A_625] {strides = array<i32>} : memref<2x80x128xf32, #tpu.memory_space<vmem>>, vector<16xf32>,
          tpu.vector_store %arg11[%swap3A_623, %swap3A_624, %swap3A_625], %mul3A_622 {strides = array<i32>} : memref<2x80x128xf32, #tpu.memory_space<vmem>>, vector<16xf32>,
          %get3A_627 = arith.index_cast %rem3A_51 : i32 to index
          %get3A_628 = arith.index_cast %add3A_582 : i32 to index
          %get3A_629 = arith.constant 64 : index
          %get3A_630 = tpu.vector_load %arg11[%get3A_627, %get3A_628, %get3A_629] {strides = array<i32>} : memref<2x80x128xf32, #tpu.memory_space<vmem>>, vector<16xf32>,
          %mul3A_631 = arith.mulf %get3A_630, %gather3A_590 : vector<16xf32>
          %swap3A_632 = arith.index_cast %rem3A_51 : i32 to index
          %swap3A_633 = arith.index_cast %add3A_582 : i32 to index
          %swap3A_634 = arith.constant 64 : index
          %swap3A_635 = tpu.vector_load %arg11[%swap3A_632, %swap3A_633, %swap3A_634] {strides = array<i32>} : memref<2x80x128xf32, #tpu.memory_space<vmem>>, vector<16xf32>,
          tpu.vector_store %arg11[%swap3A_632, %swap3A_633, %swap3A_634], %mul3A_631 {strides = array<i32>} : memref<2x80x128xf32, #tpu.memory_space<vmem>>, vector<16xf32>,
          %get3A_636 = arith.index_cast %rem3A_51 : i32 to index
          %get3A_637 = arith.index_cast %add3A_582 : i32 to index
          %get3A_638 = arith.constant 80 : index
          %get3A_639 = tpu.vector_load %arg11[%get3A_636, %get3A_637, %get3A_638] {strides = array<i32>} : memref<2x80x128xf32, #tpu.memory_space<vmem>>, vector<16xf32>,
          %mul3A_640 = arith.mulf %get3A_639, %gather3A_590 : vector<16xf32>
          %swap3A_641 = arith.index_cast %rem3A_51 : i32 to index
          %swap3A_642 = arith.index_cast %add3A_582 : i32 to index
          %swap3A_643 = arith.constant 80 : index
          %swap3A_644 = tpu.vector_load %arg11[%swap3A_641, %swap3A_642, %swap3A_643] {strides = array<i32>} : memref<2x80x128xf32, #tpu.memory_space<vmem>>, vector<16xf32>,
          tpu.vector_store %arg11[%swap3A_641, %swap3A_642, %swap3A_643], %mul3A_640 {strides = array<i32>} : memref<2x80x128xf32, #tpu.memory_space<vmem>>, vector<16xf32>,
          %get3A_645 = arith.index_cast %rem3A_51 : i32 to index
          %get3A_646 = arith.index_cast %add3A_582 : i32 to index
          %get3A_647 = arith.constant 96 : index
          %get3A_648 = tpu.vector_load %arg11[%get3A_645, %get3A_646, %get3A_647] {strides = array<i32>} : memref<2x80x128xf32, #tpu.memory_space<vmem>>, vector<16xf32>,
          %mul3A_649 = arith.mulf %get3A_648, %gather3A_590 : vector<16xf32>
          %swap3A_650 = arith.index_cast %rem3A_51 : i32 to index
          %swap3A_651 = arith.index_cast %add3A_582 : i32 to index
          %swap3A_652 = arith.constant 96 : index
          %swap3A_653 = tpu.vector_load %arg11[%swap3A_650, %swap3A_651, %swap3A_652] {strides = array<i32>} : memref<2x80x128xf32, #tpu.memory_space<vmem>>, vector<16xf32>,
          tpu.vector_store %arg11[%swap3A_650, %swap3A_651, %swap3A_652], %mul3A_649 {strides = array<i32>} : memref<2x80x128xf32, #tpu.memory_space<vmem>>, vector<16xf32>,
          %get3A_654 = arith.index_cast %rem3A_51 : i32 to index
          %get3A_655 = arith.index_cast %add3A_582 : i32 to index
          %get3A_656 = arith.constant 112 : index
          %get3A_657 = tpu.vector_load %arg11[%get3A_654, %get3A_655, %get3A_656] {strides = array<i32>} : memref<2x80x128xf32, #tpu.memory_space<vmem>>, vector<16xf32>,
          %mul3A_658 = arith.mulf %get3A_657, %gather3A_590 : vector<16xf32>
          %swap3A_659 = arith.index_cast %rem3A_51 : i32 to index
          %swap3A_660 = arith.index_cast %add3A_582 : i32 to index
          %swap3A_661 = arith.constant 112 : index
          %swap3A_662 = tpu.vector_load %arg11[%swap3A_659, %swap3A_660, %swap3A_661] {strides = array<i32>} : memref<2x80x128xf32, #tpu.memory_space<vmem>>, vector<16xf32>,
          tpu.vector_store %arg11[%swap3A_659, %swap3A_660, %swap3A_661], %mul3A_658 {strides = array<i32>} : memref<2x80x128xf32, #tpu.memory_space<vmem>>, vector<16xf32>,
          %add3A_663 = arith.constant 7 : i32
          %add3A_664 = arith.addi %mul3A_92, %add3A_663 : i32
          %broadcast_in_dim3A_665 = arith.constant 0 : i32
          %broadcast_in_dim3A_666 = vector.broadcast %broadcast_in_dim3A_665 : i32 to vector<16xi32>
          %mul3A_667 = arith.constant 80 : i32
          %mul3A_668 = arith.muli %scan3A_50, %mul3A_667 : i32
          %add3A_669 = arith.addi %mul3A_668, %add3A_664 : i32
          %add3A_670 = vector.broadcast %add3A_669 : i32 to vector<16xi32>
          %add3A_671 = arith.addi %broadcast_in_dim3A_666, %add3A_670 : vector<16xi32>
          %gather3A_672 = tpu.vector_load_idx %arg10[%add3A_671] : memref<2000xf32, #tpu.memory_space<vmem>>[vector<16xi32>], vector<16xf32>,
          %get3A_673 = arith.index_cast %rem3A_51 : i32 to index
          %get3A_674 = arith.index_cast %add3A_664 : i32 to index
          %get3A_675 = arith.constant 0 : index
          %get3A_676 = tpu.vector_load %arg11[%get3A_673, %get3A_674, %get3A_675] {strides = array<i32>} : memref<2x80x128xf32, #tpu.memory_space<vmem>>, vector<16xf32>,
          %mul3A_677 = arith.mulf %get3A_676, %gather3A_672 : vector<16xf32>
          %swap3A_678 = arith.index_cast %rem3A_51 : i32 to index
          %swap3A_679 = arith.index_cast %add3A_664 : i32 to index
          %swap3A_680 = arith.constant 0 : index
          %swap3A_681 = tpu.vector_load %arg11[%swap3A_678, %swap3A_679, %swap3A_680] {strides = array<i32>} : memref<2x80x128xf32, #tpu.memory_space<vmem>>, vector<16xf32>,
          tpu.vector_store %arg11[%swap3A_678, %swap3A_679, %swap3A_680], %mul3A_677 {strides = array<i32>} : memref<2x80x128xf32, #tpu.memory_space<vmem>>, vector<16xf32>,
          %get3A_682 = arith.index_cast %rem3A_51 : i32 to index
          %get3A_683 = arith.index_cast %add3A_664 : i32 to index
          %get3A_684 = arith.constant 16 : index
          %get3A_685 = tpu.vector_load %arg11[%get3A_682, %get3A_683, %get3A_684] {strides = array<i32>} : memref<2x80x128xf32, #tpu.memory_space<vmem>>, vector<16xf32>,
          %mul3A_686 = arith.mulf %get3A_685, %gather3A_672 : vector<16xf32>
          %swap3A_687 = arith.index_cast %rem3A_51 : i32 to index
          %swap3A_688 = arith.index_cast %add3A_664 : i32 to index
          %swap3A_689 = arith.constant 16 : index
          %swap3A_690 = tpu.vector_load %arg11[%swap3A_687, %swap3A_688, %swap3A_689] {strides = array<i32>} : memref<2x80x128xf32, #tpu.memory_space<vmem>>, vector<16xf32>,
          tpu.vector_store %arg11[%swap3A_687, %swap3A_688, %swap3A_689], %mul3A_686 {strides = array<i32>} : memref<2x80x128xf32, #tpu.memory_space<vmem>>, vector<16xf32>,
          %get3A_691 = arith.index_cast %rem3A_51 : i32 to index
          %get3A_692 = arith.index_cast %add3A_664 : i32 to index
          %get3A_693 = arith.constant 32 : index
          %get3A_694 = tpu.vector_load %arg11[%get3A_691, %get3A_692, %get3A_693] {strides = array<i32>} : memref<2x80x128xf32, #tpu.memory_space<vmem>>, vector<16xf32>,
          %mul3A_695 = arith.mulf %get3A_694, %gather3A_672 : vector<16xf32>
          %swap3A_696 = arith.index_cast %rem3A_51 : i32 to index
          %swap3A_697 = arith.index_cast %add3A_664 : i32 to index
          %swap3A_698 = arith.constant 32 : index
          %swap3A_699 = tpu.vector_load %arg11[%swap3A_696, %swap3A_697, %swap3A_698] {strides = array<i32>} : memref<2x80x128xf32, #tpu.memory_space<vmem>>, vector<16xf32>,
          tpu.vector_store %arg11[%swap3A_696, %swap3A_697, %swap3A_698], %mul3A_695 {strides = array<i32>} : memref<2x80x128xf32, #tpu.memory_space<vmem>>, vector<16xf32>,
          %get3A_700 = arith.index_cast %rem3A_51 : i32 to index
          %get3A_701 = arith.index_cast %add3A_664 : i32 to index
          %get3A_702 = arith.constant 48 : index
          %get3A_703 = tpu.vector_load %arg11[%get3A_700, %get3A_701, %get3A_702] {strides = array<i32>} : memref<2x80x128xf32, #tpu.memory_space<vmem>>, vector<16xf32>,
          %mul3A_704 = arith.mulf %get3A_703, %gather3A_672 : vector<16xf32>
          %swap3A_705 = arith.index_cast %rem3A_51 : i32 to index
          %swap3A_706 = arith.index_cast %add3A_664 : i32 to index
          %swap3A_707 = arith.constant 48 : index
          %swap3A_708 = tpu.vector_load %arg11[%swap3A_705, %swap3A_706, %swap3A_707] {strides = array<i32>} : memref<2x80x128xf32, #tpu.memory_space<vmem>>, vector<16xf32>,
          tpu.vector_store %arg11[%swap3A_705, %swap3A_706, %swap3A_707], %mul3A_704 {strides = array<i32>} : memref<2x80x128xf32, #tpu.memory_space<vmem>>, vector<16xf32>,
          %get3A_709 = arith.index_cast %rem3A_51 : i32 to index
          %get3A_710 = arith.index_cast %add3A_664 : i32 to index
          %get3A_711 = arith.constant 64 : index
          %get3A_712 = tpu.vector_load %arg11[%get3A_709, %get3A_710, %get3A_711] {strides = array<i32>} : memref<2x80x128xf32, #tpu.memory_space<vmem>>, vector<16xf32>,
          %mul3A_713 = arith.mulf %get3A_712, %gather3A_672 : vector<16xf32>
          %swap3A_714 = arith.index_cast %rem3A_51 : i32 to index
          %swap3A_715 = arith.index_cast %add3A_664 : i32 to index
          %swap3A_716 = arith.constant 64 : index
          %swap3A_717 = tpu.vector_load %arg11[%swap3A_714, %swap3A_715, %swap3A_716] {strides = array<i32>} : memref<2x80x128xf32, #tpu.memory_space<vmem>>, vector<16xf32>,
          tpu.vector_store %arg11[%swap3A_714, %swap3A_715, %swap3A_716], %mul3A_713 {strides = array<i32>} : memref<2x80x128xf32, #tpu.memory_space<vmem>>, vector<16xf32>,
          %get3A_718 = arith.index_cast %rem3A_51 : i32 to index
          %get3A_719 = arith.index_cast %add3A_664 : i32 to index
          %get3A_720 = arith.constant 80 : index
          %get3A_721 = tpu.vector_load %arg11[%get3A_718, %get3A_719, %get3A_720] {strides = array<i32>} : memref<2x80x128xf32, #tpu.memory_space<vmem>>, vector<16xf32>,
          %mul3A_722 = arith.mulf %get3A_721, %gather3A_672 : vector<16xf32>
          %swap3A_723 = arith.index_cast %rem3A_51 : i32 to index
          %swap3A_724 = arith.index_cast %add3A_664 : i32 to index
          %swap3A_725 = arith.constant 80 : index
          %swap3A_726 = tpu.vector_load %arg11[%swap3A_723, %swap3A_724, %swap3A_725] {strides = array<i32>} : memref<2x80x128xf32, #tpu.memory_space<vmem>>, vector<16xf32>,
          tpu.vector_store %arg11[%swap3A_723, %swap3A_724, %swap3A_725], %mul3A_722 {strides = array<i32>} : memref<2x80x128xf32, #tpu.memory_space<vmem>>, vector<16xf32>,
          %get3A_727 = arith.index_cast %rem3A_51 : i32 to index
          %get3A_728 = arith.index_cast %add3A_664 : i32 to index
          %get3A_729 = arith.constant 96 : index
          %get3A_730 = tpu.vector_load %arg11[%get3A_727, %get3A_728, %get3A_729] {strides = array<i32>} : memref<2x80x128xf32, #tpu.memory_space<vmem>>, vector<16xf32>,
          %mul3A_731 = arith.mulf %get3A_730, %gather3A_672 : vector<16xf32>
          %swap3A_732 = arith.index_cast %rem3A_51 : i32 to index
          %swap3A_733 = arith.index_cast %add3A_664 : i32 to index
          %swap3A_734 = arith.constant 96 : index
          %swap3A_735 = tpu.vector_load %arg11[%swap3A_732, %swap3A_733, %swap3A_734] {strides = array<i32>} : memref<2x80x128xf32, #tpu.memory_space<vmem>>, vector<16xf32>,
          tpu.vector_store %arg11[%swap3A_732, %swap3A_733, %swap3A_734], %mul3A_731 {strides = array<i32>} : memref<2x80x128xf32, #tpu.memory_space<vmem>>, vector<16xf32>,
          %get3A_736 = arith.index_cast %rem3A_51 : i32 to index
          %get3A_737 = arith.index_cast %add3A_664 : i32 to index
          %get3A_738 = arith.constant 112 : index
          %get3A_739 = tpu.vector_load %arg11[%get3A_736, %get3A_737, %get3A_738] {strides = array<i32>} : memref<2x80x128xf32, #tpu.memory_space<vmem>>, vector<16xf32>,
          %mul3A_740 = arith.mulf %get3A_739, %gather3A_672 : vector<16xf32>
          %swap3A_741 = arith.index_cast %rem3A_51 : i32 to index
          %swap3A_742 = arith.index_cast %add3A_664 : i32 to index
          %swap3A_743 = arith.constant 112 : index
          %swap3A_744 = tpu.vector_load %arg11[%swap3A_741, %swap3A_742, %swap3A_743] {strides = array<i32>} : memref<2x80x128xf32, #tpu.memory_space<vmem>>, vector<16xf32>,
          tpu.vector_store %arg11[%swap3A_741, %swap3A_742, %swap3A_743], %mul3A_740 {strides = array<i32>} : memref<2x80x128xf32, #tpu.memory_space<vmem>>, vector<16xf32>,
          %add3A_745 = arith.constant 8 : i32
          %add3A_746 = arith.addi %mul3A_92, %add3A_745 : i32
          %broadcast_in_dim3A_747 = arith.constant 0 : i32
          %broadcast_in_dim3A_748 = vector.broadcast %broadcast_in_dim3A_747 : i32 to vector<16xi32>
          %mul3A_749 = arith.constant 80 : i32
          %mul3A_750 = arith.muli %scan3A_50, %mul3A_749 : i32
          %add3A_751 = arith.addi %mul3A_750, %add3A_746 : i32
          %add3A_752 = vector.broadcast %add3A_751 : i32 to vector<16xi32>
          %add3A_753 = arith.addi %broadcast_in_dim3A_748, %add3A_752 : vector<16xi32>
          %gather3A_754 = tpu.vector_load_idx %arg10[%add3A_753] : memref<2000xf32, #tpu.memory_space<vmem>>[vector<16xi32>], vector<16xf32>,
          %get3A_755 = arith.index_cast %rem3A_51 : i32 to index
          %get3A_756 = arith.index_cast %add3A_746 : i32 to index
          %get3A_757 = arith.constant 0 : index
          %get3A_758 = tpu.vector_load %arg11[%get3A_755, %get3A_756, %get3A_757] {strides = array<i32>} : memref<2x80x128xf32, #tpu.memory_space<vmem>>, vector<16xf32>,
          %mul3A_759 = arith.mulf %get3A_758, %gather3A_754 : vector<16xf32>
          %swap3A_760 = arith.index_cast %rem3A_51 : i32 to index
          %swap3A_761 = arith.index_cast %add3A_746 : i32 to index
          %swap3A_762 = arith.constant 0 : index
          %swap3A_763 = tpu.vector_load %arg11[%swap3A_760, %swap3A_761, %swap3A_762] {strides = array<i32>} : memref<2x80x128xf32, #tpu.memory_space<vmem>>, vector<16xf32>,
          tpu.vector_store %arg11[%swap3A_760, %swap3A_761, %swap3A_762], %mul3A_759 {strides = array<i32>} : memref<2x80x128xf32, #tpu.memory_space<vmem>>, vector<16xf32>,
          %get3A_764 = arith.index_cast %rem3A_51 : i32 to index
          %get3A_765 = arith.index_cast %add3A_746 : i32 to index
          %get3A_766 = arith.constant 16 : index
          %get3A_767 = tpu.vector_load %arg11[%get3A_764, %get3A_765, %get3A_766] {strides = array<i32>} : memref<2x80x128xf32, #tpu.memory_space<vmem>>, vector<16xf32>,
          %mul3A_768 = arith.mulf %get3A_767, %gather3A_754 : vector<16xf32>
          %swap3A_769 = arith.index_cast %rem3A_51 : i32 to index
          %swap3A_770 = arith.index_cast %add3A_746 : i32 to index
          %swap3A_771 = arith.constant 16 : index
          %swap3A_772 = tpu.vector_load %arg11[%swap3A_769, %swap3A_770, %swap3A_771] {strides = array<i32>} : memref<2x80x128xf32, #tpu.memory_space<vmem>>, vector<16xf32>,
          tpu.vector_store %arg11[%swap3A_769, %swap3A_770, %swap3A_771], %mul3A_768 {strides = array<i32>} : memref<2x80x128xf32, #tpu.memory_space<vmem>>, vector<16xf32>,
          %get3A_773 = arith.index_cast %rem3A_51 : i32 to index
          %get3A_774 = arith.index_cast %add3A_746 : i32 to index
          %get3A_775 = arith.constant 32 : index
          %get3A_776 = tpu.vector_load %arg11[%get3A_773, %get3A_774, %get3A_775] {strides = array<i32>} : memref<2x80x128xf32, #tpu.memory_space<vmem>>, vector<16xf32>,
          %mul3A_777 = arith.mulf %get3A_776, %gather3A_754 : vector<16xf32>
          %swap3A_778 = arith.index_cast %rem3A_51 : i32 to index
          %swap3A_779 = arith.index_cast %add3A_746 : i32 to index
          %swap3A_780 = arith.constant 32 : index
          %swap3A_781 = tpu.vector_load %arg11[%swap3A_778, %swap3A_779, %swap3A_780] {strides = array<i32>} : memref<2x80x128xf32, #tpu.memory_space<vmem>>, vector<16xf32>,
          tpu.vector_store %arg11[%swap3A_778, %swap3A_779, %swap3A_780], %mul3A_777 {strides = array<i32>} : memref<2x80x128xf32, #tpu.memory_space<vmem>>, vector<16xf32>,
          %get3A_782 = arith.index_cast %rem3A_51 : i32 to index
          %get3A_783 = arith.index_cast %add3A_746 : i32 to index
          %get3A_784 = arith.constant 48 : index
          %get3A_785 = tpu.vector_load %arg11[%get3A_782, %get3A_783, %get3A_784] {strides = array<i32>} : memref<2x80x128xf32, #tpu.memory_space<vmem>>, vector<16xf32>,
          %mul3A_786 = arith.mulf %get3A_785, %gather3A_754 : vector<16xf32>
          %swap3A_787 = arith.index_cast %rem3A_51 : i32 to index
          %swap3A_788 = arith.index_cast %add3A_746 : i32 to index
          %swap3A_789 = arith.constant 48 : index
          %swap3A_790 = tpu.vector_load %arg11[%swap3A_787, %swap3A_788, %swap3A_789] {strides = array<i32>} : memref<2x80x128xf32, #tpu.memory_space<vmem>>, vector<16xf32>,
          tpu.vector_store %arg11[%swap3A_787, %swap3A_788, %swap3A_789], %mul3A_786 {strides = array<i32>} : memref<2x80x128xf32, #tpu.memory_space<vmem>>, vector<16xf32>,
          %get3A_791 = arith.index_cast %rem3A_51 : i32 to index
          %get3A_792 = arith.index_cast %add3A_746 : i32 to index
          %get3A_793 = arith.constant 64 : index
          %get3A_794 = tpu.vector_load %arg11[%get3A_791, %get3A_792, %get3A_793] {strides = array<i32>} : memref<2x80x128xf32, #tpu.memory_space<vmem>>, vector<16xf32>,
          %mul3A_795 = arith.mulf %get3A_794, %gather3A_754 : vector<16xf32>
          %swap3A_796 = arith.index_cast %rem3A_51 : i32 to index
          %swap3A_797 = arith.index_cast %add3A_746 : i32 to index
          %swap3A_798 = arith.constant 64 : index
          %swap3A_799 = tpu.vector_load %arg11[%swap3A_796, %swap3A_797, %swap3A_798] {strides = array<i32>} : memref<2x80x128xf32, #tpu.memory_space<vmem>>, vector<16xf32>,
          tpu.vector_store %arg11[%swap3A_796, %swap3A_797, %swap3A_798], %mul3A_795 {strides = array<i32>} : memref<2x80x128xf32, #tpu.memory_space<vmem>>, vector<16xf32>,
          %get3A_800 = arith.index_cast %rem3A_51 : i32 to index
          %get3A_801 = arith.index_cast %add3A_746 : i32 to index
          %get3A_802 = arith.constant 80 : index
          %get3A_803 = tpu.vector_load %arg11[%get3A_800, %get3A_801, %get3A_802] {strides = array<i32>} : memref<2x80x128xf32, #tpu.memory_space<vmem>>, vector<16xf32>,
          %mul3A_804 = arith.mulf %get3A_803, %gather3A_754 : vector<16xf32>
          %swap3A_805 = arith.index_cast %rem3A_51 : i32 to index
          %swap3A_806 = arith.index_cast %add3A_746 : i32 to index
          %swap3A_807 = arith.constant 80 : index
          %swap3A_808 = tpu.vector_load %arg11[%swap3A_805, %swap3A_806, %swap3A_807] {strides = array<i32>} : memref<2x80x128xf32, #tpu.memory_space<vmem>>, vector<16xf32>,
          tpu.vector_store %arg11[%swap3A_805, %swap3A_806, %swap3A_807], %mul3A_804 {strides = array<i32>} : memref<2x80x128xf32, #tpu.memory_space<vmem>>, vector<16xf32>,
          %get3A_809 = arith.index_cast %rem3A_51 : i32 to index
          %get3A_810 = arith.index_cast %add3A_746 : i32 to index
          %get3A_811 = arith.constant 96 : index
          %get3A_812 = tpu.vector_load %arg11[%get3A_809, %get3A_810, %get3A_811] {strides = array<i32>} : memref<2x80x128xf32, #tpu.memory_space<vmem>>, vector<16xf32>,
          %mul3A_813 = arith.mulf %get3A_812, %gather3A_754 : vector<16xf32>
          %swap3A_814 = arith.index_cast %rem3A_51 : i32 to index
          %swap3A_815 = arith.index_cast %add3A_746 : i32 to index
          %swap3A_816 = arith.constant 96 : index
          %swap3A_817 = tpu.vector_load %arg11[%swap3A_814, %swap3A_815, %swap3A_816] {strides = array<i32>} : memref<2x80x128xf32, #tpu.memory_space<vmem>>, vector<16xf32>,
          tpu.vector_store %arg11[%swap3A_814, %swap3A_815, %swap3A_816], %mul3A_813 {strides = array<i32>} : memref<2x80x128xf32, #tpu.memory_space<vmem>>, vector<16xf32>,
          %get3A_818 = arith.index_cast %rem3A_51 : i32 to index
          %get3A_819 = arith.index_cast %add3A_746 : i32 to index
          %get3A_820 = arith.constant 112 : index
          %get3A_821 = tpu.vector_load %arg11[%get3A_818, %get3A_819, %get3A_820] {strides = array<i32>} : memref<2x80x128xf32, #tpu.memory_space<vmem>>, vector<16xf32>,
          %mul3A_822 = arith.mulf %get3A_821, %gather3A_754 : vector<16xf32>
          %swap3A_823 = arith.index_cast %rem3A_51 : i32 to index
          %swap3A_824 = arith.index_cast %add3A_746 : i32 to index
          %swap3A_825 = arith.constant 112 : index
          %swap3A_826 = tpu.vector_load %arg11[%swap3A_823, %swap3A_824, %swap3A_825] {strides = array<i32>} : memref<2x80x128xf32, #tpu.memory_space<vmem>>, vector<16xf32>,
          tpu.vector_store %arg11[%swap3A_823, %swap3A_824, %swap3A_825], %mul3A_822 {strides = array<i32>} : memref<2x80x128xf32, #tpu.memory_space<vmem>>, vector<16xf32>,
          %add3A_827 = arith.constant 9 : i32
          %add3A_828 = arith.addi %mul3A_92, %add3A_827 : i32
          %broadcast_in_dim3A_829 = arith.constant 0 : i32
          %broadcast_in_dim3A_830 = vector.broadcast %broadcast_in_dim3A_829 : i32 to vector<16xi32>
          %mul3A_831 = arith.constant 80 : i32
          %mul3A_832 = arith.muli %scan3A_50, %mul3A_831 : i32
          %add3A_833 = arith.addi %mul3A_832, %add3A_828 : i32
          %add3A_834 = vector.broadcast %add3A_833 : i32 to vector<16xi32>
          %add3A_835 = arith.addi %broadcast_in_dim3A_830, %add3A_834 : vector<16xi32>
          %gather3A_836 = tpu.vector_load_idx %arg10[%add3A_835] : memref<2000xf32, #tpu.memory_space<vmem>>[vector<16xi32>], vector<16xf32>,
          %get3A_837 = arith.index_cast %rem3A_51 : i32 to index
          %get3A_838 = arith.index_cast %add3A_828 : i32 to index
          %get3A_839 = arith.constant 0 : index
          %get3A_840 = tpu.vector_load %arg11[%get3A_837, %get3A_838, %get3A_839] {strides = array<i32>} : memref<2x80x128xf32, #tpu.memory_space<vmem>>, vector<16xf32>,
          %mul3A_841 = arith.mulf %get3A_840, %gather3A_836 : vector<16xf32>
          %swap3A_842 = arith.index_cast %rem3A_51 : i32 to index
          %swap3A_843 = arith.index_cast %add3A_828 : i32 to index
          %swap3A_844 = arith.constant 0 : index
          %swap3A_845 = tpu.vector_load %arg11[%swap3A_842, %swap3A_843, %swap3A_844] {strides = array<i32>} : memref<2x80x128xf32, #tpu.memory_space<vmem>>, vector<16xf32>,
          tpu.vector_store %arg11[%swap3A_842, %swap3A_843, %swap3A_844], %mul3A_841 {strides = array<i32>} : memref<2x80x128xf32, #tpu.memory_space<vmem>>, vector<16xf32>,
          %get3A_846 = arith.index_cast %rem3A_51 : i32 to index
          %get3A_847 = arith.index_cast %add3A_828 : i32 to index
          %get3A_848 = arith.constant 16 : index
          %get3A_849 = tpu.vector_load %arg11[%get3A_846, %get3A_847, %get3A_848] {strides = array<i32>} : memref<2x80x128xf32, #tpu.memory_space<vmem>>, vector<16xf32>,
          %mul3A_850 = arith.mulf %get3A_849, %gather3A_836 : vector<16xf32>
          %swap3A_851 = arith.index_cast %rem3A_51 : i32 to index
          %swap3A_852 = arith.index_cast %add3A_828 : i32 to index
          %swap3A_853 = arith.constant 16 : index
          %swap3A_854 = tpu.vector_load %arg11[%swap3A_851, %swap3A_852, %swap3A_853] {strides = array<i32>} : memref<2x80x128xf32, #tpu.memory_space<vmem>>, vector<16xf32>,
          tpu.vector_store %arg11[%swap3A_851, %swap3A_852, %swap3A_853], %mul3A_850 {strides = array<i32>} : memref<2x80x128xf32, #tpu.memory_space<vmem>>, vector<16xf32>,
          %get3A_855 = arith.index_cast %rem3A_51 : i32 to index
          %get3A_856 = arith.index_cast %add3A_828 : i32 to index
          %get3A_857 = arith.constant 32 : index
          %get3A_858 = tpu.vector_load %arg11[%get3A_855, %get3A_856, %get3A_857] {strides = array<i32>} : memref<2x80x128xf32, #tpu.memory_space<vmem>>, vector<16xf32>,
          %mul3A_859 = arith.mulf %get3A_858, %gather3A_836 : vector<16xf32>
          %swap3A_860 = arith.index_cast %rem3A_51 : i32 to index
          %swap3A_861 = arith.index_cast %add3A_828 : i32 to index
          %swap3A_862 = arith.constant 32 : index
          %swap3A_863 = tpu.vector_load %arg11[%swap3A_860, %swap3A_861, %swap3A_862] {strides = array<i32>} : memref<2x80x128xf32, #tpu.memory_space<vmem>>, vector<16xf32>,
          tpu.vector_store %arg11[%swap3A_860, %swap3A_861, %swap3A_862], %mul3A_859 {strides = array<i32>} : memref<2x80x128xf32, #tpu.memory_space<vmem>>, vector<16xf32>,
          %get3A_864 = arith.index_cast %rem3A_51 : i32 to index
          %get3A_865 = arith.index_cast %add3A_828 : i32 to index
          %get3A_866 = arith.constant 48 : index
          %get3A_867 = tpu.vector_load %arg11[%get3A_864, %get3A_865, %get3A_866] {strides = array<i32>} : memref<2x80x128xf32, #tpu.memory_space<vmem>>, vector<16xf32>,
          %mul3A_868 = arith.mulf %get3A_867, %gather3A_836 : vector<16xf32>
          %swap3A_869 = arith.index_cast %rem3A_51 : i32 to index
          %swap3A_870 = arith.index_cast %add3A_828 : i32 to index
          %swap3A_871 = arith.constant 48 : index
          %swap3A_872 = tpu.vector_load %arg11[%swap3A_869, %swap3A_870, %swap3A_871] {strides = array<i32>} : memref<2x80x128xf32, #tpu.memory_space<vmem>>, vector<16xf32>,
          tpu.vector_store %arg11[%swap3A_869, %swap3A_870, %swap3A_871], %mul3A_868 {strides = array<i32>} : memref<2x80x128xf32, #tpu.memory_space<vmem>>, vector<16xf32>,
          %get3A_873 = arith.index_cast %rem3A_51 : i32 to index
          %get3A_874 = arith.index_cast %add3A_828 : i32 to index
          %get3A_875 = arith.constant 64 : index
          %get3A_876 = tpu.vector_load %arg11[%get3A_873, %get3A_874, %get3A_875] {strides = array<i32>} : memref<2x80x128xf32, #tpu.memory_space<vmem>>, vector<16xf32>,
          %mul3A_877 = arith.mulf %get3A_876, %gather3A_836 : vector<16xf32>
          %swap3A_878 = arith.index_cast %rem3A_51 : i32 to index
          %swap3A_879 = arith.index_cast %add3A_828 : i32 to index
          %swap3A_880 = arith.constant 64 : index
          %swap3A_881 = tpu.vector_load %arg11[%swap3A_878, %swap3A_879, %swap3A_880] {strides = array<i32>} : memref<2x80x128xf32, #tpu.memory_space<vmem>>, vector<16xf32>,
          tpu.vector_store %arg11[%swap3A_878, %swap3A_879, %swap3A_880], %mul3A_877 {strides = array<i32>} : memref<2x80x128xf32, #tpu.memory_space<vmem>>, vector<16xf32>,
          %get3A_882 = arith.index_cast %rem3A_51 : i32 to index
          %get3A_883 = arith.index_cast %add3A_828 : i32 to index
          %get3A_884 = arith.constant 80 : index
          %get3A_885 = tpu.vector_load %arg11[%get3A_882, %get3A_883, %get3A_884] {strides = array<i32>} : memref<2x80x128xf32, #tpu.memory_space<vmem>>, vector<16xf32>,
          %mul3A_886 = arith.mulf %get3A_885, %gather3A_836 : vector<16xf32>
          %swap3A_887 = arith.index_cast %rem3A_51 : i32 to index
          %swap3A_888 = arith.index_cast %add3A_828 : i32 to index
          %swap3A_889 = arith.constant 80 : index
          %swap3A_890 = tpu.vector_load %arg11[%swap3A_887, %swap3A_888, %swap3A_889] {strides = array<i32>} : memref<2x80x128xf32, #tpu.memory_space<vmem>>, vector<16xf32>,
          tpu.vector_store %arg11[%swap3A_887, %swap3A_888, %swap3A_889], %mul3A_886 {strides = array<i32>} : memref<2x80x128xf32, #tpu.memory_space<vmem>>, vector<16xf32>,
          %get3A_891 = arith.index_cast %rem3A_51 : i32 to index
          %get3A_892 = arith.index_cast %add3A_828 : i32 to index
          %get3A_893 = arith.constant 96 : index
          %get3A_894 = tpu.vector_load %arg11[%get3A_891, %get3A_892, %get3A_893] {strides = array<i32>} : memref<2x80x128xf32, #tpu.memory_space<vmem>>, vector<16xf32>,
          %mul3A_895 = arith.mulf %get3A_894, %gather3A_836 : vector<16xf32>
          %swap3A_896 = arith.index_cast %rem3A_51 : i32 to index
          %swap3A_897 = arith.index_cast %add3A_828 : i32 to index
          %swap3A_898 = arith.constant 96 : index
          %swap3A_899 = tpu.vector_load %arg11[%swap3A_896, %swap3A_897, %swap3A_898] {strides = array<i32>} : memref<2x80x128xf32, #tpu.memory_space<vmem>>, vector<16xf32>,
          tpu.vector_store %arg11[%swap3A_896, %swap3A_897, %swap3A_898], %mul3A_895 {strides = array<i32>} : memref<2x80x128xf32, #tpu.memory_space<vmem>>, vector<16xf32>,
          %get3A_900 = arith.index_cast %rem3A_51 : i32 to index
          %get3A_901 = arith.index_cast %add3A_828 : i32 to index
          %get3A_902 = arith.constant 112 : index
          %get3A_903 = tpu.vector_load %arg11[%get3A_900, %get3A_901, %get3A_902] {strides = array<i32>} : memref<2x80x128xf32, #tpu.memory_space<vmem>>, vector<16xf32>,
          %mul3A_904 = arith.mulf %get3A_903, %gather3A_836 : vector<16xf32>
          %swap3A_905 = arith.index_cast %rem3A_51 : i32 to index
          %swap3A_906 = arith.index_cast %add3A_828 : i32 to index
          %swap3A_907 = arith.constant 112 : index
          %swap3A_908 = tpu.vector_load %arg11[%swap3A_905, %swap3A_906, %swap3A_907] {strides = array<i32>} : memref<2x80x128xf32, #tpu.memory_space<vmem>>, vector<16xf32>,
          tpu.vector_store %arg11[%swap3A_905, %swap3A_906, %swap3A_907], %mul3A_904 {strides = array<i32>} : memref<2x80x128xf32, #tpu.memory_space<vmem>>, vector<16xf32>,
          %add3A_909 = arith.constant 10 : i32
          %add3A_910 = arith.addi %mul3A_92, %add3A_909 : i32
          %broadcast_in_dim3A_911 = arith.constant 0 : i32
          %broadcast_in_dim3A_912 = vector.broadcast %broadcast_in_dim3A_911 : i32 to vector<16xi32>
          %mul3A_913 = arith.constant 80 : i32
          %mul3A_914 = arith.muli %scan3A_50, %mul3A_913 : i32
          %add3A_915 = arith.addi %mul3A_914, %add3A_910 : i32
          %add3A_916 = vector.broadcast %add3A_915 : i32 to vector<16xi32>
          %add3A_917 = arith.addi %broadcast_in_dim3A_912, %add3A_916 : vector<16xi32>
          %gather3A_918 = tpu.vector_load_idx %arg10[%add3A_917] : memref<2000xf32, #tpu.memory_space<vmem>>[vector<16xi32>], vector<16xf32>,
          %get3A_919 = arith.index_cast %rem3A_51 : i32 to index
          %get3A_920 = arith.index_cast %add3A_910 : i32 to index
          %get3A_921 = arith.constant 0 : index
          %get3A_922 = tpu.vector_load %arg11[%get3A_919, %get3A_920, %get3A_921] {strides = array<i32>} : memref<2x80x128xf32, #tpu.memory_space<vmem>>, vector<16xf32>,
          %mul3A_923 = arith.mulf %get3A_922, %gather3A_918 : vector<16xf32>
          %swap3A_924 = arith.index_cast %rem3A_51 : i32 to index
          %swap3A_925 = arith.index_cast %add3A_910 : i32 to index
          %swap3A_926 = arith.constant 0 : index
          %swap3A_927 = tpu.vector_load %arg11[%swap3A_924, %swap3A_925, %swap3A_926] {strides = array<i32>} : memref<2x80x128xf32, #tpu.memory_space<vmem>>, vector<16xf32>,
          tpu.vector_store %arg11[%swap3A_924, %swap3A_925, %swap3A_926], %mul3A_923 {strides = array<i32>} : memref<2x80x128xf32, #tpu.memory_space<vmem>>, vector<16xf32>,
          %get3A_928 = arith.index_cast %rem3A_51 : i32 to index
          %get3A_929 = arith.index_cast %add3A_910 : i32 to index
          %get3A_930 = arith.constant 16 : index
          %get3A_931 = tpu.vector_load %arg11[%get3A_928, %get3A_929, %get3A_930] {strides = array<i32>} : memref<2x80x128xf32, #tpu.memory_space<vmem>>, vector<16xf32>,
          %mul3A_932 = arith.mulf %get3A_931, %gather3A_918 : vector<16xf32>
          %swap3A_933 = arith.index_cast %rem3A_51 : i32 to index
          %swap3A_934 = arith.index_cast %add3A_910 : i32 to index
          %swap3A_935 = arith.constant 16 : index
          %swap3A_936 = tpu.vector_load %arg11[%swap3A_933, %swap3A_934, %swap3A_935] {strides = array<i32>} : memref<2x80x128xf32, #tpu.memory_space<vmem>>, vector<16xf32>,
          tpu.vector_store %arg11[%swap3A_933, %swap3A_934, %swap3A_935], %mul3A_932 {strides = array<i32>} : memref<2x80x128xf32, #tpu.memory_space<vmem>>, vector<16xf32>,
          %get3A_937 = arith.index_cast %rem3A_51 : i32 to index
          %get3A_938 = arith.index_cast %add3A_910 : i32 to index
          %get3A_939 = arith.constant 32 : index
          %get3A_940 = tpu.vector_load %arg11[%get3A_937, %get3A_938, %get3A_939] {strides = array<i32>} : memref<2x80x128xf32, #tpu.memory_space<vmem>>, vector<16xf32>,
          %mul3A_941 = arith.mulf %get3A_940, %gather3A_918 : vector<16xf32>
          %swap3A_942 = arith.index_cast %rem3A_51 : i32 to index
          %swap3A_943 = arith.index_cast %add3A_910 : i32 to index
          %swap3A_944 = arith.constant 32 : index
          %swap3A_945 = tpu.vector_load %arg11[%swap3A_942, %swap3A_943, %swap3A_944] {strides = array<i32>} : memref<2x80x128xf32, #tpu.memory_space<vmem>>, vector<16xf32>,
          tpu.vector_store %arg11[%swap3A_942, %swap3A_943, %swap3A_944], %mul3A_941 {strides = array<i32>} : memref<2x80x128xf32, #tpu.memory_space<vmem>>, vector<16xf32>,
          %get3A_946 = arith.index_cast %rem3A_51 : i32 to index
          %get3A_947 = arith.index_cast %add3A_910 : i32 to index
          %get3A_948 = arith.constant 48 : index
          %get3A_949 = tpu.vector_load %arg11[%get3A_946, %get3A_947, %get3A_948] {strides = array<i32>} : memref<2x80x128xf32, #tpu.memory_space<vmem>>, vector<16xf32>,
          %mul3A_950 = arith.mulf %get3A_949, %gather3A_918 : vector<16xf32>
          %swap3A_951 = arith.index_cast %rem3A_51 : i32 to index
          %swap3A_952 = arith.index_cast %add3A_910 : i32 to index
          %swap3A_953 = arith.constant 48 : index
          %swap3A_954 = tpu.vector_load %arg11[%swap3A_951, %swap3A_952, %swap3A_953] {strides = array<i32>} : memref<2x80x128xf32, #tpu.memory_space<vmem>>, vector<16xf32>,
          tpu.vector_store %arg11[%swap3A_951, %swap3A_952, %swap3A_953], %mul3A_950 {strides = array<i32>} : memref<2x80x128xf32, #tpu.memory_space<vmem>>, vector<16xf32>,
          %get3A_955 = arith.index_cast %rem3A_51 : i32 to index
          %get3A_956 = arith.index_cast %add3A_910 : i32 to index
          %get3A_957 = arith.constant 64 : index
          %get3A_958 = tpu.vector_load %arg11[%get3A_955, %get3A_956, %get3A_957] {strides = array<i32>} : memref<2x80x128xf32, #tpu.memory_space<vmem>>, vector<16xf32>,
          %mul3A_959 = arith.mulf %get3A_958, %gather3A_918 : vector<16xf32>
          %swap3A_960 = arith.index_cast %rem3A_51 : i32 to index
          %swap3A_961 = arith.index_cast %add3A_910 : i32 to index
          %swap3A_962 = arith.constant 64 : index
          %swap3A_963 = tpu.vector_load %arg11[%swap3A_960, %swap3A_961, %swap3A_962] {strides = array<i32>} : memref<2x80x128xf32, #tpu.memory_space<vmem>>, vector<16xf32>,
          tpu.vector_store %arg11[%swap3A_960, %swap3A_961, %swap3A_962], %mul3A_959 {strides = array<i32>} : memref<2x80x128xf32, #tpu.memory_space<vmem>>, vector<16xf32>,
          %get3A_964 = arith.index_cast %rem3A_51 : i32 to index
          %get3A_965 = arith.index_cast %add3A_910 : i32 to index
          %get3A_966 = arith.constant 80 : index
          %get3A_967 = tpu.vector_load %arg11[%get3A_964, %get3A_965, %get3A_966] {strides = array<i32>} : memref<2x80x128xf32, #tpu.memory_space<vmem>>, vector<16xf32>,
          %mul3A_968 = arith.mulf %get3A_967, %gather3A_918 : vector<16xf32>
          %swap3A_969 = arith.index_cast %rem3A_51 : i32 to index
          %swap3A_970 = arith.index_cast %add3A_910 : i32 to index
          %swap3A_971 = arith.constant 80 : index
          %swap3A_972 = tpu.vector_load %arg11[%swap3A_969, %swap3A_970, %swap3A_971] {strides = array<i32>} : memref<2x80x128xf32, #tpu.memory_space<vmem>>, vector<16xf32>,
          tpu.vector_store %arg11[%swap3A_969, %swap3A_970, %swap3A_971], %mul3A_968 {strides = array<i32>} : memref<2x80x128xf32, #tpu.memory_space<vmem>>, vector<16xf32>,
          %get3A_973 = arith.index_cast %rem3A_51 : i32 to index
          %get3A_974 = arith.index_cast %add3A_910 : i32 to index
          %get3A_975 = arith.constant 96 : index
          %get3A_976 = tpu.vector_load %arg11[%get3A_973, %get3A_974, %get3A_975] {strides = array<i32>} : memref<2x80x128xf32, #tpu.memory_space<vmem>>, vector<16xf32>,
          %mul3A_977 = arith.mulf %get3A_976, %gather3A_918 : vector<16xf32>
          %swap3A_978 = arith.index_cast %rem3A_51 : i32 to index
          %swap3A_979 = arith.index_cast %add3A_910 : i32 to index
          %swap3A_980 = arith.constant 96 : index
          %swap3A_981 = tpu.vector_load %arg11[%swap3A_978, %swap3A_979, %swap3A_980] {strides = array<i32>} : memref<2x80x128xf32, #tpu.memory_space<vmem>>, vector<16xf32>,
          tpu.vector_store %arg11[%swap3A_978, %swap3A_979, %swap3A_980], %mul3A_977 {strides = array<i32>} : memref<2x80x128xf32, #tpu.memory_space<vmem>>, vector<16xf32>,
          %get3A_982 = arith.index_cast %rem3A_51 : i32 to index
          %get3A_983 = arith.index_cast %add3A_910 : i32 to index
          %get3A_984 = arith.constant 112 : index
          %get3A_985 = tpu.vector_load %arg11[%get3A_982, %get3A_983, %get3A_984] {strides = array<i32>} : memref<2x80x128xf32, #tpu.memory_space<vmem>>, vector<16xf32>,
          %mul3A_986 = arith.mulf %get3A_985, %gather3A_918 : vector<16xf32>
          %swap3A_987 = arith.index_cast %rem3A_51 : i32 to index
          %swap3A_988 = arith.index_cast %add3A_910 : i32 to index
          %swap3A_989 = arith.constant 112 : index
          %swap3A_990 = tpu.vector_load %arg11[%swap3A_987, %swap3A_988, %swap3A_989] {strides = array<i32>} : memref<2x80x128xf32, #tpu.memory_space<vmem>>, vector<16xf32>,
          tpu.vector_store %arg11[%swap3A_987, %swap3A_988, %swap3A_989], %mul3A_986 {strides = array<i32>} : memref<2x80x128xf32, #tpu.memory_space<vmem>>, vector<16xf32>,
          %add3A_991 = arith.constant 11 : i32
          %add3A_992 = arith.addi %mul3A_92, %add3A_991 : i32
          %broadcast_in_dim3A_993 = arith.constant 0 : i32
          %broadcast_in_dim3A_994 = vector.broadcast %broadcast_in_dim3A_993 : i32 to vector<16xi32>
          %mul3A_995 = arith.constant 80 : i32
          %mul3A_996 = arith.muli %scan3A_50, %mul3A_995 : i32
          %add3A_997 = arith.addi %mul3A_996, %add3A_992 : i32
          %add3A_998 = vector.broadcast %add3A_997 : i32 to vector<16xi32>
          %add3A_999 = arith.addi %broadcast_in_dim3A_994, %add3A_998 : vector<16xi32>
          %gather3A_1000 = tpu.vector_load_idx %arg10[%add3A_999] : memref<2000xf32, #tpu.memory_space<vmem>>[vector<16xi32>], vector<16xf32>,
          %get3A_1001 = arith.index_cast %rem3A_51 : i32 to index
          %get3A_1002 = arith.index_cast %add3A_992 : i32 to index
          %get3A_1003 = arith.constant 0 : index
          %get3A_1004 = tpu.vector_load %arg11[%get3A_1001, %get3A_1002, %get3A_1003] {strides = array<i32>} : memref<2x80x128xf32, #tpu.memory_space<vmem>>, vector<16xf32>,
          %mul3A_1005 = arith.mulf %get3A_1004, %gather3A_1000 : vector<16xf32>
          %swap3A_1006 = arith.index_cast %rem3A_51 : i32 to index
          %swap3A_1007 = arith.index_cast %add3A_992 : i32 to index
          %swap3A_1008 = arith.constant 0 : index
          %swap3A_1009 = tpu.vector_load %arg11[%swap3A_1006, %swap3A_1007, %swap3A_1008] {strides = array<i32>} : memref<2x80x128xf32, #tpu.memory_space<vmem>>, vector<16xf32>,
          tpu.vector_store %arg11[%swap3A_1006, %swap3A_1007, %swap3A_1008], %mul3A_1005 {strides = array<i32>} : memref<2x80x128xf32, #tpu.memory_space<vmem>>, vector<16xf32>,
          %get3A_1010 = arith.index_cast %rem3A_51 : i32 to index
          %get3A_1011 = arith.index_cast %add3A_992 : i32 to index
          %get3A_1012 = arith.constant 16 : index
          %get3A_1013 = tpu.vector_load %arg11[%get3A_1010, %get3A_1011, %get3A_1012] {strides = array<i32>} : memref<2x80x128xf32, #tpu.memory_space<vmem>>, vector<16xf32>,
          %mul3A_1014 = arith.mulf %get3A_1013, %gather3A_1000 : vector<16xf32>
          %swap3A_1015 = arith.index_cast %rem3A_51 : i32 to index
          %swap3A_1016 = arith.index_cast %add3A_992 : i32 to index
          %swap3A_1017 = arith.constant 16 : index
          %swap3A_1018 = tpu.vector_load %arg11[%swap3A_1015, %swap3A_1016, %swap3A_1017] {strides = array<i32>} : memref<2x80x128xf32, #tpu.memory_space<vmem>>, vector<16xf32>,
          tpu.vector_store %arg11[%swap3A_1015, %swap3A_1016, %swap3A_1017], %mul3A_1014 {strides = array<i32>} : memref<2x80x128xf32, #tpu.memory_space<vmem>>, vector<16xf32>,
          %get3A_1019 = arith.index_cast %rem3A_51 : i32 to index
          %get3A_1020 = arith.index_cast %add3A_992 : i32 to index
          %get3A_1021 = arith.constant 32 : index
          %get3A_1022 = tpu.vector_load %arg11[%get3A_1019, %get3A_1020, %get3A_1021] {strides = array<i32>} : memref<2x80x128xf32, #tpu.memory_space<vmem>>, vector<16xf32>,
          %mul3A_1023 = arith.mulf %get3A_1022, %gather3A_1000 : vector<16xf32>
          %swap3A_1024 = arith.index_cast %rem3A_51 : i32 to index
          %swap3A_1025 = arith.index_cast %add3A_992 : i32 to index
          %swap3A_1026 = arith.constant 32 : index
          %swap3A_1027 = tpu.vector_load %arg11[%swap3A_1024, %swap3A_1025, %swap3A_1026] {strides = array<i32>} : memref<2x80x128xf32, #tpu.memory_space<vmem>>, vector<16xf32>,
          tpu.vector_store %arg11[%swap3A_1024, %swap3A_1025, %swap3A_1026], %mul3A_1023 {strides = array<i32>} : memref<2x80x128xf32, #tpu.memory_space<vmem>>, vector<16xf32>,
          %get3A_1028 = arith.index_cast %rem3A_51 : i32 to index
          %get3A_1029 = arith.index_cast %add3A_992 : i32 to index
          %get3A_1030 = arith.constant 48 : index
          %get3A_1031 = tpu.vector_load %arg11[%get3A_1028, %get3A_1029, %get3A_1030] {strides = array<i32>} : memref<2x80x128xf32, #tpu.memory_space<vmem>>, vector<16xf32>,
          %mul3A_1032 = arith.mulf %get3A_1031, %gather3A_1000 : vector<16xf32>
          %swap3A_1033 = arith.index_cast %rem3A_51 : i32 to index
          %swap3A_1034 = arith.index_cast %add3A_992 : i32 to index
          %swap3A_1035 = arith.constant 48 : index
          %swap3A_1036 = tpu.vector_load %arg11[%swap3A_1033, %swap3A_1034, %swap3A_1035] {strides = array<i32>} : memref<2x80x128xf32, #tpu.memory_space<vmem>>, vector<16xf32>,
          tpu.vector_store %arg11[%swap3A_1033, %swap3A_1034, %swap3A_1035], %mul3A_1032 {strides = array<i32>} : memref<2x80x128xf32, #tpu.memory_space<vmem>>, vector<16xf32>,
          %get3A_1037 = arith.index_cast %rem3A_51 : i32 to index
          %get3A_1038 = arith.index_cast %add3A_992 : i32 to index
          %get3A_1039 = arith.constant 64 : index
          %get3A_1040 = tpu.vector_load %arg11[%get3A_1037, %get3A_1038, %get3A_1039] {strides = array<i32>} : memref<2x80x128xf32, #tpu.memory_space<vmem>>, vector<16xf32>,
          %mul3A_1041 = arith.mulf %get3A_1040, %gather3A_1000 : vector<16xf32>
          %swap3A_1042 = arith.index_cast %rem3A_51 : i32 to index
          %swap3A_1043 = arith.index_cast %add3A_992 : i32 to index
          %swap3A_1044 = arith.constant 64 : index
          %swap3A_1045 = tpu.vector_load %arg11[%swap3A_1042, %swap3A_1043, %swap3A_1044] {strides = array<i32>} : memref<2x80x128xf32, #tpu.memory_space<vmem>>, vector<16xf32>,
          tpu.vector_store %arg11[%swap3A_1042, %swap3A_1043, %swap3A_1044], %mul3A_1041 {strides = array<i32>} : memref<2x80x128xf32, #tpu.memory_space<vmem>>, vector<16xf32>,
          %get3A_1046 = arith.index_cast %rem3A_51 : i32 to index
          %get3A_1047 = arith.index_cast %add3A_992 : i32 to index
          %get3A_1048 = arith.constant 80 : index
          %get3A_1049 = tpu.vector_load %arg11[%get3A_1046, %get3A_1047, %get3A_1048] {strides = array<i32>} : memref<2x80x128xf32, #tpu.memory_space<vmem>>, vector<16xf32>,
          %mul3A_1050 = arith.mulf %get3A_1049, %gather3A_1000 : vector<16xf32>
          %swap3A_1051 = arith.index_cast %rem3A_51 : i32 to index
          %swap3A_1052 = arith.index_cast %add3A_992 : i32 to index
          %swap3A_1053 = arith.constant 80 : index
          %swap3A_1054 = tpu.vector_load %arg11[%swap3A_1051, %swap3A_1052, %swap3A_1053] {strides = array<i32>} : memref<2x80x128xf32, #tpu.memory_space<vmem>>, vector<16xf32>,
          tpu.vector_store %arg11[%swap3A_1051, %swap3A_1052, %swap3A_1053], %mul3A_1050 {strides = array<i32>} : memref<2x80x128xf32, #tpu.memory_space<vmem>>, vector<16xf32>,
          %get3A_1055 = arith.index_cast %rem3A_51 : i32 to index
          %get3A_1056 = arith.index_cast %add3A_992 : i32 to index
          %get3A_1057 = arith.constant 96 : index
          %get3A_1058 = tpu.vector_load %arg11[%get3A_1055, %get3A_1056, %get3A_1057] {strides = array<i32>} : memref<2x80x128xf32, #tpu.memory_space<vmem>>, vector<16xf32>,
          %mul3A_1059 = arith.mulf %get3A_1058, %gather3A_1000 : vector<16xf32>
          %swap3A_1060 = arith.index_cast %rem3A_51 : i32 to index
          %swap3A_1061 = arith.index_cast %add3A_992 : i32 to index
          %swap3A_1062 = arith.constant 96 : index
          %swap3A_1063 = tpu.vector_load %arg11[%swap3A_1060, %swap3A_1061, %swap3A_1062] {strides = array<i32>} : memref<2x80x128xf32, #tpu.memory_space<vmem>>, vector<16xf32>,
          tpu.vector_store %arg11[%swap3A_1060, %swap3A_1061, %swap3A_1062], %mul3A_1059 {strides = array<i32>} : memref<2x80x128xf32, #tpu.memory_space<vmem>>, vector<16xf32>,
          %get3A_1064 = arith.index_cast %rem3A_51 : i32 to index
          %get3A_1065 = arith.index_cast %add3A_992 : i32 to index
          %get3A_1066 = arith.constant 112 : index
          %get3A_1067 = tpu.vector_load %arg11[%get3A_1064, %get3A_1065, %get3A_1066] {strides = array<i32>} : memref<2x80x128xf32, #tpu.memory_space<vmem>>, vector<16xf32>,
          %mul3A_1068 = arith.mulf %get3A_1067, %gather3A_1000 : vector<16xf32>
          %swap3A_1069 = arith.index_cast %rem3A_51 : i32 to index
          %swap3A_1070 = arith.index_cast %add3A_992 : i32 to index
          %swap3A_1071 = arith.constant 112 : index
          %swap3A_1072 = tpu.vector_load %arg11[%swap3A_1069, %swap3A_1070, %swap3A_1071] {strides = array<i32>} : memref<2x80x128xf32, #tpu.memory_space<vmem>>, vector<16xf32>,
          tpu.vector_store %arg11[%swap3A_1069, %swap3A_1070, %swap3A_1071], %mul3A_1068 {strides = array<i32>} : memref<2x80x128xf32, #tpu.memory_space<vmem>>, vector<16xf32>,
          %add3A_1073 = arith.constant 12 : i32
          %add3A_1074 = arith.addi %mul3A_92, %add3A_1073 : i32
          %broadcast_in_dim3A_1075 = arith.constant 0 : i32
          %broadcast_in_dim3A_1076 = vector.broadcast %broadcast_in_dim3A_1075 : i32 to vector<16xi32>
          %mul3A_1077 = arith.constant 80 : i32
          %mul3A_1078 = arith.muli %scan3A_50, %mul3A_1077 : i32
          %add3A_1079 = arith.addi %mul3A_1078, %add3A_1074 : i32
          %add3A_1080 = vector.broadcast %add3A_1079 : i32 to vector<16xi32>
          %add3A_1081 = arith.addi %broadcast_in_dim3A_1076, %add3A_1080 : vector<16xi32>
          %gather3A_1082 = tpu.vector_load_idx %arg10[%add3A_1081] : memref<2000xf32, #tpu.memory_space<vmem>>[vector<16xi32>], vector<16xf32>,
          %get3A_1083 = arith.index_cast %rem3A_51 : i32 to index
          %get3A_1084 = arith.index_cast %add3A_1074 : i32 to index
          %get3A_1085 = arith.constant 0 : index
          %get3A_1086 = tpu.vector_load %arg11[%get3A_1083, %get3A_1084, %get3A_1085] {strides = array<i32>} : memref<2x80x128xf32, #tpu.memory_space<vmem>>, vector<16xf32>,
          %mul3A_1087 = arith.mulf %get3A_1086, %gather3A_1082 : vector<16xf32>
          %swap3A_1088 = arith.index_cast %rem3A_51 : i32 to index
          %swap3A_1089 = arith.index_cast %add3A_1074 : i32 to index
          %swap3A_1090 = arith.constant 0 : index
          %swap3A_1091 = tpu.vector_load %arg11[%swap3A_1088, %swap3A_1089, %swap3A_1090] {strides = array<i32>} : memref<2x80x128xf32, #tpu.memory_space<vmem>>, vector<16xf32>,
          tpu.vector_store %arg11[%swap3A_1088, %swap3A_1089, %swap3A_1090], %mul3A_1087 {strides = array<i32>} : memref<2x80x128xf32, #tpu.memory_space<vmem>>, vector<16xf32>,
          %get3A_1092 = arith.index_cast %rem3A_51 : i32 to index
          %get3A_1093 = arith.index_cast %add3A_1074 : i32 to index
          %get3A_1094 = arith.constant 16 : index
          %get3A_1095 = tpu.vector_load %arg11[%get3A_1092, %get3A_1093, %get3A_1094] {strides = array<i32>} : memref<2x80x128xf32, #tpu.memory_space<vmem>>, vector<16xf32>,
          %mul3A_1096 = arith.mulf %get3A_1095, %gather3A_1082 : vector<16xf32>
          %swap3A_1097 = arith.index_cast %rem3A_51 : i32 to index
          %swap3A_1098 = arith.index_cast %add3A_1074 : i32 to index
          %swap3A_1099 = arith.constant 16 : index
          %swap3A_1100 = tpu.vector_load %arg11[%swap3A_1097, %swap3A_1098, %swap3A_1099] {strides = array<i32>} : memref<2x80x128xf32, #tpu.memory_space<vmem>>, vector<16xf32>,
          tpu.vector_store %arg11[%swap3A_1097, %swap3A_1098, %swap3A_1099], %mul3A_1096 {strides = array<i32>} : memref<2x80x128xf32, #tpu.memory_space<vmem>>, vector<16xf32>,
          %get3A_1101 = arith.index_cast %rem3A_51 : i32 to index
          %get3A_1102 = arith.index_cast %add3A_1074 : i32 to index
          %get3A_1103 = arith.constant 32 : index
          %get3A_1104 = tpu.vector_load %arg11[%get3A_1101, %get3A_1102, %get3A_1103] {strides = array<i32>} : memref<2x80x128xf32, #tpu.memory_space<vmem>>, vector<16xf32>,
          %mul3A_1105 = arith.mulf %get3A_1104, %gather3A_1082 : vector<16xf32>
          %swap3A_1106 = arith.index_cast %rem3A_51 : i32 to index
          %swap3A_1107 = arith.index_cast %add3A_1074 : i32 to index
          %swap3A_1108 = arith.constant 32 : index
          %swap3A_1109 = tpu.vector_load %arg11[%swap3A_1106, %swap3A_1107, %swap3A_1108] {strides = array<i32>} : memref<2x80x128xf32, #tpu.memory_space<vmem>>, vector<16xf32>,
          tpu.vector_store %arg11[%swap3A_1106, %swap3A_1107, %swap3A_1108], %mul3A_1105 {strides = array<i32>} : memref<2x80x128xf32, #tpu.memory_space<vmem>>, vector<16xf32>,
          %get3A_1110 = arith.index_cast %rem3A_51 : i32 to index
          %get3A_1111 = arith.index_cast %add3A_1074 : i32 to index
          %get3A_1112 = arith.constant 48 : index
          %get3A_1113 = tpu.vector_load %arg11[%get3A_1110, %get3A_1111, %get3A_1112] {strides = array<i32>} : memref<2x80x128xf32, #tpu.memory_space<vmem>>, vector<16xf32>,
          %mul3A_1114 = arith.mulf %get3A_1113, %gather3A_1082 : vector<16xf32>
          %swap3A_1115 = arith.index_cast %rem3A_51 : i32 to index
          %swap3A_1116 = arith.index_cast %add3A_1074 : i32 to index
          %swap3A_1117 = arith.constant 48 : index
          %swap3A_1118 = tpu.vector_load %arg11[%swap3A_1115, %swap3A_1116, %swap3A_1117] {strides = array<i32>} : memref<2x80x128xf32, #tpu.memory_space<vmem>>, vector<16xf32>,
          tpu.vector_store %arg11[%swap3A_1115, %swap3A_1116, %swap3A_1117], %mul3A_1114 {strides = array<i32>} : memref<2x80x128xf32, #tpu.memory_space<vmem>>, vector<16xf32>,
          %get3A_1119 = arith.index_cast %rem3A_51 : i32 to index
          %get3A_1120 = arith.index_cast %add3A_1074 : i32 to index
          %get3A_1121 = arith.constant 64 : index
          %get3A_1122 = tpu.vector_load %arg11[%get3A_1119, %get3A_1120, %get3A_1121] {strides = array<i32>} : memref<2x80x128xf32, #tpu.memory_space<vmem>>, vector<16xf32>,
          %mul3A_1123 = arith.mulf %get3A_1122, %gather3A_1082 : vector<16xf32>
          %swap3A_1124 = arith.index_cast %rem3A_51 : i32 to index
          %swap3A_1125 = arith.index_cast %add3A_1074 : i32 to index
          %swap3A_1126 = arith.constant 64 : index
          %swap3A_1127 = tpu.vector_load %arg11[%swap3A_1124, %swap3A_1125, %swap3A_1126] {strides = array<i32>} : memref<2x80x128xf32, #tpu.memory_space<vmem>>, vector<16xf32>,
          tpu.vector_store %arg11[%swap3A_1124, %swap3A_1125, %swap3A_1126], %mul3A_1123 {strides = array<i32>} : memref<2x80x128xf32, #tpu.memory_space<vmem>>, vector<16xf32>,
          %get3A_1128 = arith.index_cast %rem3A_51 : i32 to index
          %get3A_1129 = arith.index_cast %add3A_1074 : i32 to index
          %get3A_1130 = arith.constant 80 : index
          %get3A_1131 = tpu.vector_load %arg11[%get3A_1128, %get3A_1129, %get3A_1130] {strides = array<i32>} : memref<2x80x128xf32, #tpu.memory_space<vmem>>, vector<16xf32>,
          %mul3A_1132 = arith.mulf %get3A_1131, %gather3A_1082 : vector<16xf32>
          %swap3A_1133 = arith.index_cast %rem3A_51 : i32 to index
          %swap3A_1134 = arith.index_cast %add3A_1074 : i32 to index
          %swap3A_1135 = arith.constant 80 : index
          %swap3A_1136 = tpu.vector_load %arg11[%swap3A_1133, %swap3A_1134, %swap3A_1135] {strides = array<i32>} : memref<2x80x128xf32, #tpu.memory_space<vmem>>, vector<16xf32>,
          tpu.vector_store %arg11[%swap3A_1133, %swap3A_1134, %swap3A_1135], %mul3A_1132 {strides = array<i32>} : memref<2x80x128xf32, #tpu.memory_space<vmem>>, vector<16xf32>,
          %get3A_1137 = arith.index_cast %rem3A_51 : i32 to index
          %get3A_1138 = arith.index_cast %add3A_1074 : i32 to index
          %get3A_1139 = arith.constant 96 : index
          %get3A_1140 = tpu.vector_load %arg11[%get3A_1137, %get3A_1138, %get3A_1139] {strides = array<i32>} : memref<2x80x128xf32, #tpu.memory_space<vmem>>, vector<16xf32>,
          %mul3A_1141 = arith.mulf %get3A_1140, %gather3A_1082 : vector<16xf32>
          %swap3A_1142 = arith.index_cast %rem3A_51 : i32 to index
          %swap3A_1143 = arith.index_cast %add3A_1074 : i32 to index
          %swap3A_1144 = arith.constant 96 : index
          %swap3A_1145 = tpu.vector_load %arg11[%swap3A_1142, %swap3A_1143, %swap3A_1144] {strides = array<i32>} : memref<2x80x128xf32, #tpu.memory_space<vmem>>, vector<16xf32>,
          tpu.vector_store %arg11[%swap3A_1142, %swap3A_1143, %swap3A_1144], %mul3A_1141 {strides = array<i32>} : memref<2x80x128xf32, #tpu.memory_space<vmem>>, vector<16xf32>,
          %get3A_1146 = arith.index_cast %rem3A_51 : i32 to index
          %get3A_1147 = arith.index_cast %add3A_1074 : i32 to index
          %get3A_1148 = arith.constant 112 : index
          %get3A_1149 = tpu.vector_load %arg11[%get3A_1146, %get3A_1147, %get3A_1148] {strides = array<i32>} : memref<2x80x128xf32, #tpu.memory_space<vmem>>, vector<16xf32>,
          %mul3A_1150 = arith.mulf %get3A_1149, %gather3A_1082 : vector<16xf32>
          %swap3A_1151 = arith.index_cast %rem3A_51 : i32 to index
          %swap3A_1152 = arith.index_cast %add3A_1074 : i32 to index
          %swap3A_1153 = arith.constant 112 : index
          %swap3A_1154 = tpu.vector_load %arg11[%swap3A_1151, %swap3A_1152, %swap3A_1153] {strides = array<i32>} : memref<2x80x128xf32, #tpu.memory_space<vmem>>, vector<16xf32>,
          tpu.vector_store %arg11[%swap3A_1151, %swap3A_1152, %swap3A_1153], %mul3A_1150 {strides = array<i32>} : memref<2x80x128xf32, #tpu.memory_space<vmem>>, vector<16xf32>,
          %add3A_1155 = arith.constant 13 : i32
          %add3A_1156 = arith.addi %mul3A_92, %add3A_1155 : i32
          %broadcast_in_dim3A_1157 = arith.constant 0 : i32
          %broadcast_in_dim3A_1158 = vector.broadcast %broadcast_in_dim3A_1157 : i32 to vector<16xi32>
          %mul3A_1159 = arith.constant 80 : i32
          %mul3A_1160 = arith.muli %scan3A_50, %mul3A_1159 : i32
          %add3A_1161 = arith.addi %mul3A_1160, %add3A_1156 : i32
          %add3A_1162 = vector.broadcast %add3A_1161 : i32 to vector<16xi32>
          %add3A_1163 = arith.addi %broadcast_in_dim3A_1158, %add3A_1162 : vector<16xi32>
          %gather3A_1164 = tpu.vector_load_idx %arg10[%add3A_1163] : memref<2000xf32, #tpu.memory_space<vmem>>[vector<16xi32>], vector<16xf32>,
          %get3A_1165 = arith.index_cast %rem3A_51 : i32 to index
          %get3A_1166 = arith.index_cast %add3A_1156 : i32 to index
          %get3A_1167 = arith.constant 0 : index
          %get3A_1168 = tpu.vector_load %arg11[%get3A_1165, %get3A_1166, %get3A_1167] {strides = array<i32>} : memref<2x80x128xf32, #tpu.memory_space<vmem>>, vector<16xf32>,
          %mul3A_1169 = arith.mulf %get3A_1168, %gather3A_1164 : vector<16xf32>
          %swap3A_1170 = arith.index_cast %rem3A_51 : i32 to index
          %swap3A_1171 = arith.index_cast %add3A_1156 : i32 to index
          %swap3A_1172 = arith.constant 0 : index
          %swap3A_1173 = tpu.vector_load %arg11[%swap3A_1170, %swap3A_1171, %swap3A_1172] {strides = array<i32>} : memref<2x80x128xf32, #tpu.memory_space<vmem>>, vector<16xf32>,
          tpu.vector_store %arg11[%swap3A_1170, %swap3A_1171, %swap3A_1172], %mul3A_1169 {strides = array<i32>} : memref<2x80x128xf32, #tpu.memory_space<vmem>>, vector<16xf32>,
          %get3A_1174 = arith.index_cast %rem3A_51 : i32 to index
          %get3A_1175 = arith.index_cast %add3A_1156 : i32 to index
          %get3A_1176 = arith.constant 16 : index
          %get3A_1177 = tpu.vector_load %arg11[%get3A_1174, %get3A_1175, %get3A_1176] {strides = array<i32>} : memref<2x80x128xf32, #tpu.memory_space<vmem>>, vector<16xf32>,
          %mul3A_1178 = arith.mulf %get3A_1177, %gather3A_1164 : vector<16xf32>
          %swap3A_1179 = arith.index_cast %rem3A_51 : i32 to index
          %swap3A_1180 = arith.index_cast %add3A_1156 : i32 to index
          %swap3A_1181 = arith.constant 16 : index
          %swap3A_1182 = tpu.vector_load %arg11[%swap3A_1179, %swap3A_1180, %swap3A_1181] {strides = array<i32>} : memref<2x80x128xf32, #tpu.memory_space<vmem>>, vector<16xf32>,
          tpu.vector_store %arg11[%swap3A_1179, %swap3A_1180, %swap3A_1181], %mul3A_1178 {strides = array<i32>} : memref<2x80x128xf32, #tpu.memory_space<vmem>>, vector<16xf32>,
          %get3A_1183 = arith.index_cast %rem3A_51 : i32 to index
          %get3A_1184 = arith.index_cast %add3A_1156 : i32 to index
          %get3A_1185 = arith.constant 32 : index
          %get3A_1186 = tpu.vector_load %arg11[%get3A_1183, %get3A_1184, %get3A_1185] {strides = array<i32>} : memref<2x80x128xf32, #tpu.memory_space<vmem>>, vector<16xf32>,
          %mul3A_1187 = arith.mulf %get3A_1186, %gather3A_1164 : vector<16xf32>
          %swap3A_1188 = arith.index_cast %rem3A_51 : i32 to index
          %swap3A_1189 = arith.index_cast %add3A_1156 : i32 to index
          %swap3A_1190 = arith.constant 32 : index
          %swap3A_1191 = tpu.vector_load %arg11[%swap3A_1188, %swap3A_1189, %swap3A_1190] {strides = array<i32>} : memref<2x80x128xf32, #tpu.memory_space<vmem>>, vector<16xf32>,
          tpu.vector_store %arg11[%swap3A_1188, %swap3A_1189, %swap3A_1190], %mul3A_1187 {strides = array<i32>} : memref<2x80x128xf32, #tpu.memory_space<vmem>>, vector<16xf32>,
          %get3A_1192 = arith.index_cast %rem3A_51 : i32 to index
          %get3A_1193 = arith.index_cast %add3A_1156 : i32 to index
          %get3A_1194 = arith.constant 48 : index
          %get3A_1195 = tpu.vector_load %arg11[%get3A_1192, %get3A_1193, %get3A_1194] {strides = array<i32>} : memref<2x80x128xf32, #tpu.memory_space<vmem>>, vector<16xf32>,
          %mul3A_1196 = arith.mulf %get3A_1195, %gather3A_1164 : vector<16xf32>
          %swap3A_1197 = arith.index_cast %rem3A_51 : i32 to index
          %swap3A_1198 = arith.index_cast %add3A_1156 : i32 to index
          %swap3A_1199 = arith.constant 48 : index
          %swap3A_1200 = tpu.vector_load %arg11[%swap3A_1197, %swap3A_1198, %swap3A_1199] {strides = array<i32>} : memref<2x80x128xf32, #tpu.memory_space<vmem>>, vector<16xf32>,
          tpu.vector_store %arg11[%swap3A_1197, %swap3A_1198, %swap3A_1199], %mul3A_1196 {strides = array<i32>} : memref<2x80x128xf32, #tpu.memory_space<vmem>>, vector<16xf32>,
          %get3A_1201 = arith.index_cast %rem3A_51 : i32 to index
          %get3A_1202 = arith.index_cast %add3A_1156 : i32 to index
          %get3A_1203 = arith.constant 64 : index
          %get3A_1204 = tpu.vector_load %arg11[%get3A_1201, %get3A_1202, %get3A_1203] {strides = array<i32>} : memref<2x80x128xf32, #tpu.memory_space<vmem>>, vector<16xf32>,
          %mul3A_1205 = arith.mulf %get3A_1204, %gather3A_1164 : vector<16xf32>
          %swap3A_1206 = arith.index_cast %rem3A_51 : i32 to index
          %swap3A_1207 = arith.index_cast %add3A_1156 : i32 to index
          %swap3A_1208 = arith.constant 64 : index
          %swap3A_1209 = tpu.vector_load %arg11[%swap3A_1206, %swap3A_1207, %swap3A_1208] {strides = array<i32>} : memref<2x80x128xf32, #tpu.memory_space<vmem>>, vector<16xf32>,
          tpu.vector_store %arg11[%swap3A_1206, %swap3A_1207, %swap3A_1208], %mul3A_1205 {strides = array<i32>} : memref<2x80x128xf32, #tpu.memory_space<vmem>>, vector<16xf32>,
          %get3A_1210 = arith.index_cast %rem3A_51 : i32 to index
          %get3A_1211 = arith.index_cast %add3A_1156 : i32 to index
          %get3A_1212 = arith.constant 80 : index
          %get3A_1213 = tpu.vector_load %arg11[%get3A_1210, %get3A_1211, %get3A_1212] {strides = array<i32>} : memref<2x80x128xf32, #tpu.memory_space<vmem>>, vector<16xf32>,
          %mul3A_1214 = arith.mulf %get3A_1213, %gather3A_1164 : vector<16xf32>
          %swap3A_1215 = arith.index_cast %rem3A_51 : i32 to index
          %swap3A_1216 = arith.index_cast %add3A_1156 : i32 to index
          %swap3A_1217 = arith.constant 80 : index
          %swap3A_1218 = tpu.vector_load %arg11[%swap3A_1215, %swap3A_1216, %swap3A_1217] {strides = array<i32>} : memref<2x80x128xf32, #tpu.memory_space<vmem>>, vector<16xf32>,
          tpu.vector_store %arg11[%swap3A_1215, %swap3A_1216, %swap3A_1217], %mul3A_1214 {strides = array<i32>} : memref<2x80x128xf32, #tpu.memory_space<vmem>>, vector<16xf32>,
          %get3A_1219 = arith.index_cast %rem3A_51 : i32 to index
          %get3A_1220 = arith.index_cast %add3A_1156 : i32 to index
          %get3A_1221 = arith.constant 96 : index
          %get3A_1222 = tpu.vector_load %arg11[%get3A_1219, %get3A_1220, %get3A_1221] {strides = array<i32>} : memref<2x80x128xf32, #tpu.memory_space<vmem>>, vector<16xf32>,
          %mul3A_1223 = arith.mulf %get3A_1222, %gather3A_1164 : vector<16xf32>
          %swap3A_1224 = arith.index_cast %rem3A_51 : i32 to index
          %swap3A_1225 = arith.index_cast %add3A_1156 : i32 to index
          %swap3A_1226 = arith.constant 96 : index
          %swap3A_1227 = tpu.vector_load %arg11[%swap3A_1224, %swap3A_1225, %swap3A_1226] {strides = array<i32>} : memref<2x80x128xf32, #tpu.memory_space<vmem>>, vector<16xf32>,
          tpu.vector_store %arg11[%swap3A_1224, %swap3A_1225, %swap3A_1226], %mul3A_1223 {strides = array<i32>} : memref<2x80x128xf32, #tpu.memory_space<vmem>>, vector<16xf32>,
          %get3A_1228 = arith.index_cast %rem3A_51 : i32 to index
          %get3A_1229 = arith.index_cast %add3A_1156 : i32 to index
          %get3A_1230 = arith.constant 112 : index
          %get3A_1231 = tpu.vector_load %arg11[%get3A_1228, %get3A_1229, %get3A_1230] {strides = array<i32>} : memref<2x80x128xf32, #tpu.memory_space<vmem>>, vector<16xf32>,
          %mul3A_1232 = arith.mulf %get3A_1231, %gather3A_1164 : vector<16xf32>
          %swap3A_1233 = arith.index_cast %rem3A_51 : i32 to index
          %swap3A_1234 = arith.index_cast %add3A_1156 : i32 to index
          %swap3A_1235 = arith.constant 112 : index
          %swap3A_1236 = tpu.vector_load %arg11[%swap3A_1233, %swap3A_1234, %swap3A_1235] {strides = array<i32>} : memref<2x80x128xf32, #tpu.memory_space<vmem>>, vector<16xf32>,
          tpu.vector_store %arg11[%swap3A_1233, %swap3A_1234, %swap3A_1235], %mul3A_1232 {strides = array<i32>} : memref<2x80x128xf32, #tpu.memory_space<vmem>>, vector<16xf32>,
          %add3A_1237 = arith.constant 14 : i32
          %add3A_1238 = arith.addi %mul3A_92, %add3A_1237 : i32
          %broadcast_in_dim3A_1239 = arith.constant 0 : i32
          %broadcast_in_dim3A_1240 = vector.broadcast %broadcast_in_dim3A_1239 : i32 to vector<16xi32>
          %mul3A_1241 = arith.constant 80 : i32
          %mul3A_1242 = arith.muli %scan3A_50, %mul3A_1241 : i32
          %add3A_1243 = arith.addi %mul3A_1242, %add3A_1238 : i32
          %add3A_1244 = vector.broadcast %add3A_1243 : i32 to vector<16xi32>
          %add3A_1245 = arith.addi %broadcast_in_dim3A_1240, %add3A_1244 : vector<16xi32>
          %gather3A_1246 = tpu.vector_load_idx %arg10[%add3A_1245] : memref<2000xf32, #tpu.memory_space<vmem>>[vector<16xi32>], vector<16xf32>,
          %get3A_1247 = arith.index_cast %rem3A_51 : i32 to index
          %get3A_1248 = arith.index_cast %add3A_1238 : i32 to index
          %get3A_1249 = arith.constant 0 : index
          %get3A_1250 = tpu.vector_load %arg11[%get3A_1247, %get3A_1248, %get3A_1249] {strides = array<i32>} : memref<2x80x128xf32, #tpu.memory_space<vmem>>, vector<16xf32>,
          %mul3A_1251 = arith.mulf %get3A_1250, %gather3A_1246 : vector<16xf32>
          %swap3A_1252 = arith.index_cast %rem3A_51 : i32 to index
          %swap3A_1253 = arith.index_cast %add3A_1238 : i32 to index
          %swap3A_1254 = arith.constant 0 : index
          %swap3A_1255 = tpu.vector_load %arg11[%swap3A_1252, %swap3A_1253, %swap3A_1254] {strides = array<i32>} : memref<2x80x128xf32, #tpu.memory_space<vmem>>, vector<16xf32>,
          tpu.vector_store %arg11[%swap3A_1252, %swap3A_1253, %swap3A_1254], %mul3A_1251 {strides = array<i32>} : memref<2x80x128xf32, #tpu.memory_space<vmem>>, vector<16xf32>,
          %get3A_1256 = arith.index_cast %rem3A_51 : i32 to index
          %get3A_1257 = arith.index_cast %add3A_1238 : i32 to index
          %get3A_1258 = arith.constant 16 : index
          %get3A_1259 = tpu.vector_load %arg11[%get3A_1256, %get3A_1257, %get3A_1258] {strides = array<i32>} : memref<2x80x128xf32, #tpu.memory_space<vmem>>, vector<16xf32>,
          %mul3A_1260 = arith.mulf %get3A_1259, %gather3A_1246 : vector<16xf32>
          %swap3A_1261 = arith.index_cast %rem3A_51 : i32 to index
          %swap3A_1262 = arith.index_cast %add3A_1238 : i32 to index
          %swap3A_1263 = arith.constant 16 : index
          %swap3A_1264 = tpu.vector_load %arg11[%swap3A_1261, %swap3A_1262, %swap3A_1263] {strides = array<i32>} : memref<2x80x128xf32, #tpu.memory_space<vmem>>, vector<16xf32>,
          tpu.vector_store %arg11[%swap3A_1261, %swap3A_1262, %swap3A_1263], %mul3A_1260 {strides = array<i32>} : memref<2x80x128xf32, #tpu.memory_space<vmem>>, vector<16xf32>,
          %get3A_1265 = arith.index_cast %rem3A_51 : i32 to index
          %get3A_1266 = arith.index_cast %add3A_1238 : i32 to index
          %get3A_1267 = arith.constant 32 : index
          %get3A_1268 = tpu.vector_load %arg11[%get3A_1265, %get3A_1266, %get3A_1267] {strides = array<i32>} : memref<2x80x128xf32, #tpu.memory_space<vmem>>, vector<16xf32>,
          %mul3A_1269 = arith.mulf %get3A_1268, %gather3A_1246 : vector<16xf32>
          %swap3A_1270 = arith.index_cast %rem3A_51 : i32 to index
          %swap3A_1271 = arith.index_cast %add3A_1238 : i32 to index
          %swap3A_1272 = arith.constant 32 : index
          %swap3A_1273 = tpu.vector_load %arg11[%swap3A_1270, %swap3A_1271, %swap3A_1272] {strides = array<i32>} : memref<2x80x128xf32, #tpu.memory_space<vmem>>, vector<16xf32>,
          tpu.vector_store %arg11[%swap3A_1270, %swap3A_1271, %swap3A_1272], %mul3A_1269 {strides = array<i32>} : memref<2x80x128xf32, #tpu.memory_space<vmem>>, vector<16xf32>,
          %get3A_1274 = arith.index_cast %rem3A_51 : i32 to index
          %get3A_1275 = arith.index_cast %add3A_1238 : i32 to index
          %get3A_1276 = arith.constant 48 : index
          %get3A_1277 = tpu.vector_load %arg11[%get3A_1274, %get3A_1275, %get3A_1276] {strides = array<i32>} : memref<2x80x128xf32, #tpu.memory_space<vmem>>, vector<16xf32>,
          %mul3A_1278 = arith.mulf %get3A_1277, %gather3A_1246 : vector<16xf32>
          %swap3A_1279 = arith.index_cast %rem3A_51 : i32 to index
          %swap3A_1280 = arith.index_cast %add3A_1238 : i32 to index
          %swap3A_1281 = arith.constant 48 : index
          %swap3A_1282 = tpu.vector_load %arg11[%swap3A_1279, %swap3A_1280, %swap3A_1281] {strides = array<i32>} : memref<2x80x128xf32, #tpu.memory_space<vmem>>, vector<16xf32>,
          tpu.vector_store %arg11[%swap3A_1279, %swap3A_1280, %swap3A_1281], %mul3A_1278 {strides = array<i32>} : memref<2x80x128xf32, #tpu.memory_space<vmem>>, vector<16xf32>,
          %get3A_1283 = arith.index_cast %rem3A_51 : i32 to index
          %get3A_1284 = arith.index_cast %add3A_1238 : i32 to index
          %get3A_1285 = arith.constant 64 : index
          %get3A_1286 = tpu.vector_load %arg11[%get3A_1283, %get3A_1284, %get3A_1285] {strides = array<i32>} : memref<2x80x128xf32, #tpu.memory_space<vmem>>, vector<16xf32>,
          %mul3A_1287 = arith.mulf %get3A_1286, %gather3A_1246 : vector<16xf32>
          %swap3A_1288 = arith.index_cast %rem3A_51 : i32 to index
          %swap3A_1289 = arith.index_cast %add3A_1238 : i32 to index
          %swap3A_1290 = arith.constant 64 : index
          %swap3A_1291 = tpu.vector_load %arg11[%swap3A_1288, %swap3A_1289, %swap3A_1290] {strides = array<i32>} : memref<2x80x128xf32, #tpu.memory_space<vmem>>, vector<16xf32>,
          tpu.vector_store %arg11[%swap3A_1288, %swap3A_1289, %swap3A_1290], %mul3A_1287 {strides = array<i32>} : memref<2x80x128xf32, #tpu.memory_space<vmem>>, vector<16xf32>,
          %get3A_1292 = arith.index_cast %rem3A_51 : i32 to index
          %get3A_1293 = arith.index_cast %add3A_1238 : i32 to index
          %get3A_1294 = arith.constant 80 : index
          %get3A_1295 = tpu.vector_load %arg11[%get3A_1292, %get3A_1293, %get3A_1294] {strides = array<i32>} : memref<2x80x128xf32, #tpu.memory_space<vmem>>, vector<16xf32>,
          %mul3A_1296 = arith.mulf %get3A_1295, %gather3A_1246 : vector<16xf32>
          %swap3A_1297 = arith.index_cast %rem3A_51 : i32 to index
          %swap3A_1298 = arith.index_cast %add3A_1238 : i32 to index
          %swap3A_1299 = arith.constant 80 : index
          %swap3A_1300 = tpu.vector_load %arg11[%swap3A_1297, %swap3A_1298, %swap3A_1299] {strides = array<i32>} : memref<2x80x128xf32, #tpu.memory_space<vmem>>, vector<16xf32>,
          tpu.vector_store %arg11[%swap3A_1297, %swap3A_1298, %swap3A_1299], %mul3A_1296 {strides = array<i32>} : memref<2x80x128xf32, #tpu.memory_space<vmem>>, vector<16xf32>,
          %get3A_1301 = arith.index_cast %rem3A_51 : i32 to index
          %get3A_1302 = arith.index_cast %add3A_1238 : i32 to index
          %get3A_1303 = arith.constant 96 : index
          %get3A_1304 = tpu.vector_load %arg11[%get3A_1301, %get3A_1302, %get3A_1303] {strides = array<i32>} : memref<2x80x128xf32, #tpu.memory_space<vmem>>, vector<16xf32>,
          %mul3A_1305 = arith.mulf %get3A_1304, %gather3A_1246 : vector<16xf32>
          %swap3A_1306 = arith.index_cast %rem3A_51 : i32 to index
          %swap3A_1307 = arith.index_cast %add3A_1238 : i32 to index
          %swap3A_1308 = arith.constant 96 : index
          %swap3A_1309 = tpu.vector_load %arg11[%swap3A_1306, %swap3A_1307, %swap3A_1308] {strides = array<i32>} : memref<2x80x128xf32, #tpu.memory_space<vmem>>, vector<16xf32>,
          tpu.vector_store %arg11[%swap3A_1306, %swap3A_1307, %swap3A_1308], %mul3A_1305 {strides = array<i32>} : memref<2x80x128xf32, #tpu.memory_space<vmem>>, vector<16xf32>,
          %get3A_1310 = arith.index_cast %rem3A_51 : i32 to index
          %get3A_1311 = arith.index_cast %add3A_1238 : i32 to index
          %get3A_1312 = arith.constant 112 : index
          %get3A_1313 = tpu.vector_load %arg11[%get3A_1310, %get3A_1311, %get3A_1312] {strides = array<i32>} : memref<2x80x128xf32, #tpu.memory_space<vmem>>, vector<16xf32>,
          %mul3A_1314 = arith.mulf %get3A_1313, %gather3A_1246 : vector<16xf32>
          %swap3A_1315 = arith.index_cast %rem3A_51 : i32 to index
          %swap3A_1316 = arith.index_cast %add3A_1238 : i32 to index
          %swap3A_1317 = arith.constant 112 : index
          %swap3A_1318 = tpu.vector_load %arg11[%swap3A_1315, %swap3A_1316, %swap3A_1317] {strides = array<i32>} : memref<2x80x128xf32, #tpu.memory_space<vmem>>, vector<16xf32>,
          tpu.vector_store %arg11[%swap3A_1315, %swap3A_1316, %swap3A_1317], %mul3A_1314 {strides = array<i32>} : memref<2x80x128xf32, #tpu.memory_space<vmem>>, vector<16xf32>,
          %add3A_1319 = arith.constant 15 : i32
          %add3A_1320 = arith.addi %mul3A_92, %add3A_1319 : i32
          %broadcast_in_dim3A_1321 = arith.constant 0 : i32
          %broadcast_in_dim3A_1322 = vector.broadcast %broadcast_in_dim3A_1321 : i32 to vector<16xi32>
          %mul3A_1323 = arith.constant 80 : i32
          %mul3A_1324 = arith.muli %scan3A_50, %mul3A_1323 : i32
          %add3A_1325 = arith.addi %mul3A_1324, %add3A_1320 : i32
          %add3A_1326 = vector.broadcast %add3A_1325 : i32 to vector<16xi32>
          %add3A_1327 = arith.addi %broadcast_in_dim3A_1322, %add3A_1326 : vector<16xi32>
          %gather3A_1328 = tpu.vector_load_idx %arg10[%add3A_1327] : memref<2000xf32, #tpu.memory_space<vmem>>[vector<16xi32>], vector<16xf32>,
          %get3A_1329 = arith.index_cast %rem3A_51 : i32 to index
          %get3A_1330 = arith.index_cast %add3A_1320 : i32 to index
          %get3A_1331 = arith.constant 0 : index
          %get3A_1332 = tpu.vector_load %arg11[%get3A_1329, %get3A_1330, %get3A_1331] {strides = array<i32>} : memref<2x80x128xf32, #tpu.memory_space<vmem>>, vector<16xf32>,
          %mul3A_1333 = arith.mulf %get3A_1332, %gather3A_1328 : vector<16xf32>
          %swap3A_1334 = arith.index_cast %rem3A_51 : i32 to index
          %swap3A_1335 = arith.index_cast %add3A_1320 : i32 to index
          %swap3A_1336 = arith.constant 0 : index
          %swap3A_1337 = tpu.vector_load %arg11[%swap3A_1334, %swap3A_1335, %swap3A_1336] {strides = array<i32>} : memref<2x80x128xf32, #tpu.memory_space<vmem>>, vector<16xf32>,
          tpu.vector_store %arg11[%swap3A_1334, %swap3A_1335, %swap3A_1336], %mul3A_1333 {strides = array<i32>} : memref<2x80x128xf32, #tpu.memory_space<vmem>>, vector<16xf32>,
          %get3A_1338 = arith.index_cast %rem3A_51 : i32 to index
          %get3A_1339 = arith.index_cast %add3A_1320 : i32 to index
          %get3A_1340 = arith.constant 16 : index
          %get3A_1341 = tpu.vector_load %arg11[%get3A_1338, %get3A_1339, %get3A_1340] {strides = array<i32>} : memref<2x80x128xf32, #tpu.memory_space<vmem>>, vector<16xf32>,
          %mul3A_1342 = arith.mulf %get3A_1341, %gather3A_1328 : vector<16xf32>
          %swap3A_1343 = arith.index_cast %rem3A_51 : i32 to index
          %swap3A_1344 = arith.index_cast %add3A_1320 : i32 to index
          %swap3A_1345 = arith.constant 16 : index
          %swap3A_1346 = tpu.vector_load %arg11[%swap3A_1343, %swap3A_1344, %swap3A_1345] {strides = array<i32>} : memref<2x80x128xf32, #tpu.memory_space<vmem>>, vector<16xf32>,
          tpu.vector_store %arg11[%swap3A_1343, %swap3A_1344, %swap3A_1345], %mul3A_1342 {strides = array<i32>} : memref<2x80x128xf32, #tpu.memory_space<vmem>>, vector<16xf32>,
          %get3A_1347 = arith.index_cast %rem3A_51 : i32 to index
          %get3A_1348 = arith.index_cast %add3A_1320 : i32 to index
          %get3A_1349 = arith.constant 32 : index
          %get3A_1350 = tpu.vector_load %arg11[%get3A_1347, %get3A_1348, %get3A_1349] {strides = array<i32>} : memref<2x80x128xf32, #tpu.memory_space<vmem>>, vector<16xf32>,
          %mul3A_1351 = arith.mulf %get3A_1350, %gather3A_1328 : vector<16xf32>
          %swap3A_1352 = arith.index_cast %rem3A_51 : i32 to index
          %swap3A_1353 = arith.index_cast %add3A_1320 : i32 to index
          %swap3A_1354 = arith.constant 32 : index
          %swap3A_1355 = tpu.vector_load %arg11[%swap3A_1352, %swap3A_1353, %swap3A_1354] {strides = array<i32>} : memref<2x80x128xf32, #tpu.memory_space<vmem>>, vector<16xf32>,
          tpu.vector_store %arg11[%swap3A_1352, %swap3A_1353, %swap3A_1354], %mul3A_1351 {strides = array<i32>} : memref<2x80x128xf32, #tpu.memory_space<vmem>>, vector<16xf32>,
          %get3A_1356 = arith.index_cast %rem3A_51 : i32 to index
          %get3A_1357 = arith.index_cast %add3A_1320 : i32 to index
          %get3A_1358 = arith.constant 48 : index
          %get3A_1359 = tpu.vector_load %arg11[%get3A_1356, %get3A_1357, %get3A_1358] {strides = array<i32>} : memref<2x80x128xf32, #tpu.memory_space<vmem>>, vector<16xf32>,
          %mul3A_1360 = arith.mulf %get3A_1359, %gather3A_1328 : vector<16xf32>
          %swap3A_1361 = arith.index_cast %rem3A_51 : i32 to index
          %swap3A_1362 = arith.index_cast %add3A_1320 : i32 to index
          %swap3A_1363 = arith.constant 48 : index
          %swap3A_1364 = tpu.vector_load %arg11[%swap3A_1361, %swap3A_1362, %swap3A_1363] {strides = array<i32>} : memref<2x80x128xf32, #tpu.memory_space<vmem>>, vector<16xf32>,
          tpu.vector_store %arg11[%swap3A_1361, %swap3A_1362, %swap3A_1363], %mul3A_1360 {strides = array<i32>} : memref<2x80x128xf32, #tpu.memory_space<vmem>>, vector<16xf32>,
          %get3A_1365 = arith.index_cast %rem3A_51 : i32 to index
          %get3A_1366 = arith.index_cast %add3A_1320 : i32 to index
          %get3A_1367 = arith.constant 64 : index
          %get3A_1368 = tpu.vector_load %arg11[%get3A_1365, %get3A_1366, %get3A_1367] {strides = array<i32>} : memref<2x80x128xf32, #tpu.memory_space<vmem>>, vector<16xf32>,
          %mul3A_1369 = arith.mulf %get3A_1368, %gather3A_1328 : vector<16xf32>
          %swap3A_1370 = arith.index_cast %rem3A_51 : i32 to index
          %swap3A_1371 = arith.index_cast %add3A_1320 : i32 to index
          %swap3A_1372 = arith.constant 64 : index
          %swap3A_1373 = tpu.vector_load %arg11[%swap3A_1370, %swap3A_1371, %swap3A_1372] {strides = array<i32>} : memref<2x80x128xf32, #tpu.memory_space<vmem>>, vector<16xf32>,
          tpu.vector_store %arg11[%swap3A_1370, %swap3A_1371, %swap3A_1372], %mul3A_1369 {strides = array<i32>} : memref<2x80x128xf32, #tpu.memory_space<vmem>>, vector<16xf32>,
          %get3A_1374 = arith.index_cast %rem3A_51 : i32 to index
          %get3A_1375 = arith.index_cast %add3A_1320 : i32 to index
          %get3A_1376 = arith.constant 80 : index
          %get3A_1377 = tpu.vector_load %arg11[%get3A_1374, %get3A_1375, %get3A_1376] {strides = array<i32>} : memref<2x80x128xf32, #tpu.memory_space<vmem>>, vector<16xf32>,
          %mul3A_1378 = arith.mulf %get3A_1377, %gather3A_1328 : vector<16xf32>
          %swap3A_1379 = arith.index_cast %rem3A_51 : i32 to index
          %swap3A_1380 = arith.index_cast %add3A_1320 : i32 to index
          %swap3A_1381 = arith.constant 80 : index
          %swap3A_1382 = tpu.vector_load %arg11[%swap3A_1379, %swap3A_1380, %swap3A_1381] {strides = array<i32>} : memref<2x80x128xf32, #tpu.memory_space<vmem>>, vector<16xf32>,
          tpu.vector_store %arg11[%swap3A_1379, %swap3A_1380, %swap3A_1381], %mul3A_1378 {strides = array<i32>} : memref<2x80x128xf32, #tpu.memory_space<vmem>>, vector<16xf32>,
          %get3A_1383 = arith.index_cast %rem3A_51 : i32 to index
          %get3A_1384 = arith.index_cast %add3A_1320 : i32 to index
          %get3A_1385 = arith.constant 96 : index
          %get3A_1386 = tpu.vector_load %arg11[%get3A_1383, %get3A_1384, %get3A_1385] {strides = array<i32>} : memref<2x80x128xf32, #tpu.memory_space<vmem>>, vector<16xf32>,
          %mul3A_1387 = arith.mulf %get3A_1386, %gather3A_1328 : vector<16xf32>
          %swap3A_1388 = arith.index_cast %rem3A_51 : i32 to index
          %swap3A_1389 = arith.index_cast %add3A_1320 : i32 to index
          %swap3A_1390 = arith.constant 96 : index
          %swap3A_1391 = tpu.vector_load %arg11[%swap3A_1388, %swap3A_1389, %swap3A_1390] {strides = array<i32>} : memref<2x80x128xf32, #tpu.memory_space<vmem>>, vector<16xf32>,
          tpu.vector_store %arg11[%swap3A_1388, %swap3A_1389, %swap3A_1390], %mul3A_1387 {strides = array<i32>} : memref<2x80x128xf32, #tpu.memory_space<vmem>>, vector<16xf32>,
          %get3A_1392 = arith.index_cast %rem3A_51 : i32 to index
          %get3A_1393 = arith.index_cast %add3A_1320 : i32 to index
          %get3A_1394 = arith.constant 112 : index
          %get3A_1395 = tpu.vector_load %arg11[%get3A_1392, %get3A_1393, %get3A_1394] {strides = array<i32>} : memref<2x80x128xf32, #tpu.memory_space<vmem>>, vector<16xf32>,
          %mul3A_1396 = arith.mulf %get3A_1395, %gather3A_1328 : vector<16xf32>
          %swap3A_1397 = arith.index_cast %rem3A_51 : i32 to index
          %swap3A_1398 = arith.index_cast %add3A_1320 : i32 to index
          %swap3A_1399 = arith.constant 112 : index
          %swap3A_1400 = tpu.vector_load %arg11[%swap3A_1397, %swap3A_1398, %swap3A_1399] {strides = array<i32>} : memref<2x80x128xf32, #tpu.memory_space<vmem>>, vector<16xf32>,
          tpu.vector_store %arg11[%swap3A_1397, %swap3A_1398, %swap3A_1399], %mul3A_1396 {strides = array<i32>} : memref<2x80x128xf32, #tpu.memory_space<vmem>>, vector<16xf32>,
        }
        %scan3A_79 = arith.constant 5 : i32
        %dma_start3A_80 = arith.constant 0 : i32
        %dma_start3A_81 = arith.constant 0 : i32
        %dma_start3A_82 = tpu.memref_slice %arg11[%rem3A_51, %dma_start3A_80, %dma_start3A_81] : memref<2x80x128xf32, #tpu.memory_space<vmem>> -> memref<1x80x128xf32, #tpu.memory_space<vmem>>
        %dma_start3A_83 = tpu.memref_squeeze %dma_start3A_82 : memref<1x80x128xf32, #tpu.memory_space<vmem>> -> memref<80x128xf32, #tpu.memory_space<vmem>>
        %dma_start3A_84 = arith.constant 0 : i32
        %dma_start3A_85 = tpu.memref_slice %arg9[%scan3A_50, %dma_start3A_84] : memref<25x80xi32, #tpu.memory_space<vmem>> -> memref<1x80xi32, #tpu.memory_space<vmem>>
        %dma_start3A_86 = tpu.memref_squeeze %dma_start3A_85 : memref<1x80xi32, #tpu.memory_space<vmem>> -> memref<80xi32, #tpu.memory_space<vmem>>
        %dma_start3A_87 = arith.constant 0 : i32
        %dma_start3A_88 = arith.constant 0 : i32
        %dma_start3A_89 = tpu.memref_slice %arg12[%dma_start3A_87, %dma_start3A_88] : memref<10112x128xf32, #tpu.memory_space<vmem_shared>> -> memref<10112x128xf32, #tpu.memory_space<vmem_shared>>
        tpu.enqueue_indirect_dma source(%dma_start3A_83 : memref<80x128xf32, #tpu.memory_space<vmem>>) target(%dma_start3A_89 : memref<10112x128xf32, #tpu.memory_space<vmem_shared>>) offsets(%dma_start3A_86 : memref<80xi32, #tpu.memory_space<vmem>>) semaphore(%arg14 : memref<!tpu.dma_semaphore, #tpu.memory_space<semaphore_mem>>) {add = true}
      }
      %scan3A_26 = arith.constant 25 : i32
      %dma_wait3A = arith.constant 0 : i32
      %dma_wait3A_27 = arith.constant 0 : i32
      %dma_wait3A_28 = arith.constant 0 : i32
      %dma_wait3A_29 = arith.constant 0 : i32
      %dma_wait3A_30 = tpu.memref_slice %arg11[%dma_wait3A, %dma_wait3A_28, %dma_wait3A_29] : memref<2x80x128xf32, #tpu.memory_space<vmem>> -> memref<1x80x128xf32, #tpu.memory_space<vmem>>
      %dma_wait3A_31 = tpu.memref_squeeze %dma_wait3A_30 : memref<1x80x128xf32, #tpu.memory_space<vmem>> -> memref<80x128xf32, #tpu.memory_space<vmem>>
      %dma_wait3A_32 = arith.constant 0 : i32
      %dma_wait3A_33 = tpu.memref_slice %arg9[%dma_wait3A_27, %dma_wait3A_32] : memref<25x80xi32, #tpu.memory_space<vmem>> -> memref<1x80xi32, #tpu.memory_space<vmem>>
      %dma_wait3A_34 = tpu.memref_squeeze %dma_wait3A_33 : memref<1x80xi32, #tpu.memory_space<vmem>> -> memref<80xi32, #tpu.memory_space<vmem>>
      %dma_wait3A_35 = arith.constant 0 : i32
      %dma_wait3A_36 = arith.constant 0 : i32
      %dma_wait3A_37 = tpu.memref_slice %arg12[%dma_wait3A_35, %dma_wait3A_36] : memref<10112x128xf32, #tpu.memory_space<vmem_shared>> -> memref<10112x128xf32, #tpu.memory_space<vmem_shared>>
      tpu.wait_indirect_dma semaphore(%arg14 : memref<!tpu.dma_semaphore, #tpu.memory_space<semaphore_mem>>) src(%dma_wait3A_31 : memref<80x128xf32, #tpu.memory_space<vmem>>) dst(%dma_wait3A_37 : memref<10112x128xf32, #tpu.memory_space<vmem_shared>>)
      %dma_wait3A_38 = arith.constant 0 : i32
      %dma_wait3A_39 = arith.constant 0 : i32
      %dma_wait3A_40 = arith.constant 0 : i32
      %dma_wait3A_41 = arith.constant 0 : i32
      %dma_wait3A_42 = tpu.memref_slice %arg11[%dma_wait3A_38, %dma_wait3A_40, %dma_wait3A_41] : memref<2x80x128xf32, #tpu.memory_space<vmem>> -> memref<1x80x128xf32, #tpu.memory_space<vmem>>
      %dma_wait3A_43 = tpu.memref_squeeze %dma_wait3A_42 : memref<1x80x128xf32, #tpu.memory_space<vmem>> -> memref<80x128xf32, #tpu.memory_space<vmem>>
      %dma_wait3A_44 = arith.constant 0 : i32
      %dma_wait3A_45 = tpu.memref_slice %arg9[%dma_wait3A_39, %dma_wait3A_44] : memref<25x80xi32, #tpu.memory_space<vmem>> -> memref<1x80xi32, #tpu.memory_space<vmem>>
      %dma_wait3A_46 = tpu.memref_squeeze %dma_wait3A_45 : memref<1x80xi32, #tpu.memory_space<vmem>> -> memref<80xi32, #tpu.memory_space<vmem>>
      %dma_wait3A_47 = arith.constant 0 : i32
      %dma_wait3A_48 = arith.constant 0 : i32
      %dma_wait3A_49 = tpu.memref_slice %arg12[%dma_wait3A_47, %dma_wait3A_48] : memref<10112x128xf32, #tpu.memory_space<vmem_shared>> -> memref<10112x128xf32, #tpu.memory_space<vmem_shared>>
      tpu.wait_indirect_dma semaphore(%arg14 : memref<!tpu.dma_semaphore, #tpu.memory_space<semaphore_mem>>) src(%dma_wait3A_43 : memref<80x128xf32, #tpu.memory_space<vmem>>) dst(%dma_wait3A_49 : memref<10112x128xf32, #tpu.memory_space<vmem_shared>>)
    }
    %scan3A_7 = arith.constant 5 : i32
    %barrier3A_8 = arith.constant 0 : index
    tpu.barrier barrier_id(%barrier3A_8)
    "tpu.region"() ({
      %run_scoped3A = tpu.sem_alloc : memref<!tpu.dma_semaphore, #tpu.memory_space<semaphore_mem>>
      %dma_start3A = arith.constant 0 : i32
      %dma_start3A_9 = tpu.memref_slice %arg7[%arg0, %mul3A_2, %dma_start3A] : memref<2x10112x128xf32, #tpu.memory_space<hbm>> -> memref<1x632x128xf32, #tpu.memory_space<hbm>>
      %dma_start3A_10 = tpu.memref_squeeze %dma_start3A_9 : memref<1x632x128xf32, #tpu.memory_space<hbm>> -> memref<632x128xf32, #tpu.memory_space<hbm>>
      %dma_start3A_11 = arith.constant 0 : i32
      %dma_start3A_12 = tpu.memref_slice %arg12[%mul3A_2, %dma_start3A_11] : memref<10112x128xf32, #tpu.memory_space<vmem_shared>> -> memref<632x128xf32, #tpu.memory_space<vmem_shared>>
      tpu.enqueue_dma source(%dma_start3A_12 : memref<632x128xf32, #tpu.memory_space<vmem_shared>>) target(%dma_start3A_10 : memref<632x128xf32, #tpu.memory_space<hbm>>) target_semaphore(%run_scoped3A : memref<!tpu.dma_semaphore, #tpu.memory_space<semaphore_mem>>)
      %dma_wait3A = arith.constant 0 : i32
      %dma_wait3A_13 = tpu.memref_slice %arg7[%arg0, %mul3A_2, %dma_wait3A] : memref<2x10112x128xf32, #tpu.memory_space<hbm>> -> memref<1x632x128xf32, #tpu.memory_space<hbm>>
      %dma_wait3A_14 = tpu.memref_squeeze %dma_wait3A_13 : memref<1x632x128xf32, #tpu.memory_space<hbm>> -> memref<632x128xf32, #tpu.memory_space<hbm>>
      %dma_wait3A_15 = arith.constant 0 : i32
      %dma_wait3A_16 = tpu.memref_slice %arg12[%mul3A_2, %dma_wait3A_15] : memref<10112x128xf32, #tpu.memory_space<vmem_shared>> -> memref<632x128xf32, #tpu.memory_space<vmem_shared>>
      tpu.wait_dma2 semaphore(%run_scoped3A : memref<!tpu.dma_semaphore, #tpu.memory_space<semaphore_mem>>) src(%dma_wait3A_16 : memref<632x128xf32, #tpu.memory_space<vmem_shared>>) dst(%dma_wait3A_14 : memref<632x128xf32, #tpu.memory_space<hbm>>)
      tpu.yield
    }) : () -> ()
    return
  }
}

module attributes {stable_mosaic.version = 14 : i64} {
  func.func @body(%arg0: i32, %arg1: memref<128x128xf32, #tpu.memory_space<vmem>>, %arg2: memref<128x128xf32, #tpu.memory_space<vmem>>, %arg3: memref<128xf32, #tpu.memory_space<vmem>>, %arg4: memref<128x128xf32, #tpu.memory_space<vmem>>, %arg5: memref<128xf32, #tpu.memory_space<vmem>>, %arg6: memref<128xf32, #tpu.memory_space<vmem>>, %arg7: memref<128x128xf32, #tpu.memory_space<vmem>>, %arg8: memref<10112xf32, #tpu.memory_space<vmem>>, %arg9: memref<10112xf32, #tpu.memory_space<vmem>>) attributes {dimension_semantics = [#tpu.dimension_semantics<arbitrary>], iteration_bounds = array<i64: 79>, scalar_prefetch = 0 : i64, scratch_operands = 0 : i64, tpu.core_type = #tpu.core_type<tc>, window_params = [{transform_indices = @transform_0, window_bounds = array<i64: 128, 128>}, {pipeline_mode = #tpu.pipeline_mode<synchronous>, transform_indices = @transform_1, window_bounds = array<i64: 128, 128>}, {pipeline_mode = #tpu.pipeline_mode<synchronous>, transform_indices = @transform_2, window_bounds = array<i64: 128>}, {pipeline_mode = #tpu.pipeline_mode<synchronous>, transform_indices = @transform_3, window_bounds = array<i64: 128, 128>}, {pipeline_mode = #tpu.pipeline_mode<synchronous>, transform_indices = @transform_4, window_bounds = array<i64: 128>}, {pipeline_mode = #tpu.pipeline_mode<synchronous>, transform_indices = @transform_5, window_bounds = array<i64: 128>}, {transform_indices = @transform_6, window_bounds = array<i64: 128, 128>}, {pipeline_mode = #tpu.pipeline_mode<synchronous>, transform_indices = @transform_7, window_bounds = array<i64: 10112>}, {pipeline_mode = #tpu.pipeline_mode<synchronous>, transform_indices = @transform_8, window_bounds = array<i64: 10112>}]} {
    %get3A = arith.constant 0 : index
    %get3A_0 = arith.constant 0 : index
    %get3A_1 = vector.load %arg1[%get3A, %get3A_0] : memref<128x128xf32, #tpu.memory_space<vmem>>, vector<128x128xf32>
    %get3A_2 = arith.constant 0 : index
    %get3A_3 = arith.constant 0 : index
    %get3A_4 = vector.load %arg2[%get3A_2, %get3A_3] : memref<128x128xf32, #tpu.memory_space<vmem>>, vector<128x128xf32>
    %dot_general3A = arith.constant dense<0.000000e+00> : vector<128x128xf32>
    %dot_general3A_5 = tpu.matmul %get3A_1, %get3A_4, %dot_general3A {dimension_numbers = #tpu.dot_dimension_numbers<[1], [0], [0], [1], [0, 0, 1, 1], [], []>, transpose_lhs_hint = false} : vector<128x128xf32>, vector<128x128xf32>, vector<128x128xf32> -> vector<128x128xf32>
    %get3A_6 = arith.constant 0 : index
    %get3A_7 = vector.load %arg3[%get3A_6] : memref<128xf32, #tpu.memory_space<vmem>>, vector<128xf32>
    %broadcast_in_dim3A = vector.shape_cast %get3A_7 : vector<128xf32> to vector<1x128xf32>
    %add3A = vector.broadcast %broadcast_in_dim3A : vector<1x128xf32> to vector<128x128xf32>
    %add3A_8 = arith.addf %dot_general3A_5, %add3A : vector<128x128xf32>
    %get3A_9 = arith.constant 0 : index
    %get3A_10 = arith.constant 0 : index
    %get3A_11 = vector.load %arg4[%get3A_9, %get3A_10] : memref<128x128xf32, #tpu.memory_space<vmem>>, vector<128x128xf32>
    %dot_general3A_12 = arith.constant dense<0.000000e+00> : vector<128x128xf32>
    %dot_general3A_13 = tpu.matmul %add3A_8, %get3A_11, %dot_general3A_12 {dimension_numbers = #tpu.dot_dimension_numbers<[1], [0], [0], [1], [0, 0, 1, 1], [], []>, transpose_lhs_hint = false} : vector<128x128xf32>, vector<128x128xf32>, vector<128x128xf32> -> vector<128x128xf32>
    %swap3A = arith.constant 0 : index
    %swap3A_14 = arith.constant 0 : index
    %swap3A_15 = vector.load %arg7[%swap3A, %swap3A_14] : memref<128x128xf32, #tpu.memory_space<vmem>>, vector<128x128xf32>
    tpu.vector_store %arg7[%swap3A, %swap3A_14], %dot_general3A_13 {strides = array<i32>} : memref<128x128xf32, #tpu.memory_space<vmem>>, vector<128x128xf32>,
    %get3A_16 = arith.constant 0 : index
    %get3A_17 = vector.load %arg5[%get3A_16] : memref<128xf32, #tpu.memory_space<vmem>>, vector<128xf32>
    %broadcast_in_dim3A_18 = vector.shape_cast %get3A_17 : vector<128xf32> to vector<1x128xf32>
    %mul3A = vector.broadcast %broadcast_in_dim3A_18 : vector<1x128xf32> to vector<128x128xf32>
    %mul3A_19 = arith.mulf %dot_general3A_13, %mul3A : vector<128x128xf32>
    %reduce_sum3A = arith.constant dense<0.000000e+00> : vector<128xf32>
    %reduce_sum3A_20 = vector.multi_reduction <add>, %mul3A_19, %reduce_sum3A [1] : vector<128x128xf32> to vector<128xf32>
    %mul3A_21 = arith.constant 128 : i32
    %mul3A_22 = arith.muli %arg0, %mul3A_21 : i32
    %swap3A_23 = arith.index_cast %mul3A_22 : i32 to index
    %swap3A_24 = vector.load %arg8[%swap3A_23] : memref<10112xf32, #tpu.memory_space<vmem>>, vector<128xf32>
    tpu.vector_store %arg8[%swap3A_23], %reduce_sum3A_20 {strides = array<i32>} : memref<10112xf32, #tpu.memory_space<vmem>>, vector<128xf32>,
    %get3A_25 = arith.constant 0 : index
    %get3A_26 = vector.load %arg6[%get3A_25] : memref<128xf32, #tpu.memory_space<vmem>>, vector<128xf32>
    %broadcast_in_dim3A_27 = vector.shape_cast %get3A_26 : vector<128xf32> to vector<1x128xf32>
    %mul3A_28 = vector.broadcast %broadcast_in_dim3A_27 : vector<1x128xf32> to vector<128x128xf32>
    %mul3A_29 = arith.mulf %dot_general3A_13, %mul3A_28 : vector<128x128xf32>
    %reduce_sum3A_30 = arith.constant dense<0.000000e+00> : vector<128xf32>
    %reduce_sum3A_31 = vector.multi_reduction <add>, %mul3A_29, %reduce_sum3A_30 [1] : vector<128x128xf32> to vector<128xf32>
    %mul3A_32 = arith.constant 128 : i32
    %mul3A_33 = arith.muli %arg0, %mul3A_32 : i32
    %swap3A_34 = arith.index_cast %mul3A_33 : i32 to index
    %swap3A_35 = vector.load %arg9[%swap3A_34] : memref<10112xf32, #tpu.memory_space<vmem>>, vector<128xf32>
    tpu.vector_store %arg9[%swap3A_34], %reduce_sum3A_31 {strides = array<i32>} : memref<10112xf32, #tpu.memory_space<vmem>>, vector<128xf32>,
    return
  }
  func.func @transform_0(%arg0: i32) -> (i32, i32) {
    %c0_i32 = arith.constant 0 : i32
    %c0_i32_0 = arith.constant 0 : i32
    return %arg0, %c0_i32 : i32, i32
  }
  func.func @transform_1(%arg0: i32) -> (i32, i32) {
    %c0_i32 = arith.constant 0 : i32
    %c0_i32_0 = arith.constant 0 : i32
    %c0_i32_1 = arith.constant 0 : i32
    return %c0_i32, %c0_i32_0 : i32, i32
  }
  func.func @transform_2(%arg0: i32) -> i32 {
    %c0_i32 = arith.constant 0 : i32
    %c0_i32_0 = arith.constant 0 : i32
    return %c0_i32 : i32
  }
  func.func @transform_3(%arg0: i32) -> (i32, i32) {
    %c0_i32 = arith.constant 0 : i32
    %c0_i32_0 = arith.constant 0 : i32
    %c0_i32_1 = arith.constant 0 : i32
    return %c0_i32, %c0_i32_0 : i32, i32
  }
  func.func @transform_4(%arg0: i32) -> i32 {
    %c0_i32 = arith.constant 0 : i32
    %c0_i32_0 = arith.constant 0 : i32
    return %c0_i32 : i32
  }
  func.func @transform_5(%arg0: i32) -> i32 {
    %c0_i32 = arith.constant 0 : i32
    %c0_i32_0 = arith.constant 0 : i32
    return %c0_i32 : i32
  }
  func.func @transform_6(%arg0: i32) -> (i32, i32) {
    %c0_i32 = arith.constant 0 : i32
    %c0_i32_0 = arith.constant 0 : i32
    return %arg0, %c0_i32 : i32, i32
  }
  func.func @transform_7(%arg0: i32) -> i32 {
    %c0_i32 = arith.constant 0 : i32
    %c0_i32_0 = arith.constant 0 : i32
    return %c0_i32 : i32
  }
  func.func @transform_8(%arg0: i32) -> i32 {
    %c0_i32 = arith.constant 0 : i32
    %c0_i32_0 = arith.constant 0 : i32
    return %c0_i32 : i32
  }
}

module attributes {stable_mosaic.version = 14 : i64} {
  func.func @body(%arg0: i32, %arg1: memref<128x128xf32, #tpu.memory_space<vmem>>, %arg2: memref<128x128xf32, #tpu.memory_space<vmem>>, %arg3: memref<32x10112xf32, #tpu.memory_space<vmem>>, %arg4: memref<10112xf32, #tpu.memory_space<vmem>>, %arg5: memref<10112xf32, #tpu.memory_space<vmem>>, %arg6: memref<128x128xf32, #tpu.memory_space<vmem>>, %arg7: memref<128xf32, #tpu.memory_space<vmem>>, %arg8: memref<128x128xf32, #tpu.memory_space<vmem>>, %arg9: memref<128xf32, #tpu.memory_space<vmem>>, %arg10: memref<128xf32, #tpu.memory_space<vmem>>, %arg11: memref<128x128xf32, #tpu.memory_space<vmem>>, %arg12: memref<10112xf32, #tpu.memory_space<vmem>>, %arg13: memref<10112xf32, #tpu.memory_space<vmem>>) attributes {dimension_semantics = [#tpu.dimension_semantics<arbitrary>], iteration_bounds = array<i64: 79>, scalar_prefetch = 0 : i64, scratch_operands = 0 : i64, tpu.core_type = #tpu.core_type<tc>, window_params = [{transform_indices = @transform_0, window_bounds = array<i64: 128, 128>}, {transform_indices = @transform_1, window_bounds = array<i64: 128, 128>}, {pipeline_mode = #tpu.pipeline_mode<synchronous>, transform_indices = @transform_2, window_bounds = array<i64: 32, 10112>}, {pipeline_mode = #tpu.pipeline_mode<synchronous>, transform_indices = @transform_3, window_bounds = array<i64: 10112>}, {pipeline_mode = #tpu.pipeline_mode<synchronous>, transform_indices = @transform_4, window_bounds = array<i64: 10112>}, {transform_indices = @transform_5, window_bounds = array<i64: 128, 128>}, {pipeline_mode = #tpu.pipeline_mode<synchronous>, transform_indices = @transform_6, window_bounds = array<i64: 128>}, {pipeline_mode = #tpu.pipeline_mode<synchronous>, transform_indices = @transform_7, window_bounds = array<i64: 128, 128>}, {pipeline_mode = #tpu.pipeline_mode<synchronous>, transform_indices = @transform_8, window_bounds = array<i64: 128>}, {pipeline_mode = #tpu.pipeline_mode<synchronous>, transform_indices = @transform_9, window_bounds = array<i64: 128>}, {transform_indices = @transform_10, window_bounds = array<i64: 128, 128>}, {pipeline_mode = #tpu.pipeline_mode<synchronous>, transform_indices = @transform_11, window_bounds = array<i64: 10112>}, {pipeline_mode = #tpu.pipeline_mode<synchronous>, transform_indices = @transform_12, window_bounds = array<i64: 10112>}]} {
    %mul3A = arith.constant 128 : i32
    %mul3A_0 = arith.muli %arg0, %mul3A : i32
    %get3A = arith.index_cast %mul3A_0 : i32 to index
    %get3A_1 = vector.load %arg4[%get3A] : memref<10112xf32, #tpu.memory_space<vmem>>, vector<128xf32>
    %get3A_2 = arith.index_cast %mul3A_0 : i32 to index
    %get3A_3 = vector.load %arg5[%get3A_2] : memref<10112xf32, #tpu.memory_space<vmem>>, vector<128xf32>
    %add3A = arith.addf %get3A_1, %get3A_3 : vector<128xf32>
    %ge3A = arith.constant 0.000000e+00 : f32
    %ge3A_4 = vector.broadcast %ge3A : f32 to vector<128xf32>
    %ge3A_5 = arith.cmpf oge, %add3A, %ge3A_4 : vector<128xf32>
    %mul3A_6 = arith.constant 2.000000e-01 : f32
    %mul3A_7 = vector.broadcast %mul3A_6 : f32 to vector<128xf32>
    %mul3A_8 = arith.mulf %add3A, %mul3A_7 : vector<128xf32>
    %select_n3A = arith.select %ge3A_5, %add3A, %mul3A_8 : vector<128xi1>, vector<128xf32>
    %exp3A = math.exp %select_n3A : vector<128xf32>
    %get3A_9 = arith.constant 0 : index
    %get3A_10 = arith.constant 0 : index
    %get3A_11 = vector.load %arg1[%get3A_9, %get3A_10] : memref<128x128xf32, #tpu.memory_space<vmem>>, vector<128x128xf32>
    %get3A_12 = arith.constant 0 : index
    %get3A_13 = arith.constant 0 : index
    %get3A_14 = vector.load %arg2[%get3A_12, %get3A_13] : memref<128x128xf32, #tpu.memory_space<vmem>>, vector<128x128xf32>
    %add3A_15 = arith.addf %get3A_11, %get3A_14 : vector<128x128xf32>
    %broadcast_in_dim3A = vector.shape_cast %exp3A : vector<128xf32> to vector<128x1xf32>
    %get3A_16 = arith.constant 0 : index
    %get3A_17 = arith.constant 0 : index
    %get3A_18 = vector.load %arg6[%get3A_16, %get3A_17] : memref<128x128xf32, #tpu.memory_space<vmem>>, vector<128x128xf32>
    %mul3A_19 = vector.broadcast %broadcast_in_dim3A : vector<128x1xf32> to vector<128x128xf32>
    %mul3A_20 = arith.mulf %mul3A_19, %get3A_18 : vector<128x128xf32>
    %add3A_21 = arith.addf %add3A_15, %mul3A_20 : vector<128x128xf32>
    %get3A_22 = arith.constant 0 : index
    %get3A_23 = arith.index_cast %mul3A_0 : i32 to index
    %get3A_24 = vector.load %arg3[%get3A_22, %get3A_23] : memref<32x10112xf32, #tpu.memory_space<vmem>>, vector<32x128xf32>
    %reduce_sum3A = arith.constant dense<0.000000e+00> : vector<128xf32>
    %reduce_sum3A_25 = vector.multi_reduction <add>, %get3A_24, %reduce_sum3A [0] : vector<32x128xf32> to vector<128xf32>
    %add3A_26 = arith.addf %reduce_sum3A_25, %exp3A : vector<128xf32>
    %add3A_27 = arith.constant 1.000000e-16 : f32
    %add3A_28 = vector.broadcast %add3A_27 : f32 to vector<128xf32>
    %add3A_29 = arith.addf %add3A_26, %add3A_28 : vector<128xf32>
    %broadcast_in_dim3A_30 = vector.shape_cast %add3A_29 : vector<128xf32> to vector<128x1xf32>
    %div3A = vector.broadcast %broadcast_in_dim3A_30 : vector<128x1xf32> to vector<128x128xf32>
    %div3A_31 = arith.divf %add3A_21, %div3A : vector<128x128xf32>
    %get3A_32 = arith.constant 0 : index
    %get3A_33 = vector.load %arg7[%get3A_32] : memref<128xf32, #tpu.memory_space<vmem>>, vector<128xf32>
    %broadcast_in_dim3A_34 = vector.shape_cast %get3A_33 : vector<128xf32> to vector<1x128xf32>
    %add3A_35 = vector.broadcast %broadcast_in_dim3A_34 : vector<1x128xf32> to vector<128x128xf32>
    %add3A_36 = arith.addf %div3A_31, %add3A_35 : vector<128x128xf32>
    %max3A = arith.constant 0.000000e+00 : f32
    %max3A_37 = vector.broadcast %max3A : f32 to vector<128x128xf32>
    %max3A_38 = arith.maximumf %add3A_36, %max3A_37 : vector<128x128xf32>
    %get3A_39 = arith.constant 0 : index
    %get3A_40 = arith.constant 0 : index
    %get3A_41 = vector.load %arg8[%get3A_39, %get3A_40] : memref<128x128xf32, #tpu.memory_space<vmem>>, vector<128x128xf32>
    %dot_general3A = arith.constant dense<0.000000e+00> : vector<128x128xf32>
    %dot_general3A_42 = tpu.matmul %max3A_38, %get3A_41, %dot_general3A {dimension_numbers = #tpu.dot_dimension_numbers<[1], [0], [0], [1], [0, 0, 1, 1], [], []>, transpose_lhs_hint = false} : vector<128x128xf32>, vector<128x128xf32>, vector<128x128xf32> -> vector<128x128xf32>
    %swap3A = arith.constant 0 : index
    %swap3A_43 = arith.constant 0 : index
    %swap3A_44 = vector.load %arg11[%swap3A, %swap3A_43] : memref<128x128xf32, #tpu.memory_space<vmem>>, vector<128x128xf32>
    tpu.vector_store %arg11[%swap3A, %swap3A_43], %dot_general3A_42 {strides = array<i32>} : memref<128x128xf32, #tpu.memory_space<vmem>>, vector<128x128xf32>,
    %get3A_45 = arith.constant 0 : index
    %get3A_46 = vector.load %arg9[%get3A_45] : memref<128xf32, #tpu.memory_space<vmem>>, vector<128xf32>
    %broadcast_in_dim3A_47 = vector.shape_cast %get3A_46 : vector<128xf32> to vector<1x128xf32>
    %mul3A_48 = vector.broadcast %broadcast_in_dim3A_47 : vector<1x128xf32> to vector<128x128xf32>
    %mul3A_49 = arith.mulf %dot_general3A_42, %mul3A_48 : vector<128x128xf32>
    %reduce_sum3A_50 = arith.constant dense<0.000000e+00> : vector<128xf32>
    %reduce_sum3A_51 = vector.multi_reduction <add>, %mul3A_49, %reduce_sum3A_50 [1] : vector<128x128xf32> to vector<128xf32>
    %swap3A_52 = arith.index_cast %mul3A_0 : i32 to index
    %swap3A_53 = vector.load %arg12[%swap3A_52] : memref<10112xf32, #tpu.memory_space<vmem>>, vector<128xf32>
    tpu.vector_store %arg12[%swap3A_52], %reduce_sum3A_51 {strides = array<i32>} : memref<10112xf32, #tpu.memory_space<vmem>>, vector<128xf32>,
    %get3A_54 = arith.constant 0 : index
    %get3A_55 = vector.load %arg10[%get3A_54] : memref<128xf32, #tpu.memory_space<vmem>>, vector<128xf32>
    %broadcast_in_dim3A_56 = vector.shape_cast %get3A_55 : vector<128xf32> to vector<1x128xf32>
    %mul3A_57 = vector.broadcast %broadcast_in_dim3A_56 : vector<1x128xf32> to vector<128x128xf32>
    %mul3A_58 = arith.mulf %dot_general3A_42, %mul3A_57 : vector<128x128xf32>
    %reduce_sum3A_59 = arith.constant dense<0.000000e+00> : vector<128xf32>
    %reduce_sum3A_60 = vector.multi_reduction <add>, %mul3A_58, %reduce_sum3A_59 [1] : vector<128x128xf32> to vector<128xf32>
    %swap3A_61 = arith.index_cast %mul3A_0 : i32 to index
    %swap3A_62 = vector.load %arg13[%swap3A_61] : memref<10112xf32, #tpu.memory_space<vmem>>, vector<128xf32>
    tpu.vector_store %arg13[%swap3A_61], %reduce_sum3A_60 {strides = array<i32>} : memref<10112xf32, #tpu.memory_space<vmem>>, vector<128xf32>,
    return
  }
  func.func @transform_0(%arg0: i32) -> (i32, i32) {
    %c0_i32 = arith.constant 0 : i32
    %c0_i32_0 = arith.constant 0 : i32
    return %arg0, %c0_i32 : i32, i32
  }
  func.func @transform_1(%arg0: i32) -> (i32, i32) {
    %c0_i32 = arith.constant 0 : i32
    %c0_i32_0 = arith.constant 0 : i32
    return %arg0, %c0_i32 : i32, i32
  }
  func.func @transform_2(%arg0: i32) -> (i32, i32) {
    %c0_i32 = arith.constant 0 : i32
    %c0_i32_0 = arith.constant 0 : i32
    %c0_i32_1 = arith.constant 0 : i32
    return %c0_i32, %c0_i32_0 : i32, i32
  }
  func.func @transform_3(%arg0: i32) -> i32 {
    %c0_i32 = arith.constant 0 : i32
    %c0_i32_0 = arith.constant 0 : i32
    return %c0_i32 : i32
  }
  func.func @transform_4(%arg0: i32) -> i32 {
    %c0_i32 = arith.constant 0 : i32
    %c0_i32_0 = arith.constant 0 : i32
    return %c0_i32 : i32
  }
  func.func @transform_5(%arg0: i32) -> (i32, i32) {
    %c0_i32 = arith.constant 0 : i32
    %c0_i32_0 = arith.constant 0 : i32
    return %arg0, %c0_i32 : i32, i32
  }
  func.func @transform_6(%arg0: i32) -> i32 {
    %c0_i32 = arith.constant 0 : i32
    %c0_i32_0 = arith.constant 0 : i32
    return %c0_i32 : i32
  }
  func.func @transform_7(%arg0: i32) -> (i32, i32) {
    %c0_i32 = arith.constant 0 : i32
    %c0_i32_0 = arith.constant 0 : i32
    %c0_i32_1 = arith.constant 0 : i32
    return %c0_i32, %c0_i32_0 : i32, i32
  }
  func.func @transform_8(%arg0: i32) -> i32 {
    %c0_i32 = arith.constant 0 : i32
    %c0_i32_0 = arith.constant 0 : i32
    return %c0_i32 : i32
  }
  func.func @transform_9(%arg0: i32) -> i32 {
    %c0_i32 = arith.constant 0 : i32
    %c0_i32_0 = arith.constant 0 : i32
    return %c0_i32 : i32
  }
  func.func @transform_10(%arg0: i32) -> (i32, i32) {
    %c0_i32 = arith.constant 0 : i32
    %c0_i32_0 = arith.constant 0 : i32
    return %arg0, %c0_i32 : i32, i32
  }
  func.func @transform_11(%arg0: i32) -> i32 {
    %c0_i32 = arith.constant 0 : i32
    %c0_i32_0 = arith.constant 0 : i32
    return %c0_i32 : i32
  }
  func.func @transform_12(%arg0: i32) -> i32 {
    %c0_i32 = arith.constant 0 : i32
    %c0_i32_0 = arith.constant 0 : i32
    return %c0_i32 : i32
  }
}

module attributes {stable_mosaic.version = 14 : i64} {
  func.func @body(%arg0: i32, %arg1: memref<128x128xf32, #tpu.memory_space<vmem>>, %arg2: memref<128x128xf32, #tpu.memory_space<vmem>>, %arg3: memref<32x10112xf32, #tpu.memory_space<vmem>>, %arg4: memref<10112xf32, #tpu.memory_space<vmem>>, %arg5: memref<10112xf32, #tpu.memory_space<vmem>>, %arg6: memref<128x128xf32, #tpu.memory_space<vmem>>, %arg7: memref<128xf32, #tpu.memory_space<vmem>>, %arg8: memref<128x128xf32, #tpu.memory_space<vmem>>) attributes {dimension_semantics = [#tpu.dimension_semantics<arbitrary>], iteration_bounds = array<i64: 79>, scalar_prefetch = 0 : i64, scratch_operands = 0 : i64, tpu.core_type = #tpu.core_type<tc>, window_params = [{transform_indices = @transform_0, window_bounds = array<i64: 128, 128>}, {transform_indices = @transform_1, window_bounds = array<i64: 128, 128>}, {pipeline_mode = #tpu.pipeline_mode<synchronous>, transform_indices = @transform_2, window_bounds = array<i64: 32, 10112>}, {pipeline_mode = #tpu.pipeline_mode<synchronous>, transform_indices = @transform_3, window_bounds = array<i64: 10112>}, {pipeline_mode = #tpu.pipeline_mode<synchronous>, transform_indices = @transform_4, window_bounds = array<i64: 10112>}, {transform_indices = @transform_5, window_bounds = array<i64: 128, 128>}, {pipeline_mode = #tpu.pipeline_mode<synchronous>, transform_indices = @transform_6, window_bounds = array<i64: 128>}, {transform_indices = @transform_7, window_bounds = array<i64: 128, 128>}]} {
    %mul3A = arith.constant 128 : i32
    %mul3A_0 = arith.muli %arg0, %mul3A : i32
    %get3A = arith.index_cast %mul3A_0 : i32 to index
    %get3A_1 = vector.load %arg4[%get3A] : memref<10112xf32, #tpu.memory_space<vmem>>, vector<128xf32>
    %get3A_2 = arith.index_cast %mul3A_0 : i32 to index
    %get3A_3 = vector.load %arg5[%get3A_2] : memref<10112xf32, #tpu.memory_space<vmem>>, vector<128xf32>
    %add3A = arith.addf %get3A_1, %get3A_3 : vector<128xf32>
    %ge3A = arith.constant 0.000000e+00 : f32
    %ge3A_4 = vector.broadcast %ge3A : f32 to vector<128xf32>
    %ge3A_5 = arith.cmpf oge, %add3A, %ge3A_4 : vector<128xf32>
    %mul3A_6 = arith.constant 2.000000e-01 : f32
    %mul3A_7 = vector.broadcast %mul3A_6 : f32 to vector<128xf32>
    %mul3A_8 = arith.mulf %add3A, %mul3A_7 : vector<128xf32>
    %select_n3A = arith.select %ge3A_5, %add3A, %mul3A_8 : vector<128xi1>, vector<128xf32>
    %exp3A = math.exp %select_n3A : vector<128xf32>
    %get3A_9 = arith.constant 0 : index
    %get3A_10 = arith.constant 0 : index
    %get3A_11 = vector.load %arg1[%get3A_9, %get3A_10] : memref<128x128xf32, #tpu.memory_space<vmem>>, vector<128x128xf32>
    %get3A_12 = arith.constant 0 : index
    %get3A_13 = arith.constant 0 : index
    %get3A_14 = vector.load %arg2[%get3A_12, %get3A_13] : memref<128x128xf32, #tpu.memory_space<vmem>>, vector<128x128xf32>
    %add3A_15 = arith.addf %get3A_11, %get3A_14 : vector<128x128xf32>
    %broadcast_in_dim3A = vector.shape_cast %exp3A : vector<128xf32> to vector<128x1xf32>
    %get3A_16 = arith.constant 0 : index
    %get3A_17 = arith.constant 0 : index
    %get3A_18 = vector.load %arg6[%get3A_16, %get3A_17] : memref<128x128xf32, #tpu.memory_space<vmem>>, vector<128x128xf32>
    %mul3A_19 = vector.broadcast %broadcast_in_dim3A : vector<128x1xf32> to vector<128x128xf32>
    %mul3A_20 = arith.mulf %mul3A_19, %get3A_18 : vector<128x128xf32>
    %add3A_21 = arith.addf %add3A_15, %mul3A_20 : vector<128x128xf32>
    %get3A_22 = arith.constant 0 : index
    %get3A_23 = arith.index_cast %mul3A_0 : i32 to index
    %get3A_24 = vector.load %arg3[%get3A_22, %get3A_23] : memref<32x10112xf32, #tpu.memory_space<vmem>>, vector<32x128xf32>
    %reduce_sum3A = arith.constant dense<0.000000e+00> : vector<128xf32>
    %reduce_sum3A_25 = vector.multi_reduction <add>, %get3A_24, %reduce_sum3A [0] : vector<32x128xf32> to vector<128xf32>
    %add3A_26 = arith.addf %reduce_sum3A_25, %exp3A : vector<128xf32>
    %add3A_27 = arith.constant 1.000000e-16 : f32
    %add3A_28 = vector.broadcast %add3A_27 : f32 to vector<128xf32>
    %add3A_29 = arith.addf %add3A_26, %add3A_28 : vector<128xf32>
    %broadcast_in_dim3A_30 = vector.shape_cast %add3A_29 : vector<128xf32> to vector<128x1xf32>
    %div3A = vector.broadcast %broadcast_in_dim3A_30 : vector<128x1xf32> to vector<128x128xf32>
    %div3A_31 = arith.divf %add3A_21, %div3A : vector<128x128xf32>
    %get3A_32 = arith.constant 0 : index
    %get3A_33 = vector.load %arg7[%get3A_32] : memref<128xf32, #tpu.memory_space<vmem>>, vector<128xf32>
    %broadcast_in_dim3A_34 = vector.shape_cast %get3A_33 : vector<128xf32> to vector<1x128xf32>
    %add3A_35 = vector.broadcast %broadcast_in_dim3A_34 : vector<1x128xf32> to vector<128x128xf32>
    %add3A_36 = arith.addf %div3A_31, %add3A_35 : vector<128x128xf32>
    %swap3A = arith.constant 0 : index
    %swap3A_37 = arith.constant 0 : index
    %swap3A_38 = vector.load %arg8[%swap3A, %swap3A_37] : memref<128x128xf32, #tpu.memory_space<vmem>>, vector<128x128xf32>
    tpu.vector_store %arg8[%swap3A, %swap3A_37], %add3A_36 {strides = array<i32>} : memref<128x128xf32, #tpu.memory_space<vmem>>, vector<128x128xf32>,
    return
  }
  func.func @transform_0(%arg0: i32) -> (i32, i32) {
    %c0_i32 = arith.constant 0 : i32
    %c0_i32_0 = arith.constant 0 : i32
    return %arg0, %c0_i32 : i32, i32
  }
  func.func @transform_1(%arg0: i32) -> (i32, i32) {
    %c0_i32 = arith.constant 0 : i32
    %c0_i32_0 = arith.constant 0 : i32
    return %arg0, %c0_i32 : i32, i32
  }
  func.func @transform_2(%arg0: i32) -> (i32, i32) {
    %c0_i32 = arith.constant 0 : i32
    %c0_i32_0 = arith.constant 0 : i32
    %c0_i32_1 = arith.constant 0 : i32
    return %c0_i32, %c0_i32_0 : i32, i32
  }
  func.func @transform_3(%arg0: i32) -> i32 {
    %c0_i32 = arith.constant 0 : i32
    %c0_i32_0 = arith.constant 0 : i32
    return %c0_i32 : i32
  }
  func.func @transform_4(%arg0: i32) -> i32 {
    %c0_i32 = arith.constant 0 : i32
    %c0_i32_0 = arith.constant 0 : i32
    return %c0_i32 : i32
  }
  func.func @transform_5(%arg0: i32) -> (i32, i32) {
    %c0_i32 = arith.constant 0 : i32
    %c0_i32_0 = arith.constant 0 : i32
    return %arg0, %c0_i32 : i32, i32
  }
  func.func @transform_6(%arg0: i32) -> i32 {
    %c0_i32 = arith.constant 0 : i32
    %c0_i32_0 = arith.constant 0 : i32
    return %c0_i32 : i32
  }
  func.func @transform_7(%arg0: i32) -> (i32, i32) {
    %c0_i32 = arith.constant 0 : i32
    %c0_i32_0 = arith.constant 0 : i32
    return %arg0, %c0_i32 : i32, i32
  }
}

</mosaic_0001>

<sc_bundles>
// kernel: kernel.12.cloned.1.call-start
scs
__scs_entry_jumppad:
0x0: {  	(pc) =	sbr.rel $0x88, $3  }
0x1: {  	(tag) =	ssettag $0x0;
	lr =	simm.s32 $0x1  }
0x2: {  	[smem:$0x3F95] =	sst lr;
	_ =	strace $0xD0000000  }
0x3: {  	_ = 	snop  }
0x4: {  	_ = 	snop  }
0x5: {  	_ = 	snop  }
0x6: {  	_ = 	snop  }
0x7: {  	_ = 	snop  }
__scs_overlays_trampoline_lowered:
0x8: {  	[smem:$0x3FA4] =	sst s0  }
0x9: {  	[smem:$0x3FA5] =	sst s1  }
0xa: {  	[smem:$0x3FA6] =	sst s2  }
0xb: {  	[smem:$0x3FA7] =	sst s3  }
0xc: {  	[smem:$0x3FA8] =	sst s4  }
0xd: {  	[smem:$0x3FA9] =	sst s5  }
0xe: {  	[smem:$0x3FAA] =	sst s6  }
0xf: {  	[smem:$0x3FAB] =	sst s7  }
0x10: {  	[smem:$0x3FAC] =	sst s8  }
0x11: {  	[smem:$0x3FAD] =	sst s9;
	s0 =	simm.s32 @!p0 $0x0  }
0x12: {  	s1 =	sld [smem:$0x3F93];
	s0 =	simm.s32 @p0 $0x1  }
0x13: {  	[smem:$0x3FAE] =	sst s0;
	s0 =	simm.s32 @!p1 $0x0  }
0x14: {  	s2 =	sld [smem:$0x3F92];
	s0 =	simm.s32 @p1 $0x1  }
0x15: {  	[smem:$0x3FAF] =	sst s0;
	s0 =	simm.s32 @!p2 $0x0  }
0x16: {  	s3 =	sld [smem:$0x3FDB];
	s0 =	simm.s32 @p2 $0x1  }
0x17: {  	s4 =	simm.s32 $0x1BF5;
	[smem:$0x3FB1] =	sst s0  }
0x18: {  	s0 =	sld [smem:$0x3F94];
	_ =	swait.ge [sflag:s4], $0x0  }
0x19: {  	s7 =	sld [smem:$0x3F95]  }
0x1a: {  	s8 =	sadd.s32 $0xFFFFE003, lr  }
0x1b: {  	s9 =	sadd.s32 $0xFFFFFEF7, lr;
	s5 =	simm.s32 $0xFFFFFFFF;
	p2 =	slt.u32 s8, $0xFFFFF086  }
0x1c: {  	p1 =	slt.u32 s9, $0xF7A;
	s5 =	simm.s32 @!p2 $0x0  }
0x1d: {  	s5 =	simm.s32 @p1 $0x1;
	p0 =	seq.s32 s7, s2  }
0x1e: {  	s7 =	smul.u32 @!p0 $0xF7A, s2;
	p2 =	seq.s32 @!p0 s5, $0x0  }
0x1f: {  	s9 =	smul.u32 $0xF7A, s1;
	s8 =	simm.s32 @!p0 $0x1BF5;
	p2 =	por !p2, p0  }
0x20: {  	[sflag:s8] =	ssyncset.s32 @!p0 $0xFFFFF086;
	s6 =	sadd.s32 @!p0 s3, s7;
	s7 =	simm.s32 @!p0 $0x108  }
0x21: {  	s3 =	sadd.s32 s3, s9;
	s6 =	sadd.s32 @!p0 $0x88, s6;
	s7 =	simm.s32 @p2 $0x1082  }
0x22: {  	[simem:s7], [sflag:s8] =	dma.local @!p0 [hbm:s6], $0xF7A  }
0x23: {  	s9 =	sor.u32 $0xD0000000, s2;
	s6 =	simm.s32 $0x108;
	_ =	swait.ge @!p0 [sflag:s8], $0x0  }
0x24: {  	s3 =	sadd.s32 $0x88, s3;
	s6 =	simm.s32 @!p1 $0x1082;
	[sflag:s4] =	ssyncset.s32 $0xFFFFF086  }
0x25: {  	[simem:s6], [sflag:s4] =	dma.local [hbm:s3], $0xF7A  }
0x26: {  	[smem:$0x3F95] =	sst s1;
	(tag) =	ssettag s2;
	_ =	strace s9  }
0x27: {  	s1 =	sld [smem:$0x3FA5]  }
0x28: {  	s2 =	sld [smem:$0x3FA6]  }
0x29: {  	s4 =	sld [smem:$0x3FA8]  }
0x2a: {  	p0 =	seq.s32 s5, $0x0;
	s5 =	sld [smem:$0x3FA9]  }
0x2b: {  	s6 =	sld [smem:$0x3FAA]  }
0x2c: {  	s7 =	sld [smem:$0x3FAB]  }
0x2d: {  	s3 =	simm.s32 $0x108;
	s8 =	sld [smem:$0x3FAC]  }
0x2e: {  	s3 =	simm.s32 @!p0 $0x1082;
	s9 =	sld [smem:$0x3FAD]  }
0x2f: {  	lr =	sadd.s32 s0, s3;
	s0 =	sld [smem:$0x3FA4]  }
0x30: {  	s3 =	sld [smem:$0x3FA7]  }
0x31: {  	[smem:$0x3FB0] =	sst s10  }
0x32: {  	s10 =	sld [smem:$0x3FAE];
	_ =	sdelay $0x3  }
0x33: {  	p0 =	seq.s32 s10, $0x1;
	s10 =	sld [smem:$0x3FB0];
	_ =	sdelay $0x3  }
0x34: {  	[smem:$0x3FB0] =	sst s10  }
0x35: {  	s10 =	sld [smem:$0x3FAF];
	_ =	sdelay $0x3  }
0x36: {  	p1 =	seq.s32 s10, $0x1;
	s10 =	sld [smem:$0x3FB0];
	_ =	sdelay $0x3  }
0x37: {  	[smem:$0x3FB0] =	sst s10  }
0x38: {  	s10 =	sld [smem:$0x3FB1]  }
0x39: {  	_ = 	snop;
	(pc) =	sbr.ind lr, $3  }
0x3a: {  	_ = 	snop  }
0x3b: {  	_ = 	snop  }
0x3c: {  	p2 =	seq.s32 s10, $0x1;
	s10 =	sld [smem:$0x3FB0]  }
0x3d: {  	_ =	shalt  }
0x3e: {  	_ =	shalt  }
0x3f: {  	_ =	shalt  }
0x40: {  	_ =	shalt  }
0x41: {  	_ =	shalt  }
0x42: {  	_ =	shalt  }
0x43: {  	_ =	shalt  }
0x44: {  	_ =	shalt  }
0x45: {  	_ =	shalt  }
0x46: {  	_ =	shalt  }
0x47: {  	_ =	shalt  }
0x48: {  	_ =	shalt  }
0x49: {  	_ =	shalt  }
0x4a: {  	_ =	shalt  }
0x4b: {  	_ =	shalt  }
0x4c: {  	_ =	shalt  }
0x4d: {  	_ =	shalt  }
0x4e: {  	_ =	shalt  }
0x4f: {  	_ =	shalt  }
0x50: {  	_ =	shalt  }
0x51: {  	_ =	shalt  }
0x52: {  	_ =	shalt  }
0x53: {  	_ =	shalt  }
0x54: {  	_ =	shalt  }
0x55: {  	_ =	shalt  }
0x56: {  	_ =	shalt  }
0x57: {  	_ =	shalt  }
0x58: {  	_ =	shalt  }
0x59: {  	_ =	shalt  }
0x5a: {  	_ =	shalt  }
0x5b: {  	_ =	shalt  }
0x5c: {  	_ =	shalt  }
0x5d: {  	_ =	shalt  }
0x5e: {  	_ =	shalt  }
0x5f: {  	_ =	shalt  }
0x60: {  	_ =	shalt  }
0x61: {  	_ =	shalt  }
0x62: {  	_ =	shalt  }
0x63: {  	_ =	shalt  }
0x64: {  	_ =	shalt  }
0x65: {  	_ =	shalt  }
0x66: {  	_ =	shalt  }
0x67: {  	_ =	shalt  }
0x68: {  	_ =	shalt  }
0x69: {  	_ =	shalt  }
0x6a: {  	_ =	shalt  }
0x6b: {  	_ =	shalt  }
0x6c: {  	_ =	shalt  }
0x6d: {  	_ =	shalt  }
0x6e: {  	_ =	shalt  }
0x6f: {  	_ =	shalt  }
0x70: {  	_ =	shalt  }
0x71: {  	_ =	shalt  }
0x72: {  	_ =	shalt  }
0x73: {  	_ =	shalt  }
0x74: {  	_ =	shalt  }
0x75: {  	_ =	shalt  }
0x76: {  	_ =	shalt  }
0x77: {  	_ =	shalt  }
0x78: {  	_ =	shalt  }
0x79: {  	_ =	shalt  }
0x7a: {  	_ =	shalt  }
0x7b: {  	_ =	shalt  }
0x7c: {  	_ =	shalt  }
0x7d: {  	_ =	shalt  }
0x7e: {  	_ =	shalt  }
0x7f: {  	_ =	shalt  }
0x80: {  	_ =	shalt  }
0x81: {  	_ =	shalt  }
0x82: {  	_ =	shalt  }
0x83: {  	_ =	shalt  }
0x84: {  	_ =	shalt  }
0x85: {  	_ =	shalt  }
0x86: {  	_ =	shalt  }
0x87: {  	_ =	shalt  }
.Lfunc_end0:
.L_simem_size_0:
called_computation.1_lowered:
.L_overlay_start_0:
0x88: {  	s2 =	sld [smem:$0x3FD9]  }
0x89: {  	s3 =	sld [smem:$0x3FFE];
	_ =	sdelay $0x1  }
0x8a: {  	s1 =	srdreg.scid  }
0x8b: {  	s0 =	sand.u32 $0x1, s1  }
0x8c: {  	s17 =	sshll.u32 s0, $0xA;
	s2 =	sadd.s32 s3, s2  }
0x8d: {  	s2 =	sadd.s32 s2, s17  }
0x8e: {  	[smem:$0x3FBC] =	sst s2  }
0x8f: {  	_ = 	snop  }
0x90: {  	s2 =	sld [smem:$0x3FD0];
	(tm) =	ssettm $0x1  }
0x91: {  	s18 =	sld [smem:$0x3FFB];
	_ =	sdelay $0x3  }
0x92: {  	_ =	strace s18  }
0x93: {  	s3 =	sld [smem:$0x3FFC];
	_ =	sdelay $0x3  }
0x94: {  	_ =	strace s3  }
0x95: {  	s3 =	sld [smem:$0x3FFD];
	_ =	sdelay $0x3  }
0x96: {  	_ =	strace s3  }
0x97: {  	_ =	strace $0x8FFFFFFF  }
0x98: {  	s19 =	sld [smem:$0x3FDB];
	_ =	sdelay $0x1  }
0x99: {  	s4 =	simm.s32 $_scs_section_size  }
0x9a: {  	s5 =	simm.s32 $_size__tile_overlayer_lowered;
	s6 =	simm.s32 $_tile_overlayer_lowered  }
0x9b: {  	s22 =	simm.s32 $0x1BFF;
	s21 =	sshll.u32 s6, $0x1;
	s3 =	sadd.s32 s4, s19  }
0x9c: {  	s7 =	simm.s32 $0x0;
	s20 =	sshll.u32 s5, $0x1;
	s5 =	sadd.s32 s21, s3  }
0x9d: {  	[timem:s7], [sflag:s22] =	dma.local [hbm:s5], s20  }
0x9e: {  	_ =	swait.ge [sflag:s22], s20  }
0x9f: {  	s4 =	ssub.s32 $0x0, s20;
	[sflag:s22] =	ssyncset.done $0x0  }
0xa0: {  	[sflag:s22] =	ssyncadd.s32 s4;
	_ =	sdelay $0x1  }
0xa1: {  	s23 =	simm.s32 $0x1B8B  }
0xa2: {  	_ =	swait.ge [sflag:s23], $0x1  }
0xa3: {  	[sflag:s23] =	ssyncset.done $0x0  }
0xa4: {  	s25 =	simm.s32 $0x1B8E;
	s24 =	sld [smem:$0x3FFE];
	[sflag:s23] =	ssyncadd.s32 $0xFFFFFFFF  }
0xa5: {  	s26 =	simm.s32 $execute0_lowered;
	[smem:$0x3FD2] =	sst s25  }
0xa6: {  	s5 =	sshll.u32 s26, $0x1;
	_ =	strace $0x80000049;
	[dreg:$0x1] =	wrdreg $0xFFFFFFFF  }
0xa7: {  	s28 =	simm.s32 $_size_execute0_lowered;
	s3 =	sadd.s32 s3, s5;
	[dreg:$0x0] =	wrdreg $0x0  }
0xa8: {  	s5 =	sshll.u32 s28, $0x1;
	[dreg:$0x2] =	wrdreg s3  }
0xa9: {  	[dreg:$0x3] =	wrdreg s5  }
0xaa: {  	[dreg:$0x4] =	wrdreg $0xC0  }
0xab: {  	_ =	task [dreg:s7], $0x5FFFF  }
0xac: {  	[dreg:$0x1] =	wrdreg $0xFFFFFFFF  }
0xad: {  	[dreg:$0x0] =	wrdreg $0x60  }
0xae: {  	[dreg:$0x2] =	wrdreg s2  }
0xaf: {  	[dreg:$0x3] =	wrdreg s24  }
0xb0: {  	[dreg:$0x4] =	wrdreg $0x78000  }
0xb1: {  	[dreg:$0x5] =	wrdreg $0x9  }
0xb2: {  	_ =	task.clear_ibuf [dreg:s7], $0x6FFFF;
	_ =	strace $0x90000049  }
0xb3: {  	s29 =	simm.s32 $0x9;
	_ =	strace $0x8000004B  }
0xb4: {  	_ =	swait.ge [sflag:s29], $0x1  }
0xb5: {  	[sflag:s29] =	ssyncadd.s32 $0xFFFFFFFF  }
0xb6: {  	_ =	strace $0x9000004B  }
0xb7: {  	_ =	sfence  }
0xb8: {  	s30 =	sld [smem:$0x0];
	_ =	sdelay $0x2  }
0xb9: {  	s31 =	sshll.u32 s1, $0xD;
	s1 =	sshrl.u32 s1, $0x2  }
0xba: {  	s3 =	sand.u32 $0x4000, s31;
	s1 =	sadd.s32 s1, s30  }
0xbb: {  	s0 =	sor.u32 s3, s0;
	s1 =	sshll.u32 s1, $0x11  }
0xbc: {  	s0 =	sor.u32 s1, s0  }
0xbd: {  	s0 =	sadd.s32 $0x8F2B, s0  }
0xbe: {  	[sflag:s0] =	ssyncadd.remote.s32 $0x1  }
0xbf: {  	_ =	sfence.sel $0xFFFF  }
0xc0: {  	[dreg:$0x0] =	wrdreg $0xFFFFFFFF;
	(pc) =	sbr.abs _section_cstart, $3  }
0xc1: {  	[dreg:$0x1] =	wrdreg $0xFFFFFFFF  }
0xc2: {  	_ =	task.clear_ibuf [dreg:s7], $0x2FFFF;
	_ =	strace $0x9FFFFFFF  }
0xc3: {  	(tm) =	ssettm $0x7FFFFFFF  }
tec
execute0_lowered:
.L_overlay_start_1:
0x0: {  	(tag) =	ssettag $0x1  }
0x1: {  	s1 =	rddreg [dreg:$0x0]  }
0x2: {  	s7 =	rddreg [dreg:$0x1]  }
0x3: {  	s3 =	rddreg [dreg:$0x2]  }
0x4: {  	s4 =	simm.s32 $0x0;
	s5 =	srdreg.scid;
	s0 =	stileid.u32  }
0x5: {  	s17 =	simm.s32 $0x400;
	s18 =	simm.s32 $0x2000;
	s19 =	simm.s32 $0x50  }
0x6: {  	s20 =	simm.s32 $0x2800;
	s21 =	simm.s32 $0x1;
	s22 =	simm.s32 $0x2  }
0x7: {  	[smem:$0x7FF] =	sst s4;
	s8 =	sand.u32 $0x1, s5;
	s28 =	sshll.u32 s0, $0x1  }
0x8: {  	s10 =	smul.u32 $0x13C00, s0;
	s5 =	sadd.s32 $0x54000, s7;
	s6 =	sadd.s32 $0x40000, s7  }
0x9: {  	s29 =	smul.u32 $0x4F000, s0;
	s31 =	sshll.u32 s0, $0x6;
	_ =	strace $0x8000004A  }
0xa: {  	s9 =	sor.u32 s8, s28;
	s12 =	smul.u32 $0x13C000, s8;
	s8 =	ssub.s32 $0x2, s8  }
0xb: {  	s11 =	sshll.u32 s9, $0xB;
	s13 =	sshrl.u32 s10, $0x3;
	s14 =	sshrl.u32 s8, $0x1  }
0xc: {  	s30 =	sshrl.u32 s29, $0x2;
	s9 =	smul.u32 $0x5000, s9;
	s11 =	sadd.s32 s11, s7  }
0xd: {  	s10 =	sadd.s32 s10, s12;
	s13 =	sadd.s32 s13, s7;
	s14 =	ssub.s32 s8, s14  }
0xe: {  	s16 =	sadd.s32 s30, s3;
	s8 =	sor.u32 $0x1C03, s31;
	s10 =	sshrl.u32 s10, $0x3  }
0xf: {  	s12 =	smax.u32 s14, $0x1;
	s14 =	simm.s32 $0x3;
	s15 =	sadd.s32 s10, s7  }
0x10: {  	s7 =	sadd.s32 $0x78000, s13;
	s10 =	sadd.s32 $0x68000, s11;
	s13 =	sshrl.u32 s16, $0x3  }
0x11: {  	s16 =	simm.s32 $0x80;
	s11 =	sadd.s32 $0x9F800, s15;
	s15 =	simm.s32 $0x1000  }
.LBB2_1:
0x12: {  	[spmem:s13], [sflag:s8] =	dma.local [hbm:s7], $0x2780  }
0x13: {  	_ =	swait.ge [sflag:s14], $0x2780  }
0x14: {  	[sflag:s14] =	ssyncset.done $0x0  }
0x15: {  	[sflag:s14] =	ssyncadd.s32 $0xFFFFD880  }
0x16: {  	s23 =	simm.s32 $0x0;
	[bflag:$0x0] =	sbarrier.arrive $0xFFFF  }
.LBB2_2:
0x17: {  	s24 =	sshll.u32 s23, $0xC  }
0x18: {  	s24 =	sadd.s32 s9, s24  }
0x19: {  	s25 =	sshrl.u32 s24, $0x3  }
0x1a: {  	s24 =	simm.s32 $0x0;
	s26 =	sadd.s32 s5, s25  }
0x1b: {  	[tilespmem:s24], [sflag:$0x3] =	stream.linear.gather [hbm4b:s26+s24], $0xC80, $0x38;
	[tilespmem:$0x1B400] =	vst v63  }
0x1c: {  	_ =	swait.ge [sflag:s14], $0xC80  }
0x1d: {  	[sflag:s14] =	ssyncset.done $0x0  }
0x1e: {  	s25 =	sadd.s32 s6, s25;
	[sflag:s14] =	ssyncadd.s32 $0xFFFFF380  }
0x1f: {  	[tilespmem:s15], [sflag:$0x3] =	stream.linear.gather [hbm4b:s25+s24], $0xC80, $0x38;
	[tilespmem:$0x1B400] =	vst v63  }
0x20: {  	_ =	swait.ge [sflag:s14], $0xC80  }
0x21: {  	s31 =	sshll.u32 s23, $0x4;
	[sflag:s14] =	ssyncset.done $0x0  }
0x22: {  	s25 =	sadd.s32 s31, s10;
	[sflag:s14] =	ssyncadd.s32 $0xFFFFF380  }
0x23: {  	[tilespmem:s18], [sflag:$0x3] =	stream.strided.gather [hbm4b:s25+s16], $0x800, s17, s16, $0x38;
	[tilespmem:$0x1B400] =	vst v63  }
0x24: {  	_ =	swait.ge [sflag:s14], $0x800  }
0x25: {  	[sflag:s14] =	ssyncset.done $0x0  }
0x26: {  	[sflag:s14] =	ssyncadd.s32 $0xFFFFF800  }
0x27: {  	[tilespmem:s20], [sflag:$0x1] =	stream.indirect.gather [hbm4b:s1+s19], $0x80, s24, s19, $0xb8;
	[tilespmem:$0x1B400] =	vst v63  }
.LBB2_3:
0x28: {  	p0 =	seq.s32 s24, $0x0  }
.Ltmp0:
0x29: {  	_ = 	snop;
	(pc) =	sbr.rel @p0 .LBB2_6-.Ltmp0, $4  }
0x2a: {  	_ = 	snop  }
0x2b: {  	_ =	swait.ge [sflag:s21], $0x2800  }
0x2c: {  	[sflag:s21] =	ssyncset.done $0x0  }
0x2d: {  	s26 =	sand.u32 $0x1, s24;
	s25 =	sadd.s32 $0x1, s24;
	[sflag:s21] =	ssyncadd.s32 $0xFFFFD800  }
0x2e: {  	p0 =	seq.s32 s24, $0x18  }
.Ltmp1:
0x2f: {  	_ = 	snop;
	(pc) =	sbr.rel @p0 .LBB2_7-.Ltmp1, $1  }
0x30: {  	_ =	sdelay $0x3  }
0x31: {  	_ =	swait.ge [sflag:s22], $0x2800  }
0x32: {  	[sflag:s22] =	ssyncset.done $0x0  }
0x33: {  	[sflag:s22] =	ssyncadd.s32 $0xFFFFD800  }
.LBB2_6:
0x34: {  	s28 =	sxor.u32 $0x1, s26  }
0x35: {  	s28 =	smul.u32 $0xA000, s28;
	_ =	sdelay $0x1  }
0x36: {  	s29 =	sshll.u32 s25, $0x7;
	s28 =	sshrl.u32 s28, $0x2  }
0x37: {  	s29 =	sand.u32 $0x3FFFFF80, s29;
	s28 =	sadd.s32 $0x2800, s28  }
0x38: {  	[tilespmem:s28], [sflag:$0x1] =	stream.indirect.gather [hbm4b:s1+s19], $0x80, s29, s19, $0xb8;
	[tilespmem:$0x1B400] =	vst v63  }
.LBB2_7:
0x39: {  	s26 =	smul.u32 $0xA000, s26;
	_ =	sdelay $0x1  }
0x3a: {  	s26 =	sshrl.u32 s26, $0x2  }
0x3b: {  	s26 =	sadd.s32 $0x2800, s26  }
0x3c: {  	s28 =	smul.u32 $0x50, s24;
	s29 =	simm.s32 $0x0;
	v0 =	vmov s26  }
.LBB2_8:
0x3d: {  	s30 =	sshll.u32 s29, $0x4  }
0x3e: {  	s31 =	sadd.s32 s28, s30  }
0x3f: {  	v1 =	vmov s31  }
0x40: {  	v1 =	vand.u32 $0xFFFFFFF0, v1  }
0x41: {  	v1 =	vbroadcast v1, $0x0;
	_ =	sdelay $0x2  }
0x42: {  	s2 =	sshll.u32 s29, $0xB  }
0x43: {  	s31 =	sand.u32 $0x3FFFF800, s2  }
0x44: {  	v2 =	vld.idx.msk [tilespmem:v0+s31+$0x0 ss:$0x1], $0xffff  }
0x45: {  	v1 =	vld.idx.msk [tilespmem:v1+s18+$0x0], $0xffff;
	_ =	sdelay $0x4  }
0x46: {  	v2 =	vmul.f32 v2, v1;
	_ =	sdelay $0x1  }
0x47: {  	[tilespmem:v0+s31+$0x0 ss:$0x1] =	vst.idx.msk $0xffff, v2  }
0x48: {  	v2 =	vld.idx.msk [tilespmem:v0+s31+$0x10 ss:$0x1], $0xffff;
	_ =	sdelay $0x4  }
0x49: {  	v2 =	vmul.f32 v2, v1;
	_ =	sdelay $0x1  }
0x4a: {  	[tilespmem:v0+s31+$0x10 ss:$0x1] =	vst.idx.msk $0xffff, v2  }
0x4b: {  	v2 =	vld.idx.msk [tilespmem:v0+s31+$0x20 ss:$0x1], $0xffff;
	_ =	sdelay $0x4  }
0x4c: {  	v2 =	vmul.f32 v2, v1;
	_ =	sdelay $0x1  }
0x4d: {  	[tilespmem:v0+s31+$0x20 ss:$0x1] =	vst.idx.msk $0xffff, v2  }
0x4e: {  	v2 =	vld.idx.msk [tilespmem:v0+s31+$0x30 ss:$0x1], $0xffff;
	_ =	sdelay $0x4  }
0x4f: {  	v2 =	vmul.f32 v2, v1;
	_ =	sdelay $0x1  }
0x50: {  	[tilespmem:v0+s31+$0x30 ss:$0x1] =	vst.idx.msk $0xffff, v2  }
0x51: {  	v2 =	vld.idx.msk [tilespmem:v0+s31+$0x40 ss:$0x1], $0xffff;
	_ =	sdelay $0x4  }
0x52: {  	v2 =	vmul.f32 v2, v1;
	_ =	sdelay $0x1  }
0x53: {  	[tilespmem:v0+s31+$0x40 ss:$0x1] =	vst.idx.msk $0xffff, v2  }
0x54: {  	v2 =	vld.idx.msk [tilespmem:v0+s31+$0x50 ss:$0x1], $0xffff;
	_ =	sdelay $0x4  }
0x55: {  	v2 =	vmul.f32 v2, v1;
	_ =	sdelay $0x1  }
0x56: {  	[tilespmem:v0+s31+$0x50 ss:$0x1] =	vst.idx.msk $0xffff, v2  }
0x57: {  	v2 =	vld.idx.msk [tilespmem:v0+s31+$0x60 ss:$0x1], $0xffff;
	_ =	sdelay $0x4  }
0x58: {  	v2 =	vmul.f32 v2, v1  }
0x59: {  	s0 =	sor.u32 $0x1, s30  }
0x5a: {  	s2 =	sadd.s32 s28, s0;
	[tilespmem:v0+s31+$0x60 ss:$0x1] =	vst.idx.msk $0xffff, v2  }
0x5b: {  	v3 =	vmov s2;
	v2 =	vld.idx.msk [tilespmem:v0+s31+$0x70 ss:$0x1], $0xffff  }
0x5c: {  	v3 =	vand.u32 $0xFFFFFFF1, v3  }
0x5d: {  	v3 =	vbroadcast v3, $0x0;
	_ =	sdelay $0x2  }
0x5e: {  	v1 =	vmul.f32 v2, v1;
	_ =	sdelay $0x1  }
0x5f: {  	s0 =	sshll.u32 s0, $0x7;
	[tilespmem:v0+s31+$0x70 ss:$0x1] =	vst.idx.msk $0xffff, v1  }
0x60: {  	s0 =	sand.u32 $0x3FFFF880, s0;
	v1 =	vld.idx.msk [tilespmem:v3+s18+$0x0], $0xffff  }
0x61: {  	v2 =	vld.idx.msk [tilespmem:v0+s0+$0x0 ss:$0x1], $0xffff;
	_ =	sdelay $0x4  }
0x62: {  	v2 =	vmul.f32 v2, v1;
	_ =	sdelay $0x1  }
0x63: {  	[tilespmem:v0+s0+$0x0 ss:$0x1] =	vst.idx.msk $0xffff, v2  }
0x64: {  	v2 =	vld.idx.msk [tilespmem:v0+s0+$0x10 ss:$0x1], $0xffff;
	_ =	sdelay $0x4  }
0x65: {  	v2 =	vmul.f32 v2, v1;
	_ =	sdelay $0x1  }
0x66: {  	[tilespmem:v0+s0+$0x10 ss:$0x1] =	vst.idx.msk $0xffff, v2  }
0x67: {  	v2 =	vld.idx.msk [tilespmem:v0+s0+$0x20 ss:$0x1], $0xffff;
	_ =	sdelay $0x4  }
0x68: {  	v2 =	vmul.f32 v2, v1;
	_ =	sdelay $0x1  }
0x69: {  	[tilespmem:v0+s0+$0x20 ss:$0x1] =	vst.idx.msk $0xffff, v2  }
0x6a: {  	v2 =	vld.idx.msk [tilespmem:v0+s0+$0x30 ss:$0x1], $0xffff;
	_ =	sdelay $0x4  }
0x6b: {  	v2 =	vmul.f32 v2, v1;
	_ =	sdelay $0x1  }
0x6c: {  	[tilespmem:v0+s0+$0x30 ss:$0x1] =	vst.idx.msk $0xffff, v2  }
0x6d: {  	v2 =	vld.idx.msk [tilespmem:v0+s0+$0x40 ss:$0x1], $0xffff;
	_ =	sdelay $0x4  }
0x6e: {  	v2 =	vmul.f32 v2, v1;
	_ =	sdelay $0x1  }
0x6f: {  	[tilespmem:v0+s0+$0x40 ss:$0x1] =	vst.idx.msk $0xffff, v2  }
0x70: {  	v2 =	vld.idx.msk [tilespmem:v0+s0+$0x50 ss:$0x1], $0xffff;
	_ =	sdelay $0x4  }
0x71: {  	v2 =	vmul.f32 v2, v1;
	_ =	sdelay $0x1  }
0x72: {  	[tilespmem:v0+s0+$0x50 ss:$0x1] =	vst.idx.msk $0xffff, v2  }
0x73: {  	v2 =	vld.idx.msk [tilespmem:v0+s0+$0x60 ss:$0x1], $0xffff;
	_ =	sdelay $0x4  }
0x74: {  	v2 =	vmul.f32 v2, v1  }
0x75: {  	s2 =	sor.u32 $0x2, s30  }
0x76: {  	s31 =	sadd.s32 s28, s2;
	[tilespmem:v0+s0+$0x60 ss:$0x1] =	vst.idx.msk $0xffff, v2  }
0x77: {  	v3 =	vmov s31;
	v2 =	vld.idx.msk [tilespmem:v0+s0+$0x70 ss:$0x1], $0xffff  }
0x78: {  	v3 =	vand.u32 $0xFFFFFFF2, v3  }
0x79: {  	v3 =	vbroadcast v3, $0x0;
	_ =	sdelay $0x2  }
0x7a: {  	v1 =	vmul.f32 v2, v1;
	_ =	sdelay $0x1  }
0x7b: {  	s31 =	sshll.u32 s2, $0x7;
	[tilespmem:v0+s0+$0x70 ss:$0x1] =	vst.idx.msk $0xffff, v1  }
0x7c: {  	s0 =	sand.u32 $0x3FFFF900, s31;
	v1 =	vld.idx.msk [tilespmem:v3+s18+$0x0], $0xffff  }
0x7d: {  	v2 =	vld.idx.msk [tilespmem:v0+s0+$0x0 ss:$0x1], $0xffff;
	_ =	sdelay $0x4  }
0x7e: {  	v2 =	vmul.f32 v2, v1;
	_ =	sdelay $0x1  }
0x7f: {  	[tilespmem:v0+s0+$0x0 ss:$0x1] =	vst.idx.msk $0xffff, v2  }
0x80: {  	v2 =	vld.idx.msk [tilespmem:v0+s0+$0x10 ss:$0x1], $0xffff;
	_ =	sdelay $0x4  }
0x81: {  	v2 =	vmul.f32 v2, v1;
	_ =	sdelay $0x1  }
0x82: {  	[tilespmem:v0+s0+$0x10 ss:$0x1] =	vst.idx.msk $0xffff, v2  }
0x83: {  	v2 =	vld.idx.msk [tilespmem:v0+s0+$0x20 ss:$0x1], $0xffff;
	_ =	sdelay $0x4  }
0x84: {  	v2 =	vmul.f32 v2, v1;
	_ =	sdelay $0x1  }
0x85: {  	[tilespmem:v0+s0+$0x20 ss:$0x1] =	vst.idx.msk $0xffff, v2  }
0x86: {  	v2 =	vld.idx.msk [tilespmem:v0+s0+$0x30 ss:$0x1], $0xffff;
	_ =	sdelay $0x4  }
0x87: {  	v2 =	vmul.f32 v2, v1;
	_ =	sdelay $0x1  }
0x88: {  	[tilespmem:v0+s0+$0x30 ss:$0x1] =	vst.idx.msk $0xffff, v2  }
0x89: {  	v2 =	vld.idx.msk [tilespmem:v0+s0+$0x40 ss:$0x1], $0xffff;
	_ =	sdelay $0x4  }
0x8a: {  	v2 =	vmul.f32 v2, v1;
	_ =	sdelay $0x1  }
0x8b: {  	[tilespmem:v0+s0+$0x40 ss:$0x1] =	vst.idx.msk $0xffff, v2  }
0x8c: {  	v2 =	vld.idx.msk [tilespmem:v0+s0+$0x50 ss:$0x1], $0xffff;
	_ =	sdelay $0x4  }
0x8d: {  	v2 =	vmul.f32 v2, v1;
	_ =	sdelay $0x1  }
0x8e: {  	[tilespmem:v0+s0+$0x50 ss:$0x1] =	vst.idx.msk $0xffff, v2  }
0x8f: {  	v2 =	vld.idx.msk [tilespmem:v0+s0+$0x60 ss:$0x1], $0xffff;
	_ =	sdelay $0x4  }
0x90: {  	v2 =	vmul.f32 v2, v1  }
0x91: {  	s2 =	sor.u32 $0x3, s30  }
0x92: {  	s31 =	sadd.s32 s28, s2;
	[tilespmem:v0+s0+$0x60 ss:$0x1] =	vst.idx.msk $0xffff, v2  }
0x93: {  	v3 =	vmov s31;
	v2 =	vld.idx.msk [tilespmem:v0+s0+$0x70 ss:$0x1], $0xffff  }
0x94: {  	v3 =	vand.u32 $0xFFFFFFF3, v3  }
0x95: {  	v3 =	vbroadcast v3, $0x0;
	_ =	sdelay $0x2  }
0x96: {  	v1 =	vmul.f32 v2, v1;
	_ =	sdelay $0x1  }
0x97: {  	s2 =	sshll.u32 s2, $0x7;
	[tilespmem:v0+s0+$0x70 ss:$0x1] =	vst.idx.msk $0xffff, v1  }
0x98: {  	s0 =	sand.u32 $0x3FFFF980, s2;
	v1 =	vld.idx.msk [tilespmem:v3+s18+$0x0], $0xffff  }
0x99: {  	v2 =	vld.idx.msk [tilespmem:v0+s0+$0x0 ss:$0x1], $0xffff;
	_ =	sdelay $0x4  }
0x9a: {  	v2 =	vmul.f32 v2, v1;
	_ =	sdelay $0x1  }
0x9b: {  	[tilespmem:v0+s0+$0x0 ss:$0x1] =	vst.idx.msk $0xffff, v2  }
0x9c: {  	v2 =	vld.idx.msk [tilespmem:v0+s0+$0x10 ss:$0x1], $0xffff;
	_ =	sdelay $0x4  }
0x9d: {  	v2 =	vmul.f32 v2, v1;
	_ =	sdelay $0x1  }
0x9e: {  	[tilespmem:v0+s0+$0x10 ss:$0x1] =	vst.idx.msk $0xffff, v2  }
0x9f: {  	v2 =	vld.idx.msk [tilespmem:v0+s0+$0x20 ss:$0x1], $0xffff;
	_ =	sdelay $0x4  }
0xa0: {  	v2 =	vmul.f32 v2, v1;
	_ =	sdelay $0x1  }
0xa1: {  	[tilespmem:v0+s0+$0x20 ss:$0x1] =	vst.idx.msk $0xffff, v2  }
0xa2: {  	v2 =	vld.idx.msk [tilespmem:v0+s0+$0x30 ss:$0x1], $0xffff;
	_ =	sdelay $0x4  }
0xa3: {  	v2 =	vmul.f32 v2, v1;
	_ =	sdelay $0x1  }
0xa4: {  	[tilespmem:v0+s0+$0x30 ss:$0x1] =	vst.idx.msk $0xffff, v2  }
0xa5: {  	v2 =	vld.idx.msk [tilespmem:v0+s0+$0x40 ss:$0x1], $0xffff;
	_ =	sdelay $0x4  }
0xa6: {  	v2 =	vmul.f32 v2, v1;
	_ =	sdelay $0x1  }
0xa7: {  	[tilespmem:v0+s0+$0x40 ss:$0x1] =	vst.idx.msk $0xffff, v2  }
0xa8: {  	v2 =	vld.idx.msk [tilespmem:v0+s0+$0x50 ss:$0x1], $0xffff;
	_ =	sdelay $0x4  }
0xa9: {  	v2 =	vmul.f32 v2, v1;
	_ =	sdelay $0x1  }
0xaa: {  	[tilespmem:v0+s0+$0x50 ss:$0x1] =	vst.idx.msk $0xffff, v2  }
0xab: {  	v2 =	vld.idx.msk [tilespmem:v0+s0+$0x60 ss:$0x1], $0xffff;
	_ =	sdelay $0x4  }
0xac: {  	v2 =	vmul.f32 v2, v1  }
0xad: {  	s2 =	sor.u32 $0x4, s30  }
0xae: {  	s31 =	sadd.s32 s28, s2;
	[tilespmem:v0+s0+$0x60 ss:$0x1] =	vst.idx.msk $0xffff, v2  }
0xaf: {  	v3 =	vmov s31;
	v2 =	vld.idx.msk [tilespmem:v0+s0+$0x70 ss:$0x1], $0xffff  }
0xb0: {  	v3 =	vand.u32 $0xFFFFFFF4, v3  }
0xb1: {  	v3 =	vbroadcast v3, $0x0;
	_ =	sdelay $0x2  }
0xb2: {  	v1 =	vmul.f32 v2, v1;
	_ =	sdelay $0x1  }
0xb3: {  	s31 =	sshll.u32 s2, $0x7;
	[tilespmem:v0+s0+$0x70 ss:$0x1] =	vst.idx.msk $0xffff, v1  }
0xb4: {  	s0 =	sand.u32 $0x3FFFFA00, s31;
	v1 =	vld.idx.msk [tilespmem:v3+s18+$0x0], $0xffff  }
0xb5: {  	v2 =	vld.idx.msk [tilespmem:v0+s0+$0x0 ss:$0x1], $0xffff;
	_ =	sdelay $0x4  }
0xb6: {  	v2 =	vmul.f32 v2, v1;
	_ =	sdelay $0x1  }
0xb7: {  	[tilespmem:v0+s0+$0x0 ss:$0x1] =	vst.idx.msk $0xffff, v2  }
0xb8: {  	v2 =	vld.idx.msk [tilespmem:v0+s0+$0x10 ss:$0x1], $0xffff;
	_ =	sdelay $0x4  }
0xb9: {  	v2 =	vmul.f32 v2, v1;
	_ =	sdelay $0x1  }
0xba: {  	[tilespmem:v0+s0+$0x10 ss:$0x1] =	vst.idx.msk $0xffff, v2  }
0xbb: {  	v2 =	vld.idx.msk [tilespmem:v0+s0+$0x20 ss:$0x1], $0xffff;
	_ =	sdelay $0x4  }
0xbc: {  	v2 =	vmul.f32 v2, v1;
	_ =	sdelay $0x1  }
0xbd: {  	[tilespmem:v0+s0+$0x20 ss:$0x1] =	vst.idx.msk $0xffff, v2  }
0xbe: {  	v2 =	vld.idx.msk [tilespmem:v0+s0+$0x30 ss:$0x1], $0xffff;
	_ =	sdelay $0x4  }
0xbf: {  	v2 =	vmul.f32 v2, v1;
	_ =	sdelay $0x1  }
0xc0: {  	[tilespmem:v0+s0+$0x30 ss:$0x1] =	vst.idx.msk $0xffff, v2  }
0xc1: {  	v2 =	vld.idx.msk [tilespmem:v0+s0+$0x40 ss:$0x1], $0xffff;
	_ =	sdelay $0x4  }
0xc2: {  	v2 =	vmul.f32 v2, v1;
	_ =	sdelay $0x1  }
0xc3: {  	[tilespmem:v0+s0+$0x40 ss:$0x1] =	vst.idx.msk $0xffff, v2  }
0xc4: {  	v2 =	vld.idx.msk [tilespmem:v0+s0+$0x50 ss:$0x1], $0xffff;
	_ =	sdelay $0x4  }
0xc5: {  	v2 =	vmul.f32 v2, v1;
	_ =	sdelay $0x1  }
0xc6: {  	[tilespmem:v0+s0+$0x50 ss:$0x1] =	vst.idx.msk $0xffff, v2  }
0xc7: {  	v2 =	vld.idx.msk [tilespmem:v0+s0+$0x60 ss:$0x1], $0xffff;
	_ =	sdelay $0x4  }
0xc8: {  	v2 =	vmul.f32 v2, v1  }
0xc9: {  	s2 =	sor.u32 $0x5, s30  }
0xca: {  	s31 =	sadd.s32 s28, s2;
	[tilespmem:v0+s0+$0x60 ss:$0x1] =	vst.idx.msk $0xffff, v2  }
0xcb: {  	v3 =	vmov s31;
	v2 =	vld.idx.msk [tilespmem:v0+s0+$0x70 ss:$0x1], $0xffff  }
0xcc: {  	v3 =	vand.u32 $0xFFFFFFF5, v3  }
0xcd: {  	v3 =	vbroadcast v3, $0x0;
	_ =	sdelay $0x2  }
0xce: {  	v1 =	vmul.f32 v2, v1;
	_ =	sdelay $0x1  }
0xcf: {  	s2 =	sshll.u32 s2, $0x7;
	[tilespmem:v0+s0+$0x70 ss:$0x1] =	vst.idx.msk $0xffff, v1  }
0xd0: {  	s0 =	sand.u32 $0x3FFFFA80, s2;
	v1 =	vld.idx.msk [tilespmem:v3+s18+$0x0], $0xffff  }
0xd1: {  	v2 =	vld.idx.msk [tilespmem:v0+s0+$0x0 ss:$0x1], $0xffff;
	_ =	sdelay $0x4  }
0xd2: {  	v2 =	vmul.f32 v2, v1;
	_ =	sdelay $0x1  }
0xd3: {  	[tilespmem:v0+s0+$0x0 ss:$0x1] =	vst.idx.msk $0xffff, v2  }
0xd4: {  	v2 =	vld.idx.msk [tilespmem:v0+s0+$0x10 ss:$0x1], $0xffff;
	_ =	sdelay $0x4  }
0xd5: {  	v2 =	vmul.f32 v2, v1;
	_ =	sdelay $0x1  }
0xd6: {  	[tilespmem:v0+s0+$0x10 ss:$0x1] =	vst.idx.msk $0xffff, v2  }
0xd7: {  	v2 =	vld.idx.msk [tilespmem:v0+s0+$0x20 ss:$0x1], $0xffff;
	_ =	sdelay $0x4  }
0xd8: {  	v2 =	vmul.f32 v2, v1;
	_ =	sdelay $0x1  }
0xd9: {  	[tilespmem:v0+s0+$0x20 ss:$0x1] =	vst.idx.msk $0xffff, v2  }
0xda: {  	v2 =	vld.idx.msk [tilespmem:v0+s0+$0x30 ss:$0x1], $0xffff;
	_ =	sdelay $0x4  }
0xdb: {  	v2 =	vmul.f32 v2, v1;
	_ =	sdelay $0x1  }
0xdc: {  	[tilespmem:v0+s0+$0x30 ss:$0x1] =	vst.idx.msk $0xffff, v2  }
0xdd: {  	v2 =	vld.idx.msk [tilespmem:v0+s0+$0x40 ss:$0x1], $0xffff;
	_ =	sdelay $0x4  }
0xde: {  	v2 =	vmul.f32 v2, v1;
	_ =	sdelay $0x1  }
0xdf: {  	[tilespmem:v0+s0+$0x40 ss:$0x1] =	vst.idx.msk $0xffff, v2  }
0xe0: {  	v2 =	vld.idx.msk [tilespmem:v0+s0+$0x50 ss:$0x1], $0xffff;
	_ =	sdelay $0x4  }
0xe1: {  	v2 =	vmul.f32 v2, v1;
	_ =	sdelay $0x1  }
0xe2: {  	[tilespmem:v0+s0+$0x50 ss:$0x1] =	vst.idx.msk $0xffff, v2  }
0xe3: {  	v2 =	vld.idx.msk [tilespmem:v0+s0+$0x60 ss:$0x1], $0xffff;
	_ =	sdelay $0x4  }
0xe4: {  	v2 =	vmul.f32 v2, v1  }
0xe5: {  	s2 =	sor.u32 $0x6, s30  }
0xe6: {  	s31 =	sadd.s32 s28, s2;
	[tilespmem:v0+s0+$0x60 ss:$0x1] =	vst.idx.msk $0xffff, v2  }
0xe7: {  	v3 =	vmov s31;
	v2 =	vld.idx.msk [tilespmem:v0+s0+$0x70 ss:$0x1], $0xffff  }
0xe8: {  	v3 =	vand.u32 $0xFFFFFFF6, v3  }
0xe9: {  	v3 =	vbroadcast v3, $0x0;
	_ =	sdelay $0x2  }
0xea: {  	v1 =	vmul.f32 v2, v1;
	_ =	sdelay $0x1  }
0xeb: {  	s31 =	sshll.u32 s2, $0x7;
	[tilespmem:v0+s0+$0x70 ss:$0x1] =	vst.idx.msk $0xffff, v1  }
0xec: {  	s0 =	sand.u32 $0x3FFFFB00, s31;
	v1 =	vld.idx.msk [tilespmem:v3+s18+$0x0], $0xffff  }
0xed: {  	v2 =	vld.idx.msk [tilespmem:v0+s0+$0x0 ss:$0x1], $0xffff;
	_ =	sdelay $0x4  }
0xee: {  	v2 =	vmul.f32 v2, v1;
	_ =	sdelay $0x1  }
0xef: {  	[tilespmem:v0+s0+$0x0 ss:$0x1] =	vst.idx.msk $0xffff, v2  }
0xf0: {  	v2 =	vld.idx.msk [tilespmem:v0+s0+$0x10 ss:$0x1], $0xffff;
	_ =	sdelay $0x4  }
0xf1: {  	v2 =	vmul.f32 v2, v1;
	_ =	sdelay $0x1  }
0xf2: {  	[tilespmem:v0+s0+$0x10 ss:$0x1] =	vst.idx.msk $0xffff, v2  }
0xf3: {  	v2 =	vld.idx.msk [tilespmem:v0+s0+$0x20 ss:$0x1], $0xffff;
	_ =	sdelay $0x4  }
0xf4: {  	v2 =	vmul.f32 v2, v1;
	_ =	sdelay $0x1  }
0xf5: {  	[tilespmem:v0+s0+$0x20 ss:$0x1] =	vst.idx.msk $0xffff, v2  }
0xf6: {  	v2 =	vld.idx.msk [tilespmem:v0+s0+$0x30 ss:$0x1], $0xffff;
	_ =	sdelay $0x4  }
0xf7: {  	v2 =	vmul.f32 v2, v1;
	_ =	sdelay $0x1  }
0xf8: {  	[tilespmem:v0+s0+$0x30 ss:$0x1] =	vst.idx.msk $0xffff, v2  }
0xf9: {  	v2 =	vld.idx.msk [tilespmem:v0+s0+$0x40 ss:$0x1], $0xffff;
	_ =	sdelay $0x4  }
0xfa: {  	v2 =	vmul.f32 v2, v1;
	_ =	sdelay $0x1  }
0xfb: {  	[tilespmem:v0+s0+$0x40 ss:$0x1] =	vst.idx.msk $0xffff, v2  }
0xfc: {  	v2 =	vld.idx.msk [tilespmem:v0+s0+$0x50 ss:$0x1], $0xffff;
	_ =	sdelay $0x4  }
0xfd: {  	v2 =	vmul.f32 v2, v1;
	_ =	sdelay $0x1  }
0xfe: {  	[tilespmem:v0+s0+$0x50 ss:$0x1] =	vst.idx.msk $0xffff, v2  }
0xff: {  	v2 =	vld.idx.msk [tilespmem:v0+s0+$0x60 ss:$0x1], $0xffff;
	_ =	sdelay $0x4  }
0x100: {  	v2 =	vmul.f32 v2, v1  }
0x101: {  	s2 =	sor.u32 $0x7, s30  }
0x102: {  	s31 =	sadd.s32 s28, s2;
	[tilespmem:v0+s0+$0x60 ss:$0x1] =	vst.idx.msk $0xffff, v2  }
0x103: {  	v3 =	vmov s31;
	v2 =	vld.idx.msk [tilespmem:v0+s0+$0x70 ss:$0x1], $0xffff  }
0x104: {  	v3 =	vand.u32 $0xFFFFFFF7, v3  }
0x105: {  	v3 =	vbroadcast v3, $0x0;
	_ =	sdelay $0x2  }
0x106: {  	v1 =	vmul.f32 v2, v1;
	_ =	sdelay $0x1  }
0x107: {  	s2 =	sshll.u32 s2, $0x7;
	[tilespmem:v0+s0+$0x70 ss:$0x1] =	vst.idx.msk $0xffff, v1  }
0x108: {  	s0 =	sand.u32 $0x3FFFFB80, s2;
	v1 =	vld.idx.msk [tilespmem:v3+s18+$0x0], $0xffff  }
0x109: {  	v2 =	vld.idx.msk [tilespmem:v0+s0+$0x0 ss:$0x1], $0xffff;
	_ =	sdelay $0x4  }
0x10a: {  	v2 =	vmul.f32 v2, v1;
	_ =	sdelay $0x1  }
0x10b: {  	[tilespmem:v0+s0+$0x0 ss:$0x1] =	vst.idx.msk $0xffff, v2  }
0x10c: {  	v2 =	vld.idx.msk [tilespmem:v0+s0+$0x10 ss:$0x1], $0xffff;
	_ =	sdelay $0x4  }
0x10d: {  	v2 =	vmul.f32 v2, v1;
	_ =	sdelay $0x1  }
0x10e: {  	[tilespmem:v0+s0+$0x10 ss:$0x1] =	vst.idx.msk $0xffff, v2  }
0x10f: {  	v2 =	vld.idx.msk [tilespmem:v0+s0+$0x20 ss:$0x1], $0xffff;
	_ =	sdelay $0x4  }
0x110: {  	v2 =	vmul.f32 v2, v1;
	_ =	sdelay $0x1  }
0x111: {  	[tilespmem:v0+s0+$0x20 ss:$0x1] =	vst.idx.msk $0xffff, v2  }
0x112: {  	v2 =	vld.idx.msk [tilespmem:v0+s0+$0x30 ss:$0x1], $0xffff;
	_ =	sdelay $0x4  }
0x113: {  	v2 =	vmul.f32 v2, v1;
	_ =	sdelay $0x1  }
0x114: {  	[tilespmem:v0+s0+$0x30 ss:$0x1] =	vst.idx.msk $0xffff, v2  }
0x115: {  	v2 =	vld.idx.msk [tilespmem:v0+s0+$0x40 ss:$0x1], $0xffff;
	_ =	sdelay $0x4  }
0x116: {  	v2 =	vmul.f32 v2, v1;
	_ =	sdelay $0x1  }
0x117: {  	[tilespmem:v0+s0+$0x40 ss:$0x1] =	vst.idx.msk $0xffff, v2  }
0x118: {  	v2 =	vld.idx.msk [tilespmem:v0+s0+$0x50 ss:$0x1], $0xffff;
	_ =	sdelay $0x4  }
0x119: {  	v2 =	vmul.f32 v2, v1;
	_ =	sdelay $0x1  }
0x11a: {  	[tilespmem:v0+s0+$0x50 ss:$0x1] =	vst.idx.msk $0xffff, v2  }
0x11b: {  	v2 =	vld.idx.msk [tilespmem:v0+s0+$0x60 ss:$0x1], $0xffff;
	_ =	sdelay $0x4  }
0x11c: {  	v2 =	vmul.f32 v2, v1  }
0x11d: {  	s2 =	sor.u32 $0x8, s30  }
0x11e: {  	s31 =	sadd.s32 s28, s2;
	[tilespmem:v0+s0+$0x60 ss:$0x1] =	vst.idx.msk $0xffff, v2  }
0x11f: {  	v3 =	vmov s31;
	v2 =	vld.idx.msk [tilespmem:v0+s0+$0x70 ss:$0x1], $0xffff  }
0x120: {  	v3 =	vand.u32 $0xFFFFFFF8, v3  }
0x121: {  	v3 =	vbroadcast v3, $0x0;
	_ =	sdelay $0x2  }
0x122: {  	v1 =	vmul.f32 v2, v1;
	_ =	sdelay $0x1  }
0x123: {  	s31 =	sshll.u32 s2, $0x7;
	[tilespmem:v0+s0+$0x70 ss:$0x1] =	vst.idx.msk $0xffff, v1  }
0x124: {  	s0 =	sand.u32 $0x3FFFFC00, s31;
	v1 =	vld.idx.msk [tilespmem:v3+s18+$0x0], $0xffff  }
0x125: {  	v2 =	vld.idx.msk [tilespmem:v0+s0+$0x0 ss:$0x1], $0xffff;
	_ =	sdelay $0x4  }
0x126: {  	v2 =	vmul.f32 v2, v1;
	_ =	sdelay $0x1  }
0x127: {  	[tilespmem:v0+s0+$0x0 ss:$0x1] =	vst.idx.msk $0xffff, v2  }
0x128: {  	v2 =	vld.idx.msk [tilespmem:v0+s0+$0x10 ss:$0x1], $0xffff;
	_ =	sdelay $0x4  }
0x129: {  	v2 =	vmul.f32 v2, v1;
	_ =	sdelay $0x1  }
0x12a: {  	[tilespmem:v0+s0+$0x10 ss:$0x1] =	vst.idx.msk $0xffff, v2  }
0x12b: {  	v2 =	vld.idx.msk [tilespmem:v0+s0+$0x20 ss:$0x1], $0xffff;
	_ =	sdelay $0x4  }
0x12c: {  	v2 =	vmul.f32 v2, v1;
	_ =	sdelay $0x1  }
0x12d: {  	[tilespmem:v0+s0+$0x20 ss:$0x1] =	vst.idx.msk $0xffff, v2  }
0x12e: {  	v2 =	vld.idx.msk [tilespmem:v0+s0+$0x30 ss:$0x1], $0xffff;
	_ =	sdelay $0x4  }
0x12f: {  	v2 =	vmul.f32 v2, v1;
	_ =	sdelay $0x1  }
0x130: {  	[tilespmem:v0+s0+$0x30 ss:$0x1] =	vst.idx.msk $0xffff, v2  }
0x131: {  	v2 =	vld.idx.msk [tilespmem:v0+s0+$0x40 ss:$0x1], $0xffff;
	_ =	sdelay $0x4  }
0x132: {  	v2 =	vmul.f32 v2, v1;
	_ =	sdelay $0x1  }
0x133: {  	[tilespmem:v0+s0+$0x40 ss:$0x1] =	vst.idx.msk $0xffff, v2  }
0x134: {  	v2 =	vld.idx.msk [tilespmem:v0+s0+$0x50 ss:$0x1], $0xffff;
	_ =	sdelay $0x4  }
0x135: {  	v2 =	vmul.f32 v2, v1;
	_ =	sdelay $0x1  }
0x136: {  	[tilespmem:v0+s0+$0x50 ss:$0x1] =	vst.idx.msk $0xffff, v2  }
0x137: {  	v2 =	vld.idx.msk [tilespmem:v0+s0+$0x60 ss:$0x1], $0xffff;
	_ =	sdelay $0x4  }
0x138: {  	v2 =	vmul.f32 v2, v1  }
0x139: {  	s2 =	sor.u32 $0x9, s30  }
0x13a: {  	s31 =	sadd.s32 s28, s2;
	[tilespmem:v0+s0+$0x60 ss:$0x1] =	vst.idx.msk $0xffff, v2  }
0x13b: {  	v3 =	vmov s31;
	v2 =	vld.idx.msk [tilespmem:v0+s0+$0x70 ss:$0x1], $0xffff  }
0x13c: {  	v3 =	vand.u32 $0xFFFFFFF9, v3  }
0x13d: {  	v3 =	vbroadcast v3, $0x0;
	_ =	sdelay $0x2  }
0x13e: {  	v1 =	vmul.f32 v2, v1;
	_ =	sdelay $0x1  }
0x13f: {  	s2 =	sshll.u32 s2, $0x7;
	[tilespmem:v0+s0+$0x70 ss:$0x1] =	vst.idx.msk $0xffff, v1  }
0x140: {  	s0 =	sand.u32 $0x3FFFFC80, s2;
	v1 =	vld.idx.msk [tilespmem:v3+s18+$0x0], $0xffff  }
0x141: {  	v2 =	vld.idx.msk [tilespmem:v0+s0+$0x0 ss:$0x1], $0xffff;
	_ =	sdelay $0x4  }
0x142: {  	v2 =	vmul.f32 v2, v1;
	_ =	sdelay $0x1  }
0x143: {  	[tilespmem:v0+s0+$0x0 ss:$0x1] =	vst.idx.msk $0xffff, v2  }
0x144: {  	v2 =	vld.idx.msk [tilespmem:v0+s0+$0x10 ss:$0x1], $0xffff;
	_ =	sdelay $0x4  }
0x145: {  	v2 =	vmul.f32 v2, v1;
	_ =	sdelay $0x1  }
0x146: {  	[tilespmem:v0+s0+$0x10 ss:$0x1] =	vst.idx.msk $0xffff, v2  }
0x147: {  	v2 =	vld.idx.msk [tilespmem:v0+s0+$0x20 ss:$0x1], $0xffff;
	_ =	sdelay $0x4  }
0x148: {  	v2 =	vmul.f32 v2, v1;
	_ =	sdelay $0x1  }
0x149: {  	[tilespmem:v0+s0+$0x20 ss:$0x1] =	vst.idx.msk $0xffff, v2  }
0x14a: {  	v2 =	vld.idx.msk [tilespmem:v0+s0+$0x30 ss:$0x1], $0xffff;
	_ =	sdelay $0x4  }
0x14b: {  	v2 =	vmul.f32 v2, v1;
	_ =	sdelay $0x1  }
0x14c: {  	[tilespmem:v0+s0+$0x30 ss:$0x1] =	vst.idx.msk $0xffff, v2  }
0x14d: {  	v2 =	vld.idx.msk [tilespmem:v0+s0+$0x40 ss:$0x1], $0xffff;
	_ =	sdelay $0x4  }
0x14e: {  	v2 =	vmul.f32 v2, v1;
	_ =	sdelay $0x1  }
0x14f: {  	[tilespmem:v0+s0+$0x40 ss:$0x1] =	vst.idx.msk $0xffff, v2  }
0x150: {  	v2 =	vld.idx.msk [tilespmem:v0+s0+$0x50 ss:$0x1], $0xffff;
	_ =	sdelay $0x4  }
0x151: {  	v2 =	vmul.f32 v2, v1;
	_ =	sdelay $0x1  }
0x152: {  	[tilespmem:v0+s0+$0x50 ss:$0x1] =	vst.idx.msk $0xffff, v2  }
0x153: {  	v2 =	vld.idx.msk [tilespmem:v0+s0+$0x60 ss:$0x1], $0xffff;
	_ =	sdelay $0x4  }
0x154: {  	v2 =	vmul.f32 v2, v1  }
0x155: {  	s2 =	sor.u32 $0xA, s30  }
0x156: {  	s31 =	sadd.s32 s28, s2;
	[tilespmem:v0+s0+$0x60 ss:$0x1] =	vst.idx.msk $0xffff, v2  }
0x157: {  	v3 =	vmov s31;
	v2 =	vld.idx.msk [tilespmem:v0+s0+$0x70 ss:$0x1], $0xffff  }
0x158: {  	v3 =	vand.u32 $0xFFFFFFFA, v3  }
0x159: {  	v3 =	vbroadcast v3, $0x0;
	_ =	sdelay $0x2  }
0x15a: {  	v1 =	vmul.f32 v2, v1;
	_ =	sdelay $0x1  }
0x15b: {  	s31 =	sshll.u32 s2, $0x7;
	[tilespmem:v0+s0+$0x70 ss:$0x1] =	vst.idx.msk $0xffff, v1  }
0x15c: {  	s0 =	sand.u32 $0x3FFFFD00, s31;
	v1 =	vld.idx.msk [tilespmem:v3+s18+$0x0], $0xffff  }
0x15d: {  	v2 =	vld.idx.msk [tilespmem:v0+s0+$0x0 ss:$0x1], $0xffff;
	_ =	sdelay $0x4  }
0x15e: {  	v2 =	vmul.f32 v2, v1;
	_ =	sdelay $0x1  }
0x15f: {  	[tilespmem:v0+s0+$0x0 ss:$0x1] =	vst.idx.msk $0xffff, v2  }
0x160: {  	v2 =	vld.idx.msk [tilespmem:v0+s0+$0x10 ss:$0x1], $0xffff;
	_ =	sdelay $0x4  }
0x161: {  	v2 =	vmul.f32 v2, v1;
	_ =	sdelay $0x1  }
0x162: {  	[tilespmem:v0+s0+$0x10 ss:$0x1] =	vst.idx.msk $0xffff, v2  }
0x163: {  	v2 =	vld.idx.msk [tilespmem:v0+s0+$0x20 ss:$0x1], $0xffff;
	_ =	sdelay $0x4  }
0x164: {  	v2 =	vmul.f32 v2, v1;
	_ =	sdelay $0x1  }
0x165: {  	[tilespmem:v0+s0+$0x20 ss:$0x1] =	vst.idx.msk $0xffff, v2  }
0x166: {  	v2 =	vld.idx.msk [tilespmem:v0+s0+$0x30 ss:$0x1], $0xffff;
	_ =	sdelay $0x4  }
0x167: {  	v2 =	vmul.f32 v2, v1;
	_ =	sdelay $0x1  }
0x168: {  	[tilespmem:v0+s0+$0x30 ss:$0x1] =	vst.idx.msk $0xffff, v2  }
0x169: {  	v2 =	vld.idx.msk [tilespmem:v0+s0+$0x40 ss:$0x1], $0xffff;
	_ =	sdelay $0x4  }
0x16a: {  	v2 =	vmul.f32 v2, v1;
	_ =	sdelay $0x1  }
0x16b: {  	[tilespmem:v0+s0+$0x40 ss:$0x1] =	vst.idx.msk $0xffff, v2  }
0x16c: {  	v2 =	vld.idx.msk [tilespmem:v0+s0+$0x50 ss:$0x1], $0xffff;
	_ =	sdelay $0x4  }
0x16d: {  	v2 =	vmul.f32 v2, v1;
	_ =	sdelay $0x1  }
0x16e: {  	[tilespmem:v0+s0+$0x50 ss:$0x1] =	vst.idx.msk $0xffff, v2  }
0x16f: {  	v2 =	vld.idx.msk [tilespmem:v0+s0+$0x60 ss:$0x1], $0xffff;
	_ =	sdelay $0x4  }
0x170: {  	v2 =	vmul.f32 v2, v1  }
0x171: {  	s2 =	sor.u32 $0xB, s30  }
0x172: {  	s31 =	sadd.s32 s28, s2;
	[tilespmem:v0+s0+$0x60 ss:$0x1] =	vst.idx.msk $0xffff, v2  }
0x173: {  	v3 =	vmov s31;
	v2 =	vld.idx.msk [tilespmem:v0+s0+$0x70 ss:$0x1], $0xffff  }
0x174: {  	v3 =	vand.u32 $0xFFFFFFFB, v3  }
0x175: {  	v3 =	vbroadcast v3, $0x0;
	_ =	sdelay $0x2  }
0x176: {  	v1 =	vmul.f32 v2, v1;
	_ =	sdelay $0x1  }
0x177: {  	s2 =	sshll.u32 s2, $0x7;
	[tilespmem:v0+s0+$0x70 ss:$0x1] =	vst.idx.msk $0xffff, v1  }
0x178: {  	s0 =	sand.u32 $0x3FFFFD80, s2;
	v1 =	vld.idx.msk [tilespmem:v3+s18+$0x0], $0xffff  }
0x179: {  	v2 =	vld.idx.msk [tilespmem:v0+s0+$0x0 ss:$0x1], $0xffff;
	_ =	sdelay $0x4  }
0x17a: {  	v2 =	vmul.f32 v2, v1;
	_ =	sdelay $0x1  }
0x17b: {  	[tilespmem:v0+s0+$0x0 ss:$0x1] =	vst.idx.msk $0xffff, v2  }
0x17c: {  	v2 =	vld.idx.msk [tilespmem:v0+s0+$0x10 ss:$0x1], $0xffff;
	_ =	sdelay $0x4  }
0x17d: {  	v2 =	vmul.f32 v2, v1;
	_ =	sdelay $0x1  }
0x17e: {  	[tilespmem:v0+s0+$0x10 ss:$0x1] =	vst.idx.msk $0xffff, v2  }
0x17f: {  	v2 =	vld.idx.msk [tilespmem:v0+s0+$0x20 ss:$0x1], $0xffff;
	_ =	sdelay $0x4  }
0x180: {  	v2 =	vmul.f32 v2, v1;
	_ =	sdelay $0x1  }
0x181: {  	[tilespmem:v0+s0+$0x20 ss:$0x1] =	vst.idx.msk $0xffff, v2  }
0x182: {  	v2 =	vld.idx.msk [tilespmem:v0+s0+$0x30 ss:$0x1], $0xffff;
	_ =	sdelay $0x4  }
0x183: {  	v2 =	vmul.f32 v2, v1;
	_ =	sdelay $0x1  }
0x184: {  	[tilespmem:v0+s0+$0x30 ss:$0x1] =	vst.idx.msk $0xffff, v2  }
0x185: {  	v2 =	vld.idx.msk [tilespmem:v0+s0+$0x40 ss:$0x1], $0xffff;
	_ =	sdelay $0x4  }
0x186: {  	v2 =	vmul.f32 v2, v1;
	_ =	sdelay $0x1  }
0x187: {  	[tilespmem:v0+s0+$0x40 ss:$0x1] =	vst.idx.msk $0xffff, v2  }
0x188: {  	v2 =	vld.idx.msk [tilespmem:v0+s0+$0x50 ss:$0x1], $0xffff;
	_ =	sdelay $0x4  }
0x189: {  	v2 =	vmul.f32 v2, v1;
	_ =	sdelay $0x1  }
0x18a: {  	[tilespmem:v0+s0+$0x50 ss:$0x1] =	vst.idx.msk $0xffff, v2  }
0x18b: {  	v2 =	vld.idx.msk [tilespmem:v0+s0+$0x60 ss:$0x1], $0xffff;
	_ =	sdelay $0x4  }
0x18c: {  	v2 =	vmul.f32 v2, v1  }
0x18d: {  	s2 =	sor.u32 $0xC, s30  }
0x18e: {  	s31 =	sadd.s32 s28, s2;
	[tilespmem:v0+s0+$0x60 ss:$0x1] =	vst.idx.msk $0xffff, v2  }
0x18f: {  	v3 =	vmov s31;
	v2 =	vld.idx.msk [tilespmem:v0+s0+$0x70 ss:$0x1], $0xffff  }
0x190: {  	v3 =	vand.u32 $0xFFFFFFFC, v3  }
0x191: {  	v3 =	vbroadcast v3, $0x0;
	_ =	sdelay $0x2  }
0x192: {  	v1 =	vmul.f32 v2, v1;
	_ =	sdelay $0x1  }
0x193: {  	s31 =	sshll.u32 s2, $0x7;
	[tilespmem:v0+s0+$0x70 ss:$0x1] =	vst.idx.msk $0xffff, v1  }
0x194: {  	s0 =	sand.u32 $0x3FFFFE00, s31;
	v1 =	vld.idx.msk [tilespmem:v3+s18+$0x0], $0xffff  }
0x195: {  	v2 =	vld.idx.msk [tilespmem:v0+s0+$0x0 ss:$0x1], $0xffff;
	_ =	sdelay $0x4  }
0x196: {  	v2 =	vmul.f32 v2, v1;
	_ =	sdelay $0x1  }
0x197: {  	[tilespmem:v0+s0+$0x0 ss:$0x1] =	vst.idx.msk $0xffff, v2  }
0x198: {  	v2 =	vld.idx.msk [tilespmem:v0+s0+$0x10 ss:$0x1], $0xffff;
	_ =	sdelay $0x4  }
0x199: {  	v2 =	vmul.f32 v2, v1;
	_ =	sdelay $0x1  }
0x19a: {  	[tilespmem:v0+s0+$0x10 ss:$0x1] =	vst.idx.msk $0xffff, v2  }
0x19b: {  	v2 =	vld.idx.msk [tilespmem:v0+s0+$0x20 ss:$0x1], $0xffff;
	_ =	sdelay $0x4  }
0x19c: {  	v2 =	vmul.f32 v2, v1;
	_ =	sdelay $0x1  }
0x19d: {  	[tilespmem:v0+s0+$0x20 ss:$0x1] =	vst.idx.msk $0xffff, v2  }
0x19e: {  	v2 =	vld.idx.msk [tilespmem:v0+s0+$0x30 ss:$0x1], $0xffff;
	_ =	sdelay $0x4  }
0x19f: {  	v2 =	vmul.f32 v2, v1;
	_ =	sdelay $0x1  }
0x1a0: {  	[tilespmem:v0+s0+$0x30 ss:$0x1] =	vst.idx.msk $0xffff, v2  }
0x1a1: {  	v2 =	vld.idx.msk [tilespmem:v0+s0+$0x40 ss:$0x1], $0xffff;
	_ =	sdelay $0x4  }
0x1a2: {  	v2 =	vmul.f32 v2, v1;
	_ =	sdelay $0x1  }
0x1a3: {  	[tilespmem:v0+s0+$0x40 ss:$0x1] =	vst.idx.msk $0xffff, v2  }
0x1a4: {  	v2 =	vld.idx.msk [tilespmem:v0+s0+$0x50 ss:$0x1], $0xffff;
	_ =	sdelay $0x4  }
0x1a5: {  	v2 =	vmul.f32 v2, v1;
	_ =	sdelay $0x1  }
0x1a6: {  	[tilespmem:v0+s0+$0x50 ss:$0x1] =	vst.idx.msk $0xffff, v2  }
0x1a7: {  	v2 =	vld.idx.msk [tilespmem:v0+s0+$0x60 ss:$0x1], $0xffff;
	_ =	sdelay $0x4  }
0x1a8: {  	v2 =	vmul.f32 v2, v1  }
0x1a9: {  	s2 =	sor.u32 $0xD, s30  }
0x1aa: {  	s31 =	sadd.s32 s28, s2;
	[tilespmem:v0+s0+$0x60 ss:$0x1] =	vst.idx.msk $0xffff, v2  }
0x1ab: {  	v2 =	vmov s31;
	v3 =	vld.idx.msk [tilespmem:v0+s0+$0x70 ss:$0x1], $0xffff  }
0x1ac: {  	v2 =	vand.u32 $0xFFFFFFFD, v2  }
0x1ad: {  	v2 =	vbroadcast v2, $0x0;
	_ =	sdelay $0x2  }
0x1ae: {  	v1 =	vmul.f32 v3, v1;
	_ =	sdelay $0x1  }
0x1af: {  	s2 =	sshll.u32 s2, $0x7;
	[tilespmem:v0+s0+$0x70 ss:$0x1] =	vst.idx.msk $0xffff, v1  }
0x1b0: {  	s0 =	sand.u32 $0x3FFFFE80, s2;
	v1 =	vld.idx.msk [tilespmem:v2+s18+$0x0], $0xffff  }
0x1b1: {  	v2 =	vld.idx.msk [tilespmem:v0+s0+$0x0 ss:$0x1], $0xffff;
	_ =	sdelay $0x4  }
0x1b2: {  	v2 =	vmul.f32 v2, v1;
	_ =	sdelay $0x1  }
0x1b3: {  	[tilespmem:v0+s0+$0x0 ss:$0x1] =	vst.idx.msk $0xffff, v2  }
0x1b4: {  	v2 =	vld.idx.msk [tilespmem:v0+s0+$0x10 ss:$0x1], $0xffff;
	_ =	sdelay $0x4  }
0x1b5: {  	v2 =	vmul.f32 v2, v1;
	_ =	sdelay $0x1  }
0x1b6: {  	[tilespmem:v0+s0+$0x10 ss:$0x1] =	vst.idx.msk $0xffff, v2  }
0x1b7: {  	v2 =	vld.idx.msk [tilespmem:v0+s0+$0x20 ss:$0x1], $0xffff;
	_ =	sdelay $0x4  }
0x1b8: {  	v2 =	vmul.f32 v2, v1;
	_ =	sdelay $0x1  }
0x1b9: {  	[tilespmem:v0+s0+$0x20 ss:$0x1] =	vst.idx.msk $0xffff, v2  }
0x1ba: {  	v2 =	vld.idx.msk [tilespmem:v0+s0+$0x30 ss:$0x1], $0xffff;
	_ =	sdelay $0x4  }
0x1bb: {  	v2 =	vmul.f32 v2, v1;
	_ =	sdelay $0x1  }
0x1bc: {  	[tilespmem:v0+s0+$0x30 ss:$0x1] =	vst.idx.msk $0xffff, v2  }
0x1bd: {  	v2 =	vld.idx.msk [tilespmem:v0+s0+$0x40 ss:$0x1], $0xffff;
	_ =	sdelay $0x4  }
0x1be: {  	v2 =	vmul.f32 v2, v1;
	_ =	sdelay $0x1  }
0x1bf: {  	[tilespmem:v0+s0+$0x40 ss:$0x1] =	vst.idx.msk $0xffff, v2  }
0x1c0: {  	v2 =	vld.idx.msk [tilespmem:v0+s0+$0x50 ss:$0x1], $0xffff;
	_ =	sdelay $0x4  }
0x1c1: {  	v2 =	vmul.f32 v2, v1;
	_ =	sdelay $0x1  }
0x1c2: {  	[tilespmem:v0+s0+$0x50 ss:$0x1] =	vst.idx.msk $0xffff, v2  }
0x1c3: {  	v2 =	vld.idx.msk [tilespmem:v0+s0+$0x60 ss:$0x1], $0xffff;
	_ =	sdelay $0x4  }
0x1c4: {  	v2 =	vmul.f32 v2, v1  }
0x1c5: {  	s31 =	sor.u32 $0xE, s30  }
0x1c6: {  	s30 =	sadd.s32 s28, s31;
	[tilespmem:v0+s0+$0x60 ss:$0x1] =	vst.idx.msk $0xffff, v2  }
0x1c7: {  	v3 =	vmov s30;
	v2 =	vld.idx.msk [tilespmem:v0+s0+$0x70 ss:$0x1], $0xffff  }
0x1c8: {  	v3 =	vand.u32 $0xFFFFFFFE, v3  }
0x1c9: {  	v3 =	vbroadcast v3, $0x0;
	_ =	sdelay $0x2  }
0x1ca: {  	v1 =	vmul.f32 v2, v1;
	_ =	sdelay $0x1  }
0x1cb: {  	s30 =	sshll.u32 s31, $0x7;
	[tilespmem:v0+s0+$0x70 ss:$0x1] =	vst.idx.msk $0xffff, v1  }
0x1cc: {  	s0 =	sand.u32 $0x3FFFFF00, s30;
	v1 =	vld.idx.msk [tilespmem:v3+s18+$0x0], $0xffff  }
0x1cd: {  	v2 =	vld.idx.msk [tilespmem:v0+s0+$0x0 ss:$0x1], $0xffff;
	_ =	sdelay $0x4  }
0x1ce: {  	v2 =	vmul.f32 v2, v1;
	_ =	sdelay $0x1  }
0x1cf: {  	[tilespmem:v0+s0+$0x0 ss:$0x1] =	vst.idx.msk $0xffff, v2  }
0x1d0: {  	v2 =	vld.idx.msk [tilespmem:v0+s0+$0x10 ss:$0x1], $0xffff;
	_ =	sdelay $0x4  }
0x1d1: {  	v2 =	vmul.f32 v2, v1;
	_ =	sdelay $0x1  }
0x1d2: {  	[tilespmem:v0+s0+$0x10 ss:$0x1] =	vst.idx.msk $0xffff, v2  }
0x1d3: {  	v2 =	vld.idx.msk [tilespmem:v0+s0+$0x20 ss:$0x1], $0xffff;
	_ =	sdelay $0x4  }
0x1d4: {  	v2 =	vmul.f32 v2, v1;
	_ =	sdelay $0x1  }
0x1d5: {  	[tilespmem:v0+s0+$0x20 ss:$0x1] =	vst.idx.msk $0xffff, v2  }
0x1d6: {  	v2 =	vld.idx.msk [tilespmem:v0+s0+$0x30 ss:$0x1], $0xffff;
	_ =	sdelay $0x4  }
0x1d7: {  	v2 =	vmul.f32 v2, v1;
	_ =	sdelay $0x1  }
0x1d8: {  	[tilespmem:v0+s0+$0x30 ss:$0x1] =	vst.idx.msk $0xffff, v2  }
0x1d9: {  	v2 =	vld.idx.msk [tilespmem:v0+s0+$0x40 ss:$0x1], $0xffff;
	_ =	sdelay $0x4  }
0x1da: {  	v2 =	vmul.f32 v2, v1;
	_ =	sdelay $0x1  }
0x1db: {  	[tilespmem:v0+s0+$0x40 ss:$0x1] =	vst.idx.msk $0xffff, v2  }
0x1dc: {  	v2 =	vld.idx.msk [tilespmem:v0+s0+$0x50 ss:$0x1], $0xffff;
	_ =	sdelay $0x4  }
0x1dd: {  	v2 =	vmul.f32 v2, v1;
	_ =	sdelay $0x1  }
0x1de: {  	[tilespmem:v0+s0+$0x50 ss:$0x1] =	vst.idx.msk $0xffff, v2  }
0x1df: {  	v2 =	vld.idx.msk [tilespmem:v0+s0+$0x60 ss:$0x1], $0xffff;
	_ =	sdelay $0x4  }
0x1e0: {  	v2 =	vmul.f32 v2, v1;
	_ =	sdelay $0x1  }
0x1e1: {  	[tilespmem:v0+s0+$0x60 ss:$0x1] =	vst.idx.msk $0xffff, v2  }
0x1e2: {  	v2 =	vld.idx.msk [tilespmem:v0+s0+$0x70 ss:$0x1], $0xffff  }
0x1e3: {  	s2 =	sshllo.u32 s29, $0x4  }
0x1e4: {  	s31 =	sadd.s32 s28, s2  }
0x1e5: {  	v3 =	vmov s31;
	_ =	sdelay $0x1  }
0x1e6: {  	v1 =	vmul.f32 v2, v1;
	_ =	sdelay $0x1  }
0x1e7: {  	s31 =	sshll.u32 s2, $0x7;
	[tilespmem:v0+s0+$0x70 ss:$0x1] =	vst.idx.msk $0xffff, v1  }
0x1e8: {  	s0 =	sand.u32 $0x3FFFFF80, s31;
	v1 =	vld.idx.msk [tilespmem:v3+s18+$0x0], $0xffff  }
0x1e9: {  	v2 =	vld.idx.msk [tilespmem:v0+s0+$0x0 ss:$0x1], $0xffff;
	_ =	sdelay $0x4  }
0x1ea: {  	v2 =	vmul.f32 v2, v1;
	_ =	sdelay $0x1  }
0x1eb: {  	[tilespmem:v0+s0+$0x0 ss:$0x1] =	vst.idx.msk $0xffff, v2  }
0x1ec: {  	v2 =	vld.idx.msk [tilespmem:v0+s0+$0x10 ss:$0x1], $0xffff;
	_ =	sdelay $0x4  }
0x1ed: {  	v2 =	vmul.f32 v2, v1;
	_ =	sdelay $0x1  }
0x1ee: {  	[tilespmem:v0+s0+$0x10 ss:$0x1] =	vst.idx.msk $0xffff, v2  }
0x1ef: {  	v2 =	vld.idx.msk [tilespmem:v0+s0+$0x20 ss:$0x1], $0xffff;
	_ =	sdelay $0x4  }
0x1f0: {  	v2 =	vmul.f32 v2, v1;
	_ =	sdelay $0x1  }
0x1f1: {  	[tilespmem:v0+s0+$0x20 ss:$0x1] =	vst.idx.msk $0xffff, v2  }
0x1f2: {  	v2 =	vld.idx.msk [tilespmem:v0+s0+$0x30 ss:$0x1], $0xffff;
	_ =	sdelay $0x4  }
0x1f3: {  	v2 =	vmul.f32 v2, v1;
	_ =	sdelay $0x1  }
0x1f4: {  	[tilespmem:v0+s0+$0x30 ss:$0x1] =	vst.idx.msk $0xffff, v2  }
0x1f5: {  	v2 =	vld.idx.msk [tilespmem:v0+s0+$0x40 ss:$0x1], $0xffff;
	_ =	sdelay $0x4  }
0x1f6: {  	v2 =	vmul.f32 v2, v1;
	_ =	sdelay $0x1  }
0x1f7: {  	[tilespmem:v0+s0+$0x40 ss:$0x1] =	vst.idx.msk $0xffff, v2  }
0x1f8: {  	v2 =	vld.idx.msk [tilespmem:v0+s0+$0x50 ss:$0x1], $0xffff;
	_ =	sdelay $0x4  }
0x1f9: {  	v2 =	vmul.f32 v2, v1;
	_ =	sdelay $0x1  }
0x1fa: {  	[tilespmem:v0+s0+$0x50 ss:$0x1] =	vst.idx.msk $0xffff, v2  }
0x1fb: {  	v2 =	vld.idx.msk [tilespmem:v0+s0+$0x60 ss:$0x1], $0xffff;
	_ =	sdelay $0x4  }
0x1fc: {  	v2 =	vmul.f32 v2, v1;
	_ =	sdelay $0x1  }
0x1fd: {  	[tilespmem:v0+s0+$0x60 ss:$0x1] =	vst.idx.msk $0xffff, v2  }
0x1fe: {  	v2 =	vld.idx.msk [tilespmem:v0+s0+$0x70 ss:$0x1], $0xffff;
	_ =	sdelay $0x1  }
0x1ff: {  	p0 =	sne.s32 s29, $0x4  }
.Ltmp2:
0x200: {  	_ = 	snop;
	(pc) =	sbr.rel @p0 .LBB2_8-.Ltmp2, $3  }
0x201: {  	_ = 	snop  }
0x202: {  	v1 =	vmul.f32 v2, v1;
	_ =	sdelay $0x1  }
0x203: {  	s29 =	sadd.s32 $0x1, s29;
	[tilespmem:v0+s0+$0x70 ss:$0x1] =	vst.idx.msk $0xffff, v1  }
0x204: {  	p0 =	sne.s32 s25, $0x19  }
.Ltmp3:
0x205: {  	_ = 	snop;
	(pc) =	sbr.rel @p0 .LBB2_3-.Ltmp3, $4  }
0x206: {  	s0 =	sshll.u32 s24, $0x7  }
0x207: {  	s0 =	sand.u32 $0x3FFFFF80, s0  }
0x208: {  	s24 =	smov.u32 s25;
	s0 =	sadd.s32 $0x1000, s0  }
0x209: {  	[spmem:s3] =	stream.indirect.scatter.add.f32 [tilespmem:s26], [sflag:$0x2], $0x80, s0, s19, $0xb8;
	[tilespmem:$0x1B400] =	vst v63  }
0x20a: {  	s23 =	sadd.s32 $0x1, s23  }
0x20b: {  	_ =	swait.ge [sflag:s22], $0x2800;
	p0 =	sne.s32 s23, $0x5  }
.Ltmp4:
0x20c: {  	[sflag:s22] =	ssyncset.done $0x0;
	(pc) =	sbr.rel @p0 .LBB2_2-.Ltmp4, $4  }
0x20d: {  	[sflag:s22] =	ssyncadd.s32 $0xFFFFD800  }
0x20e: {  	_ =	swait.ge [sflag:s22], $0x2800  }
0x20f: {  	[sflag:s22] =	ssyncset.done $0x0  }
0x210: {  	[sflag:s22] =	ssyncadd.s32 $0xFFFFD800  }
0x211: {  	s4 =	sadd.s32 $0x1, s4  }
0x212: {  	p0 =	sne.s32 s4, s12  }
.Ltmp5:
0x213: {  	[bflag:$0x0] =	sbarrier.arrive $0xFFFF;
	(pc) =	sbr.rel @p0 .LBB2_1-.Ltmp5, $4  }
0x214: {  	[hbm:s11], [sflag:s8] =	dma.local [spmem:s13], $0x2780  }
0x215: {  	_ =	swait.ge [sflag:s14], $0x2780  }
0x216: {  	[sflag:s14] =	ssyncset.done $0x0  }
0x217: {  	[sflag:s14] =	ssyncadd.s32 $0xFFFFD880  }
0x218: {  	_ =	sfence.sel $0x180000  }
0x219: {  	[bflag:$0x0] =	sbarrier.arrive $0xFFFF  }
0x21a: {  	_ =	strace $0x9000004A  }
0x21b: {  	s0 =	stileid.u32;
	[bflag:$0x2] =	sbarrier.arrive $0xFFFF  }
0x21c: {  	p0 =	sne.s32 s0, $0x0;
	s0 =	rddreg [dreg:$0x3]  }
0x21d: {  	s0 =	sadd.s32 @!p0 $0x100000, s0  }
0x21e: {  	[sflag:s0] =	ssyncadd.tile.s32 @!p0 $0x1;
	_ =	shalt  }
.Lfunc_end2:
_tile_overlayer_lowered:
.L_overlay_start_2:
0x21f: {  	(tag) =	ssettag $0x2  }
0x220: {  	s0 =	rddreg [dreg:$0x0];
	s2 =	stileid.u32  }
0x221: {  	s1 =	rddreg [dreg:$0x1];
	p0 =	sne.s32 s2, $0x0  }
0x222: {  	s3 =	rddreg [dreg:$0x2];
	[bflag:$0x3] =	sbarrier.arrive $0xFFFF;
	s2 =	simm.s32 @!p0 $0x1C03  }
0x223: {  	[timem:s3], [sflag:s2] =	dma.local @!p0 [hbm:s0], s1  }
0x224: {  	s0 =	simm.s32 @!p0 $0x3  }
0x225: {  	_ =	swait.ge @!p0 [sflag:s0], s1  }
0x226: {  	s1 =	ssub.s32 @!p0 $0x0, s1;
	[sflag:s0] =	ssyncset.done @!p0 $0x0  }
0x227: {  	[sflag:s0] =	ssyncadd.s32 @!p0 s1  }
0x228: {  	[bflag:$0x3] =	sbarrier.arrive $0xFFFF  }
0x229: {  	_ =	shalt  }

// kernel: kernel.15.cloned.1.call-start
scs
__scs_entry_jumppad:
0x0: {  	(pc) =	sbr.rel $0x88, $3  }
0x1: {  	(tag) =	ssettag $0x0;
	lr =	simm.s32 $0x1  }
0x2: {  	[smem:$0x3F95] =	sst lr;
	_ =	strace $0xD0000000  }
0x3: {  	_ = 	snop  }
0x4: {  	_ = 	snop  }
0x5: {  	_ = 	snop  }
0x6: {  	_ = 	snop  }
0x7: {  	_ = 	snop  }
__scs_overlays_trampoline_lowered:
0x8: {  	[smem:$0x3FA4] =	sst s0  }
0x9: {  	[smem:$0x3FA5] =	sst s1  }
0xa: {  	[smem:$0x3FA6] =	sst s2  }
0xb: {  	[smem:$0x3FA7] =	sst s3  }
0xc: {  	[smem:$0x3FA8] =	sst s4  }
0xd: {  	[smem:$0x3FA9] =	sst s5  }
0xe: {  	[smem:$0x3FAA] =	sst s6  }
0xf: {  	[smem:$0x3FAB] =	sst s7  }
0x10: {  	[smem:$0x3FAC] =	sst s8  }
0x11: {  	[smem:$0x3FAD] =	sst s9;
	s0 =	simm.s32 @!p0 $0x0  }
0x12: {  	s1 =	sld [smem:$0x3F93];
	s0 =	simm.s32 @p0 $0x1  }
0x13: {  	[smem:$0x3FAE] =	sst s0;
	s0 =	simm.s32 @!p1 $0x0  }
0x14: {  	s2 =	sld [smem:$0x3F92];
	s0 =	simm.s32 @p1 $0x1  }
0x15: {  	[smem:$0x3FAF] =	sst s0;
	s0 =	simm.s32 @!p2 $0x0  }
0x16: {  	s3 =	sld [smem:$0x3FDB];
	s0 =	simm.s32 @p2 $0x1  }
0x17: {  	s4 =	simm.s32 $0x1BF5;
	[smem:$0x3FB1] =	sst s0  }
0x18: {  	s0 =	sld [smem:$0x3F94];
	_ =	swait.ge [sflag:s4], $0x0  }
0x19: {  	s7 =	sld [smem:$0x3F95]  }
0x1a: {  	s8 =	sadd.s32 $0xFFFFE003, lr  }
0x1b: {  	s9 =	sadd.s32 $0xFFFFFEF7, lr;
	s5 =	simm.s32 $0xFFFFFFFF;
	p2 =	slt.u32 s8, $0xFFFFF086  }
0x1c: {  	p1 =	slt.u32 s9, $0xF7A;
	s5 =	simm.s32 @!p2 $0x0  }
0x1d: {  	s5 =	simm.s32 @p1 $0x1;
	p0 =	seq.s32 s7, s2  }
0x1e: {  	s7 =	smul.u32 @!p0 $0xF7A, s2;
	p2 =	seq.s32 @!p0 s5, $0x0  }
0x1f: {  	s9 =	smul.u32 $0xF7A, s1;
	s8 =	simm.s32 @!p0 $0x1BF5;
	p2 =	por !p2, p0  }
0x20: {  	[sflag:s8] =	ssyncset.s32 @!p0 $0xFFFFF086;
	s6 =	sadd.s32 @!p0 s3, s7;
	s7 =	simm.s32 @!p0 $0x108  }
0x21: {  	s3 =	sadd.s32 s3, s9;
	s6 =	sadd.s32 @!p0 $0x88, s6;
	s7 =	simm.s32 @p2 $0x1082  }
0x22: {  	[simem:s7], [sflag:s8] =	dma.local @!p0 [hbm:s6], $0xF7A  }
0x23: {  	s9 =	sor.u32 $0xD0000000, s2;
	s6 =	simm.s32 $0x108;
	_ =	swait.ge @!p0 [sflag:s8], $0x0  }
0x24: {  	s3 =	sadd.s32 $0x88, s3;
	s6 =	simm.s32 @!p1 $0x1082;
	[sflag:s4] =	ssyncset.s32 $0xFFFFF086  }
0x25: {  	[simem:s6], [sflag:s4] =	dma.local [hbm:s3], $0xF7A  }
0x26: {  	[smem:$0x3F95] =	sst s1;
	(tag) =	ssettag s2;
	_ =	strace s9  }
0x27: {  	s1 =	sld [smem:$0x3FA5]  }
0x28: {  	s2 =	sld [smem:$0x3FA6]  }
0x29: {  	s4 =	sld [smem:$0x3FA8]  }
0x2a: {  	p0 =	seq.s32 s5, $0x0;
	s5 =	sld [smem:$0x3FA9]  }
0x2b: {  	s6 =	sld [smem:$0x3FAA]  }
0x2c: {  	s7 =	sld [smem:$0x3FAB]  }
0x2d: {  	s3 =	simm.s32 $0x108;
	s8 =	sld [smem:$0x3FAC]  }
0x2e: {  	s3 =	simm.s32 @!p0 $0x1082;
	s9 =	sld [smem:$0x3FAD]  }
0x2f: {  	lr =	sadd.s32 s0, s3;
	s0 =	sld [smem:$0x3FA4]  }
0x30: {  	s3 =	sld [smem:$0x3FA7]  }
0x31: {  	[smem:$0x3FB0] =	sst s10  }
0x32: {  	s10 =	sld [smem:$0x3FAE];
	_ =	sdelay $0x3  }
0x33: {  	p0 =	seq.s32 s10, $0x1;
	s10 =	sld [smem:$0x3FB0];
	_ =	sdelay $0x3  }
0x34: {  	[smem:$0x3FB0] =	sst s10  }
0x35: {  	s10 =	sld [smem:$0x3FAF];
	_ =	sdelay $0x3  }
0x36: {  	p1 =	seq.s32 s10, $0x1;
	s10 =	sld [smem:$0x3FB0];
	_ =	sdelay $0x3  }
0x37: {  	[smem:$0x3FB0] =	sst s10  }
0x38: {  	s10 =	sld [smem:$0x3FB1]  }
0x39: {  	_ = 	snop;
	(pc) =	sbr.ind lr, $3  }
0x3a: {  	_ = 	snop  }
0x3b: {  	_ = 	snop  }
0x3c: {  	p2 =	seq.s32 s10, $0x1;
	s10 =	sld [smem:$0x3FB0]  }
0x3d: {  	_ =	shalt  }
0x3e: {  	_ =	shalt  }
0x3f: {  	_ =	shalt  }
0x40: {  	_ =	shalt  }
0x41: {  	_ =	shalt  }
0x42: {  	_ =	shalt  }
0x43: {  	_ =	shalt  }
0x44: {  	_ =	shalt  }
0x45: {  	_ =	shalt  }
0x46: {  	_ =	shalt  }
0x47: {  	_ =	shalt  }
0x48: {  	_ =	shalt  }
0x49: {  	_ =	shalt  }
0x4a: {  	_ =	shalt  }
0x4b: {  	_ =	shalt  }
0x4c: {  	_ =	shalt  }
0x4d: {  	_ =	shalt  }
0x4e: {  	_ =	shalt  }
0x4f: {  	_ =	shalt  }
0x50: {  	_ =	shalt  }
0x51: {  	_ =	shalt  }
0x52: {  	_ =	shalt  }
0x53: {  	_ =	shalt  }
0x54: {  	_ =	shalt  }
0x55: {  	_ =	shalt  }
0x56: {  	_ =	shalt  }
0x57: {  	_ =	shalt  }
0x58: {  	_ =	shalt  }
0x59: {  	_ =	shalt  }
0x5a: {  	_ =	shalt  }
0x5b: {  	_ =	shalt  }
0x5c: {  	_ =	shalt  }
0x5d: {  	_ =	shalt  }
0x5e: {  	_ =	shalt  }
0x5f: {  	_ =	shalt  }
0x60: {  	_ =	shalt  }
0x61: {  	_ =	shalt  }
0x62: {  	_ =	shalt  }
0x63: {  	_ =	shalt  }
0x64: {  	_ =	shalt  }
0x65: {  	_ =	shalt  }
0x66: {  	_ =	shalt  }
0x67: {  	_ =	shalt  }
0x68: {  	_ =	shalt  }
0x69: {  	_ =	shalt  }
0x6a: {  	_ =	shalt  }
0x6b: {  	_ =	shalt  }
0x6c: {  	_ =	shalt  }
0x6d: {  	_ =	shalt  }
0x6e: {  	_ =	shalt  }
0x6f: {  	_ =	shalt  }
0x70: {  	_ =	shalt  }
0x71: {  	_ =	shalt  }
0x72: {  	_ =	shalt  }
0x73: {  	_ =	shalt  }
0x74: {  	_ =	shalt  }
0x75: {  	_ =	shalt  }
0x76: {  	_ =	shalt  }
0x77: {  	_ =	shalt  }
0x78: {  	_ =	shalt  }
0x79: {  	_ =	shalt  }
0x7a: {  	_ =	shalt  }
0x7b: {  	_ =	shalt  }
0x7c: {  	_ =	shalt  }
0x7d: {  	_ =	shalt  }
0x7e: {  	_ =	shalt  }
0x7f: {  	_ =	shalt  }
0x80: {  	_ =	shalt  }
0x81: {  	_ =	shalt  }
0x82: {  	_ =	shalt  }
0x83: {  	_ =	shalt  }
0x84: {  	_ =	shalt  }
0x85: {  	_ =	shalt  }
0x86: {  	_ =	shalt  }
0x87: {  	_ =	shalt  }
.Lfunc_end0:
.L_simem_size_0:
called_computation.2_lowered:
.L_overlay_start_0:
0x88: {  	s2 =	sld [smem:$0x3FD9]  }
0x89: {  	s3 =	sld [smem:$0x3FFE];
	_ =	sdelay $0x1  }
0x8a: {  	s1 =	srdreg.scid  }
0x8b: {  	s0 =	sand.u32 $0x1, s1  }
0x8c: {  	s16 =	sshll.u32 s0, $0xA;
	s2 =	sadd.s32 s3, s2  }
0x8d: {  	s2 =	sadd.s32 s2, s16  }
0x8e: {  	[smem:$0x3FBC] =	sst s2  }
0x8f: {  	_ = 	snop  }
0x90: {  	(tm) =	ssettm $0x1  }
0x91: {  	s17 =	sld [smem:$0x3FFB];
	_ =	sdelay $0x3  }
0x92: {  	_ =	strace s17  }
0x93: {  	s2 =	sld [smem:$0x3FFC];
	_ =	sdelay $0x3  }
0x94: {  	_ =	strace s2  }
0x95: {  	s2 =	sld [smem:$0x3FFD];
	_ =	sdelay $0x3  }
0x96: {  	_ =	strace s2  }
0x97: {  	_ =	strace $0x8FFFFFFF  }
0x98: {  	s18 =	sld [smem:$0x3FDB];
	_ =	sdelay $0x1  }
0x99: {  	s19 =	simm.s32 $_scs_section_size  }
0x9a: {  	s4 =	simm.s32 $_size__tile_overlayer_lowered;
	s5 =	simm.s32 $_tile_overlayer_lowered  }
0x9b: {  	s22 =	simm.s32 $0x1BFF;
	s21 =	sshll.u32 s5, $0x1;
	s2 =	sadd.s32 s19, s18  }
0x9c: {  	s6 =	simm.s32 $0x0;
	s20 =	sshll.u32 s4, $0x1;
	s4 =	sadd.s32 s21, s2  }
0x9d: {  	[timem:s6], [sflag:s22] =	dma.local [hbm:s4], s20  }
0x9e: {  	_ =	swait.ge [sflag:s22], s20  }
0x9f: {  	s3 =	ssub.s32 $0x0, s20;
	[sflag:s22] =	ssyncset.done $0x0  }
0xa0: {  	[sflag:s22] =	ssyncadd.s32 s3;
	_ =	sdelay $0x1  }
0xa1: {  	s23 =	simm.s32 $0x1B8B  }
0xa2: {  	_ =	swait.ge [sflag:s23], $0x1  }
0xa3: {  	[sflag:s23] =	ssyncset.done $0x0  }
0xa4: {  	s25 =	simm.s32 $0x1B8E;
	s24 =	sld [smem:$0x3FFE];
	[sflag:s23] =	ssyncadd.s32 $0xFFFFFFFF  }
0xa5: {  	s26 =	simm.s32 $execute0_lowered;
	[smem:$0x3FD2] =	sst s25  }
0xa6: {  	s4 =	sshll.u32 s26, $0x1;
	_ =	strace $0x8000004C;
	[dreg:$0x1] =	wrdreg $0xFFFFFFFF  }
0xa7: {  	s28 =	simm.s32 $_size_execute0_lowered;
	s2 =	sadd.s32 s2, s4;
	[dreg:$0x0] =	wrdreg $0x0  }
0xa8: {  	s4 =	sshll.u32 s28, $0x1;
	[dreg:$0x2] =	wrdreg s2  }
0xa9: {  	[dreg:$0x3] =	wrdreg s4  }
0xaa: {  	[dreg:$0x4] =	wrdreg $0xC0  }
0xab: {  	_ =	task [dreg:s6], $0x5FFFF  }
0xac: {  	[dreg:$0x1] =	wrdreg $0xFFFFFFFF  }
0xad: {  	[dreg:$0x0] =	wrdreg $0x60  }
0xae: {  	[dreg:$0x2] =	wrdreg s24  }
0xaf: {  	[dreg:$0x3] =	wrdreg $0x9  }
0xb0: {  	_ =	task.clear_ibuf [dreg:s6], $0x4FFFF;
	_ =	strace $0x9000004C  }
0xb1: {  	s29 =	simm.s32 $0x9;
	_ =	strace $0x8000004E  }
0xb2: {  	_ =	swait.ge [sflag:s29], $0x1  }
0xb3: {  	[sflag:s29] =	ssyncadd.s32 $0xFFFFFFFF  }
0xb4: {  	_ =	strace $0x9000004E  }
0xb5: {  	_ =	sfence  }
0xb6: {  	s30 =	sld [smem:$0x0];
	_ =	sdelay $0x2  }
0xb7: {  	s31 =	sshll.u32 s1, $0xD;
	s1 =	sshrl.u32 s1, $0x2  }
0xb8: {  	s3 =	sand.u32 $0x4000, s31;
	s1 =	sadd.s32 s1, s30  }
0xb9: {  	s0 =	sor.u32 s3, s0;
	s1 =	sshll.u32 s1, $0x11  }
0xba: {  	s0 =	sor.u32 s1, s0  }
0xbb: {  	s0 =	sadd.s32 $0x8F2B, s0  }
0xbc: {  	[sflag:s0] =	ssyncadd.remote.s32 $0x1  }
0xbd: {  	_ =	sfence.sel $0xFFFF  }
0xbe: {  	[dreg:$0x0] =	wrdreg $0xFFFFFFFF;
	(pc) =	sbr.abs _section_cstart, $3  }
0xbf: {  	[dreg:$0x1] =	wrdreg $0xFFFFFFFF  }
0xc0: {  	_ =	task.clear_ibuf [dreg:s6], $0x2FFFF;
	_ =	strace $0x9FFFFFFF  }
0xc1: {  	(tm) =	ssettm $0x7FFFFFFF  }
tec
execute0_lowered:
.L_overlay_start_1:
0x0: {  	(tag) =	ssettag $0x1  }
0x1: {  	s5 =	rddreg [dreg:$0x0]  }
0x2: {  	s0 =	rddreg [dreg:$0x1];
	s2 =	simm.s32 $0x0;
	s3 =	srdreg.scid  }
0x3: {  	s1 =	stileid.u32;
	s12 =	simm.s32 $0x8000;
	s13 =	simm.s32 $0xA780  }
0x4: {  	s14 =	simm.s32 $0xCF00;
	s15 =	simm.s32 $0xF680;
	s16 =	simm.s32 $0x0  }
0x5: {  	[smem:$0x7FF] =	sst s2;
	s4 =	sand.u32 $0x1, s3;
	s31 =	sshll.u32 s1, $0x1  }
0x6: {  	s3 =	sadd.s32 $0x68000, s5;
	_ =	strace $0x8000004D;
	s6 =	sor.u32 s4, s31  }
0x7: {  	s8 =	ssub.s32 $0x2, s4;
	s7 =	smul.u32 $0x4F0, s6;
	s6 =	sshll.u32 s6, $0xB  }
0x8: {  	s4 =	sadd.s32 $0x68600, s5;
	s9 =	sshrl.u32 s8, $0x1;
	s10 =	sadd.s32 s6, s5  }
0x9: {  	s9 =	ssub.s32 s8, s9;
	s11 =	sadd.s32 s7, s5;
	s5 =	sadd.s32 $0x15600, s10  }
0xa: {  	s6 =	sadd.s32 $0x5600, s10;
	s7 =	sadd.s32 $0x25600, s10;
	s9 =	smax.u32 s9, $0x1  }
0xb: {  	v0 =	vimm.f32 $0.0e+00;
	s10 =	simm.s32 $0x1;
	s8 =	sadd.s32 $0x35600, s11;
	s11 =	simm.s32 $0x4000  }
.LBB2_1:
0xc: {  	[tilespmem:s2], [sflag:$0x1] =	stream.linear.gather [hbm4b:s5+s2], $0x3E80, $0x38;
	[tilespmem:$0x13680] =	vst v63  }
0xd: {  	_ =	swait.ge [sflag:s10], $0x3E80  }
0xe: {  	[sflag:s10] =	ssyncset.done $0x0  }
0xf: {  	[sflag:s10] =	ssyncadd.s32 $0xFFFFC180  }
0x10: {  	[tilespmem:s11], [sflag:$0x1] =	stream.linear.gather [hbm4b:s6+s2], $0x3E80, $0x38;
	[tilespmem:$0x13680] =	vst v63  }
0x11: {  	_ =	swait.ge [sflag:s10], $0x3E80  }
0x12: {  	[sflag:s10] =	ssyncset.done $0x0  }
0x13: {  	[sflag:s10] =	ssyncadd.s32 $0xFFFFC180  }
0x14: {  	[tilespmem:s12], [sflag:$0x1] =	stream.linear.gather [hbm4b:s3+s2], $0x2780, $0x38;
	[tilespmem:$0x13680] =	vst v63  }
0x15: {  	_ =	swait.ge [sflag:s10], $0x2780  }
0x16: {  	[sflag:s10] =	ssyncset.done $0x0  }
0x17: {  	[sflag:s10] =	ssyncadd.s32 $0xFFFFD880  }
0x18: {  	[tilespmem:s13], [sflag:$0x1] =	stream.linear.gather [hbm4b:s4+s2], $0x2780, $0x38;
	[tilespmem:$0x13680] =	vst v63  }
0x19: {  	_ =	swait.ge [sflag:s10], $0x2780  }
0x1a: {  	[sflag:s10] =	ssyncset.done $0x0  }
0x1b: {  	s17 =	simm.s32 $0x0;
	[sflag:s10] =	ssyncadd.s32 $0xFFFFD880  }
.LBB2_2:
0x1c: {  	p0 =	sne.s32 s17, $0x9C00  }
.Ltmp0:
0x1d: {  	_ = 	snop;
	(pc) =	sbr.rel @p0 .LBB2_2-.Ltmp0, $3  }
0x1e: {  	_ =	sdelay $0x1  }
0x1f: {  	s18 =	sshra.s32 s17, $0x2  }
0x20: {  	s17 =	sadd.s32 $0x40, s17;
	[tilespmem:s18+$0xCF00] =	vst v0  }
0x21: {  	s17 =	simm.s32 $0x0  }
.LBB2_4:
0x22: {  	s18 =	sshra.s32 s17, $0x2  }
0x23: {  	v1 =	vld [tilespmem:s18+$0x0]  }
0x24: {  	v2 =	vld [tilespmem:s18+$0x4000];
	_ =	sdelay $0x6  }
0x25: {  	v1 =	vld.idx.msk [tilespmem:v1+s12+$0x0], $0xffff  }
0x26: {  	v3 =	vld.idx.msk [tilespmem:v2+s13+$0x0], $0xffff;
	_ =	sdelay $0x4  }
0x27: {  	v1 =	vadd.f32 v3, v1;
	_ =	sdelay $0x1  }
0x28: {  	v3 =	vmul.f32 $2.000000030e-01, v1  }
0x29: {  	vm0 =	vge.f32 v1, $0.0e+00  }
0x2a: {  	v1 =	vsel vm0, v1, v3  }
0x2b: {  	v1 =	vmul.f32 $1.442695020e+00, v1;
	_ =	sdelay $0x1  }
0x2c: {  	(erf) = vpow2.f32 v1;
	_ =	sdelay $0x8  }
0x2d: {  	v1 =	vpop (erf)  }
0x2e: {  	[tilespmem:s18+$0xF680] =	vst v1  }
0x2f: {  	[tilespmem:v2+s14+$0x0] =	vst.idx.add.f32.msk $0xffff, v1  }
0x30: {  	v1 =	vld [tilespmem:s18+$0x10]  }
0x31: {  	v2 =	vld [tilespmem:s18+$0x4010];
	_ =	sdelay $0x6  }
0x32: {  	v1 =	vld.idx.msk [tilespmem:v1+s12+$0x0], $0xffff  }
0x33: {  	v3 =	vld.idx.msk [tilespmem:v2+s13+$0x0], $0xffff;
	_ =	sdelay $0x4  }
0x34: {  	v1 =	vadd.f32 v3, v1;
	_ =	sdelay $0x1  }
0x35: {  	v3 =	vmul.f32 $2.000000030e-01, v1  }
0x36: {  	vm12 =	vge.f32 v1, $0.0e+00  }
0x37: {  	v1 =	vsel vm12, v1, v3  }
0x38: {  	v1 =	vmul.f32 $1.442695020e+00, v1;
	_ =	sdelay $0x1  }
0x39: {  	(erf) = vpow2.f32 v1;
	_ =	sdelay $0x8  }
0x3a: {  	v1 =	vpop (erf)  }
0x3b: {  	[tilespmem:s18+$0xF690] =	vst v1  }
0x3c: {  	[tilespmem:v2+s14+$0x0] =	vst.idx.add.f32.msk $0xffff, v1  }
0x3d: {  	v1 =	vld [tilespmem:s18+$0x20]  }
0x3e: {  	v2 =	vld [tilespmem:s18+$0x4020];
	_ =	sdelay $0x6  }
0x3f: {  	v1 =	vld.idx.msk [tilespmem:v1+s12+$0x0], $0xffff  }
0x40: {  	v3 =	vld.idx.msk [tilespmem:v2+s13+$0x0], $0xffff;
	_ =	sdelay $0x4  }
0x41: {  	v1 =	vadd.f32 v3, v1;
	_ =	sdelay $0x1  }
0x42: {  	v3 =	vmul.f32 $2.000000030e-01, v1  }
0x43: {  	vm13 =	vge.f32 v1, $0.0e+00  }
0x44: {  	v1 =	vsel vm13, v1, v3  }
0x45: {  	v1 =	vmul.f32 $1.442695020e+00, v1;
	_ =	sdelay $0x1  }
0x46: {  	(erf) = vpow2.f32 v1;
	_ =	sdelay $0x8  }
0x47: {  	v1 =	vpop (erf)  }
0x48: {  	[tilespmem:s18+$0xF6A0] =	vst v1  }
0x49: {  	[tilespmem:v2+s14+$0x0] =	vst.idx.add.f32.msk $0xffff, v1  }
0x4a: {  	v1 =	vld [tilespmem:s18+$0x30]  }
0x4b: {  	v2 =	vld [tilespmem:s18+$0x4030];
	_ =	sdelay $0x6  }
0x4c: {  	v1 =	vld.idx.msk [tilespmem:v1+s12+$0x0], $0xffff  }
0x4d: {  	v3 =	vld.idx.msk [tilespmem:v2+s13+$0x0], $0xffff;
	_ =	sdelay $0x4  }
0x4e: {  	v1 =	vadd.f32 v3, v1;
	_ =	sdelay $0x1  }
0x4f: {  	v3 =	vmul.f32 $2.000000030e-01, v1  }
0x50: {  	vm14 =	vge.f32 v1, $0.0e+00  }
0x51: {  	v1 =	vsel vm14, v1, v3  }
0x52: {  	v1 =	vmul.f32 $1.442695020e+00, v1;
	_ =	sdelay $0x1  }
0x53: {  	(erf) = vpow2.f32 v1;
	_ =	sdelay $0x8  }
0x54: {  	v1 =	vpop (erf)  }
0x55: {  	[tilespmem:s18+$0xF6B0] =	vst v1  }
0x56: {  	[tilespmem:v2+s14+$0x0] =	vst.idx.add.f32.msk $0xffff, v1  }
0x57: {  	v1 =	vld [tilespmem:s18+$0x40]  }
0x58: {  	v2 =	vld [tilespmem:s18+$0x4040];
	_ =	sdelay $0x6  }
0x59: {  	v1 =	vld.idx.msk [tilespmem:v1+s12+$0x0], $0xffff  }
0x5a: {  	v3 =	vld.idx.msk [tilespmem:v2+s13+$0x0], $0xffff;
	_ =	sdelay $0x4  }
0x5b: {  	v1 =	vadd.f32 v3, v1;
	_ =	sdelay $0x1  }
0x5c: {  	v3 =	vmul.f32 $2.000000030e-01, v1  }
0x5d: {  	vm15 =	vge.f32 v1, $0.0e+00  }
0x5e: {  	v1 =	vsel vm15, v1, v3  }
0x5f: {  	v1 =	vmul.f32 $1.442695020e+00, v1;
	_ =	sdelay $0x1  }
0x60: {  	(erf) = vpow2.f32 v1;
	_ =	sdelay $0x5  }
0x61: {  	p0 =	sne.s32 s17, $0xF800  }
.Ltmp1:
0x62: {  	_ = 	snop;
	(pc) =	sbr.rel @p0 .LBB2_4-.Ltmp1, $4  }
0x63: {  	_ = 	snop  }
0x64: {  	v1 =	vpop (erf)  }
0x65: {  	[tilespmem:s18+$0xF6C0] =	vst v1  }
0x66: {  	s17 =	sadd.s32 $0x200, s17;
	[tilespmem:v2+s14+$0x0] =	vst.idx.add.f32.msk $0xffff, v1  }
0x67: {  	[hbm4b:s7+s2] =	stream.linear.scatter [tilespmem:s15], [sflag:$0x1], $0x3E80, $0x38;
	[tilespmem:$0x13680] =	vst v63  }
0x68: {  	s16 =	sadd.s32 $0x1, s16;
	_ =	swait.ge [sflag:s10], $0x3E80  }
0x69: {  	p0 =	sne.s32 s16, s9;
	[sflag:s10] =	ssyncset.done $0x0  }
.Ltmp2:
0x6a: {  	[sflag:s10] =	ssyncadd.s32 $0xFFFFC180;
	(pc) =	sbr.rel @p0 .LBB2_1-.Ltmp2, $4  }
0x6b: {  	[hbm4b:s8+s2] =	stream.linear.scatter [tilespmem:s14], [sflag:$0x1], $0x2710, $0x38;
	[tilespmem:$0x13680] =	vst v63  }
0x6c: {  	_ =	swait.ge [sflag:s10], $0x2710  }
0x6d: {  	[sflag:s10] =	ssyncset.done $0x0  }
0x6e: {  	[sflag:s10] =	ssyncadd.s32 $0xFFFFD8F0  }
0x6f: {  	_ =	sfence.sel $0x180000  }
0x70: {  	[bflag:$0x0] =	sbarrier.arrive $0xFFFF  }
0x71: {  	p0 =	sne.s32 s1, $0x0;
	_ =	strace $0x9000004D  }
0x72: {  	s0 =	sadd.s32 @!p0 $0x100000, s0;
	[bflag:$0x2] =	sbarrier.arrive $0xFFFF  }
0x73: {  	[sflag:s0] =	ssyncadd.tile.s32 @!p0 $0x1;
	_ =	shalt  }
.Lfunc_end2:
_tile_overlayer_lowered:
.L_overlay_start_2:
0x74: {  	(tag) =	ssettag $0x2  }
0x75: {  	s0 =	rddreg [dreg:$0x0];
	s2 =	stileid.u32  }
0x76: {  	s1 =	rddreg [dreg:$0x1];
	p0 =	sne.s32 s2, $0x0  }
0x77: {  	s3 =	rddreg [dreg:$0x2];
	[bflag:$0x3] =	sbarrier.arrive $0xFFFF;
	s2 =	simm.s32 @!p0 $0x1C01  }
0x78: {  	[timem:s3], [sflag:s2] =	dma.local @!p0 [hbm:s0], s1  }
0x79: {  	s0 =	simm.s32 @!p0 $0x1  }
0x7a: {  	_ =	swait.ge @!p0 [sflag:s0], s1  }
0x7b: {  	s1 =	ssub.s32 @!p0 $0x0, s1;
	[sflag:s0] =	ssyncset.done @!p0 $0x0  }
0x7c: {  	[sflag:s0] =	ssyncadd.s32 @!p0 s1  }
0x7d: {  	[bflag:$0x3] =	sbarrier.arrive $0xFFFF  }
0x7e: {  	_ =	shalt  }

// kernel: kernel.18.cloned.1.call-start
scs
__scs_entry_jumppad:
0x0: {  	(pc) =	sbr.rel $0x88, $3  }
0x1: {  	(tag) =	ssettag $0x0;
	lr =	simm.s32 $0x1  }
0x2: {  	[smem:$0x3F95] =	sst lr;
	_ =	strace $0xD0000000  }
0x3: {  	_ = 	snop  }
0x4: {  	_ = 	snop  }
0x5: {  	_ = 	snop  }
0x6: {  	_ = 	snop  }
0x7: {  	_ = 	snop  }
__scs_overlays_trampoline_lowered:
0x8: {  	[smem:$0x3FA4] =	sst s0  }
0x9: {  	[smem:$0x3FA5] =	sst s1  }
0xa: {  	[smem:$0x3FA6] =	sst s2  }
0xb: {  	[smem:$0x3FA7] =	sst s3  }
0xc: {  	[smem:$0x3FA8] =	sst s4  }
0xd: {  	[smem:$0x3FA9] =	sst s5  }
0xe: {  	[smem:$0x3FAA] =	sst s6  }
0xf: {  	[smem:$0x3FAB] =	sst s7  }
0x10: {  	[smem:$0x3FAC] =	sst s8  }
0x11: {  	[smem:$0x3FAD] =	sst s9;
	s0 =	simm.s32 @!p0 $0x0  }
0x12: {  	s1 =	sld [smem:$0x3F93];
	s0 =	simm.s32 @p0 $0x1  }
0x13: {  	[smem:$0x3FAE] =	sst s0;
	s0 =	simm.s32 @!p1 $0x0  }
0x14: {  	s2 =	sld [smem:$0x3F92];
	s0 =	simm.s32 @p1 $0x1  }
0x15: {  	[smem:$0x3FAF] =	sst s0;
	s0 =	simm.s32 @!p2 $0x0  }
0x16: {  	s3 =	sld [smem:$0x3FDB];
	s0 =	simm.s32 @p2 $0x1  }
0x17: {  	s4 =	simm.s32 $0x1BF5;
	[smem:$0x3FB1] =	sst s0  }
0x18: {  	s0 =	sld [smem:$0x3F94];
	_ =	swait.ge [sflag:s4], $0x0  }
0x19: {  	s7 =	sld [smem:$0x3F95]  }
0x1a: {  	s8 =	sadd.s32 $0xFFFFE003, lr  }
0x1b: {  	s9 =	sadd.s32 $0xFFFFFEF7, lr;
	s5 =	simm.s32 $0xFFFFFFFF;
	p2 =	slt.u32 s8, $0xFFFFF086  }
0x1c: {  	p1 =	slt.u32 s9, $0xF7A;
	s5 =	simm.s32 @!p2 $0x0  }
0x1d: {  	s5 =	simm.s32 @p1 $0x1;
	p0 =	seq.s32 s7, s2  }
0x1e: {  	s7 =	smul.u32 @!p0 $0xF7A, s2;
	p2 =	seq.s32 @!p0 s5, $0x0  }
0x1f: {  	s9 =	smul.u32 $0xF7A, s1;
	s8 =	simm.s32 @!p0 $0x1BF5;
	p2 =	por !p2, p0  }
0x20: {  	[sflag:s8] =	ssyncset.s32 @!p0 $0xFFFFF086;
	s6 =	sadd.s32 @!p0 s3, s7;
	s7 =	simm.s32 @!p0 $0x108  }
0x21: {  	s3 =	sadd.s32 s3, s9;
	s6 =	sadd.s32 @!p0 $0x88, s6;
	s7 =	simm.s32 @p2 $0x1082  }
0x22: {  	[simem:s7], [sflag:s8] =	dma.local @!p0 [hbm:s6], $0xF7A  }
0x23: {  	s9 =	sor.u32 $0xD0000000, s2;
	s6 =	simm.s32 $0x108;
	_ =	swait.ge @!p0 [sflag:s8], $0x0  }
0x24: {  	s3 =	sadd.s32 $0x88, s3;
	s6 =	simm.s32 @!p1 $0x1082;
	[sflag:s4] =	ssyncset.s32 $0xFFFFF086  }
0x25: {  	[simem:s6], [sflag:s4] =	dma.local [hbm:s3], $0xF7A  }
0x26: {  	[smem:$0x3F95] =	sst s1;
	(tag) =	ssettag s2;
	_ =	strace s9  }
0x27: {  	s1 =	sld [smem:$0x3FA5]  }
0x28: {  	s2 =	sld [smem:$0x3FA6]  }
0x29: {  	s4 =	sld [smem:$0x3FA8]  }
0x2a: {  	p0 =	seq.s32 s5, $0x0;
	s5 =	sld [smem:$0x3FA9]  }
0x2b: {  	s6 =	sld [smem:$0x3FAA]  }
0x2c: {  	s7 =	sld [smem:$0x3FAB]  }
0x2d: {  	s3 =	simm.s32 $0x108;
	s8 =	sld [smem:$0x3FAC]  }
0x2e: {  	s3 =	simm.s32 @!p0 $0x1082;
	s9 =	sld [smem:$0x3FAD]  }
0x2f: {  	lr =	sadd.s32 s0, s3;
	s0 =	sld [smem:$0x3FA4]  }
0x30: {  	s3 =	sld [smem:$0x3FA7]  }
0x31: {  	[smem:$0x3FB0] =	sst s10  }
0x32: {  	s10 =	sld [smem:$0x3FAE];
	_ =	sdelay $0x3  }
0x33: {  	p0 =	seq.s32 s10, $0x1;
	s10 =	sld [smem:$0x3FB0];
	_ =	sdelay $0x3  }
0x34: {  	[smem:$0x3FB0] =	sst s10  }
0x35: {  	s10 =	sld [smem:$0x3FAF];
	_ =	sdelay $0x3  }
0x36: {  	p1 =	seq.s32 s10, $0x1;
	s10 =	sld [smem:$0x3FB0];
	_ =	sdelay $0x3  }
0x37: {  	[smem:$0x3FB0] =	sst s10  }
0x38: {  	s10 =	sld [smem:$0x3FB1]  }
0x39: {  	_ = 	snop;
	(pc) =	sbr.ind lr, $3  }
0x3a: {  	_ = 	snop  }
0x3b: {  	_ = 	snop  }
0x3c: {  	p2 =	seq.s32 s10, $0x1;
	s10 =	sld [smem:$0x3FB0]  }
0x3d: {  	_ =	shalt  }
0x3e: {  	_ =	shalt  }
0x3f: {  	_ =	shalt  }
0x40: {  	_ =	shalt  }
0x41: {  	_ =	shalt  }
0x42: {  	_ =	shalt  }
0x43: {  	_ =	shalt  }
0x44: {  	_ =	shalt  }
0x45: {  	_ =	shalt  }
0x46: {  	_ =	shalt  }
0x47: {  	_ =	shalt  }
0x48: {  	_ =	shalt  }
0x49: {  	_ =	shalt  }
0x4a: {  	_ =	shalt  }
0x4b: {  	_ =	shalt  }
0x4c: {  	_ =	shalt  }
0x4d: {  	_ =	shalt  }
0x4e: {  	_ =	shalt  }
0x4f: {  	_ =	shalt  }
0x50: {  	_ =	shalt  }
0x51: {  	_ =	shalt  }
0x52: {  	_ =	shalt  }
0x53: {  	_ =	shalt  }
0x54: {  	_ =	shalt  }
0x55: {  	_ =	shalt  }
0x56: {  	_ =	shalt  }
0x57: {  	_ =	shalt  }
0x58: {  	_ =	shalt  }
0x59: {  	_ =	shalt  }
0x5a: {  	_ =	shalt  }
0x5b: {  	_ =	shalt  }
0x5c: {  	_ =	shalt  }
0x5d: {  	_ =	shalt  }
0x5e: {  	_ =	shalt  }
0x5f: {  	_ =	shalt  }
0x60: {  	_ =	shalt  }
0x61: {  	_ =	shalt  }
0x62: {  	_ =	shalt  }
0x63: {  	_ =	shalt  }
0x64: {  	_ =	shalt  }
0x65: {  	_ =	shalt  }
0x66: {  	_ =	shalt  }
0x67: {  	_ =	shalt  }
0x68: {  	_ =	shalt  }
0x69: {  	_ =	shalt  }
0x6a: {  	_ =	shalt  }
0x6b: {  	_ =	shalt  }
0x6c: {  	_ =	shalt  }
0x6d: {  	_ =	shalt  }
0x6e: {  	_ =	shalt  }
0x6f: {  	_ =	shalt  }
0x70: {  	_ =	shalt  }
0x71: {  	_ =	shalt  }
0x72: {  	_ =	shalt  }
0x73: {  	_ =	shalt  }
0x74: {  	_ =	shalt  }
0x75: {  	_ =	shalt  }
0x76: {  	_ =	shalt  }
0x77: {  	_ =	shalt  }
0x78: {  	_ =	shalt  }
0x79: {  	_ =	shalt  }
0x7a: {  	_ =	shalt  }
0x7b: {  	_ =	shalt  }
0x7c: {  	_ =	shalt  }
0x7d: {  	_ =	shalt  }
0x7e: {  	_ =	shalt  }
0x7f: {  	_ =	shalt  }
0x80: {  	_ =	shalt  }
0x81: {  	_ =	shalt  }
0x82: {  	_ =	shalt  }
0x83: {  	_ =	shalt  }
0x84: {  	_ =	shalt  }
0x85: {  	_ =	shalt  }
0x86: {  	_ =	shalt  }
0x87: {  	_ =	shalt  }
.Lfunc_end0:
.L_simem_size_0:
called_computation.3_lowered:
.L_overlay_start_0:
0x88: {  	s2 =	sld [smem:$0x3FD9]  }
0x89: {  	s3 =	sld [smem:$0x3FFE];
	_ =	sdelay $0x1  }
0x8a: {  	s1 =	srdreg.scid  }
0x8b: {  	s0 =	sand.u32 $0x1, s1  }
0x8c: {  	s17 =	sshll.u32 s0, $0xA;
	s2 =	sadd.s32 s3, s2  }
0x8d: {  	s2 =	sadd.s32 s2, s17  }
0x8e: {  	[smem:$0x3FBC] =	sst s2  }
0x8f: {  	_ = 	snop  }
0x90: {  	s2 =	sld [smem:$0x3FD0];
	(tm) =	ssettm $0x1  }
0x91: {  	s18 =	sld [smem:$0x3FFB];
	_ =	sdelay $0x3  }
0x92: {  	_ =	strace s18  }
0x93: {  	s3 =	sld [smem:$0x3FFC];
	_ =	sdelay $0x3  }
0x94: {  	_ =	strace s3  }
0x95: {  	s3 =	sld [smem:$0x3FFD];
	_ =	sdelay $0x3  }
0x96: {  	_ =	strace s3  }
0x97: {  	_ =	strace $0x8FFFFFFF  }
0x98: {  	s19 =	sld [smem:$0x3FDB];
	_ =	sdelay $0x1  }
0x99: {  	s4 =	simm.s32 $_scs_section_size  }
0x9a: {  	s5 =	simm.s32 $_size__tile_overlayer_lowered;
	s6 =	simm.s32 $_tile_overlayer_lowered  }
0x9b: {  	s22 =	simm.s32 $0x1BFF;
	s21 =	sshll.u32 s6, $0x1;
	s3 =	sadd.s32 s4, s19  }
0x9c: {  	s7 =	simm.s32 $0x0;
	s20 =	sshll.u32 s5, $0x1;
	s5 =	sadd.s32 s21, s3  }
0x9d: {  	[timem:s7], [sflag:s22] =	dma.local [hbm:s5], s20  }
0x9e: {  	_ =	swait.ge [sflag:s22], s20  }
0x9f: {  	s4 =	ssub.s32 $0x0, s20;
	[sflag:s22] =	ssyncset.done $0x0  }
0xa0: {  	[sflag:s22] =	ssyncadd.s32 s4;
	_ =	sdelay $0x1  }
0xa1: {  	s23 =	simm.s32 $0x1B8B  }
0xa2: {  	_ =	swait.ge [sflag:s23], $0x1  }
0xa3: {  	[sflag:s23] =	ssyncset.done $0x0  }
0xa4: {  	s25 =	simm.s32 $0x1B8E;
	s24 =	sld [smem:$0x3FFE];
	[sflag:s23] =	ssyncadd.s32 $0xFFFFFFFF  }
0xa5: {  	s26 =	simm.s32 $execute0_lowered;
	[smem:$0x3FD2] =	sst s25  }
0xa6: {  	s5 =	sshll.u32 s26, $0x1;
	_ =	strace $0x8000004F;
	[dreg:$0x1] =	wrdreg $0xFFFFFFFF  }
0xa7: {  	s28 =	simm.s32 $_size_execute0_lowered;
	s3 =	sadd.s32 s3, s5;
	[dreg:$0x0] =	wrdreg $0x0  }
0xa8: {  	s5 =	sshll.u32 s28, $0x1;
	[dreg:$0x2] =	wrdreg s3  }
0xa9: {  	[dreg:$0x3] =	wrdreg s5  }
0xaa: {  	[dreg:$0x4] =	wrdreg $0xC0  }
0xab: {  	_ =	task [dreg:s7], $0x5FFFF  }
0xac: {  	[dreg:$0x1] =	wrdreg $0xFFFFFFFF  }
0xad: {  	[dreg:$0x0] =	wrdreg $0x60  }
0xae: {  	[dreg:$0x2] =	wrdreg s2  }
0xaf: {  	[dreg:$0x3] =	wrdreg s24  }
0xb0: {  	[dreg:$0x4] =	wrdreg $0x78000  }
0xb1: {  	[dreg:$0x5] =	wrdreg $0x9  }
0xb2: {  	_ =	task.clear_ibuf [dreg:s7], $0x6FFFF;
	_ =	strace $0x9000004F  }
0xb3: {  	s29 =	simm.s32 $0x9;
	_ =	strace $0x80000051  }
0xb4: {  	_ =	swait.ge [sflag:s29], $0x1  }
0xb5: {  	[sflag:s29] =	ssyncadd.s32 $0xFFFFFFFF  }
0xb6: {  	_ =	strace $0x90000051  }
0xb7: {  	_ =	sfence  }
0xb8: {  	s30 =	sld [smem:$0x0];
	_ =	sdelay $0x2  }
0xb9: {  	s31 =	sshll.u32 s1, $0xD;
	s1 =	sshrl.u32 s1, $0x2  }
0xba: {  	s3 =	sand.u32 $0x4000, s31;
	s1 =	sadd.s32 s1, s30  }
0xbb: {  	s0 =	sor.u32 s3, s0;
	s1 =	sshll.u32 s1, $0x11  }
0xbc: {  	s0 =	sor.u32 s1, s0  }
0xbd: {  	s0 =	sadd.s32 $0x8F2B, s0  }
0xbe: {  	[sflag:s0] =	ssyncadd.remote.s32 $0x1  }
0xbf: {  	_ =	sfence.sel $0xFFFF  }
0xc0: {  	[dreg:$0x0] =	wrdreg $0xFFFFFFFF;
	(pc) =	sbr.abs _section_cstart, $3  }
0xc1: {  	[dreg:$0x1] =	wrdreg $0xFFFFFFFF  }
0xc2: {  	_ =	task.clear_ibuf [dreg:s7], $0x2FFFF;
	_ =	strace $0x9FFFFFFF  }
0xc3: {  	(tm) =	ssettm $0x7FFFFFFF  }
tec
execute0_lowered:
.L_overlay_start_1:
0x0: {  	(tag) =	ssettag $0x1  }
0x1: {  	s1 =	rddreg [dreg:$0x0]  }
0x2: {  	s7 =	rddreg [dreg:$0x1]  }
0x3: {  	s3 =	rddreg [dreg:$0x2]  }
0x4: {  	s4 =	simm.s32 $0x0;
	s5 =	srdreg.scid;
	s0 =	stileid.u32  }
0x5: {  	s17 =	simm.s32 $0x400;
	s18 =	simm.s32 $0x2000;
	s19 =	simm.s32 $0x50  }
0x6: {  	s20 =	simm.s32 $0x2800;
	s21 =	simm.s32 $0x1;
	s22 =	simm.s32 $0x2  }
0x7: {  	[smem:$0x7FF] =	sst s4;
	s8 =	sand.u32 $0x1, s5;
	s28 =	sshll.u32 s0, $0x1  }
0x8: {  	s10 =	smul.u32 $0x13C00, s0;
	s5 =	sadd.s32 $0x54000, s7;
	s6 =	sadd.s32 $0x40000, s7  }
0x9: {  	s29 =	smul.u32 $0x4F000, s0;
	s31 =	sshll.u32 s0, $0x6;
	_ =	strace $0x80000050  }
0xa: {  	s9 =	sor.u32 s8, s28;
	s12 =	smul.u32 $0x13C000, s8;
	s8 =	ssub.s32 $0x2, s8  }
0xb: {  	s11 =	sshll.u32 s9, $0xB;
	s13 =	sshrl.u32 s10, $0x3;
	s14 =	sshrl.u32 s8, $0x1  }
0xc: {  	s30 =	sshrl.u32 s29, $0x2;
	s9 =	smul.u32 $0x5000, s9;
	s11 =	sadd.s32 s11, s7  }
0xd: {  	s10 =	sadd.s32 s10, s12;
	s13 =	sadd.s32 s13, s7;
	s14 =	ssub.s32 s8, s14  }
0xe: {  	s16 =	sadd.s32 s30, s3;
	s8 =	sor.u32 $0x1C03, s31;
	s10 =	sshrl.u32 s10, $0x3  }
0xf: {  	s12 =	smax.u32 s14, $0x1;
	s14 =	simm.s32 $0x3;
	s15 =	sadd.s32 s10, s7  }
0x10: {  	s7 =	sadd.s32 $0x78000, s13;
	s10 =	sadd.s32 $0x5600, s11;
	s13 =	sshrl.u32 s16, $0x3  }
0x11: {  	s16 =	simm.s32 $0x80;
	s11 =	sadd.s32 $0x9F800, s15;
	s15 =	simm.s32 $0x1000  }
.LBB2_1:
0x12: {  	[spmem:s13], [sflag:s8] =	dma.local [hbm:s7], $0x2780  }
0x13: {  	_ =	swait.ge [sflag:s14], $0x2780  }
0x14: {  	[sflag:s14] =	ssyncset.done $0x0  }
0x15: {  	[sflag:s14] =	ssyncadd.s32 $0xFFFFD880  }
0x16: {  	s23 =	simm.s32 $0x0;
	[bflag:$0x0] =	sbarrier.arrive $0xFFFF  }
.LBB2_2:
0x17: {  	s24 =	sshll.u32 s23, $0xC  }
0x18: {  	s24 =	sadd.s32 s9, s24  }
0x19: {  	s25 =	sshrl.u32 s24, $0x3  }
0x1a: {  	s24 =	simm.s32 $0x0;
	s26 =	sadd.s32 s5, s25  }
0x1b: {  	[tilespmem:s24], [sflag:$0x3] =	stream.linear.gather [hbm4b:s26+s24], $0xC80, $0x38;
	[tilespmem:$0x1B400] =	vst v63  }
0x1c: {  	_ =	swait.ge [sflag:s14], $0xC80  }
0x1d: {  	[sflag:s14] =	ssyncset.done $0x0  }
0x1e: {  	s25 =	sadd.s32 s6, s25;
	[sflag:s14] =	ssyncadd.s32 $0xFFFFF380  }
0x1f: {  	[tilespmem:s15], [sflag:$0x3] =	stream.linear.gather [hbm4b:s25+s24], $0xC80, $0x38;
	[tilespmem:$0x1B400] =	vst v63  }
0x20: {  	_ =	swait.ge [sflag:s14], $0xC80  }
0x21: {  	s31 =	sshll.u32 s23, $0x4;
	[sflag:s14] =	ssyncset.done $0x0  }
0x22: {  	s25 =	sadd.s32 s31, s10;
	[sflag:s14] =	ssyncadd.s32 $0xFFFFF380  }
0x23: {  	[tilespmem:s18], [sflag:$0x3] =	stream.strided.gather [hbm4b:s25+s16], $0x800, s17, s16, $0x38;
	[tilespmem:$0x1B400] =	vst v63  }
0x24: {  	_ =	swait.ge [sflag:s14], $0x800  }
0x25: {  	[sflag:s14] =	ssyncset.done $0x0  }
0x26: {  	[sflag:s14] =	ssyncadd.s32 $0xFFFFF800  }
0x27: {  	[tilespmem:s20], [sflag:$0x1] =	stream.indirect.gather [hbm4b:s1+s19], $0x80, s24, s19, $0xb8;
	[tilespmem:$0x1B400] =	vst v63  }
.LBB2_3:
0x28: {  	p0 =	seq.s32 s24, $0x0  }
.Ltmp0:
0x29: {  	_ = 	snop;
	(pc) =	sbr.rel @p0 .LBB2_6-.Ltmp0, $4  }
0x2a: {  	_ = 	snop  }
0x2b: {  	_ =	swait.ge [sflag:s21], $0x2800  }
0x2c: {  	[sflag:s21] =	ssyncset.done $0x0  }
0x2d: {  	s26 =	sand.u32 $0x1, s24;
	s25 =	sadd.s32 $0x1, s24;
	[sflag:s21] =	ssyncadd.s32 $0xFFFFD800  }
0x2e: {  	p0 =	seq.s32 s24, $0x18  }
.Ltmp1:
0x2f: {  	_ = 	snop;
	(pc) =	sbr.rel @p0 .LBB2_7-.Ltmp1, $1  }
0x30: {  	_ =	sdelay $0x3  }
0x31: {  	_ =	swait.ge [sflag:s22], $0x2800  }
0x32: {  	[sflag:s22] =	ssyncset.done $0x0  }
0x33: {  	[sflag:s22] =	ssyncadd.s32 $0xFFFFD800  }
.LBB2_6:
0x34: {  	s28 =	sxor.u32 $0x1, s26  }
0x35: {  	s28 =	smul.u32 $0xA000, s28;
	_ =	sdelay $0x1  }
0x36: {  	s29 =	sshll.u32 s25, $0x7;
	s28 =	sshrl.u32 s28, $0x2  }
0x37: {  	s29 =	sand.u32 $0x3FFFFF80, s29;
	s28 =	sadd.s32 $0x2800, s28  }
0x38: {  	[tilespmem:s28], [sflag:$0x1] =	stream.indirect.gather [hbm4b:s1+s19], $0x80, s29, s19, $0xb8;
	[tilespmem:$0x1B400] =	vst v63  }
.LBB2_7:
0x39: {  	s26 =	smul.u32 $0xA000, s26;
	_ =	sdelay $0x1  }
0x3a: {  	s26 =	sshrl.u32 s26, $0x2  }
0x3b: {  	s26 =	sadd.s32 $0x2800, s26  }
0x3c: {  	s28 =	smul.u32 $0x50, s24;
	s29 =	simm.s32 $0x0;
	v0 =	vmov s26  }
.LBB2_8:
0x3d: {  	s30 =	sshll.u32 s29, $0x4  }
0x3e: {  	s31 =	sadd.s32 s28, s30  }
0x3f: {  	v1 =	vmov s31  }
0x40: {  	v1 =	vand.u32 $0xFFFFFFF0, v1  }
0x41: {  	v1 =	vbroadcast v1, $0x0;
	_ =	sdelay $0x2  }
0x42: {  	s2 =	sshll.u32 s29, $0xB  }
0x43: {  	s31 =	sand.u32 $0x3FFFF800, s2  }
0x44: {  	v2 =	vld.idx.msk [tilespmem:v0+s31+$0x0 ss:$0x1], $0xffff  }
0x45: {  	v1 =	vld.idx.msk [tilespmem:v1+s18+$0x0], $0xffff;
	_ =	sdelay $0x4  }
0x46: {  	v2 =	vmul.f32 v2, v1;
	_ =	sdelay $0x1  }
0x47: {  	[tilespmem:v0+s31+$0x0 ss:$0x1] =	vst.idx.msk $0xffff, v2  }
0x48: {  	v2 =	vld.idx.msk [tilespmem:v0+s31+$0x10 ss:$0x1], $0xffff;
	_ =	sdelay $0x4  }
0x49: {  	v2 =	vmul.f32 v2, v1;
	_ =	sdelay $0x1  }
0x4a: {  	[tilespmem:v0+s31+$0x10 ss:$0x1] =	vst.idx.msk $0xffff, v2  }
0x4b: {  	v2 =	vld.idx.msk [tilespmem:v0+s31+$0x20 ss:$0x1], $0xffff;
	_ =	sdelay $0x4  }
0x4c: {  	v2 =	vmul.f32 v2, v1;
	_ =	sdelay $0x1  }
0x4d: {  	[tilespmem:v0+s31+$0x20 ss:$0x1] =	vst.idx.msk $0xffff, v2  }
0x4e: {  	v2 =	vld.idx.msk [tilespmem:v0+s31+$0x30 ss:$0x1], $0xffff;
	_ =	sdelay $0x4  }
0x4f: {  	v2 =	vmul.f32 v2, v1;
	_ =	sdelay $0x1  }
0x50: {  	[tilespmem:v0+s31+$0x30 ss:$0x1] =	vst.idx.msk $0xffff, v2  }
0x51: {  	v2 =	vld.idx.msk [tilespmem:v0+s31+$0x40 ss:$0x1], $0xffff;
	_ =	sdelay $0x4  }
0x52: {  	v2 =	vmul.f32 v2, v1;
	_ =	sdelay $0x1  }
0x53: {  	[tilespmem:v0+s31+$0x40 ss:$0x1] =	vst.idx.msk $0xffff, v2  }
0x54: {  	v2 =	vld.idx.msk [tilespmem:v0+s31+$0x50 ss:$0x1], $0xffff;
	_ =	sdelay $0x4  }
0x55: {  	v2 =	vmul.f32 v2, v1;
	_ =	sdelay $0x1  }
0x56: {  	[tilespmem:v0+s31+$0x50 ss:$0x1] =	vst.idx.msk $0xffff, v2  }
0x57: {  	v2 =	vld.idx.msk [tilespmem:v0+s31+$0x60 ss:$0x1], $0xffff;
	_ =	sdelay $0x4  }
0x58: {  	v2 =	vmul.f32 v2, v1  }
0x59: {  	s0 =	sor.u32 $0x1, s30  }
0x5a: {  	s2 =	sadd.s32 s28, s0;
	[tilespmem:v0+s31+$0x60 ss:$0x1] =	vst.idx.msk $0xffff, v2  }
0x5b: {  	v3 =	vmov s2;
	v2 =	vld.idx.msk [tilespmem:v0+s31+$0x70 ss:$0x1], $0xffff  }
0x5c: {  	v3 =	vand.u32 $0xFFFFFFF1, v3  }
0x5d: {  	v3 =	vbroadcast v3, $0x0;
	_ =	sdelay $0x2  }
0x5e: {  	v1 =	vmul.f32 v2, v1;
	_ =	sdelay $0x1  }
0x5f: {  	s0 =	sshll.u32 s0, $0x7;
	[tilespmem:v0+s31+$0x70 ss:$0x1] =	vst.idx.msk $0xffff, v1  }
0x60: {  	s0 =	sand.u32 $0x3FFFF880, s0;
	v1 =	vld.idx.msk [tilespmem:v3+s18+$0x0], $0xffff  }
0x61: {  	v2 =	vld.idx.msk [tilespmem:v0+s0+$0x0 ss:$0x1], $0xffff;
	_ =	sdelay $0x4  }
0x62: {  	v2 =	vmul.f32 v2, v1;
	_ =	sdelay $0x1  }
0x63: {  	[tilespmem:v0+s0+$0x0 ss:$0x1] =	vst.idx.msk $0xffff, v2  }
0x64: {  	v2 =	vld.idx.msk [tilespmem:v0+s0+$0x10 ss:$0x1], $0xffff;
	_ =	sdelay $0x4  }
0x65: {  	v2 =	vmul.f32 v2, v1;
	_ =	sdelay $0x1  }
0x66: {  	[tilespmem:v0+s0+$0x10 ss:$0x1] =	vst.idx.msk $0xffff, v2  }
0x67: {  	v2 =	vld.idx.msk [tilespmem:v0+s0+$0x20 ss:$0x1], $0xffff;
	_ =	sdelay $0x4  }
0x68: {  	v2 =	vmul.f32 v2, v1;
	_ =	sdelay $0x1  }
0x69: {  	[tilespmem:v0+s0+$0x20 ss:$0x1] =	vst.idx.msk $0xffff, v2  }
0x6a: {  	v2 =	vld.idx.msk [tilespmem:v0+s0+$0x30 ss:$0x1], $0xffff;
	_ =	sdelay $0x4  }
0x6b: {  	v2 =	vmul.f32 v2, v1;
	_ =	sdelay $0x1  }
0x6c: {  	[tilespmem:v0+s0+$0x30 ss:$0x1] =	vst.idx.msk $0xffff, v2  }
0x6d: {  	v2 =	vld.idx.msk [tilespmem:v0+s0+$0x40 ss:$0x1], $0xffff;
	_ =	sdelay $0x4  }
0x6e: {  	v2 =	vmul.f32 v2, v1;
	_ =	sdelay $0x1  }
0x6f: {  	[tilespmem:v0+s0+$0x40 ss:$0x1] =	vst.idx.msk $0xffff, v2  }
0x70: {  	v2 =	vld.idx.msk [tilespmem:v0+s0+$0x50 ss:$0x1], $0xffff;
	_ =	sdelay $0x4  }
0x71: {  	v2 =	vmul.f32 v2, v1;
	_ =	sdelay $0x1  }
0x72: {  	[tilespmem:v0+s0+$0x50 ss:$0x1] =	vst.idx.msk $0xffff, v2  }
0x73: {  	v2 =	vld.idx.msk [tilespmem:v0+s0+$0x60 ss:$0x1], $0xffff;
	_ =	sdelay $0x4  }
0x74: {  	v2 =	vmul.f32 v2, v1  }
0x75: {  	s2 =	sor.u32 $0x2, s30  }
0x76: {  	s31 =	sadd.s32 s28, s2;
	[tilespmem:v0+s0+$0x60 ss:$0x1] =	vst.idx.msk $0xffff, v2  }
0x77: {  	v3 =	vmov s31;
	v2 =	vld.idx.msk [tilespmem:v0+s0+$0x70 ss:$0x1], $0xffff  }
0x78: {  	v3 =	vand.u32 $0xFFFFFFF2, v3  }
0x79: {  	v3 =	vbroadcast v3, $0x0;
	_ =	sdelay $0x2  }
0x7a: {  	v1 =	vmul.f32 v2, v1;
	_ =	sdelay $0x1  }
0x7b: {  	s31 =	sshll.u32 s2, $0x7;
	[tilespmem:v0+s0+$0x70 ss:$0x1] =	vst.idx.msk $0xffff, v1  }
0x7c: {  	s0 =	sand.u32 $0x3FFFF900, s31;
	v1 =	vld.idx.msk [tilespmem:v3+s18+$0x0], $0xffff  }
0x7d: {  	v2 =	vld.idx.msk [tilespmem:v0+s0+$0x0 ss:$0x1], $0xffff;
	_ =	sdelay $0x4  }
0x7e: {  	v2 =	vmul.f32 v2, v1;
	_ =	sdelay $0x1  }
0x7f: {  	[tilespmem:v0+s0+$0x0 ss:$0x1] =	vst.idx.msk $0xffff, v2  }
0x80: {  	v2 =	vld.idx.msk [tilespmem:v0+s0+$0x10 ss:$0x1], $0xffff;
	_ =	sdelay $0x4  }
0x81: {  	v2 =	vmul.f32 v2, v1;
	_ =	sdelay $0x1  }
0x82: {  	[tilespmem:v0+s0+$0x10 ss:$0x1] =	vst.idx.msk $0xffff, v2  }
0x83: {  	v2 =	vld.idx.msk [tilespmem:v0+s0+$0x20 ss:$0x1], $0xffff;
	_ =	sdelay $0x4  }
0x84: {  	v2 =	vmul.f32 v2, v1;
	_ =	sdelay $0x1  }
0x85: {  	[tilespmem:v0+s0+$0x20 ss:$0x1] =	vst.idx.msk $0xffff, v2  }
0x86: {  	v2 =	vld.idx.msk [tilespmem:v0+s0+$0x30 ss:$0x1], $0xffff;
	_ =	sdelay $0x4  }
0x87: {  	v2 =	vmul.f32 v2, v1;
	_ =	sdelay $0x1  }
0x88: {  	[tilespmem:v0+s0+$0x30 ss:$0x1] =	vst.idx.msk $0xffff, v2  }
0x89: {  	v2 =	vld.idx.msk [tilespmem:v0+s0+$0x40 ss:$0x1], $0xffff;
	_ =	sdelay $0x4  }
0x8a: {  	v2 =	vmul.f32 v2, v1;
	_ =	sdelay $0x1  }
0x8b: {  	[tilespmem:v0+s0+$0x40 ss:$0x1] =	vst.idx.msk $0xffff, v2  }
0x8c: {  	v2 =	vld.idx.msk [tilespmem:v0+s0+$0x50 ss:$0x1], $0xffff;
	_ =	sdelay $0x4  }
0x8d: {  	v2 =	vmul.f32 v2, v1;
	_ =	sdelay $0x1  }
0x8e: {  	[tilespmem:v0+s0+$0x50 ss:$0x1] =	vst.idx.msk $0xffff, v2  }
0x8f: {  	v2 =	vld.idx.msk [tilespmem:v0+s0+$0x60 ss:$0x1], $0xffff;
	_ =	sdelay $0x4  }
0x90: {  	v2 =	vmul.f32 v2, v1  }
0x91: {  	s2 =	sor.u32 $0x3, s30  }
0x92: {  	s31 =	sadd.s32 s28, s2;
	[tilespmem:v0+s0+$0x60 ss:$0x1] =	vst.idx.msk $0xffff, v2  }
0x93: {  	v3 =	vmov s31;
	v2 =	vld.idx.msk [tilespmem:v0+s0+$0x70 ss:$0x1], $0xffff  }
0x94: {  	v3 =	vand.u32 $0xFFFFFFF3, v3  }
0x95: {  	v3 =	vbroadcast v3, $0x0;
	_ =	sdelay $0x2  }
0x96: {  	v1 =	vmul.f32 v2, v1;
	_ =	sdelay $0x1  }
0x97: {  	s2 =	sshll.u32 s2, $0x7;
	[tilespmem:v0+s0+$0x70 ss:$0x1] =	vst.idx.msk $0xffff, v1  }
0x98: {  	s0 =	sand.u32 $0x3FFFF980, s2;
	v1 =	vld.idx.msk [tilespmem:v3+s18+$0x0], $0xffff  }
0x99: {  	v2 =	vld.idx.msk [tilespmem:v0+s0+$0x0 ss:$0x1], $0xffff;
	_ =	sdelay $0x4  }
0x9a: {  	v2 =	vmul.f32 v2, v1;
	_ =	sdelay $0x1  }
0x9b: {  	[tilespmem:v0+s0+$0x0 ss:$0x1] =	vst.idx.msk $0xffff, v2  }
0x9c: {  	v2 =	vld.idx.msk [tilespmem:v0+s0+$0x10 ss:$0x1], $0xffff;
	_ =	sdelay $0x4  }
0x9d: {  	v2 =	vmul.f32 v2, v1;
	_ =	sdelay $0x1  }
0x9e: {  	[tilespmem:v0+s0+$0x10 ss:$0x1] =	vst.idx.msk $0xffff, v2  }
0x9f: {  	v2 =	vld.idx.msk [tilespmem:v0+s0+$0x20 ss:$0x1], $0xffff;
	_ =	sdelay $0x4  }
0xa0: {  	v2 =	vmul.f32 v2, v1;
	_ =	sdelay $0x1  }
0xa1: {  	[tilespmem:v0+s0+$0x20 ss:$0x1] =	vst.idx.msk $0xffff, v2  }
0xa2: {  	v2 =	vld.idx.msk [tilespmem:v0+s0+$0x30 ss:$0x1], $0xffff;
	_ =	sdelay $0x4  }
0xa3: {  	v2 =	vmul.f32 v2, v1;
	_ =	sdelay $0x1  }
0xa4: {  	[tilespmem:v0+s0+$0x30 ss:$0x1] =	vst.idx.msk $0xffff, v2  }
0xa5: {  	v2 =	vld.idx.msk [tilespmem:v0+s0+$0x40 ss:$0x1], $0xffff;
	_ =	sdelay $0x4  }
0xa6: {  	v2 =	vmul.f32 v2, v1;
	_ =	sdelay $0x1  }
0xa7: {  	[tilespmem:v0+s0+$0x40 ss:$0x1] =	vst.idx.msk $0xffff, v2  }
0xa8: {  	v2 =	vld.idx.msk [tilespmem:v0+s0+$0x50 ss:$0x1], $0xffff;
	_ =	sdelay $0x4  }
0xa9: {  	v2 =	vmul.f32 v2, v1;
	_ =	sdelay $0x1  }
0xaa: {  	[tilespmem:v0+s0+$0x50 ss:$0x1] =	vst.idx.msk $0xffff, v2  }
0xab: {  	v2 =	vld.idx.msk [tilespmem:v0+s0+$0x60 ss:$0x1], $0xffff;
	_ =	sdelay $0x4  }
0xac: {  	v2 =	vmul.f32 v2, v1  }
0xad: {  	s2 =	sor.u32 $0x4, s30  }
0xae: {  	s31 =	sadd.s32 s28, s2;
	[tilespmem:v0+s0+$0x60 ss:$0x1] =	vst.idx.msk $0xffff, v2  }
0xaf: {  	v3 =	vmov s31;
	v2 =	vld.idx.msk [tilespmem:v0+s0+$0x70 ss:$0x1], $0xffff  }
0xb0: {  	v3 =	vand.u32 $0xFFFFFFF4, v3  }
0xb1: {  	v3 =	vbroadcast v3, $0x0;
	_ =	sdelay $0x2  }
0xb2: {  	v1 =	vmul.f32 v2, v1;
	_ =	sdelay $0x1  }
0xb3: {  	s31 =	sshll.u32 s2, $0x7;
	[tilespmem:v0+s0+$0x70 ss:$0x1] =	vst.idx.msk $0xffff, v1  }
0xb4: {  	s0 =	sand.u32 $0x3FFFFA00, s31;
	v1 =	vld.idx.msk [tilespmem:v3+s18+$0x0], $0xffff  }
0xb5: {  	v2 =	vld.idx.msk [tilespmem:v0+s0+$0x0 ss:$0x1], $0xffff;
	_ =	sdelay $0x4  }
0xb6: {  	v2 =	vmul.f32 v2, v1;
	_ =	sdelay $0x1  }
0xb7: {  	[tilespmem:v0+s0+$0x0 ss:$0x1] =	vst.idx.msk $0xffff, v2  }
0xb8: {  	v2 =	vld.idx.msk [tilespmem:v0+s0+$0x10 ss:$0x1], $0xffff;
	_ =	sdelay $0x4  }
0xb9: {  	v2 =	vmul.f32 v2, v1;
	_ =	sdelay $0x1  }
0xba: {  	[tilespmem:v0+s0+$0x10 ss:$0x1] =	vst.idx.msk $0xffff, v2  }
0xbb: {  	v2 =	vld.idx.msk [tilespmem:v0+s0+$0x20 ss:$0x1], $0xffff;
	_ =	sdelay $0x4  }
0xbc: {  	v2 =	vmul.f32 v2, v1;
	_ =	sdelay $0x1  }
0xbd: {  	[tilespmem:v0+s0+$0x20 ss:$0x1] =	vst.idx.msk $0xffff, v2  }
0xbe: {  	v2 =	vld.idx.msk [tilespmem:v0+s0+$0x30 ss:$0x1], $0xffff;
	_ =	sdelay $0x4  }
0xbf: {  	v2 =	vmul.f32 v2, v1;
	_ =	sdelay $0x1  }
0xc0: {  	[tilespmem:v0+s0+$0x30 ss:$0x1] =	vst.idx.msk $0xffff, v2  }
0xc1: {  	v2 =	vld.idx.msk [tilespmem:v0+s0+$0x40 ss:$0x1], $0xffff;
	_ =	sdelay $0x4  }
0xc2: {  	v2 =	vmul.f32 v2, v1;
	_ =	sdelay $0x1  }
0xc3: {  	[tilespmem:v0+s0+$0x40 ss:$0x1] =	vst.idx.msk $0xffff, v2  }
0xc4: {  	v2 =	vld.idx.msk [tilespmem:v0+s0+$0x50 ss:$0x1], $0xffff;
	_ =	sdelay $0x4  }
0xc5: {  	v2 =	vmul.f32 v2, v1;
	_ =	sdelay $0x1  }
0xc6: {  	[tilespmem:v0+s0+$0x50 ss:$0x1] =	vst.idx.msk $0xffff, v2  }
0xc7: {  	v2 =	vld.idx.msk [tilespmem:v0+s0+$0x60 ss:$0x1], $0xffff;
	_ =	sdelay $0x4  }
0xc8: {  	v2 =	vmul.f32 v2, v1  }
0xc9: {  	s2 =	sor.u32 $0x5, s30  }
0xca: {  	s31 =	sadd.s32 s28, s2;
	[tilespmem:v0+s0+$0x60 ss:$0x1] =	vst.idx.msk $0xffff, v2  }
0xcb: {  	v3 =	vmov s31;
	v2 =	vld.idx.msk [tilespmem:v0+s0+$0x70 ss:$0x1], $0xffff  }
0xcc: {  	v3 =	vand.u32 $0xFFFFFFF5, v3  }
0xcd: {  	v3 =	vbroadcast v3, $0x0;
	_ =	sdelay $0x2  }
0xce: {  	v1 =	vmul.f32 v2, v1;
	_ =	sdelay $0x1  }
0xcf: {  	s2 =	sshll.u32 s2, $0x7;
	[tilespmem:v0+s0+$0x70 ss:$0x1] =	vst.idx.msk $0xffff, v1  }
0xd0: {  	s0 =	sand.u32 $0x3FFFFA80, s2;
	v1 =	vld.idx.msk [tilespmem:v3+s18+$0x0], $0xffff  }
0xd1: {  	v2 =	vld.idx.msk [tilespmem:v0+s0+$0x0 ss:$0x1], $0xffff;
	_ =	sdelay $0x4  }
0xd2: {  	v2 =	vmul.f32 v2, v1;
	_ =	sdelay $0x1  }
0xd3: {  	[tilespmem:v0+s0+$0x0 ss:$0x1] =	vst.idx.msk $0xffff, v2  }
0xd4: {  	v2 =	vld.idx.msk [tilespmem:v0+s0+$0x10 ss:$0x1], $0xffff;
	_ =	sdelay $0x4  }
0xd5: {  	v2 =	vmul.f32 v2, v1;
	_ =	sdelay $0x1  }
0xd6: {  	[tilespmem:v0+s0+$0x10 ss:$0x1] =	vst.idx.msk $0xffff, v2  }
0xd7: {  	v2 =	vld.idx.msk [tilespmem:v0+s0+$0x20 ss:$0x1], $0xffff;
	_ =	sdelay $0x4  }
0xd8: {  	v2 =	vmul.f32 v2, v1;
	_ =	sdelay $0x1  }
0xd9: {  	[tilespmem:v0+s0+$0x20 ss:$0x1] =	vst.idx.msk $0xffff, v2  }
0xda: {  	v2 =	vld.idx.msk [tilespmem:v0+s0+$0x30 ss:$0x1], $0xffff;
	_ =	sdelay $0x4  }
0xdb: {  	v2 =	vmul.f32 v2, v1;
	_ =	sdelay $0x1  }
0xdc: {  	[tilespmem:v0+s0+$0x30 ss:$0x1] =	vst.idx.msk $0xffff, v2  }
0xdd: {  	v2 =	vld.idx.msk [tilespmem:v0+s0+$0x40 ss:$0x1], $0xffff;
	_ =	sdelay $0x4  }
0xde: {  	v2 =	vmul.f32 v2, v1;
	_ =	sdelay $0x1  }
0xdf: {  	[tilespmem:v0+s0+$0x40 ss:$0x1] =	vst.idx.msk $0xffff, v2  }
0xe0: {  	v2 =	vld.idx.msk [tilespmem:v0+s0+$0x50 ss:$0x1], $0xffff;
	_ =	sdelay $0x4  }
0xe1: {  	v2 =	vmul.f32 v2, v1;
	_ =	sdelay $0x1  }
0xe2: {  	[tilespmem:v0+s0+$0x50 ss:$0x1] =	vst.idx.msk $0xffff, v2  }
0xe3: {  	v2 =	vld.idx.msk [tilespmem:v0+s0+$0x60 ss:$0x1], $0xffff;
	_ =	sdelay $0x4  }
0xe4: {  	v2 =	vmul.f32 v2, v1  }
0xe5: {  	s2 =	sor.u32 $0x6, s30  }
0xe6: {  	s31 =	sadd.s32 s28, s2;
	[tilespmem:v0+s0+$0x60 ss:$0x1] =	vst.idx.msk $0xffff, v2  }
0xe7: {  	v3 =	vmov s31;
	v2 =	vld.idx.msk [tilespmem:v0+s0+$0x70 ss:$0x1], $0xffff  }
0xe8: {  	v3 =	vand.u32 $0xFFFFFFF6, v3  }
0xe9: {  	v3 =	vbroadcast v3, $0x0;
	_ =	sdelay $0x2  }
0xea: {  	v1 =	vmul.f32 v2, v1;
	_ =	sdelay $0x1  }
0xeb: {  	s31 =	sshll.u32 s2, $0x7;
	[tilespmem:v0+s0+$0x70 ss:$0x1] =	vst.idx.msk $0xffff, v1  }
0xec: {  	s0 =	sand.u32 $0x3FFFFB00, s31;
	v1 =	vld.idx.msk [tilespmem:v3+s18+$0x0], $0xffff  }
0xed: {  	v2 =	vld.idx.msk [tilespmem:v0+s0+$0x0 ss:$0x1], $0xffff;
	_ =	sdelay $0x4  }
0xee: {  	v2 =	vmul.f32 v2, v1;
	_ =	sdelay $0x1  }
0xef: {  	[tilespmem:v0+s0+$0x0 ss:$0x1] =	vst.idx.msk $0xffff, v2  }
0xf0: {  	v2 =	vld.idx.msk [tilespmem:v0+s0+$0x10 ss:$0x1], $0xffff;
	_ =	sdelay $0x4  }
0xf1: {  	v2 =	vmul.f32 v2, v1;
	_ =	sdelay $0x1  }
0xf2: {  	[tilespmem:v0+s0+$0x10 ss:$0x1] =	vst.idx.msk $0xffff, v2  }
0xf3: {  	v2 =	vld.idx.msk [tilespmem:v0+s0+$0x20 ss:$0x1], $0xffff;
	_ =	sdelay $0x4  }
0xf4: {  	v2 =	vmul.f32 v2, v1;
	_ =	sdelay $0x1  }
0xf5: {  	[tilespmem:v0+s0+$0x20 ss:$0x1] =	vst.idx.msk $0xffff, v2  }
0xf6: {  	v2 =	vld.idx.msk [tilespmem:v0+s0+$0x30 ss:$0x1], $0xffff;
	_ =	sdelay $0x4  }
0xf7: {  	v2 =	vmul.f32 v2, v1;
	_ =	sdelay $0x1  }
0xf8: {  	[tilespmem:v0+s0+$0x30 ss:$0x1] =	vst.idx.msk $0xffff, v2  }
0xf9: {  	v2 =	vld.idx.msk [tilespmem:v0+s0+$0x40 ss:$0x1], $0xffff;
	_ =	sdelay $0x4  }
0xfa: {  	v2 =	vmul.f32 v2, v1;
	_ =	sdelay $0x1  }
0xfb: {  	[tilespmem:v0+s0+$0x40 ss:$0x1] =	vst.idx.msk $0xffff, v2  }
0xfc: {  	v2 =	vld.idx.msk [tilespmem:v0+s0+$0x50 ss:$0x1], $0xffff;
	_ =	sdelay $0x4  }
0xfd: {  	v2 =	vmul.f32 v2, v1;
	_ =	sdelay $0x1  }
0xfe: {  	[tilespmem:v0+s0+$0x50 ss:$0x1] =	vst.idx.msk $0xffff, v2  }
0xff: {  	v2 =	vld.idx.msk [tilespmem:v0+s0+$0x60 ss:$0x1], $0xffff;
	_ =	sdelay $0x4  }
0x100: {  	v2 =	vmul.f32 v2, v1  }
0x101: {  	s2 =	sor.u32 $0x7, s30  }
0x102: {  	s31 =	sadd.s32 s28, s2;
	[tilespmem:v0+s0+$0x60 ss:$0x1] =	vst.idx.msk $0xffff, v2  }
0x103: {  	v3 =	vmov s31;
	v2 =	vld.idx.msk [tilespmem:v0+s0+$0x70 ss:$0x1], $0xffff  }
0x104: {  	v3 =	vand.u32 $0xFFFFFFF7, v3  }
0x105: {  	v3 =	vbroadcast v3, $0x0;
	_ =	sdelay $0x2  }
0x106: {  	v1 =	vmul.f32 v2, v1;
	_ =	sdelay $0x1  }
0x107: {  	s2 =	sshll.u32 s2, $0x7;
	[tilespmem:v0+s0+$0x70 ss:$0x1] =	vst.idx.msk $0xffff, v1  }
0x108: {  	s0 =	sand.u32 $0x3FFFFB80, s2;
	v1 =	vld.idx.msk [tilespmem:v3+s18+$0x0], $0xffff  }
0x109: {  	v2 =	vld.idx.msk [tilespmem:v0+s0+$0x0 ss:$0x1], $0xffff;
	_ =	sdelay $0x4  }
0x10a: {  	v2 =	vmul.f32 v2, v1;
	_ =	sdelay $0x1  }
0x10b: {  	[tilespmem:v0+s0+$0x0 ss:$0x1] =	vst.idx.msk $0xffff, v2  }
0x10c: {  	v2 =	vld.idx.msk [tilespmem:v0+s0+$0x10 ss:$0x1], $0xffff;
	_ =	sdelay $0x4  }
0x10d: {  	v2 =	vmul.f32 v2, v1;
	_ =	sdelay $0x1  }
0x10e: {  	[tilespmem:v0+s0+$0x10 ss:$0x1] =	vst.idx.msk $0xffff, v2  }
0x10f: {  	v2 =	vld.idx.msk [tilespmem:v0+s0+$0x20 ss:$0x1], $0xffff;
	_ =	sdelay $0x4  }
0x110: {  	v2 =	vmul.f32 v2, v1;
	_ =	sdelay $0x1  }
0x111: {  	[tilespmem:v0+s0+$0x20 ss:$0x1] =	vst.idx.msk $0xffff, v2  }
0x112: {  	v2 =	vld.idx.msk [tilespmem:v0+s0+$0x30 ss:$0x1], $0xffff;
	_ =	sdelay $0x4  }
0x113: {  	v2 =	vmul.f32 v2, v1;
	_ =	sdelay $0x1  }
0x114: {  	[tilespmem:v0+s0+$0x30 ss:$0x1] =	vst.idx.msk $0xffff, v2  }
0x115: {  	v2 =	vld.idx.msk [tilespmem:v0+s0+$0x40 ss:$0x1], $0xffff;
	_ =	sdelay $0x4  }
0x116: {  	v2 =	vmul.f32 v2, v1;
	_ =	sdelay $0x1  }
0x117: {  	[tilespmem:v0+s0+$0x40 ss:$0x1] =	vst.idx.msk $0xffff, v2  }
0x118: {  	v2 =	vld.idx.msk [tilespmem:v0+s0+$0x50 ss:$0x1], $0xffff;
	_ =	sdelay $0x4  }
0x119: {  	v2 =	vmul.f32 v2, v1;
	_ =	sdelay $0x1  }
0x11a: {  	[tilespmem:v0+s0+$0x50 ss:$0x1] =	vst.idx.msk $0xffff, v2  }
0x11b: {  	v2 =	vld.idx.msk [tilespmem:v0+s0+$0x60 ss:$0x1], $0xffff;
	_ =	sdelay $0x4  }
0x11c: {  	v2 =	vmul.f32 v2, v1  }
0x11d: {  	s2 =	sor.u32 $0x8, s30  }
0x11e: {  	s31 =	sadd.s32 s28, s2;
	[tilespmem:v0+s0+$0x60 ss:$0x1] =	vst.idx.msk $0xffff, v2  }
0x11f: {  	v3 =	vmov s31;
	v2 =	vld.idx.msk [tilespmem:v0+s0+$0x70 ss:$0x1], $0xffff  }
0x120: {  	v3 =	vand.u32 $0xFFFFFFF8, v3  }
0x121: {  	v3 =	vbroadcast v3, $0x0;
	_ =	sdelay $0x2  }
0x122: {  	v1 =	vmul.f32 v2, v1;
	_ =	sdelay $0x1  }
0x123: {  	s31 =	sshll.u32 s2, $0x7;
	[tilespmem:v0+s0+$0x70 ss:$0x1] =	vst.idx.msk $0xffff, v1  }
0x124: {  	s0 =	sand.u32 $0x3FFFFC00, s31;
	v1 =	vld.idx.msk [tilespmem:v3+s18+$0x0], $0xffff  }
0x125: {  	v2 =	vld.idx.msk [tilespmem:v0+s0+$0x0 ss:$0x1], $0xffff;
	_ =	sdelay $0x4  }
0x126: {  	v2 =	vmul.f32 v2, v1;
	_ =	sdelay $0x1  }
0x127: {  	[tilespmem:v0+s0+$0x0 ss:$0x1] =	vst.idx.msk $0xffff, v2  }
0x128: {  	v2 =	vld.idx.msk [tilespmem:v0+s0+$0x10 ss:$0x1], $0xffff;
	_ =	sdelay $0x4  }
0x129: {  	v2 =	vmul.f32 v2, v1;
	_ =	sdelay $0x1  }
0x12a: {  	[tilespmem:v0+s0+$0x10 ss:$0x1] =	vst.idx.msk $0xffff, v2  }
0x12b: {  	v2 =	vld.idx.msk [tilespmem:v0+s0+$0x20 ss:$0x1], $0xffff;
	_ =	sdelay $0x4  }
0x12c: {  	v2 =	vmul.f32 v2, v1;
	_ =	sdelay $0x1  }
0x12d: {  	[tilespmem:v0+s0+$0x20 ss:$0x1] =	vst.idx.msk $0xffff, v2  }
0x12e: {  	v2 =	vld.idx.msk [tilespmem:v0+s0+$0x30 ss:$0x1], $0xffff;
	_ =	sdelay $0x4  }
0x12f: {  	v2 =	vmul.f32 v2, v1;
	_ =	sdelay $0x1  }
0x130: {  	[tilespmem:v0+s0+$0x30 ss:$0x1] =	vst.idx.msk $0xffff, v2  }
0x131: {  	v2 =	vld.idx.msk [tilespmem:v0+s0+$0x40 ss:$0x1], $0xffff;
	_ =	sdelay $0x4  }
0x132: {  	v2 =	vmul.f32 v2, v1;
	_ =	sdelay $0x1  }
0x133: {  	[tilespmem:v0+s0+$0x40 ss:$0x1] =	vst.idx.msk $0xffff, v2  }
0x134: {  	v2 =	vld.idx.msk [tilespmem:v0+s0+$0x50 ss:$0x1], $0xffff;
	_ =	sdelay $0x4  }
0x135: {  	v2 =	vmul.f32 v2, v1;
	_ =	sdelay $0x1  }
0x136: {  	[tilespmem:v0+s0+$0x50 ss:$0x1] =	vst.idx.msk $0xffff, v2  }
0x137: {  	v2 =	vld.idx.msk [tilespmem:v0+s0+$0x60 ss:$0x1], $0xffff;
	_ =	sdelay $0x4  }
0x138: {  	v2 =	vmul.f32 v2, v1  }
0x139: {  	s2 =	sor.u32 $0x9, s30  }
0x13a: {  	s31 =	sadd.s32 s28, s2;
	[tilespmem:v0+s0+$0x60 ss:$0x1] =	vst.idx.msk $0xffff, v2  }
0x13b: {  	v3 =	vmov s31;
	v2 =	vld.idx.msk [tilespmem:v0+s0+$0x70 ss:$0x1], $0xffff  }
0x13c: {  	v3 =	vand.u32 $0xFFFFFFF9, v3  }
0x13d: {  	v3 =	vbroadcast v3, $0x0;
	_ =	sdelay $0x2  }
0x13e: {  	v1 =	vmul.f32 v2, v1;
	_ =	sdelay $0x1  }
0x13f: {  	s2 =	sshll.u32 s2, $0x7;
	[tilespmem:v0+s0+$0x70 ss:$0x1] =	vst.idx.msk $0xffff, v1  }
0x140: {  	s0 =	sand.u32 $0x3FFFFC80, s2;
	v1 =	vld.idx.msk [tilespmem:v3+s18+$0x0], $0xffff  }
0x141: {  	v2 =	vld.idx.msk [tilespmem:v0+s0+$0x0 ss:$0x1], $0xffff;
	_ =	sdelay $0x4  }
0x142: {  	v2 =	vmul.f32 v2, v1;
	_ =	sdelay $0x1  }
0x143: {  	[tilespmem:v0+s0+$0x0 ss:$0x1] =	vst.idx.msk $0xffff, v2  }
0x144: {  	v2 =	vld.idx.msk [tilespmem:v0+s0+$0x10 ss:$0x1], $0xffff;
	_ =	sdelay $0x4  }
0x145: {  	v2 =	vmul.f32 v2, v1;
	_ =	sdelay $0x1  }
0x146: {  	[tilespmem:v0+s0+$0x10 ss:$0x1] =	vst.idx.msk $0xffff, v2  }
0x147: {  	v2 =	vld.idx.msk [tilespmem:v0+s0+$0x20 ss:$0x1], $0xffff;
	_ =	sdelay $0x4  }
0x148: {  	v2 =	vmul.f32 v2, v1;
	_ =	sdelay $0x1  }
0x149: {  	[tilespmem:v0+s0+$0x20 ss:$0x1] =	vst.idx.msk $0xffff, v2  }
0x14a: {  	v2 =	vld.idx.msk [tilespmem:v0+s0+$0x30 ss:$0x1], $0xffff;
	_ =	sdelay $0x4  }
0x14b: {  	v2 =	vmul.f32 v2, v1;
	_ =	sdelay $0x1  }
0x14c: {  	[tilespmem:v0+s0+$0x30 ss:$0x1] =	vst.idx.msk $0xffff, v2  }
0x14d: {  	v2 =	vld.idx.msk [tilespmem:v0+s0+$0x40 ss:$0x1], $0xffff;
	_ =	sdelay $0x4  }
0x14e: {  	v2 =	vmul.f32 v2, v1;
	_ =	sdelay $0x1  }
0x14f: {  	[tilespmem:v0+s0+$0x40 ss:$0x1] =	vst.idx.msk $0xffff, v2  }
0x150: {  	v2 =	vld.idx.msk [tilespmem:v0+s0+$0x50 ss:$0x1], $0xffff;
	_ =	sdelay $0x4  }
0x151: {  	v2 =	vmul.f32 v2, v1;
	_ =	sdelay $0x1  }
0x152: {  	[tilespmem:v0+s0+$0x50 ss:$0x1] =	vst.idx.msk $0xffff, v2  }
0x153: {  	v2 =	vld.idx.msk [tilespmem:v0+s0+$0x60 ss:$0x1], $0xffff;
	_ =	sdelay $0x4  }
0x154: {  	v2 =	vmul.f32 v2, v1  }
0x155: {  	s2 =	sor.u32 $0xA, s30  }
0x156: {  	s31 =	sadd.s32 s28, s2;
	[tilespmem:v0+s0+$0x60 ss:$0x1] =	vst.idx.msk $0xffff, v2  }
0x157: {  	v3 =	vmov s31;
	v2 =	vld.idx.msk [tilespmem:v0+s0+$0x70 ss:$0x1], $0xffff  }
0x158: {  	v3 =	vand.u32 $0xFFFFFFFA, v3  }
0x159: {  	v3 =	vbroadcast v3, $0x0;
	_ =	sdelay $0x2  }
0x15a: {  	v1 =	vmul.f32 v2, v1;
	_ =	sdelay $0x1  }
0x15b: {  	s31 =	sshll.u32 s2, $0x7;
	[tilespmem:v0+s0+$0x70 ss:$0x1] =	vst.idx.msk $0xffff, v1  }
0x15c: {  	s0 =	sand.u32 $0x3FFFFD00, s31;
	v1 =	vld.idx.msk [tilespmem:v3+s18+$0x0], $0xffff  }
0x15d: {  	v2 =	vld.idx.msk [tilespmem:v0+s0+$0x0 ss:$0x1], $0xffff;
	_ =	sdelay $0x4  }
0x15e: {  	v2 =	vmul.f32 v2, v1;
	_ =	sdelay $0x1  }
0x15f: {  	[tilespmem:v0+s0+$0x0 ss:$0x1] =	vst.idx.msk $0xffff, v2  }
0x160: {  	v2 =	vld.idx.msk [tilespmem:v0+s0+$0x10 ss:$0x1], $0xffff;
	_ =	sdelay $0x4  }
0x161: {  	v2 =	vmul.f32 v2, v1;
	_ =	sdelay $0x1  }
0x162: {  	[tilespmem:v0+s0+$0x10 ss:$0x1] =	vst.idx.msk $0xffff, v2  }
0x163: {  	v2 =	vld.idx.msk [tilespmem:v0+s0+$0x20 ss:$0x1], $0xffff;
	_ =	sdelay $0x4  }
0x164: {  	v2 =	vmul.f32 v2, v1;
	_ =	sdelay $0x1  }
0x165: {  	[tilespmem:v0+s0+$0x20 ss:$0x1] =	vst.idx.msk $0xffff, v2  }
0x166: {  	v2 =	vld.idx.msk [tilespmem:v0+s0+$0x30 ss:$0x1], $0xffff;
	_ =	sdelay $0x4  }
0x167: {  	v2 =	vmul.f32 v2, v1;
	_ =	sdelay $0x1  }
0x168: {  	[tilespmem:v0+s0+$0x30 ss:$0x1] =	vst.idx.msk $0xffff, v2  }
0x169: {  	v2 =	vld.idx.msk [tilespmem:v0+s0+$0x40 ss:$0x1], $0xffff;
	_ =	sdelay $0x4  }
0x16a: {  	v2 =	vmul.f32 v2, v1;
	_ =	sdelay $0x1  }
0x16b: {  	[tilespmem:v0+s0+$0x40 ss:$0x1] =	vst.idx.msk $0xffff, v2  }
0x16c: {  	v2 =	vld.idx.msk [tilespmem:v0+s0+$0x50 ss:$0x1], $0xffff;
	_ =	sdelay $0x4  }
0x16d: {  	v2 =	vmul.f32 v2, v1;
	_ =	sdelay $0x1  }
0x16e: {  	[tilespmem:v0+s0+$0x50 ss:$0x1] =	vst.idx.msk $0xffff, v2  }
0x16f: {  	v2 =	vld.idx.msk [tilespmem:v0+s0+$0x60 ss:$0x1], $0xffff;
	_ =	sdelay $0x4  }
0x170: {  	v2 =	vmul.f32 v2, v1  }
0x171: {  	s2 =	sor.u32 $0xB, s30  }
0x172: {  	s31 =	sadd.s32 s28, s2;
	[tilespmem:v0+s0+$0x60 ss:$0x1] =	vst.idx.msk $0xffff, v2  }
0x173: {  	v3 =	vmov s31;
	v2 =	vld.idx.msk [tilespmem:v0+s0+$0x70 ss:$0x1], $0xffff  }
0x174: {  	v3 =	vand.u32 $0xFFFFFFFB, v3  }
0x175: {  	v3 =	vbroadcast v3, $0x0;
	_ =	sdelay $0x2  }
0x176: {  	v1 =	vmul.f32 v2, v1;
	_ =	sdelay $0x1  }
0x177: {  	s2 =	sshll.u32 s2, $0x7;
	[tilespmem:v0+s0+$0x70 ss:$0x1] =	vst.idx.msk $0xffff, v1  }
0x178: {  	s0 =	sand.u32 $0x3FFFFD80, s2;
	v1 =	vld.idx.msk [tilespmem:v3+s18+$0x0], $0xffff  }
0x179: {  	v2 =	vld.idx.msk [tilespmem:v0+s0+$0x0 ss:$0x1], $0xffff;
	_ =	sdelay $0x4  }
0x17a: {  	v2 =	vmul.f32 v2, v1;
	_ =	sdelay $0x1  }
0x17b: {  	[tilespmem:v0+s0+$0x0 ss:$0x1] =	vst.idx.msk $0xffff, v2  }
0x17c: {  	v2 =	vld.idx.msk [tilespmem:v0+s0+$0x10 ss:$0x1], $0xffff;
	_ =	sdelay $0x4  }
0x17d: {  	v2 =	vmul.f32 v2, v1;
	_ =	sdelay $0x1  }
0x17e: {  	[tilespmem:v0+s0+$0x10 ss:$0x1] =	vst.idx.msk $0xffff, v2  }
0x17f: {  	v2 =	vld.idx.msk [tilespmem:v0+s0+$0x20 ss:$0x1], $0xffff;
	_ =	sdelay $0x4  }
0x180: {  	v2 =	vmul.f32 v2, v1;
	_ =	sdelay $0x1  }
0x181: {  	[tilespmem:v0+s0+$0x20 ss:$0x1] =	vst.idx.msk $0xffff, v2  }
0x182: {  	v2 =	vld.idx.msk [tilespmem:v0+s0+$0x30 ss:$0x1], $0xffff;
	_ =	sdelay $0x4  }
0x183: {  	v2 =	vmul.f32 v2, v1;
	_ =	sdelay $0x1  }
0x184: {  	[tilespmem:v0+s0+$0x30 ss:$0x1] =	vst.idx.msk $0xffff, v2  }
0x185: {  	v2 =	vld.idx.msk [tilespmem:v0+s0+$0x40 ss:$0x1], $0xffff;
	_ =	sdelay $0x4  }
0x186: {  	v2 =	vmul.f32 v2, v1;
	_ =	sdelay $0x1  }
0x187: {  	[tilespmem:v0+s0+$0x40 ss:$0x1] =	vst.idx.msk $0xffff, v2  }
0x188: {  	v2 =	vld.idx.msk [tilespmem:v0+s0+$0x50 ss:$0x1], $0xffff;
	_ =	sdelay $0x4  }
0x189: {  	v2 =	vmul.f32 v2, v1;
	_ =	sdelay $0x1  }
0x18a: {  	[tilespmem:v0+s0+$0x50 ss:$0x1] =	vst.idx.msk $0xffff, v2  }
0x18b: {  	v2 =	vld.idx.msk [tilespmem:v0+s0+$0x60 ss:$0x1], $0xffff;
	_ =	sdelay $0x4  }
0x18c: {  	v2 =	vmul.f32 v2, v1  }
0x18d: {  	s2 =	sor.u32 $0xC, s30  }
0x18e: {  	s31 =	sadd.s32 s28, s2;
	[tilespmem:v0+s0+$0x60 ss:$0x1] =	vst.idx.msk $0xffff, v2  }
0x18f: {  	v3 =	vmov s31;
	v2 =	vld.idx.msk [tilespmem:v0+s0+$0x70 ss:$0x1], $0xffff  }
0x190: {  	v3 =	vand.u32 $0xFFFFFFFC, v3  }
0x191: {  	v3 =	vbroadcast v3, $0x0;
	_ =	sdelay $0x2  }
0x192: {  	v1 =	vmul.f32 v2, v1;
	_ =	sdelay $0x1  }
0x193: {  	s31 =	sshll.u32 s2, $0x7;
	[tilespmem:v0+s0+$0x70 ss:$0x1] =	vst.idx.msk $0xffff, v1  }
0x194: {  	s0 =	sand.u32 $0x3FFFFE00, s31;
	v1 =	vld.idx.msk [tilespmem:v3+s18+$0x0], $0xffff  }
0x195: {  	v2 =	vld.idx.msk [tilespmem:v0+s0+$0x0 ss:$0x1], $0xffff;
	_ =	sdelay $0x4  }
0x196: {  	v2 =	vmul.f32 v2, v1;
	_ =	sdelay $0x1  }
0x197: {  	[tilespmem:v0+s0+$0x0 ss:$0x1] =	vst.idx.msk $0xffff, v2  }
0x198: {  	v2 =	vld.idx.msk [tilespmem:v0+s0+$0x10 ss:$0x1], $0xffff;
	_ =	sdelay $0x4  }
0x199: {  	v2 =	vmul.f32 v2, v1;
	_ =	sdelay $0x1  }
0x19a: {  	[tilespmem:v0+s0+$0x10 ss:$0x1] =	vst.idx.msk $0xffff, v2  }
0x19b: {  	v2 =	vld.idx.msk [tilespmem:v0+s0+$0x20 ss:$0x1], $0xffff;
	_ =	sdelay $0x4  }
0x19c: {  	v2 =	vmul.f32 v2, v1;
	_ =	sdelay $0x1  }
0x19d: {  	[tilespmem:v0+s0+$0x20 ss:$0x1] =	vst.idx.msk $0xffff, v2  }
0x19e: {  	v2 =	vld.idx.msk [tilespmem:v0+s0+$0x30 ss:$0x1], $0xffff;
	_ =	sdelay $0x4  }
0x19f: {  	v2 =	vmul.f32 v2, v1;
	_ =	sdelay $0x1  }
0x1a0: {  	[tilespmem:v0+s0+$0x30 ss:$0x1] =	vst.idx.msk $0xffff, v2  }
0x1a1: {  	v2 =	vld.idx.msk [tilespmem:v0+s0+$0x40 ss:$0x1], $0xffff;
	_ =	sdelay $0x4  }
0x1a2: {  	v2 =	vmul.f32 v2, v1;
	_ =	sdelay $0x1  }
0x1a3: {  	[tilespmem:v0+s0+$0x40 ss:$0x1] =	vst.idx.msk $0xffff, v2  }
0x1a4: {  	v2 =	vld.idx.msk [tilespmem:v0+s0+$0x50 ss:$0x1], $0xffff;
	_ =	sdelay $0x4  }
0x1a5: {  	v2 =	vmul.f32 v2, v1;
	_ =	sdelay $0x1  }
0x1a6: {  	[tilespmem:v0+s0+$0x50 ss:$0x1] =	vst.idx.msk $0xffff, v2  }
0x1a7: {  	v2 =	vld.idx.msk [tilespmem:v0+s0+$0x60 ss:$0x1], $0xffff;
	_ =	sdelay $0x4  }
0x1a8: {  	v2 =	vmul.f32 v2, v1  }
0x1a9: {  	s2 =	sor.u32 $0xD, s30  }
0x1aa: {  	s31 =	sadd.s32 s28, s2;
	[tilespmem:v0+s0+$0x60 ss:$0x1] =	vst.idx.msk $0xffff, v2  }
0x1ab: {  	v2 =	vmov s31;
	v3 =	vld.idx.msk [tilespmem:v0+s0+$0x70 ss:$0x1], $0xffff  }
0x1ac: {  	v2 =	vand.u32 $0xFFFFFFFD, v2  }
0x1ad: {  	v2 =	vbroadcast v2, $0x0;
	_ =	sdelay $0x2  }
0x1ae: {  	v1 =	vmul.f32 v3, v1;
	_ =	sdelay $0x1  }
0x1af: {  	s2 =	sshll.u32 s2, $0x7;
	[tilespmem:v0+s0+$0x70 ss:$0x1] =	vst.idx.msk $0xffff, v1  }
0x1b0: {  	s0 =	sand.u32 $0x3FFFFE80, s2;
	v1 =	vld.idx.msk [tilespmem:v2+s18+$0x0], $0xffff  }
0x1b1: {  	v2 =	vld.idx.msk [tilespmem:v0+s0+$0x0 ss:$0x1], $0xffff;
	_ =	sdelay $0x4  }
0x1b2: {  	v2 =	vmul.f32 v2, v1;
	_ =	sdelay $0x1  }
0x1b3: {  	[tilespmem:v0+s0+$0x0 ss:$0x1] =	vst.idx.msk $0xffff, v2  }
0x1b4: {  	v2 =	vld.idx.msk [tilespmem:v0+s0+$0x10 ss:$0x1], $0xffff;
	_ =	sdelay $0x4  }
0x1b5: {  	v2 =	vmul.f32 v2, v1;
	_ =	sdelay $0x1  }
0x1b6: {  	[tilespmem:v0+s0+$0x10 ss:$0x1] =	vst.idx.msk $0xffff, v2  }
0x1b7: {  	v2 =	vld.idx.msk [tilespmem:v0+s0+$0x20 ss:$0x1], $0xffff;
	_ =	sdelay $0x4  }
0x1b8: {  	v2 =	vmul.f32 v2, v1;
	_ =	sdelay $0x1  }
0x1b9: {  	[tilespmem:v0+s0+$0x20 ss:$0x1] =	vst.idx.msk $0xffff, v2  }
0x1ba: {  	v2 =	vld.idx.msk [tilespmem:v0+s0+$0x30 ss:$0x1], $0xffff;
	_ =	sdelay $0x4  }
0x1bb: {  	v2 =	vmul.f32 v2, v1;
	_ =	sdelay $0x1  }
0x1bc: {  	[tilespmem:v0+s0+$0x30 ss:$0x1] =	vst.idx.msk $0xffff, v2  }
0x1bd: {  	v2 =	vld.idx.msk [tilespmem:v0+s0+$0x40 ss:$0x1], $0xffff;
	_ =	sdelay $0x4  }
0x1be: {  	v2 =	vmul.f32 v2, v1;
	_ =	sdelay $0x1  }
0x1bf: {  	[tilespmem:v0+s0+$0x40 ss:$0x1] =	vst.idx.msk $0xffff, v2  }
0x1c0: {  	v2 =	vld.idx.msk [tilespmem:v0+s0+$0x50 ss:$0x1], $0xffff;
	_ =	sdelay $0x4  }
0x1c1: {  	v2 =	vmul.f32 v2, v1;
	_ =	sdelay $0x1  }
0x1c2: {  	[tilespmem:v0+s0+$0x50 ss:$0x1] =	vst.idx.msk $0xffff, v2  }
0x1c3: {  	v2 =	vld.idx.msk [tilespmem:v0+s0+$0x60 ss:$0x1], $0xffff;
	_ =	sdelay $0x4  }
0x1c4: {  	v2 =	vmul.f32 v2, v1  }
0x1c5: {  	s31 =	sor.u32 $0xE, s30  }
0x1c6: {  	s30 =	sadd.s32 s28, s31;
	[tilespmem:v0+s0+$0x60 ss:$0x1] =	vst.idx.msk $0xffff, v2  }
0x1c7: {  	v3 =	vmov s30;
	v2 =	vld.idx.msk [tilespmem:v0+s0+$0x70 ss:$0x1], $0xffff  }
0x1c8: {  	v3 =	vand.u32 $0xFFFFFFFE, v3  }
0x1c9: {  	v3 =	vbroadcast v3, $0x0;
	_ =	sdelay $0x2  }
0x1ca: {  	v1 =	vmul.f32 v2, v1;
	_ =	sdelay $0x1  }
0x1cb: {  	s30 =	sshll.u32 s31, $0x7;
	[tilespmem:v0+s0+$0x70 ss:$0x1] =	vst.idx.msk $0xffff, v1  }
0x1cc: {  	s0 =	sand.u32 $0x3FFFFF00, s30;
	v1 =	vld.idx.msk [tilespmem:v3+s18+$0x0], $0xffff  }
0x1cd: {  	v2 =	vld.idx.msk [tilespmem:v0+s0+$0x0 ss:$0x1], $0xffff;
	_ =	sdelay $0x4  }
0x1ce: {  	v2 =	vmul.f32 v2, v1;
	_ =	sdelay $0x1  }
0x1cf: {  	[tilespmem:v0+s0+$0x0 ss:$0x1] =	vst.idx.msk $0xffff, v2  }
0x1d0: {  	v2 =	vld.idx.msk [tilespmem:v0+s0+$0x10 ss:$0x1], $0xffff;
	_ =	sdelay $0x4  }
0x1d1: {  	v2 =	vmul.f32 v2, v1;
	_ =	sdelay $0x1  }
0x1d2: {  	[tilespmem:v0+s0+$0x10 ss:$0x1] =	vst.idx.msk $0xffff, v2  }
0x1d3: {  	v2 =	vld.idx.msk [tilespmem:v0+s0+$0x20 ss:$0x1], $0xffff;
	_ =	sdelay $0x4  }
0x1d4: {  	v2 =	vmul.f32 v2, v1;
	_ =	sdelay $0x1  }
0x1d5: {  	[tilespmem:v0+s0+$0x20 ss:$0x1] =	vst.idx.msk $0xffff, v2  }
0x1d6: {  	v2 =	vld.idx.msk [tilespmem:v0+s0+$0x30 ss:$0x1], $0xffff;
	_ =	sdelay $0x4  }
0x1d7: {  	v2 =	vmul.f32 v2, v1;
	_ =	sdelay $0x1  }
0x1d8: {  	[tilespmem:v0+s0+$0x30 ss:$0x1] =	vst.idx.msk $0xffff, v2  }
0x1d9: {  	v2 =	vld.idx.msk [tilespmem:v0+s0+$0x40 ss:$0x1], $0xffff;
	_ =	sdelay $0x4  }
0x1da: {  	v2 =	vmul.f32 v2, v1;
	_ =	sdelay $0x1  }
0x1db: {  	[tilespmem:v0+s0+$0x40 ss:$0x1] =	vst.idx.msk $0xffff, v2  }
0x1dc: {  	v2 =	vld.idx.msk [tilespmem:v0+s0+$0x50 ss:$0x1], $0xffff;
	_ =	sdelay $0x4  }
0x1dd: {  	v2 =	vmul.f32 v2, v1;
	_ =	sdelay $0x1  }
0x1de: {  	[tilespmem:v0+s0+$0x50 ss:$0x1] =	vst.idx.msk $0xffff, v2  }
0x1df: {  	v2 =	vld.idx.msk [tilespmem:v0+s0+$0x60 ss:$0x1], $0xffff;
	_ =	sdelay $0x4  }
0x1e0: {  	v2 =	vmul.f32 v2, v1;
	_ =	sdelay $0x1  }
0x1e1: {  	[tilespmem:v0+s0+$0x60 ss:$0x1] =	vst.idx.msk $0xffff, v2  }
0x1e2: {  	v2 =	vld.idx.msk [tilespmem:v0+s0+$0x70 ss:$0x1], $0xffff  }
0x1e3: {  	s2 =	sshllo.u32 s29, $0x4  }
0x1e4: {  	s31 =	sadd.s32 s28, s2  }
0x1e5: {  	v3 =	vmov s31;
	_ =	sdelay $0x1  }
0x1e6: {  	v1 =	vmul.f32 v2, v1;
	_ =	sdelay $0x1  }
0x1e7: {  	s31 =	sshll.u32 s2, $0x7;
	[tilespmem:v0+s0+$0x70 ss:$0x1] =	vst.idx.msk $0xffff, v1  }
0x1e8: {  	s0 =	sand.u32 $0x3FFFFF80, s31;
	v1 =	vld.idx.msk [tilespmem:v3+s18+$0x0], $0xffff  }
0x1e9: {  	v2 =	vld.idx.msk [tilespmem:v0+s0+$0x0 ss:$0x1], $0xffff;
	_ =	sdelay $0x4  }
0x1ea: {  	v2 =	vmul.f32 v2, v1;
	_ =	sdelay $0x1  }
0x1eb: {  	[tilespmem:v0+s0+$0x0 ss:$0x1] =	vst.idx.msk $0xffff, v2  }
0x1ec: {  	v2 =	vld.idx.msk [tilespmem:v0+s0+$0x10 ss:$0x1], $0xffff;
	_ =	sdelay $0x4  }
0x1ed: {  	v2 =	vmul.f32 v2, v1;
	_ =	sdelay $0x1  }
0x1ee: {  	[tilespmem:v0+s0+$0x10 ss:$0x1] =	vst.idx.msk $0xffff, v2  }
0x1ef: {  	v2 =	vld.idx.msk [tilespmem:v0+s0+$0x20 ss:$0x1], $0xffff;
	_ =	sdelay $0x4  }
0x1f0: {  	v2 =	vmul.f32 v2, v1;
	_ =	sdelay $0x1  }
0x1f1: {  	[tilespmem:v0+s0+$0x20 ss:$0x1] =	vst.idx.msk $0xffff, v2  }
0x1f2: {  	v2 =	vld.idx.msk [tilespmem:v0+s0+$0x30 ss:$0x1], $0xffff;
	_ =	sdelay $0x4  }
0x1f3: {  	v2 =	vmul.f32 v2, v1;
	_ =	sdelay $0x1  }
0x1f4: {  	[tilespmem:v0+s0+$0x30 ss:$0x1] =	vst.idx.msk $0xffff, v2  }
0x1f5: {  	v2 =	vld.idx.msk [tilespmem:v0+s0+$0x40 ss:$0x1], $0xffff;
	_ =	sdelay $0x4  }
0x1f6: {  	v2 =	vmul.f32 v2, v1;
	_ =	sdelay $0x1  }
0x1f7: {  	[tilespmem:v0+s0+$0x40 ss:$0x1] =	vst.idx.msk $0xffff, v2  }
0x1f8: {  	v2 =	vld.idx.msk [tilespmem:v0+s0+$0x50 ss:$0x1], $0xffff;
	_ =	sdelay $0x4  }
0x1f9: {  	v2 =	vmul.f32 v2, v1;
	_ =	sdelay $0x1  }
0x1fa: {  	[tilespmem:v0+s0+$0x50 ss:$0x1] =	vst.idx.msk $0xffff, v2  }
0x1fb: {  	v2 =	vld.idx.msk [tilespmem:v0+s0+$0x60 ss:$0x1], $0xffff;
	_ =	sdelay $0x4  }
0x1fc: {  	v2 =	vmul.f32 v2, v1;
	_ =	sdelay $0x1  }
0x1fd: {  	[tilespmem:v0+s0+$0x60 ss:$0x1] =	vst.idx.msk $0xffff, v2  }
0x1fe: {  	v2 =	vld.idx.msk [tilespmem:v0+s0+$0x70 ss:$0x1], $0xffff;
	_ =	sdelay $0x1  }
0x1ff: {  	p0 =	sne.s32 s29, $0x4  }
.Ltmp2:
0x200: {  	_ = 	snop;
	(pc) =	sbr.rel @p0 .LBB2_8-.Ltmp2, $3  }
0x201: {  	_ = 	snop  }
0x202: {  	v1 =	vmul.f32 v2, v1;
	_ =	sdelay $0x1  }
0x203: {  	s29 =	sadd.s32 $0x1, s29;
	[tilespmem:v0+s0+$0x70 ss:$0x1] =	vst.idx.msk $0xffff, v1  }
0x204: {  	p0 =	sne.s32 s25, $0x19  }
.Ltmp3:
0x205: {  	_ = 	snop;
	(pc) =	sbr.rel @p0 .LBB2_3-.Ltmp3, $4  }
0x206: {  	s0 =	sshll.u32 s24, $0x7  }
0x207: {  	s0 =	sand.u32 $0x3FFFFF80, s0  }
0x208: {  	s24 =	smov.u32 s25;
	s0 =	sadd.s32 $0x1000, s0  }
0x209: {  	[spmem:s3] =	stream.indirect.scatter.add.f32 [tilespmem:s26], [sflag:$0x2], $0x80, s0, s19, $0xb8;
	[tilespmem:$0x1B400] =	vst v63  }
0x20a: {  	s23 =	sadd.s32 $0x1, s23  }
0x20b: {  	_ =	swait.ge [sflag:s22], $0x2800;
	p0 =	sne.s32 s23, $0x5  }
.Ltmp4:
0x20c: {  	[sflag:s22] =	ssyncset.done $0x0;
	(pc) =	sbr.rel @p0 .LBB2_2-.Ltmp4, $4  }
0x20d: {  	[sflag:s22] =	ssyncadd.s32 $0xFFFFD800  }
0x20e: {  	_ =	swait.ge [sflag:s22], $0x2800  }
0x20f: {  	[sflag:s22] =	ssyncset.done $0x0  }
0x210: {  	[sflag:s22] =	ssyncadd.s32 $0xFFFFD800  }
0x211: {  	s4 =	sadd.s32 $0x1, s4  }
0x212: {  	p0 =	sne.s32 s4, s12  }
.Ltmp5:
0x213: {  	[bflag:$0x0] =	sbarrier.arrive $0xFFFF;
	(pc) =	sbr.rel @p0 .LBB2_1-.Ltmp5, $4  }
0x214: {  	[hbm:s11], [sflag:s8] =	dma.local [spmem:s13], $0x2780  }
0x215: {  	_ =	swait.ge [sflag:s14], $0x2780  }
0x216: {  	[sflag:s14] =	ssyncset.done $0x0  }
0x217: {  	[sflag:s14] =	ssyncadd.s32 $0xFFFFD880  }
0x218: {  	_ =	sfence.sel $0x180000  }
0x219: {  	[bflag:$0x0] =	sbarrier.arrive $0xFFFF  }
0x21a: {  	_ =	strace $0x90000050  }
0x21b: {  	s0 =	stileid.u32;
	[bflag:$0x2] =	sbarrier.arrive $0xFFFF  }
0x21c: {  	p0 =	sne.s32 s0, $0x0;
	s0 =	rddreg [dreg:$0x3]  }
0x21d: {  	s0 =	sadd.s32 @!p0 $0x100000, s0  }
0x21e: {  	[sflag:s0] =	ssyncadd.tile.s32 @!p0 $0x1;
	_ =	shalt  }
.Lfunc_end2:
_tile_overlayer_lowered:
.L_overlay_start_2:
0x21f: {  	(tag) =	ssettag $0x2  }
0x220: {  	s0 =	rddreg [dreg:$0x0];
	s2 =	stileid.u32  }
0x221: {  	s1 =	rddreg [dreg:$0x1];
	p0 =	sne.s32 s2, $0x0  }
0x222: {  	s3 =	rddreg [dreg:$0x2];
	[bflag:$0x3] =	sbarrier.arrive $0xFFFF;
	s2 =	simm.s32 @!p0 $0x1C03  }
0x223: {  	[timem:s3], [sflag:s2] =	dma.local @!p0 [hbm:s0], s1  }
0x224: {  	s0 =	simm.s32 @!p0 $0x3  }
0x225: {  	_ =	swait.ge @!p0 [sflag:s0], s1  }
0x226: {  	s1 =	ssub.s32 @!p0 $0x0, s1;
	[sflag:s0] =	ssyncset.done @!p0 $0x0  }
0x227: {  	[sflag:s0] =	ssyncadd.s32 @!p0 s1  }
0x228: {  	[bflag:$0x3] =	sbarrier.arrive $0xFFFF  }
0x229: {  	_ =	shalt  }

// kernel: kernel.9.cloned.1.call-start
scs
__scs_entry_jumppad:
0x0: {  	(pc) =	sbr.rel $0x88, $3  }
0x1: {  	(tag) =	ssettag $0x0;
	lr =	simm.s32 $0x1  }
0x2: {  	[smem:$0x3F95] =	sst lr;
	_ =	strace $0xD0000000  }
0x3: {  	_ = 	snop  }
0x4: {  	_ = 	snop  }
0x5: {  	_ = 	snop  }
0x6: {  	_ = 	snop  }
0x7: {  	_ = 	snop  }
__scs_overlays_trampoline_lowered:
0x8: {  	[smem:$0x3FA4] =	sst s0  }
0x9: {  	[smem:$0x3FA5] =	sst s1  }
0xa: {  	[smem:$0x3FA6] =	sst s2  }
0xb: {  	[smem:$0x3FA7] =	sst s3  }
0xc: {  	[smem:$0x3FA8] =	sst s4  }
0xd: {  	[smem:$0x3FA9] =	sst s5  }
0xe: {  	[smem:$0x3FAA] =	sst s6  }
0xf: {  	[smem:$0x3FAB] =	sst s7  }
0x10: {  	[smem:$0x3FAC] =	sst s8  }
0x11: {  	[smem:$0x3FAD] =	sst s9;
	s0 =	simm.s32 @!p0 $0x0  }
0x12: {  	s1 =	sld [smem:$0x3F93];
	s0 =	simm.s32 @p0 $0x1  }
0x13: {  	[smem:$0x3FAE] =	sst s0;
	s0 =	simm.s32 @!p1 $0x0  }
0x14: {  	s2 =	sld [smem:$0x3F92];
	s0 =	simm.s32 @p1 $0x1  }
0x15: {  	[smem:$0x3FAF] =	sst s0;
	s0 =	simm.s32 @!p2 $0x0  }
0x16: {  	s3 =	sld [smem:$0x3FDB];
	s0 =	simm.s32 @p2 $0x1  }
0x17: {  	s4 =	simm.s32 $0x1BF5;
	[smem:$0x3FB1] =	sst s0  }
0x18: {  	s0 =	sld [smem:$0x3F94];
	_ =	swait.ge [sflag:s4], $0x0  }
0x19: {  	s7 =	sld [smem:$0x3F95]  }
0x1a: {  	s8 =	sadd.s32 $0xFFFFE003, lr  }
0x1b: {  	s9 =	sadd.s32 $0xFFFFFEF7, lr;
	s5 =	simm.s32 $0xFFFFFFFF;
	p2 =	slt.u32 s8, $0xFFFFF086  }
0x1c: {  	p1 =	slt.u32 s9, $0xF7A;
	s5 =	simm.s32 @!p2 $0x0  }
0x1d: {  	s5 =	simm.s32 @p1 $0x1;
	p0 =	seq.s32 s7, s2  }
0x1e: {  	s7 =	smul.u32 @!p0 $0xF7A, s2;
	p2 =	seq.s32 @!p0 s5, $0x0  }
0x1f: {  	s9 =	smul.u32 $0xF7A, s1;
	s8 =	simm.s32 @!p0 $0x1BF5;
	p2 =	por !p2, p0  }
0x20: {  	[sflag:s8] =	ssyncset.s32 @!p0 $0xFFFFF086;
	s6 =	sadd.s32 @!p0 s3, s7;
	s7 =	simm.s32 @!p0 $0x108  }
0x21: {  	s3 =	sadd.s32 s3, s9;
	s6 =	sadd.s32 @!p0 $0x88, s6;
	s7 =	simm.s32 @p2 $0x1082  }
0x22: {  	[simem:s7], [sflag:s8] =	dma.local @!p0 [hbm:s6], $0xF7A  }
0x23: {  	s9 =	sor.u32 $0xD0000000, s2;
	s6 =	simm.s32 $0x108;
	_ =	swait.ge @!p0 [sflag:s8], $0x0  }
0x24: {  	s3 =	sadd.s32 $0x88, s3;
	s6 =	simm.s32 @!p1 $0x1082;
	[sflag:s4] =	ssyncset.s32 $0xFFFFF086  }
0x25: {  	[simem:s6], [sflag:s4] =	dma.local [hbm:s3], $0xF7A  }
0x26: {  	[smem:$0x3F95] =	sst s1;
	(tag) =	ssettag s2;
	_ =	strace s9  }
0x27: {  	s1 =	sld [smem:$0x3FA5]  }
0x28: {  	s2 =	sld [smem:$0x3FA6]  }
0x29: {  	s4 =	sld [smem:$0x3FA8]  }
0x2a: {  	p0 =	seq.s32 s5, $0x0;
	s5 =	sld [smem:$0x3FA9]  }
0x2b: {  	s6 =	sld [smem:$0x3FAA]  }
0x2c: {  	s7 =	sld [smem:$0x3FAB]  }
0x2d: {  	s3 =	simm.s32 $0x108;
	s8 =	sld [smem:$0x3FAC]  }
0x2e: {  	s3 =	simm.s32 @!p0 $0x1082;
	s9 =	sld [smem:$0x3FAD]  }
0x2f: {  	lr =	sadd.s32 s0, s3;
	s0 =	sld [smem:$0x3FA4]  }
0x30: {  	s3 =	sld [smem:$0x3FA7]  }
0x31: {  	[smem:$0x3FB0] =	sst s10  }
0x32: {  	s10 =	sld [smem:$0x3FAE];
	_ =	sdelay $0x3  }
0x33: {  	p0 =	seq.s32 s10, $0x1;
	s10 =	sld [smem:$0x3FB0];
	_ =	sdelay $0x3  }
0x34: {  	[smem:$0x3FB0] =	sst s10  }
0x35: {  	s10 =	sld [smem:$0x3FAF];
	_ =	sdelay $0x3  }
0x36: {  	p1 =	seq.s32 s10, $0x1;
	s10 =	sld [smem:$0x3FB0];
	_ =	sdelay $0x3  }
0x37: {  	[smem:$0x3FB0] =	sst s10  }
0x38: {  	s10 =	sld [smem:$0x3FB1]  }
0x39: {  	_ = 	snop;
	(pc) =	sbr.ind lr, $3  }
0x3a: {  	_ = 	snop  }
0x3b: {  	_ = 	snop  }
0x3c: {  	p2 =	seq.s32 s10, $0x1;
	s10 =	sld [smem:$0x3FB0]  }
0x3d: {  	_ =	shalt  }
0x3e: {  	_ =	shalt  }
0x3f: {  	_ =	shalt  }
0x40: {  	_ =	shalt  }
0x41: {  	_ =	shalt  }
0x42: {  	_ =	shalt  }
0x43: {  	_ =	shalt  }
0x44: {  	_ =	shalt  }
0x45: {  	_ =	shalt  }
0x46: {  	_ =	shalt  }
0x47: {  	_ =	shalt  }
0x48: {  	_ =	shalt  }
0x49: {  	_ =	shalt  }
0x4a: {  	_ =	shalt  }
0x4b: {  	_ =	shalt  }
0x4c: {  	_ =	shalt  }
0x4d: {  	_ =	shalt  }
0x4e: {  	_ =	shalt  }
0x4f: {  	_ =	shalt  }
0x50: {  	_ =	shalt  }
0x51: {  	_ =	shalt  }
0x52: {  	_ =	shalt  }
0x53: {  	_ =	shalt  }
0x54: {  	_ =	shalt  }
0x55: {  	_ =	shalt  }
0x56: {  	_ =	shalt  }
0x57: {  	_ =	shalt  }
0x58: {  	_ =	shalt  }
0x59: {  	_ =	shalt  }
0x5a: {  	_ =	shalt  }
0x5b: {  	_ =	shalt  }
0x5c: {  	_ =	shalt  }
0x5d: {  	_ =	shalt  }
0x5e: {  	_ =	shalt  }
0x5f: {  	_ =	shalt  }
0x60: {  	_ =	shalt  }
0x61: {  	_ =	shalt  }
0x62: {  	_ =	shalt  }
0x63: {  	_ =	shalt  }
0x64: {  	_ =	shalt  }
0x65: {  	_ =	shalt  }
0x66: {  	_ =	shalt  }
0x67: {  	_ =	shalt  }
0x68: {  	_ =	shalt  }
0x69: {  	_ =	shalt  }
0x6a: {  	_ =	shalt  }
0x6b: {  	_ =	shalt  }
0x6c: {  	_ =	shalt  }
0x6d: {  	_ =	shalt  }
0x6e: {  	_ =	shalt  }
0x6f: {  	_ =	shalt  }
0x70: {  	_ =	shalt  }
0x71: {  	_ =	shalt  }
0x72: {  	_ =	shalt  }
0x73: {  	_ =	shalt  }
0x74: {  	_ =	shalt  }
0x75: {  	_ =	shalt  }
0x76: {  	_ =	shalt  }
0x77: {  	_ =	shalt  }
0x78: {  	_ =	shalt  }
0x79: {  	_ =	shalt  }
0x7a: {  	_ =	shalt  }
0x7b: {  	_ =	shalt  }
0x7c: {  	_ =	shalt  }
0x7d: {  	_ =	shalt  }
0x7e: {  	_ =	shalt  }
0x7f: {  	_ =	shalt  }
0x80: {  	_ =	shalt  }
0x81: {  	_ =	shalt  }
0x82: {  	_ =	shalt  }
0x83: {  	_ =	shalt  }
0x84: {  	_ =	shalt  }
0x85: {  	_ =	shalt  }
0x86: {  	_ =	shalt  }
0x87: {  	_ =	shalt  }
.Lfunc_end0:
.L_simem_size_0:
called_computation_lowered:
.L_overlay_start_0:
0x88: {  	s2 =	sld [smem:$0x3FD9]  }
0x89: {  	s3 =	sld [smem:$0x3FFE];
	_ =	sdelay $0x1  }
0x8a: {  	s1 =	srdreg.scid  }
0x8b: {  	s0 =	sand.u32 $0x1, s1  }
0x8c: {  	s16 =	sshll.u32 s0, $0xA;
	s2 =	sadd.s32 s3, s2  }
0x8d: {  	s2 =	sadd.s32 s2, s16  }
0x8e: {  	[smem:$0x3FBC] =	sst s2  }
0x8f: {  	_ = 	snop  }
0x90: {  	(tm) =	ssettm $0x1  }
0x91: {  	s17 =	sld [smem:$0x3FFB];
	_ =	sdelay $0x3  }
0x92: {  	_ =	strace s17  }
0x93: {  	s2 =	sld [smem:$0x3FFC];
	_ =	sdelay $0x3  }
0x94: {  	_ =	strace s2  }
0x95: {  	s2 =	sld [smem:$0x3FFD];
	_ =	sdelay $0x3  }
0x96: {  	_ =	strace s2  }
0x97: {  	_ =	strace $0x8FFFFFFF  }
0x98: {  	s18 =	sld [smem:$0x3FDB];
	_ =	sdelay $0x1  }
0x99: {  	s19 =	simm.s32 $_scs_section_size  }
0x9a: {  	s4 =	simm.s32 $_size__tile_overlayer_lowered;
	s5 =	simm.s32 $_tile_overlayer_lowered  }
0x9b: {  	s22 =	simm.s32 $0x1BFF;
	s21 =	sshll.u32 s5, $0x1;
	s2 =	sadd.s32 s19, s18  }
0x9c: {  	s6 =	simm.s32 $0x0;
	s20 =	sshll.u32 s4, $0x1;
	s4 =	sadd.s32 s21, s2  }
0x9d: {  	[timem:s6], [sflag:s22] =	dma.local [hbm:s4], s20  }
0x9e: {  	_ =	swait.ge [sflag:s22], s20  }
0x9f: {  	s3 =	ssub.s32 $0x0, s20;
	[sflag:s22] =	ssyncset.done $0x0  }
0xa0: {  	[sflag:s22] =	ssyncadd.s32 s3;
	_ =	sdelay $0x1  }
0xa1: {  	s23 =	simm.s32 $0x1B8B  }
0xa2: {  	_ =	swait.ge [sflag:s23], $0x1  }
0xa3: {  	[sflag:s23] =	ssyncset.done $0x0  }
0xa4: {  	s25 =	simm.s32 $0x1B8E;
	s24 =	sld [smem:$0x3FFE];
	[sflag:s23] =	ssyncadd.s32 $0xFFFFFFFF  }
0xa5: {  	s26 =	simm.s32 $execute0_lowered;
	[smem:$0x3FD2] =	sst s25  }
0xa6: {  	s4 =	sshll.u32 s26, $0x1;
	_ =	strace $0x80000046;
	[dreg:$0x1] =	wrdreg $0xFFFFFFFF  }
0xa7: {  	s28 =	simm.s32 $_size_execute0_lowered;
	s2 =	sadd.s32 s2, s4;
	[dreg:$0x0] =	wrdreg $0x0  }
0xa8: {  	s4 =	sshll.u32 s28, $0x1;
	[dreg:$0x2] =	wrdreg s2  }
0xa9: {  	[dreg:$0x3] =	wrdreg s4  }
0xaa: {  	[dreg:$0x4] =	wrdreg $0xC0  }
0xab: {  	_ =	task [dreg:s6], $0x5FFFF  }
0xac: {  	[dreg:$0x1] =	wrdreg $0xFFFFFFFF  }
0xad: {  	[dreg:$0x0] =	wrdreg $0x60  }
0xae: {  	[dreg:$0x2] =	wrdreg s24  }
0xaf: {  	[dreg:$0x3] =	wrdreg $0x9  }
0xb0: {  	_ =	task.clear_ibuf [dreg:s6], $0x4FFFF;
	_ =	strace $0x90000046  }
0xb1: {  	s29 =	simm.s32 $0x9;
	_ =	strace $0x80000048  }
0xb2: {  	_ =	swait.ge [sflag:s29], $0x1  }
0xb3: {  	[sflag:s29] =	ssyncadd.s32 $0xFFFFFFFF  }
0xb4: {  	_ =	strace $0x90000048  }
0xb5: {  	_ =	sfence  }
0xb6: {  	s30 =	sld [smem:$0x0];
	_ =	sdelay $0x2  }
0xb7: {  	s31 =	sshll.u32 s1, $0xD;
	s1 =	sshrl.u32 s1, $0x2  }
0xb8: {  	s3 =	sand.u32 $0x4000, s31;
	s1 =	sadd.s32 s1, s30  }
0xb9: {  	s0 =	sor.u32 s3, s0;
	s1 =	sshll.u32 s1, $0x11  }
0xba: {  	s0 =	sor.u32 s1, s0  }
0xbb: {  	s0 =	sadd.s32 $0x8F2B, s0  }
0xbc: {  	[sflag:s0] =	ssyncadd.remote.s32 $0x1  }
0xbd: {  	_ =	sfence.sel $0xFFFF  }
0xbe: {  	[dreg:$0x0] =	wrdreg $0xFFFFFFFF;
	(pc) =	sbr.abs _section_cstart, $3  }
0xbf: {  	[dreg:$0x1] =	wrdreg $0xFFFFFFFF  }
0xc0: {  	_ =	task.clear_ibuf [dreg:s6], $0x2FFFF;
	_ =	strace $0x9FFFFFFF  }
0xc1: {  	(tm) =	ssettm $0x7FFFFFFF  }
tec
execute0_lowered:
.L_overlay_start_1:
0x0: {  	(tag) =	ssettag $0x1  }
0x1: {  	s5 =	rddreg [dreg:$0x0]  }
0x2: {  	s0 =	rddreg [dreg:$0x1];
	s2 =	simm.s32 $0x0;
	s3 =	srdreg.scid  }
0x3: {  	s1 =	stileid.u32;
	s12 =	simm.s32 $0x8000;
	s13 =	simm.s32 $0xA780  }
0x4: {  	s14 =	simm.s32 $0xCF00;
	s15 =	simm.s32 $0xF680;
	s16 =	simm.s32 $0x0  }
0x5: {  	[smem:$0x7FF] =	sst s2;
	s4 =	sand.u32 $0x1, s3;
	s31 =	sshll.u32 s1, $0x1  }
0x6: {  	s3 =	sadd.s32 $0x25600, s5;
	_ =	strace $0x80000047;
	s6 =	sor.u32 s4, s31  }
0x7: {  	s8 =	ssub.s32 $0x2, s4;
	s7 =	smul.u32 $0x4F0, s6;
	s6 =	sshll.u32 s6, $0xB  }
0x8: {  	s4 =	sadd.s32 $0x25C00, s5;
	s9 =	sshrl.u32 s8, $0x1;
	s10 =	sadd.s32 s6, s5  }
0x9: {  	s9 =	ssub.s32 s8, s9;
	s11 =	sadd.s32 s7, s5;
	s5 =	sadd.s32 $0x15600, s10  }
0xa: {  	s6 =	sadd.s32 $0x5600, s10;
	s7 =	sadd.s32 $0x26200, s10;
	s9 =	smax.u32 s9, $0x1  }
0xb: {  	v0 =	vimm.f32 $0.0e+00;
	s10 =	simm.s32 $0x1;
	s8 =	sadd.s32 $0x36200, s11;
	s11 =	simm.s32 $0x4000  }
.LBB2_1:
0xc: {  	[tilespmem:s2], [sflag:$0x1] =	stream.linear.gather [hbm4b:s5+s2], $0x3E80, $0x38;
	[tilespmem:$0x13680] =	vst v63  }
0xd: {  	_ =	swait.ge [sflag:s10], $0x3E80  }
0xe: {  	[sflag:s10] =	ssyncset.done $0x0  }
0xf: {  	[sflag:s10] =	ssyncadd.s32 $0xFFFFC180  }
0x10: {  	[tilespmem:s11], [sflag:$0x1] =	stream.linear.gather [hbm4b:s6+s2], $0x3E80, $0x38;
	[tilespmem:$0x13680] =	vst v63  }
0x11: {  	_ =	swait.ge [sflag:s10], $0x3E80  }
0x12: {  	[sflag:s10] =	ssyncset.done $0x0  }
0x13: {  	[sflag:s10] =	ssyncadd.s32 $0xFFFFC180  }
0x14: {  	[tilespmem:s12], [sflag:$0x1] =	stream.linear.gather [hbm4b:s3+s2], $0x2780, $0x38;
	[tilespmem:$0x13680] =	vst v63  }
0x15: {  	_ =	swait.ge [sflag:s10], $0x2780  }
0x16: {  	[sflag:s10] =	ssyncset.done $0x0  }
0x17: {  	[sflag:s10] =	ssyncadd.s32 $0xFFFFD880  }
0x18: {  	[tilespmem:s13], [sflag:$0x1] =	stream.linear.gather [hbm4b:s4+s2], $0x2780, $0x38;
	[tilespmem:$0x13680] =	vst v63  }
0x19: {  	_ =	swait.ge [sflag:s10], $0x2780  }
0x1a: {  	[sflag:s10] =	ssyncset.done $0x0  }
0x1b: {  	s17 =	simm.s32 $0x0;
	[sflag:s10] =	ssyncadd.s32 $0xFFFFD880  }
.LBB2_2:
0x1c: {  	p0 =	sne.s32 s17, $0x9C00  }
.Ltmp0:
0x1d: {  	_ = 	snop;
	(pc) =	sbr.rel @p0 .LBB2_2-.Ltmp0, $3  }
0x1e: {  	_ =	sdelay $0x1  }
0x1f: {  	s18 =	sshra.s32 s17, $0x2  }
0x20: {  	s17 =	sadd.s32 $0x40, s17;
	[tilespmem:s18+$0xCF00] =	vst v0  }
0x21: {  	s17 =	simm.s32 $0x0  }
.LBB2_4:
0x22: {  	s18 =	sshra.s32 s17, $0x2  }
0x23: {  	v1 =	vld [tilespmem:s18+$0x0]  }
0x24: {  	v2 =	vld [tilespmem:s18+$0x4000];
	_ =	sdelay $0x6  }
0x25: {  	v1 =	vld.idx.msk [tilespmem:v1+s12+$0x0], $0xffff  }
0x26: {  	v3 =	vld.idx.msk [tilespmem:v2+s13+$0x0], $0xffff;
	_ =	sdelay $0x4  }
0x27: {  	v1 =	vadd.f32 v3, v1;
	_ =	sdelay $0x1  }
0x28: {  	v3 =	vmul.f32 $2.000000030e-01, v1  }
0x29: {  	vm0 =	vge.f32 v1, $0.0e+00  }
0x2a: {  	v1 =	vsel vm0, v1, v3  }
0x2b: {  	v1 =	vmul.f32 $1.442695020e+00, v1;
	_ =	sdelay $0x1  }
0x2c: {  	(erf) = vpow2.f32 v1;
	_ =	sdelay $0x8  }
0x2d: {  	v1 =	vpop (erf)  }
0x2e: {  	[tilespmem:s18+$0xF680] =	vst v1  }
0x2f: {  	[tilespmem:v2+s14+$0x0] =	vst.idx.add.f32.msk $0xffff, v1  }
0x30: {  	v1 =	vld [tilespmem:s18+$0x10]  }
0x31: {  	v2 =	vld [tilespmem:s18+$0x4010];
	_ =	sdelay $0x6  }
0x32: {  	v1 =	vld.idx.msk [tilespmem:v1+s12+$0x0], $0xffff  }
0x33: {  	v3 =	vld.idx.msk [tilespmem:v2+s13+$0x0], $0xffff;
	_ =	sdelay $0x4  }
0x34: {  	v1 =	vadd.f32 v3, v1;
	_ =	sdelay $0x1  }
0x35: {  	v3 =	vmul.f32 $2.000000030e-01, v1  }
0x36: {  	vm12 =	vge.f32 v1, $0.0e+00  }
0x37: {  	v1 =	vsel vm12, v1, v3  }
0x38: {  	v1 =	vmul.f32 $1.442695020e+00, v1;
	_ =	sdelay $0x1  }
0x39: {  	(erf) = vpow2.f32 v1;
	_ =	sdelay $0x8  }
0x3a: {  	v1 =	vpop (erf)  }
0x3b: {  	[tilespmem:s18+$0xF690] =	vst v1  }
0x3c: {  	[tilespmem:v2+s14+$0x0] =	vst.idx.add.f32.msk $0xffff, v1  }
0x3d: {  	v1 =	vld [tilespmem:s18+$0x20]  }
0x3e: {  	v2 =	vld [tilespmem:s18+$0x4020];
	_ =	sdelay $0x6  }
0x3f: {  	v1 =	vld.idx.msk [tilespmem:v1+s12+$0x0], $0xffff  }
0x40: {  	v3 =	vld.idx.msk [tilespmem:v2+s13+$0x0], $0xffff;
	_ =	sdelay $0x4  }
0x41: {  	v1 =	vadd.f32 v3, v1;
	_ =	sdelay $0x1  }
0x42: {  	v3 =	vmul.f32 $2.000000030e-01, v1  }
0x43: {  	vm13 =	vge.f32 v1, $0.0e+00  }
0x44: {  	v1 =	vsel vm13, v1, v3  }
0x45: {  	v1 =	vmul.f32 $1.442695020e+00, v1;
	_ =	sdelay $0x1  }
0x46: {  	(erf) = vpow2.f32 v1;
	_ =	sdelay $0x8  }
0x47: {  	v1 =	vpop (erf)  }
0x48: {  	[tilespmem:s18+$0xF6A0] =	vst v1  }
0x49: {  	[tilespmem:v2+s14+$0x0] =	vst.idx.add.f32.msk $0xffff, v1  }
0x4a: {  	v1 =	vld [tilespmem:s18+$0x30]  }
0x4b: {  	v2 =	vld [tilespmem:s18+$0x4030];
	_ =	sdelay $0x6  }
0x4c: {  	v1 =	vld.idx.msk [tilespmem:v1+s12+$0x0], $0xffff  }
0x4d: {  	v3 =	vld.idx.msk [tilespmem:v2+s13+$0x0], $0xffff;
	_ =	sdelay $0x4  }
0x4e: {  	v1 =	vadd.f32 v3, v1;
	_ =	sdelay $0x1  }
0x4f: {  	v3 =	vmul.f32 $2.000000030e-01, v1  }
0x50: {  	vm14 =	vge.f32 v1, $0.0e+00  }
0x51: {  	v1 =	vsel vm14, v1, v3  }
0x52: {  	v1 =	vmul.f32 $1.442695020e+00, v1;
	_ =	sdelay $0x1  }
0x53: {  	(erf) = vpow2.f32 v1;
	_ =	sdelay $0x8  }
0x54: {  	v1 =	vpop (erf)  }
0x55: {  	[tilespmem:s18+$0xF6B0] =	vst v1  }
0x56: {  	[tilespmem:v2+s14+$0x0] =	vst.idx.add.f32.msk $0xffff, v1  }
0x57: {  	v1 =	vld [tilespmem:s18+$0x40]  }
0x58: {  	v2 =	vld [tilespmem:s18+$0x4040];
	_ =	sdelay $0x6  }
0x59: {  	v1 =	vld.idx.msk [tilespmem:v1+s12+$0x0], $0xffff  }
0x5a: {  	v3 =	vld.idx.msk [tilespmem:v2+s13+$0x0], $0xffff;
	_ =	sdelay $0x4  }
0x5b: {  	v1 =	vadd.f32 v3, v1;
	_ =	sdelay $0x1  }
0x5c: {  	v3 =	vmul.f32 $2.000000030e-01, v1  }
0x5d: {  	vm15 =	vge.f32 v1, $0.0e+00  }
0x5e: {  	v1 =	vsel vm15, v1, v3  }
0x5f: {  	v1 =	vmul.f32 $1.442695020e+00, v1;
	_ =	sdelay $0x1  }
0x60: {  	(erf) = vpow2.f32 v1;
	_ =	sdelay $0x5  }
0x61: {  	p0 =	sne.s32 s17, $0xF800  }
.Ltmp1:
0x62: {  	_ = 	snop;
	(pc) =	sbr.rel @p0 .LBB2_4-.Ltmp1, $4  }
0x63: {  	_ = 	snop  }
0x64: {  	v1 =	vpop (erf)  }
0x65: {  	[tilespmem:s18+$0xF6C0] =	vst v1  }
0x66: {  	s17 =	sadd.s32 $0x200, s17;
	[tilespmem:v2+s14+$0x0] =	vst.idx.add.f32.msk $0xffff, v1  }
0x67: {  	[hbm4b:s7+s2] =	stream.linear.scatter [tilespmem:s15], [sflag:$0x1], $0x3E80, $0x38;
	[tilespmem:$0x13680] =	vst v63  }
0x68: {  	s16 =	sadd.s32 $0x1, s16;
	_ =	swait.ge [sflag:s10], $0x3E80  }
0x69: {  	p0 =	sne.s32 s16, s9;
	[sflag:s10] =	ssyncset.done $0x0  }
.Ltmp2:
0x6a: {  	[sflag:s10] =	ssyncadd.s32 $0xFFFFC180;
	(pc) =	sbr.rel @p0 .LBB2_1-.Ltmp2, $4  }
0x6b: {  	[hbm4b:s8+s2] =	stream.linear.scatter [tilespmem:s14], [sflag:$0x1], $0x2710, $0x38;
	[tilespmem:$0x13680] =	vst v63  }
0x6c: {  	_ =	swait.ge [sflag:s10], $0x2710  }
0x6d: {  	[sflag:s10] =	ssyncset.done $0x0  }
0x6e: {  	[sflag:s10] =	ssyncadd.s32 $0xFFFFD8F0  }
0x6f: {  	_ =	sfence.sel $0x180000  }
0x70: {  	[bflag:$0x0] =	sbarrier.arrive $0xFFFF  }
0x71: {  	p0 =	sne.s32 s1, $0x0;
	_ =	strace $0x90000047  }
0x72: {  	s0 =	sadd.s32 @!p0 $0x100000, s0;
	[bflag:$0x2] =	sbarrier.arrive $0xFFFF  }
0x73: {  	[sflag:s0] =	ssyncadd.tile.s32 @!p0 $0x1;
	_ =	shalt  }
.Lfunc_end2:
_tile_overlayer_lowered:
.L_overlay_start_2:
0x74: {  	(tag) =	ssettag $0x2  }
0x75: {  	s0 =	rddreg [dreg:$0x0];
	s2 =	stileid.u32  }
0x76: {  	s1 =	rddreg [dreg:$0x1];
	p0 =	sne.s32 s2, $0x0  }
0x77: {  	s3 =	rddreg [dreg:$0x2];
	[bflag:$0x3] =	sbarrier.arrive $0xFFFF;
	s2 =	simm.s32 @!p0 $0x1C01  }
0x78: {  	[timem:s3], [sflag:s2] =	dma.local @!p0 [hbm:s0], s1  }
0x79: {  	s0 =	simm.s32 @!p0 $0x1  }
0x7a: {  	_ =	swait.ge @!p0 [sflag:s0], s1  }
0x7b: {  	s1 =	ssub.s32 @!p0 $0x0, s1;
	[sflag:s0] =	ssyncset.done @!p0 $0x0  }
0x7c: {  	[sflag:s0] =	ssyncadd.s32 @!p0 s1  }
0x7d: {  	[bflag:$0x3] =	sbarrier.arrive $0xFFFF  }
0x7e: {  	_ =	shalt  }

</sc_bundles>
